<compile_context>
chip_gen: v7x
topology: tpu7x:2x2x1
jax: 0.10.2.dev20260603
libtpu: 0.0.44.dev20260713+nightly
codegen_flags: <defaults>
</compile_context>

<pallas_src>
import functools

import jax
import jax.numpy as jnp
from jax import lax
from jax.experimental import pallas as pl
from jax.experimental.pallas import tpu as pltpu
from jax.experimental.pallas import tpu_sc as plsc

VOCAB = 1000000
DIM = 64
BATCH = 16384
CTX = 20
NEG = 20

NC = 2
NS = 16
NW = NC * NS
BPW = BATCH // NW
CB = 32
NCHUNK = BPW // CB
ROWS = CB * CTX
TPG = ROWS // 128
ND = DIM // 16

_SC_MESH = plsc.VectorSubcoreMesh(core_axis_name="c", subcore_axis_name="s",
                                  num_cores=NC, num_subcores=NS)
_SC_PARAMS = pltpu.CompilerParams(needs_layout_passes=False,
                                  use_tc_tiling_on_sc=False)


def _mo8(x):
    return pl.multiple_of(x, 8)


def _k1_body(ctx_idx_hbm, in_emb, ctxv_out,
             ctx_idx_v, ctx_rows_v, cv_v, sem):
    wid = lax.axis_index("s") * NC + lax.axis_index("c")
    pltpu.sync_copy(ctx_idx_hbm.at[pl.ds(_mo8(wid * BPW * CTX), BPW * CTX)], ctx_idx_v)

    def chunk_body(c, carry):
        off = _mo8(c * ROWS)
        cps = [pltpu.async_copy(
            in_emb.at[ctx_idx_v.at[pl.ds(off + t * 128, 128)]],
            ctx_rows_v.at[pl.ds(t * 128, 128)], sem) for t in range(TPG)]
        for cp in cps:
            cp.wait()

        def elem_body(e, carry2):
            r0 = e * CTX
            acc = [ctx_rows_v[r0, pl.ds(16 * d, 16)] for d in range(ND)]
            for j in range(1, CTX):
                for d in range(ND):
                    acc[d] = acc[d] + ctx_rows_v[r0 + j, pl.ds(16 * d, 16)]
            for d in range(ND):
                cv_v[pl.ds(_mo8(e * DIM + 16 * d), 16)] = acc[d] * (1.0 / CTX)
            return carry2

        lax.fori_loop(0, CB, elem_body, 0)
        pltpu.sync_copy(cv_v, ctxv_out.at[pl.ds(_mo8((wid * BPW + c * CB) * DIM), CB * DIM)])
        return carry

    lax.fori_loop(0, NCHUNK, chunk_body, 0)


_k1 = functools.partial(
    pl.kernel,
    out_type=jax.ShapeDtypeStruct((BATCH * DIM,), jnp.float32),
    mesh=_SC_MESH,
    compiler_params=_SC_PARAMS,
    scratch_types=[
        pltpu.VMEM((BPW * CTX,), jnp.int32),
        pltpu.VMEM((ROWS, DIM), jnp.float32),
        pltpu.VMEM((CB * DIM,), jnp.float32),
        pltpu.SemaphoreType.DMA,
    ],
)(_k1_body)


def _k2_body(pos_idx_hbm, neg_idx_hbm, ctxv_hbm, out_emb,
             pos_out, neg_out,
             pos_idx_v, neg_idx_v, cv_v, neg_rows_v, pos_rows_v,
             pprod_v, nprod_v, pos_sc_v, neg_sc_v, sem, sem2, sem3):
    wid = lax.axis_index("s") * NC + lax.axis_index("c")
    pltpu.sync_copy(neg_idx_hbm.at[pl.ds(_mo8(wid * BPW * NEG), BPW * NEG)], neg_idx_v)
    pltpu.sync_copy(pos_idx_hbm.at[pl.ds(_mo8(wid * BPW), BPW)], pos_idx_v)
    iota16 = lax.iota(jnp.int32, 16)

    def issue_neg(c, half):
        off = _mo8(c * ROWS)
        for t in range(TPG):
            pltpu.async_copy(
                out_emb.at[neg_idx_v.at[pl.ds(off + t * 128, 128)]],
                neg_rows_v.at[pl.ds(_mo8(half * ROWS) + t * 128, 128)], sem)

    def issue_small(c, half):
        pltpu.async_copy(
            out_emb.at[pos_idx_v.at[pl.ds(_mo8(c * CB), CB)]],
            pos_rows_v.at[pl.ds(_mo8(half * CB), CB)], sem2)
        pltpu.async_copy(
            ctxv_hbm.at[pl.ds(_mo8((wid * BPW + c * CB) * DIM), CB * DIM)],
            cv_v.at[pl.ds(_mo8(half * CB * DIM), CB * DIM)], sem2)

    issue_neg(0, 0)
    issue_small(0, 0)

    def score_drains(c, half):
        pltpu.make_async_copy(
            pos_sc_v.at[pl.ds(_mo8(half * CB), CB)],
            pos_out.at[pl.ds(_mo8(wid * BPW + c * CB), CB)], sem3).wait()
        pltpu.make_async_copy(
            neg_sc_v.at[pl.ds(_mo8(half * CB * NEG), CB * NEG)],
            neg_out.at[pl.ds(_mo8((wid * BPW + c * CB) * NEG), CB * NEG)],
            sem3).wait()

    def chunk_body(c, carry):
        half = lax.rem(c, 2)
        rbase = _mo8(half * ROWS)
        pbase = _mo8(half * CB)
        cvbase = _mo8(half * CB * DIM)
        sbase_p = _mo8(half * CB)
        sbase_n = _mo8(half * CB * NEG)

        @pl.when(c + 1 < NCHUNK)
        def _():
            issue_neg(c + 1, 1 - half)
            issue_small(c + 1, 1 - half)

        @pl.when(c >= 2)
        def _():
            score_drains(c - 2, half)

        for t in range(TPG):
            pltpu.make_async_copy(
                out_emb.at[neg_idx_v.at[pl.ds(_mo8(c * ROWS) + t * 128, 128)]],
                neg_rows_v.at[pl.ds(rbase + t * 128, 128)], sem).wait()
        pltpu.make_async_copy(
            out_emb.at[pos_idx_v.at[pl.ds(_mo8(c * CB), CB)]],
            pos_rows_v.at[pl.ds(pbase, CB)], sem2).wait()
        pltpu.make_async_copy(
            ctxv_hbm.at[pl.ds(_mo8((wid * BPW + c * CB) * DIM), CB * DIM)],
            cv_v.at[pl.ds(cvbase, CB * DIM)], sem2).wait()

        def elem_body(e, carry2):
            cv = [cv_v[pl.ds(cvbase + _mo8(e * DIM + 16 * d), 16)] for d in range(ND)]
            pr = [pos_rows_v[pbase + e, pl.ds(16 * d, 16)] for d in range(ND)]
            pp = cv[0] * pr[0] + cv[1] * pr[1] + cv[2] * pr[2] + cv[3] * pr[3]
            pprod_v[pl.ds(_mo8(e * 16), 16)] = pp
            r0 = rbase + e * NEG
            for k in range(NEG):
                nr = [neg_rows_v[r0 + k, pl.ds(16 * d, 16)] for d in range(ND)]
                np_ = cv[0] * nr[0] + cv[1] * nr[1] + cv[2] * nr[2] + cv[3] * nr[3]
                nprod_v[pl.ds(_mo8((e * NEG + k) * 16), 16)] = np_
            return carry2

        lax.fori_loop(0, CB, elem_body, 0, unroll=2)

        def pgroup(g, carry2):
            base = g * 256
            s = plsc.load_gather(pprod_v, [base + iota16 * 16])
            for d in range(1, 16):
                s = s + plsc.load_gather(pprod_v, [base + iota16 * 16 + d])
            pos_sc_v[pl.ds(_mo8(sbase_p + g * 16), 16)] = s
            return carry2

        lax.fori_loop(0, CB // 16, pgroup, 0)

        def ngroup(g, carry2):
            base = g * 256
            s = plsc.load_gather(nprod_v, [base + iota16 * 16])
            for d in range(1, 16):
                s = s + plsc.load_gather(nprod_v, [base + iota16 * 16 + d])
            neg_sc_v[pl.ds(_mo8(sbase_n + g * 16), 16)] = s
            return carry2

        lax.fori_loop(0, CB * NEG // 16, ngroup, 0, unroll=2)

        pltpu.async_copy(
            pos_sc_v.at[pl.ds(sbase_p, CB)],
            pos_out.at[pl.ds(_mo8(wid * BPW + c * CB), CB)], sem3)
        pltpu.async_copy(
            neg_sc_v.at[pl.ds(sbase_n, CB * NEG)],
            neg_out.at[pl.ds(_mo8((wid * BPW + c * CB) * NEG), CB * NEG)], sem3)
        return carry

    lax.fori_loop(0, NCHUNK, chunk_body, 0)
    score_drains(NCHUNK - 2, (NCHUNK - 2) % 2)
    score_drains(NCHUNK - 1, (NCHUNK - 1) % 2)


_k2 = functools.partial(
    pl.kernel,
    out_type=(jax.ShapeDtypeStruct((BATCH,), jnp.float32),
              jax.ShapeDtypeStruct((BATCH * NEG,), jnp.float32)),
    mesh=_SC_MESH,
    compiler_params=_SC_PARAMS,
    scratch_types=[
        pltpu.VMEM((BPW,), jnp.int32),
        pltpu.VMEM((BPW * NEG,), jnp.int32),
        pltpu.VMEM((2 * CB * DIM,), jnp.float32),
        pltpu.VMEM((2 * ROWS, DIM), jnp.float32),
        pltpu.VMEM((2 * CB, DIM), jnp.float32),
        pltpu.VMEM((CB * 16,), jnp.float32),
        pltpu.VMEM((CB * NEG * 16,), jnp.float32),
        pltpu.VMEM((2 * CB,), jnp.float32),
        pltpu.VMEM((2 * CB * NEG,), jnp.float32),
        pltpu.SemaphoreType.DMA,
        pltpu.SemaphoreType.DMA,
        pltpu.SemaphoreType.DMA,
    ],
)(_k2_body)


def _loss_body(pos_ref, neg_ref, out_ref):
    p = pos_ref[...]
    n = neg_ref[...]
    pls = jnp.log(1.0 / (1.0 + jnp.exp(-p)) + 1e-10)
    nls = jnp.log(1.0 / (1.0 + jnp.exp(n)) + 1e-10)
    total = -(jnp.sum(pls) + jnp.sum(nls)) / BATCH
    out_ref[...] = jnp.full((1, 1), total, jnp.float32)


def kernel(context_idxs, pos_target, neg_samples, in_embed, out_embed):
    ctx_flat = context_idxs.reshape(-1)
    neg_flat = neg_samples.reshape(-1)
    ctxv = _k1(ctx_flat, in_embed)
    pos_sc, neg_sc = _k2(pos_target, neg_flat, ctxv, out_embed)
    loss = pl.pallas_call(
        _loss_body,
        out_shape=jax.ShapeDtypeStruct((1, 1), jnp.float32),
    )(pos_sc.reshape(BATCH // 128, 128), neg_sc.reshape(BATCH * NEG // 128, 128))
    return loss[0, 0]

# --- scband reference (transcript-rebuilt; emitter-appended) ---
"""Pipeline reference for scband-cbowneg-sampling-89103391523056 (READ-ONLY COPY).

The authoritative reference and input builder live on the scoring server;
editing this copy changes nothing except your own understanding.
"""

import jax, jax.numpy as jnp
import numpy as np

VOCAB = 1000000
DIM = 64
BATCH = 16384
CTX = 20
NEG = 20


def setup_inputs(seed: int = 0) -> dict:
    key = jax.random.key(seed)
    k1, k2, k3, k4, k5 = jax.random.split(key, 5)
    context_idxs = jax.random.randint(k1, (BATCH, CTX), 0, VOCAB, dtype=jnp.int64 if jax.config.jax_enable_x64 else jnp.int32).astype(jnp.int32)
    pos_target = jax.random.randint(k2, (BATCH,), 0, VOCAB).astype(jnp.int32)
    neg_samples = jax.random.randint(k3, (BATCH, NEG), 0, VOCAB).astype(jnp.int32)
    in_embed = jax.random.normal(k4, (VOCAB, DIM), dtype=jnp.float32) * 0.02
    out_embed = jax.random.normal(k5, (VOCAB, DIM), dtype=jnp.float32) * 0.02
    return {
        "context_idxs": context_idxs,
        "pos_target": pos_target,
        "neg_samples": neg_samples,
        "in_embed": in_embed,
        "out_embed": out_embed,
    }


def reference(context_idxs, pos_target, neg_samples, in_embed, out_embed):
    # context_vec = self.in_embed(context_idxs).mean(dim=1)
    context_vec = jnp.take(in_embed, context_idxs, axis=0).mean(axis=1)  # [B, D]
    # pos_embeds = self.out_embed(pos_target)
    pos_embeds = jnp.take(out_embed, pos_target, axis=0)  # [B, D]
    pos_score = jnp.sum(context_vec * pos_embeds, axis=1)  # [B]
    pos_loss = jnp.log(jax.nn.sigmoid(pos_score) + 1e-10)  # [B]
    # neg_embeds = self.out_embed(neg_samples)
    neg_embeds = jnp.take(out_embed, neg_samples, axis=0)  # [B, K, D]
    # neg_score = torch.bmm(neg_embeds, context_vec.unsqueeze(2)).squeeze()
    neg_score = jnp.squeeze(jnp.einsum('bkd,bd->bk', neg_embeds, context_vec))  # [B, K]
    neg_loss = jnp.sum(jnp.log(jax.nn.sigmoid(-neg_score) + 1e-10), axis=1)  # [B]
    return -jnp.mean(pos_loss + neg_loss)


if False:  # reference __main__ guard neutralized (emitter)
    inp = setup_inputs()
    out = reference(**inp)
    print(out)

if __name__ == "__main__":
    import jax
    _d = setup_inputs()
    print(jax.jit(kernel)(*tuple(_d.values())))

</pallas_src>

<mosaic_0001>
#map = affine_map<(d0, d1) -> (0)>
#map1 = affine_map<(d0, d1) -> (0, 0)>
module attributes {stable_mosaic.version = 14 : i64} {
  func.func @_k1_body(%arg0: i32, %arg1: i32, %arg2: memref<327680xi32, #tpu.memory_space<hbm>>, %arg3: memref<1000000x64xf32, #tpu.memory_space<hbm>>, %arg4: memref<1048576xf32, #tpu.memory_space<hbm>>, %arg5: memref<10240xi32, #tpu.memory_space<vmem>>, %arg6: memref<640x64xf32, #tpu.memory_space<vmem>>, %arg7: memref<2048xf32, #tpu.memory_space<vmem>>, %arg8: memref<!tpu.dma_semaphore, #tpu.memory_space<semaphore_mem>>) attributes {dimension_semantics = [#tpu.dimension_semantics<core_parallel>, #tpu.dimension_semantics<subcore_parallel>], iteration_bounds = array<i64: 2, 16>, scalar_prefetch = 0 : i64, scratch_operands = 4 : i64, tpu.core_type = #tpu.core_type<sc_vector_subcore>, window_params = [{transform_indices = #map}, {transform_indices = #map1}, {transform_indices = #map}]} {
    %mul3A = arith.constant 2 : i32
    %mul3A_0 = arith.muli %arg1, %mul3A : i32
    %add3A = arith.addi %mul3A_0, %arg0 : i32
    %mul3A_1 = arith.constant 512 : i32
    %mul3A_2 = arith.muli %add3A, %mul3A_1 : i32
    %mul3A_3 = arith.constant 20 : i32
    %mul3A_4 = arith.muli %mul3A_2, %mul3A_3 : i32
    %multiple_of3A = tpu.assume_multiple %mul3A_4, 8 : i32
    "tpu.region"() ({
      %run_scoped3A = tpu.sem_alloc : memref<!tpu.dma_semaphore, #tpu.memory_space<semaphore_mem>>
      %dma_start3A = tpu.memref_slice %arg2[%multiple_of3A] : memref<327680xi32, #tpu.memory_space<hbm>> -> memref<10240xi32, #tpu.memory_space<hbm>>
      %dma_start3A_10 = tpu.memref_slice %arg2[%multiple_of3A] : memref<327680xi32, #tpu.memory_space<hbm>> -> memref<10240xi32, #tpu.memory_space<hbm>>
      tpu.enqueue_dma source(%dma_start3A_10 : memref<10240xi32, #tpu.memory_space<hbm>>) target(%arg5 : memref<10240xi32, #tpu.memory_space<vmem>>) target_semaphore(%run_scoped3A : memref<!tpu.dma_semaphore, #tpu.memory_space<semaphore_mem>>)
      %dma_wait3A = tpu.memref_slice %arg2[%multiple_of3A] : memref<327680xi32, #tpu.memory_space<hbm>> -> memref<10240xi32, #tpu.memory_space<hbm>>
      %dma_wait3A_11 = tpu.memref_slice %arg2[%multiple_of3A] : memref<327680xi32, #tpu.memory_space<hbm>> -> memref<10240xi32, #tpu.memory_space<hbm>>
      tpu.wait_dma2 semaphore(%run_scoped3A : memref<!tpu.dma_semaphore, #tpu.memory_space<semaphore_mem>>) src(%dma_wait3A_11 : memref<10240xi32, #tpu.memory_space<hbm>>) dst(%arg5 : memref<10240xi32, #tpu.memory_space<vmem>>)
      tpu.yield
    }) : () -> ()
    %scan3A = arith.constant 0 : i32
    %scan3A_5 = arith.constant 0 : i32
    %scan3A_6 = arith.constant 16 : i32
    %scan3A_7 = arith.addi %scan3A_5, %scan3A_6 : i32
    %scan3A_8 = arith.constant 1 : i32
    scf.for %scan3A_10 = %scan3A_5 to %scan3A_7 step %scan3A_8  : i32 {
      %mul3A_11 = arith.constant 640 : i32
      %mul3A_12 = arith.muli %scan3A_10, %mul3A_11 : i32
      %multiple_of3A_13 = tpu.assume_multiple %mul3A_12, 8 : i32
      %add3A_14 = arith.constant 0 : i32
      %add3A_15 = arith.addi %multiple_of3A_13, %add3A_14 : i32
      %dma_start3A = arith.constant 0 : i32
      %dma_start3A_16 = arith.constant 0 : i32
      %dma_start3A_17 = tpu.memref_slice %arg6[%dma_start3A, %dma_start3A_16] : memref<640x64xf32, #tpu.memory_space<vmem>> -> memref<128x64xf32, #tpu.memory_space<vmem>>
      %dma_start3A_18 = tpu.memref_slice %arg5[%add3A_15] : memref<10240xi32, #tpu.memory_space<vmem>> -> memref<128xi32, #tpu.memory_space<vmem>>
      %dma_start3A_19 = arith.constant 0 : i32
      %dma_start3A_20 = arith.constant 0 : i32
      %dma_start3A_21 = tpu.memref_slice %arg3[%dma_start3A_19, %dma_start3A_20] : memref<1000000x64xf32, #tpu.memory_space<hbm>> -> memref<1000000x64xf32, #tpu.memory_space<hbm>>
      tpu.enqueue_indirect_dma source(%dma_start3A_21 : memref<1000000x64xf32, #tpu.memory_space<hbm>>) target(%dma_start3A_17 : memref<128x64xf32, #tpu.memory_space<vmem>>) offsets(%dma_start3A_18 : memref<128xi32, #tpu.memory_space<vmem>>) semaphore(%arg8 : memref<!tpu.dma_semaphore, #tpu.memory_space<semaphore_mem>>)
      %add3A_22 = arith.constant 128 : i32
      %add3A_23 = arith.addi %multiple_of3A_13, %add3A_22 : i32
      %dma_start3A_24 = arith.constant 128 : i32
      %dma_start3A_25 = arith.constant 0 : i32
      %dma_start3A_26 = tpu.memref_slice %arg6[%dma_start3A_24, %dma_start3A_25] : memref<640x64xf32, #tpu.memory_space<vmem>> -> memref<128x64xf32, #tpu.memory_space<vmem>>
      %dma_start3A_27 = tpu.memref_slice %arg5[%add3A_23] : memref<10240xi32, #tpu.memory_space<vmem>> -> memref<128xi32, #tpu.memory_space<vmem>>
      %dma_start3A_28 = arith.constant 0 : i32
      %dma_start3A_29 = arith.constant 0 : i32
      %dma_start3A_30 = tpu.memref_slice %arg3[%dma_start3A_28, %dma_start3A_29] : memref<1000000x64xf32, #tpu.memory_space<hbm>> -> memref<1000000x64xf32, #tpu.memory_space<hbm>>
      tpu.enqueue_indirect_dma source(%dma_start3A_30 : memref<1000000x64xf32, #tpu.memory_space<hbm>>) target(%dma_start3A_26 : memref<128x64xf32, #tpu.memory_space<vmem>>) offsets(%dma_start3A_27 : memref<128xi32, #tpu.memory_space<vmem>>) semaphore(%arg8 : memref<!tpu.dma_semaphore, #tpu.memory_space<semaphore_mem>>)
      %add3A_31 = arith.constant 256 : i32
      %add3A_32 = arith.addi %multiple_of3A_13, %add3A_31 : i32
      %dma_start3A_33 = arith.constant 256 : i32
      %dma_start3A_34 = arith.constant 0 : i32
      %dma_start3A_35 = tpu.memref_slice %arg6[%dma_start3A_33, %dma_start3A_34] : memref<640x64xf32, #tpu.memory_space<vmem>> -> memref<128x64xf32, #tpu.memory_space<vmem>>
      %dma_start3A_36 = tpu.memref_slice %arg5[%add3A_32] : memref<10240xi32, #tpu.memory_space<vmem>> -> memref<128xi32, #tpu.memory_space<vmem>>
      %dma_start3A_37 = arith.constant 0 : i32
      %dma_start3A_38 = arith.constant 0 : i32
      %dma_start3A_39 = tpu.memref_slice %arg3[%dma_start3A_37, %dma_start3A_38] : memref<1000000x64xf32, #tpu.memory_space<hbm>> -> memref<1000000x64xf32, #tpu.memory_space<hbm>>
      tpu.enqueue_indirect_dma source(%dma_start3A_39 : memref<1000000x64xf32, #tpu.memory_space<hbm>>) target(%dma_start3A_35 : memref<128x64xf32, #tpu.memory_space<vmem>>) offsets(%dma_start3A_36 : memref<128xi32, #tpu.memory_space<vmem>>) semaphore(%arg8 : memref<!tpu.dma_semaphore, #tpu.memory_space<semaphore_mem>>)
      %add3A_40 = arith.constant 384 : i32
      %add3A_41 = arith.addi %multiple_of3A_13, %add3A_40 : i32
      %dma_start3A_42 = arith.constant 384 : i32
      %dma_start3A_43 = arith.constant 0 : i32
      %dma_start3A_44 = tpu.memref_slice %arg6[%dma_start3A_42, %dma_start3A_43] : memref<640x64xf32, #tpu.memory_space<vmem>> -> memref<128x64xf32, #tpu.memory_space<vmem>>
      %dma_start3A_45 = tpu.memref_slice %arg5[%add3A_41] : memref<10240xi32, #tpu.memory_space<vmem>> -> memref<128xi32, #tpu.memory_space<vmem>>
      %dma_start3A_46 = arith.constant 0 : i32
      %dma_start3A_47 = arith.constant 0 : i32
      %dma_start3A_48 = tpu.memref_slice %arg3[%dma_start3A_46, %dma_start3A_47] : memref<1000000x64xf32, #tpu.memory_space<hbm>> -> memref<1000000x64xf32, #tpu.memory_space<hbm>>
      tpu.enqueue_indirect_dma source(%dma_start3A_48 : memref<1000000x64xf32, #tpu.memory_space<hbm>>) target(%dma_start3A_44 : memref<128x64xf32, #tpu.memory_space<vmem>>) offsets(%dma_start3A_45 : memref<128xi32, #tpu.memory_space<vmem>>) semaphore(%arg8 : memref<!tpu.dma_semaphore, #tpu.memory_space<semaphore_mem>>)
      %add3A_49 = arith.constant 512 : i32
      %add3A_50 = arith.addi %multiple_of3A_13, %add3A_49 : i32
      %dma_start3A_51 = arith.constant 512 : i32
      %dma_start3A_52 = arith.constant 0 : i32
      %dma_start3A_53 = tpu.memref_slice %arg6[%dma_start3A_51, %dma_start3A_52] : memref<640x64xf32, #tpu.memory_space<vmem>> -> memref<128x64xf32, #tpu.memory_space<vmem>>
      %dma_start3A_54 = tpu.memref_slice %arg5[%add3A_50] : memref<10240xi32, #tpu.memory_space<vmem>> -> memref<128xi32, #tpu.memory_space<vmem>>
      %dma_start3A_55 = arith.constant 0 : i32
      %dma_start3A_56 = arith.constant 0 : i32
      %dma_start3A_57 = tpu.memref_slice %arg3[%dma_start3A_55, %dma_start3A_56] : memref<1000000x64xf32, #tpu.memory_space<hbm>> -> memref<1000000x64xf32, #tpu.memory_space<hbm>>
      tpu.enqueue_indirect_dma source(%dma_start3A_57 : memref<1000000x64xf32, #tpu.memory_space<hbm>>) target(%dma_start3A_53 : memref<128x64xf32, #tpu.memory_space<vmem>>) offsets(%dma_start3A_54 : memref<128xi32, #tpu.memory_space<vmem>>) semaphore(%arg8 : memref<!tpu.dma_semaphore, #tpu.memory_space<semaphore_mem>>)
      %dma_wait3A = arith.constant 0 : i32
      %dma_wait3A_58 = arith.constant 0 : i32
      %dma_wait3A_59 = tpu.memref_slice %arg6[%dma_wait3A, %dma_wait3A_58] : memref<640x64xf32, #tpu.memory_space<vmem>> -> memref<128x64xf32, #tpu.memory_space<vmem>>
      %dma_wait3A_60 = tpu.memref_slice %arg5[%add3A_15] : memref<10240xi32, #tpu.memory_space<vmem>> -> memref<128xi32, #tpu.memory_space<vmem>>
      %dma_wait3A_61 = arith.constant 0 : i32
      %dma_wait3A_62 = arith.constant 0 : i32
      %dma_wait3A_63 = tpu.memref_slice %arg3[%dma_wait3A_61, %dma_wait3A_62] : memref<1000000x64xf32, #tpu.memory_space<hbm>> -> memref<1000000x64xf32, #tpu.memory_space<hbm>>
      tpu.wait_indirect_dma semaphore(%arg8 : memref<!tpu.dma_semaphore, #tpu.memory_space<semaphore_mem>>) src(%dma_wait3A_63 : memref<1000000x64xf32, #tpu.memory_space<hbm>>) dst(%dma_wait3A_59 : memref<128x64xf32, #tpu.memory_space<vmem>>)
      %dma_wait3A_64 = arith.constant 128 : i32
      %dma_wait3A_65 = arith.constant 0 : i32
      %dma_wait3A_66 = tpu.memref_slice %arg6[%dma_wait3A_64, %dma_wait3A_65] : memref<640x64xf32, #tpu.memory_space<vmem>> -> memref<128x64xf32, #tpu.memory_space<vmem>>
      %dma_wait3A_67 = tpu.memref_slice %arg5[%add3A_23] : memref<10240xi32, #tpu.memory_space<vmem>> -> memref<128xi32, #tpu.memory_space<vmem>>
      %dma_wait3A_68 = arith.constant 0 : i32
      %dma_wait3A_69 = arith.constant 0 : i32
      %dma_wait3A_70 = tpu.memref_slice %arg3[%dma_wait3A_68, %dma_wait3A_69] : memref<1000000x64xf32, #tpu.memory_space<hbm>> -> memref<1000000x64xf32, #tpu.memory_space<hbm>>
      tpu.wait_indirect_dma semaphore(%arg8 : memref<!tpu.dma_semaphore, #tpu.memory_space<semaphore_mem>>) src(%dma_wait3A_70 : memref<1000000x64xf32, #tpu.memory_space<hbm>>) dst(%dma_wait3A_66 : memref<128x64xf32, #tpu.memory_space<vmem>>)
      %dma_wait3A_71 = arith.constant 256 : i32
      %dma_wait3A_72 = arith.constant 0 : i32
      %dma_wait3A_73 = tpu.memref_slice %arg6[%dma_wait3A_71, %dma_wait3A_72] : memref<640x64xf32, #tpu.memory_space<vmem>> -> memref<128x64xf32, #tpu.memory_space<vmem>>
      %dma_wait3A_74 = tpu.memref_slice %arg5[%add3A_32] : memref<10240xi32, #tpu.memory_space<vmem>> -> memref<128xi32, #tpu.memory_space<vmem>>
      %dma_wait3A_75 = arith.constant 0 : i32
      %dma_wait3A_76 = arith.constant 0 : i32
      %dma_wait3A_77 = tpu.memref_slice %arg3[%dma_wait3A_75, %dma_wait3A_76] : memref<1000000x64xf32, #tpu.memory_space<hbm>> -> memref<1000000x64xf32, #tpu.memory_space<hbm>>
      tpu.wait_indirect_dma semaphore(%arg8 : memref<!tpu.dma_semaphore, #tpu.memory_space<semaphore_mem>>) src(%dma_wait3A_77 : memref<1000000x64xf32, #tpu.memory_space<hbm>>) dst(%dma_wait3A_73 : memref<128x64xf32, #tpu.memory_space<vmem>>)
      %dma_wait3A_78 = arith.constant 384 : i32
      %dma_wait3A_79 = arith.constant 0 : i32
      %dma_wait3A_80 = tpu.memref_slice %arg6[%dma_wait3A_78, %dma_wait3A_79] : memref<640x64xf32, #tpu.memory_space<vmem>> -> memref<128x64xf32, #tpu.memory_space<vmem>>
      %dma_wait3A_81 = tpu.memref_slice %arg5[%add3A_41] : memref<10240xi32, #tpu.memory_space<vmem>> -> memref<128xi32, #tpu.memory_space<vmem>>
      %dma_wait3A_82 = arith.constant 0 : i32
      %dma_wait3A_83 = arith.constant 0 : i32
      %dma_wait3A_84 = tpu.memref_slice %arg3[%dma_wait3A_82, %dma_wait3A_83] : memref<1000000x64xf32, #tpu.memory_space<hbm>> -> memref<1000000x64xf32, #tpu.memory_space<hbm>>
      tpu.wait_indirect_dma semaphore(%arg8 : memref<!tpu.dma_semaphore, #tpu.memory_space<semaphore_mem>>) src(%dma_wait3A_84 : memref<1000000x64xf32, #tpu.memory_space<hbm>>) dst(%dma_wait3A_80 : memref<128x64xf32, #tpu.memory_space<vmem>>)
      %dma_wait3A_85 = arith.constant 512 : i32
      %dma_wait3A_86 = arith.constant 0 : i32
      %dma_wait3A_87 = tpu.memref_slice %arg6[%dma_wait3A_85, %dma_wait3A_86] : memref<640x64xf32, #tpu.memory_space<vmem>> -> memref<128x64xf32, #tpu.memory_space<vmem>>
      %dma_wait3A_88 = tpu.memref_slice %arg5[%add3A_50] : memref<10240xi32, #tpu.memory_space<vmem>> -> memref<128xi32, #tpu.memory_space<vmem>>
      %dma_wait3A_89 = arith.constant 0 : i32
      %dma_wait3A_90 = arith.constant 0 : i32
      %dma_wait3A_91 = tpu.memref_slice %arg3[%dma_wait3A_89, %dma_wait3A_90] : memref<1000000x64xf32, #tpu.memory_space<hbm>> -> memref<1000000x64xf32, #tpu.memory_space<hbm>>
      tpu.wait_indirect_dma semaphore(%arg8 : memref<!tpu.dma_semaphore, #tpu.memory_space<semaphore_mem>>) src(%dma_wait3A_91 : memref<1000000x64xf32, #tpu.memory_space<hbm>>) dst(%dma_wait3A_87 : memref<128x64xf32, #tpu.memory_space<vmem>>)
      %scan3A_92 = arith.constant 0 : i32
      %scan3A_93 = arith.constant 0 : i32
      %scan3A_94 = arith.constant 32 : i32
      %scan3A_95 = arith.addi %scan3A_93, %scan3A_94 : i32
      %scan3A_96 = arith.constant 1 : i32
      scf.for %scan3A_106 = %scan3A_93 to %scan3A_95 step %scan3A_96  : i32 {
        %mul3A_107 = arith.constant 20 : i32
        %mul3A_108 = arith.muli %scan3A_106, %mul3A_107 : i32
        %get3A = arith.index_cast %mul3A_108 : i32 to index
        %get3A_109 = arith.constant 0 : index
        %get3A_110 = tpu.vector_load %arg6[%get3A, %get3A_109] {strides = array<i32>} : memref<640x64xf32, #tpu.memory_space<vmem>>, vector<16xf32>,
        %get3A_111 = arith.index_cast %mul3A_108 : i32 to index
        %get3A_112 = arith.constant 16 : index
        %get3A_113 = tpu.vector_load %arg6[%get3A_111, %get3A_112] {strides = array<i32>} : memref<640x64xf32, #tpu.memory_space<vmem>>, vector<16xf32>,
        %get3A_114 = arith.index_cast %mul3A_108 : i32 to index
        %get3A_115 = arith.constant 32 : index
        %get3A_116 = tpu.vector_load %arg6[%get3A_114, %get3A_115] {strides = array<i32>} : memref<640x64xf32, #tpu.memory_space<vmem>>, vector<16xf32>,
        %get3A_117 = arith.index_cast %mul3A_108 : i32 to index
        %get3A_118 = arith.constant 48 : index
        %get3A_119 = tpu.vector_load %arg6[%get3A_117, %get3A_118] {strides = array<i32>} : memref<640x64xf32, #tpu.memory_space<vmem>>, vector<16xf32>,
        %add3A_120 = arith.constant 1 : i32
        %add3A_121 = arith.addi %mul3A_108, %add3A_120 : i32
        %get3A_122 = arith.index_cast %add3A_121 : i32 to index
        %get3A_123 = arith.constant 0 : index
        %get3A_124 = tpu.vector_load %arg6[%get3A_122, %get3A_123] {strides = array<i32>} : memref<640x64xf32, #tpu.memory_space<vmem>>, vector<16xf32>,
        %add3A_125 = arith.addf %get3A_110, %get3A_124 : vector<16xf32>
        %add3A_126 = arith.constant 1 : i32
        %add3A_127 = arith.addi %mul3A_108, %add3A_126 : i32
        %get3A_128 = arith.index_cast %add3A_127 : i32 to index
        %get3A_129 = arith.constant 16 : index
        %get3A_130 = tpu.vector_load %arg6[%get3A_128, %get3A_129] {strides = array<i32>} : memref<640x64xf32, #tpu.memory_space<vmem>>, vector<16xf32>,
        %add3A_131 = arith.addf %get3A_113, %get3A_130 : vector<16xf32>
        %add3A_132 = arith.constant 1 : i32
        %add3A_133 = arith.addi %mul3A_108, %add3A_132 : i32
        %get3A_134 = arith.index_cast %add3A_133 : i32 to index
        %get3A_135 = arith.constant 32 : index
        %get3A_136 = tpu.vector_load %arg6[%get3A_134, %get3A_135] {strides = array<i32>} : memref<640x64xf32, #tpu.memory_space<vmem>>, vector<16xf32>,
        %add3A_137 = arith.addf %get3A_116, %get3A_136 : vector<16xf32>
        %add3A_138 = arith.constant 1 : i32
        %add3A_139 = arith.addi %mul3A_108, %add3A_138 : i32
        %get3A_140 = arith.index_cast %add3A_139 : i32 to index
        %get3A_141 = arith.constant 48 : index
        %get3A_142 = tpu.vector_load %arg6[%get3A_140, %get3A_141] {strides = array<i32>} : memref<640x64xf32, #tpu.memory_space<vmem>>, vector<16xf32>,
        %add3A_143 = arith.addf %get3A_119, %get3A_142 : vector<16xf32>
        %add3A_144 = arith.constant 2 : i32
        %add3A_145 = arith.addi %mul3A_108, %add3A_144 : i32
        %get3A_146 = arith.index_cast %add3A_145 : i32 to index
        %get3A_147 = arith.constant 0 : index
        %get3A_148 = tpu.vector_load %arg6[%get3A_146, %get3A_147] {strides = array<i32>} : memref<640x64xf32, #tpu.memory_space<vmem>>, vector<16xf32>,
        %add3A_149 = arith.addf %add3A_125, %get3A_148 : vector<16xf32>
        %add3A_150 = arith.constant 2 : i32
        %add3A_151 = arith.addi %mul3A_108, %add3A_150 : i32
        %get3A_152 = arith.index_cast %add3A_151 : i32 to index
        %get3A_153 = arith.constant 16 : index
        %get3A_154 = tpu.vector_load %arg6[%get3A_152, %get3A_153] {strides = array<i32>} : memref<640x64xf32, #tpu.memory_space<vmem>>, vector<16xf32>,
        %add3A_155 = arith.addf %add3A_131, %get3A_154 : vector<16xf32>
        %add3A_156 = arith.constant 2 : i32
        %add3A_157 = arith.addi %mul3A_108, %add3A_156 : i32
        %get3A_158 = arith.index_cast %add3A_157 : i32 to index
        %get3A_159 = arith.constant 32 : index
        %get3A_160 = tpu.vector_load %arg6[%get3A_158, %get3A_159] {strides = array<i32>} : memref<640x64xf32, #tpu.memory_space<vmem>>, vector<16xf32>,
        %add3A_161 = arith.addf %add3A_137, %get3A_160 : vector<16xf32>
        %add3A_162 = arith.constant 2 : i32
        %add3A_163 = arith.addi %mul3A_108, %add3A_162 : i32
        %get3A_164 = arith.index_cast %add3A_163 : i32 to index
        %get3A_165 = arith.constant 48 : index
        %get3A_166 = tpu.vector_load %arg6[%get3A_164, %get3A_165] {strides = array<i32>} : memref<640x64xf32, #tpu.memory_space<vmem>>, vector<16xf32>,
        %add3A_167 = arith.addf %add3A_143, %get3A_166 : vector<16xf32>
        %add3A_168 = arith.constant 3 : i32
        %add3A_169 = arith.addi %mul3A_108, %add3A_168 : i32
        %get3A_170 = arith.index_cast %add3A_169 : i32 to index
        %get3A_171 = arith.constant 0 : index
        %get3A_172 = tpu.vector_load %arg6[%get3A_170, %get3A_171] {strides = array<i32>} : memref<640x64xf32, #tpu.memory_space<vmem>>, vector<16xf32>,
        %add3A_173 = arith.addf %add3A_149, %get3A_172 : vector<16xf32>
        %add3A_174 = arith.constant 3 : i32
        %add3A_175 = arith.addi %mul3A_108, %add3A_174 : i32
        %get3A_176 = arith.index_cast %add3A_175 : i32 to index
        %get3A_177 = arith.constant 16 : index
        %get3A_178 = tpu.vector_load %arg6[%get3A_176, %get3A_177] {strides = array<i32>} : memref<640x64xf32, #tpu.memory_space<vmem>>, vector<16xf32>,
        %add3A_179 = arith.addf %add3A_155, %get3A_178 : vector<16xf32>
        %add3A_180 = arith.constant 3 : i32
        %add3A_181 = arith.addi %mul3A_108, %add3A_180 : i32
        %get3A_182 = arith.index_cast %add3A_181 : i32 to index
        %get3A_183 = arith.constant 32 : index
        %get3A_184 = tpu.vector_load %arg6[%get3A_182, %get3A_183] {strides = array<i32>} : memref<640x64xf32, #tpu.memory_space<vmem>>, vector<16xf32>,
        %add3A_185 = arith.addf %add3A_161, %get3A_184 : vector<16xf32>
        %add3A_186 = arith.constant 3 : i32
        %add3A_187 = arith.addi %mul3A_108, %add3A_186 : i32
        %get3A_188 = arith.index_cast %add3A_187 : i32 to index
        %get3A_189 = arith.constant 48 : index
        %get3A_190 = tpu.vector_load %arg6[%get3A_188, %get3A_189] {strides = array<i32>} : memref<640x64xf32, #tpu.memory_space<vmem>>, vector<16xf32>,
        %add3A_191 = arith.addf %add3A_167, %get3A_190 : vector<16xf32>
        %add3A_192 = arith.constant 4 : i32
        %add3A_193 = arith.addi %mul3A_108, %add3A_192 : i32
        %get3A_194 = arith.index_cast %add3A_193 : i32 to index
        %get3A_195 = arith.constant 0 : index
        %get3A_196 = tpu.vector_load %arg6[%get3A_194, %get3A_195] {strides = array<i32>} : memref<640x64xf32, #tpu.memory_space<vmem>>, vector<16xf32>,
        %add3A_197 = arith.addf %add3A_173, %get3A_196 : vector<16xf32>
        %add3A_198 = arith.constant 4 : i32
        %add3A_199 = arith.addi %mul3A_108, %add3A_198 : i32
        %get3A_200 = arith.index_cast %add3A_199 : i32 to index
        %get3A_201 = arith.constant 16 : index
        %get3A_202 = tpu.vector_load %arg6[%get3A_200, %get3A_201] {strides = array<i32>} : memref<640x64xf32, #tpu.memory_space<vmem>>, vector<16xf32>,
        %add3A_203 = arith.addf %add3A_179, %get3A_202 : vector<16xf32>
        %add3A_204 = arith.constant 4 : i32
        %add3A_205 = arith.addi %mul3A_108, %add3A_204 : i32
        %get3A_206 = arith.index_cast %add3A_205 : i32 to index
        %get3A_207 = arith.constant 32 : index
        %get3A_208 = tpu.vector_load %arg6[%get3A_206, %get3A_207] {strides = array<i32>} : memref<640x64xf32, #tpu.memory_space<vmem>>, vector<16xf32>,
        %add3A_209 = arith.addf %add3A_185, %get3A_208 : vector<16xf32>
        %add3A_210 = arith.constant 4 : i32
        %add3A_211 = arith.addi %mul3A_108, %add3A_210 : i32
        %get3A_212 = arith.index_cast %add3A_211 : i32 to index
        %get3A_213 = arith.constant 48 : index
        %get3A_214 = tpu.vector_load %arg6[%get3A_212, %get3A_213] {strides = array<i32>} : memref<640x64xf32, #tpu.memory_space<vmem>>, vector<16xf32>,
        %add3A_215 = arith.addf %add3A_191, %get3A_214 : vector<16xf32>
        %add3A_216 = arith.constant 5 : i32
        %add3A_217 = arith.addi %mul3A_108, %add3A_216 : i32
        %get3A_218 = arith.index_cast %add3A_217 : i32 to index
        %get3A_219 = arith.constant 0 : index
        %get3A_220 = tpu.vector_load %arg6[%get3A_218, %get3A_219] {strides = array<i32>} : memref<640x64xf32, #tpu.memory_space<vmem>>, vector<16xf32>,
        %add3A_221 = arith.addf %add3A_197, %get3A_220 : vector<16xf32>
        %add3A_222 = arith.constant 5 : i32
        %add3A_223 = arith.addi %mul3A_108, %add3A_222 : i32
        %get3A_224 = arith.index_cast %add3A_223 : i32 to index
        %get3A_225 = arith.constant 16 : index
        %get3A_226 = tpu.vector_load %arg6[%get3A_224, %get3A_225] {strides = array<i32>} : memref<640x64xf32, #tpu.memory_space<vmem>>, vector<16xf32>,
        %add3A_227 = arith.addf %add3A_203, %get3A_226 : vector<16xf32>
        %add3A_228 = arith.constant 5 : i32
        %add3A_229 = arith.addi %mul3A_108, %add3A_228 : i32
        %get3A_230 = arith.index_cast %add3A_229 : i32 to index
        %get3A_231 = arith.constant 32 : index
        %get3A_232 = tpu.vector_load %arg6[%get3A_230, %get3A_231] {strides = array<i32>} : memref<640x64xf32, #tpu.memory_space<vmem>>, vector<16xf32>,
        %add3A_233 = arith.addf %add3A_209, %get3A_232 : vector<16xf32>
        %add3A_234 = arith.constant 5 : i32
        %add3A_235 = arith.addi %mul3A_108, %add3A_234 : i32
        %get3A_236 = arith.index_cast %add3A_235 : i32 to index
        %get3A_237 = arith.constant 48 : index
        %get3A_238 = tpu.vector_load %arg6[%get3A_236, %get3A_237] {strides = array<i32>} : memref<640x64xf32, #tpu.memory_space<vmem>>, vector<16xf32>,
        %add3A_239 = arith.addf %add3A_215, %get3A_238 : vector<16xf32>
        %add3A_240 = arith.constant 6 : i32
        %add3A_241 = arith.addi %mul3A_108, %add3A_240 : i32
        %get3A_242 = arith.index_cast %add3A_241 : i32 to index
        %get3A_243 = arith.constant 0 : index
        %get3A_244 = tpu.vector_load %arg6[%get3A_242, %get3A_243] {strides = array<i32>} : memref<640x64xf32, #tpu.memory_space<vmem>>, vector<16xf32>,
        %add3A_245 = arith.addf %add3A_221, %get3A_244 : vector<16xf32>
        %add3A_246 = arith.constant 6 : i32
        %add3A_247 = arith.addi %mul3A_108, %add3A_246 : i32
        %get3A_248 = arith.index_cast %add3A_247 : i32 to index
        %get3A_249 = arith.constant 16 : index
        %get3A_250 = tpu.vector_load %arg6[%get3A_248, %get3A_249] {strides = array<i32>} : memref<640x64xf32, #tpu.memory_space<vmem>>, vector<16xf32>,
        %add3A_251 = arith.addf %add3A_227, %get3A_250 : vector<16xf32>
        %add3A_252 = arith.constant 6 : i32
        %add3A_253 = arith.addi %mul3A_108, %add3A_252 : i32
        %get3A_254 = arith.index_cast %add3A_253 : i32 to index
        %get3A_255 = arith.constant 32 : index
        %get3A_256 = tpu.vector_load %arg6[%get3A_254, %get3A_255] {strides = array<i32>} : memref<640x64xf32, #tpu.memory_space<vmem>>, vector<16xf32>,
        %add3A_257 = arith.addf %add3A_233, %get3A_256 : vector<16xf32>
        %add3A_258 = arith.constant 6 : i32
        %add3A_259 = arith.addi %mul3A_108, %add3A_258 : i32
        %get3A_260 = arith.index_cast %add3A_259 : i32 to index
        %get3A_261 = arith.constant 48 : index
        %get3A_262 = tpu.vector_load %arg6[%get3A_260, %get3A_261] {strides = array<i32>} : memref<640x64xf32, #tpu.memory_space<vmem>>, vector<16xf32>,
        %add3A_263 = arith.addf %add3A_239, %get3A_262 : vector<16xf32>
        %add3A_264 = arith.constant 7 : i32
        %add3A_265 = arith.addi %mul3A_108, %add3A_264 : i32
        %get3A_266 = arith.index_cast %add3A_265 : i32 to index
        %get3A_267 = arith.constant 0 : index
        %get3A_268 = tpu.vector_load %arg6[%get3A_266, %get3A_267] {strides = array<i32>} : memref<640x64xf32, #tpu.memory_space<vmem>>, vector<16xf32>,
        %add3A_269 = arith.addf %add3A_245, %get3A_268 : vector<16xf32>
        %add3A_270 = arith.constant 7 : i32
        %add3A_271 = arith.addi %mul3A_108, %add3A_270 : i32
        %get3A_272 = arith.index_cast %add3A_271 : i32 to index
        %get3A_273 = arith.constant 16 : index
        %get3A_274 = tpu.vector_load %arg6[%get3A_272, %get3A_273] {strides = array<i32>} : memref<640x64xf32, #tpu.memory_space<vmem>>, vector<16xf32>,
        %add3A_275 = arith.addf %add3A_251, %get3A_274 : vector<16xf32>
        %add3A_276 = arith.constant 7 : i32
        %add3A_277 = arith.addi %mul3A_108, %add3A_276 : i32
        %get3A_278 = arith.index_cast %add3A_277 : i32 to index
        %get3A_279 = arith.constant 32 : index
        %get3A_280 = tpu.vector_load %arg6[%get3A_278, %get3A_279] {strides = array<i32>} : memref<640x64xf32, #tpu.memory_space<vmem>>, vector<16xf32>,
        %add3A_281 = arith.addf %add3A_257, %get3A_280 : vector<16xf32>
        %add3A_282 = arith.constant 7 : i32
        %add3A_283 = arith.addi %mul3A_108, %add3A_282 : i32
        %get3A_284 = arith.index_cast %add3A_283 : i32 to index
        %get3A_285 = arith.constant 48 : index
        %get3A_286 = tpu.vector_load %arg6[%get3A_284, %get3A_285] {strides = array<i32>} : memref<640x64xf32, #tpu.memory_space<vmem>>, vector<16xf32>,
        %add3A_287 = arith.addf %add3A_263, %get3A_286 : vector<16xf32>
        %add3A_288 = arith.constant 8 : i32
        %add3A_289 = arith.addi %mul3A_108, %add3A_288 : i32
        %get3A_290 = arith.index_cast %add3A_289 : i32 to index
        %get3A_291 = arith.constant 0 : index
        %get3A_292 = tpu.vector_load %arg6[%get3A_290, %get3A_291] {strides = array<i32>} : memref<640x64xf32, #tpu.memory_space<vmem>>, vector<16xf32>,
        %add3A_293 = arith.addf %add3A_269, %get3A_292 : vector<16xf32>
        %add3A_294 = arith.constant 8 : i32
        %add3A_295 = arith.addi %mul3A_108, %add3A_294 : i32
        %get3A_296 = arith.index_cast %add3A_295 : i32 to index
        %get3A_297 = arith.constant 16 : index
        %get3A_298 = tpu.vector_load %arg6[%get3A_296, %get3A_297] {strides = array<i32>} : memref<640x64xf32, #tpu.memory_space<vmem>>, vector<16xf32>,
        %add3A_299 = arith.addf %add3A_275, %get3A_298 : vector<16xf32>
        %add3A_300 = arith.constant 8 : i32
        %add3A_301 = arith.addi %mul3A_108, %add3A_300 : i32
        %get3A_302 = arith.index_cast %add3A_301 : i32 to index
        %get3A_303 = arith.constant 32 : index
        %get3A_304 = tpu.vector_load %arg6[%get3A_302, %get3A_303] {strides = array<i32>} : memref<640x64xf32, #tpu.memory_space<vmem>>, vector<16xf32>,
        %add3A_305 = arith.addf %add3A_281, %get3A_304 : vector<16xf32>
        %add3A_306 = arith.constant 8 : i32
        %add3A_307 = arith.addi %mul3A_108, %add3A_306 : i32
        %get3A_308 = arith.index_cast %add3A_307 : i32 to index
        %get3A_309 = arith.constant 48 : index
        %get3A_310 = tpu.vector_load %arg6[%get3A_308, %get3A_309] {strides = array<i32>} : memref<640x64xf32, #tpu.memory_space<vmem>>, vector<16xf32>,
        %add3A_311 = arith.addf %add3A_287, %get3A_310 : vector<16xf32>
        %add3A_312 = arith.constant 9 : i32
        %add3A_313 = arith.addi %mul3A_108, %add3A_312 : i32
        %get3A_314 = arith.index_cast %add3A_313 : i32 to index
        %get3A_315 = arith.constant 0 : index
        %get3A_316 = tpu.vector_load %arg6[%get3A_314, %get3A_315] {strides = array<i32>} : memref<640x64xf32, #tpu.memory_space<vmem>>, vector<16xf32>,
        %add3A_317 = arith.addf %add3A_293, %get3A_316 : vector<16xf32>
        %add3A_318 = arith.constant 9 : i32
        %add3A_319 = arith.addi %mul3A_108, %add3A_318 : i32
        %get3A_320 = arith.index_cast %add3A_319 : i32 to index
        %get3A_321 = arith.constant 16 : index
        %get3A_322 = tpu.vector_load %arg6[%get3A_320, %get3A_321] {strides = array<i32>} : memref<640x64xf32, #tpu.memory_space<vmem>>, vector<16xf32>,
        %add3A_323 = arith.addf %add3A_299, %get3A_322 : vector<16xf32>
        %add3A_324 = arith.constant 9 : i32
        %add3A_325 = arith.addi %mul3A_108, %add3A_324 : i32
        %get3A_326 = arith.index_cast %add3A_325 : i32 to index
        %get3A_327 = arith.constant 32 : index
        %get3A_328 = tpu.vector_load %arg6[%get3A_326, %get3A_327] {strides = array<i32>} : memref<640x64xf32, #tpu.memory_space<vmem>>, vector<16xf32>,
        %add3A_329 = arith.addf %add3A_305, %get3A_328 : vector<16xf32>
        %add3A_330 = arith.constant 9 : i32
        %add3A_331 = arith.addi %mul3A_108, %add3A_330 : i32
        %get3A_332 = arith.index_cast %add3A_331 : i32 to index
        %get3A_333 = arith.constant 48 : index
        %get3A_334 = tpu.vector_load %arg6[%get3A_332, %get3A_333] {strides = array<i32>} : memref<640x64xf32, #tpu.memory_space<vmem>>, vector<16xf32>,
        %add3A_335 = arith.addf %add3A_311, %get3A_334 : vector<16xf32>
        %add3A_336 = arith.constant 10 : i32
        %add3A_337 = arith.addi %mul3A_108, %add3A_336 : i32
        %get3A_338 = arith.index_cast %add3A_337 : i32 to index
        %get3A_339 = arith.constant 0 : index
        %get3A_340 = tpu.vector_load %arg6[%get3A_338, %get3A_339] {strides = array<i32>} : memref<640x64xf32, #tpu.memory_space<vmem>>, vector<16xf32>,
        %add3A_341 = arith.addf %add3A_317, %get3A_340 : vector<16xf32>
        %add3A_342 = arith.constant 10 : i32
        %add3A_343 = arith.addi %mul3A_108, %add3A_342 : i32
        %get3A_344 = arith.index_cast %add3A_343 : i32 to index
        %get3A_345 = arith.constant 16 : index
        %get3A_346 = tpu.vector_load %arg6[%get3A_344, %get3A_345] {strides = array<i32>} : memref<640x64xf32, #tpu.memory_space<vmem>>, vector<16xf32>,
        %add3A_347 = arith.addf %add3A_323, %get3A_346 : vector<16xf32>
        %add3A_348 = arith.constant 10 : i32
        %add3A_349 = arith.addi %mul3A_108, %add3A_348 : i32
        %get3A_350 = arith.index_cast %add3A_349 : i32 to index
        %get3A_351 = arith.constant 32 : index
        %get3A_352 = tpu.vector_load %arg6[%get3A_350, %get3A_351] {strides = array<i32>} : memref<640x64xf32, #tpu.memory_space<vmem>>, vector<16xf32>,
        %add3A_353 = arith.addf %add3A_329, %get3A_352 : vector<16xf32>
        %add3A_354 = arith.constant 10 : i32
        %add3A_355 = arith.addi %mul3A_108, %add3A_354 : i32
        %get3A_356 = arith.index_cast %add3A_355 : i32 to index
        %get3A_357 = arith.constant 48 : index
        %get3A_358 = tpu.vector_load %arg6[%get3A_356, %get3A_357] {strides = array<i32>} : memref<640x64xf32, #tpu.memory_space<vmem>>, vector<16xf32>,
        %add3A_359 = arith.addf %add3A_335, %get3A_358 : vector<16xf32>
        %add3A_360 = arith.constant 11 : i32
        %add3A_361 = arith.addi %mul3A_108, %add3A_360 : i32
        %get3A_362 = arith.index_cast %add3A_361 : i32 to index
        %get3A_363 = arith.constant 0 : index
        %get3A_364 = tpu.vector_load %arg6[%get3A_362, %get3A_363] {strides = array<i32>} : memref<640x64xf32, #tpu.memory_space<vmem>>, vector<16xf32>,
        %add3A_365 = arith.addf %add3A_341, %get3A_364 : vector<16xf32>
        %add3A_366 = arith.constant 11 : i32
        %add3A_367 = arith.addi %mul3A_108, %add3A_366 : i32
        %get3A_368 = arith.index_cast %add3A_367 : i32 to index
        %get3A_369 = arith.constant 16 : index
        %get3A_370 = tpu.vector_load %arg6[%get3A_368, %get3A_369] {strides = array<i32>} : memref<640x64xf32, #tpu.memory_space<vmem>>, vector<16xf32>,
        %add3A_371 = arith.addf %add3A_347, %get3A_370 : vector<16xf32>
        %add3A_372 = arith.constant 11 : i32
        %add3A_373 = arith.addi %mul3A_108, %add3A_372 : i32
        %get3A_374 = arith.index_cast %add3A_373 : i32 to index
        %get3A_375 = arith.constant 32 : index
        %get3A_376 = tpu.vector_load %arg6[%get3A_374, %get3A_375] {strides = array<i32>} : memref<640x64xf32, #tpu.memory_space<vmem>>, vector<16xf32>,
        %add3A_377 = arith.addf %add3A_353, %get3A_376 : vector<16xf32>
        %add3A_378 = arith.constant 11 : i32
        %add3A_379 = arith.addi %mul3A_108, %add3A_378 : i32
        %get3A_380 = arith.index_cast %add3A_379 : i32 to index
        %get3A_381 = arith.constant 48 : index
        %get3A_382 = tpu.vector_load %arg6[%get3A_380, %get3A_381] {strides = array<i32>} : memref<640x64xf32, #tpu.memory_space<vmem>>, vector<16xf32>,
        %add3A_383 = arith.addf %add3A_359, %get3A_382 : vector<16xf32>
        %add3A_384 = arith.constant 12 : i32
        %add3A_385 = arith.addi %mul3A_108, %add3A_384 : i32
        %get3A_386 = arith.index_cast %add3A_385 : i32 to index
        %get3A_387 = arith.constant 0 : index
        %get3A_388 = tpu.vector_load %arg6[%get3A_386, %get3A_387] {strides = array<i32>} : memref<640x64xf32, #tpu.memory_space<vmem>>, vector<16xf32>,
        %add3A_389 = arith.addf %add3A_365, %get3A_388 : vector<16xf32>
        %add3A_390 = arith.constant 12 : i32
        %add3A_391 = arith.addi %mul3A_108, %add3A_390 : i32
        %get3A_392 = arith.index_cast %add3A_391 : i32 to index
        %get3A_393 = arith.constant 16 : index
        %get3A_394 = tpu.vector_load %arg6[%get3A_392, %get3A_393] {strides = array<i32>} : memref<640x64xf32, #tpu.memory_space<vmem>>, vector<16xf32>,
        %add3A_395 = arith.addf %add3A_371, %get3A_394 : vector<16xf32>
        %add3A_396 = arith.constant 12 : i32
        %add3A_397 = arith.addi %mul3A_108, %add3A_396 : i32
        %get3A_398 = arith.index_cast %add3A_397 : i32 to index
        %get3A_399 = arith.constant 32 : index
        %get3A_400 = tpu.vector_load %arg6[%get3A_398, %get3A_399] {strides = array<i32>} : memref<640x64xf32, #tpu.memory_space<vmem>>, vector<16xf32>,
        %add3A_401 = arith.addf %add3A_377, %get3A_400 : vector<16xf32>
        %add3A_402 = arith.constant 12 : i32
        %add3A_403 = arith.addi %mul3A_108, %add3A_402 : i32
        %get3A_404 = arith.index_cast %add3A_403 : i32 to index
        %get3A_405 = arith.constant 48 : index
        %get3A_406 = tpu.vector_load %arg6[%get3A_404, %get3A_405] {strides = array<i32>} : memref<640x64xf32, #tpu.memory_space<vmem>>, vector<16xf32>,
        %add3A_407 = arith.addf %add3A_383, %get3A_406 : vector<16xf32>
        %add3A_408 = arith.constant 13 : i32
        %add3A_409 = arith.addi %mul3A_108, %add3A_408 : i32
        %get3A_410 = arith.index_cast %add3A_409 : i32 to index
        %get3A_411 = arith.constant 0 : index
        %get3A_412 = tpu.vector_load %arg6[%get3A_410, %get3A_411] {strides = array<i32>} : memref<640x64xf32, #tpu.memory_space<vmem>>, vector<16xf32>,
        %add3A_413 = arith.addf %add3A_389, %get3A_412 : vector<16xf32>
        %add3A_414 = arith.constant 13 : i32
        %add3A_415 = arith.addi %mul3A_108, %add3A_414 : i32
        %get3A_416 = arith.index_cast %add3A_415 : i32 to index
        %get3A_417 = arith.constant 16 : index
        %get3A_418 = tpu.vector_load %arg6[%get3A_416, %get3A_417] {strides = array<i32>} : memref<640x64xf32, #tpu.memory_space<vmem>>, vector<16xf32>,
        %add3A_419 = arith.addf %add3A_395, %get3A_418 : vector<16xf32>
        %add3A_420 = arith.constant 13 : i32
        %add3A_421 = arith.addi %mul3A_108, %add3A_420 : i32
        %get3A_422 = arith.index_cast %add3A_421 : i32 to index
        %get3A_423 = arith.constant 32 : index
        %get3A_424 = tpu.vector_load %arg6[%get3A_422, %get3A_423] {strides = array<i32>} : memref<640x64xf32, #tpu.memory_space<vmem>>, vector<16xf32>,
        %add3A_425 = arith.addf %add3A_401, %get3A_424 : vector<16xf32>
        %add3A_426 = arith.constant 13 : i32
        %add3A_427 = arith.addi %mul3A_108, %add3A_426 : i32
        %get3A_428 = arith.index_cast %add3A_427 : i32 to index
        %get3A_429 = arith.constant 48 : index
        %get3A_430 = tpu.vector_load %arg6[%get3A_428, %get3A_429] {strides = array<i32>} : memref<640x64xf32, #tpu.memory_space<vmem>>, vector<16xf32>,
        %add3A_431 = arith.addf %add3A_407, %get3A_430 : vector<16xf32>
        %add3A_432 = arith.constant 14 : i32
        %add3A_433 = arith.addi %mul3A_108, %add3A_432 : i32
        %get3A_434 = arith.index_cast %add3A_433 : i32 to index
        %get3A_435 = arith.constant 0 : index
        %get3A_436 = tpu.vector_load %arg6[%get3A_434, %get3A_435] {strides = array<i32>} : memref<640x64xf32, #tpu.memory_space<vmem>>, vector<16xf32>,
        %add3A_437 = arith.addf %add3A_413, %get3A_436 : vector<16xf32>
        %add3A_438 = arith.constant 14 : i32
        %add3A_439 = arith.addi %mul3A_108, %add3A_438 : i32
        %get3A_440 = arith.index_cast %add3A_439 : i32 to index
        %get3A_441 = arith.constant 16 : index
        %get3A_442 = tpu.vector_load %arg6[%get3A_440, %get3A_441] {strides = array<i32>} : memref<640x64xf32, #tpu.memory_space<vmem>>, vector<16xf32>,
        %add3A_443 = arith.addf %add3A_419, %get3A_442 : vector<16xf32>
        %add3A_444 = arith.constant 14 : i32
        %add3A_445 = arith.addi %mul3A_108, %add3A_444 : i32
        %get3A_446 = arith.index_cast %add3A_445 : i32 to index
        %get3A_447 = arith.constant 32 : index
        %get3A_448 = tpu.vector_load %arg6[%get3A_446, %get3A_447] {strides = array<i32>} : memref<640x64xf32, #tpu.memory_space<vmem>>, vector<16xf32>,
        %add3A_449 = arith.addf %add3A_425, %get3A_448 : vector<16xf32>
        %add3A_450 = arith.constant 14 : i32
        %add3A_451 = arith.addi %mul3A_108, %add3A_450 : i32
        %get3A_452 = arith.index_cast %add3A_451 : i32 to index
        %get3A_453 = arith.constant 48 : index
        %get3A_454 = tpu.vector_load %arg6[%get3A_452, %get3A_453] {strides = array<i32>} : memref<640x64xf32, #tpu.memory_space<vmem>>, vector<16xf32>,
        %add3A_455 = arith.addf %add3A_431, %get3A_454 : vector<16xf32>
        %add3A_456 = arith.constant 15 : i32
        %add3A_457 = arith.addi %mul3A_108, %add3A_456 : i32
        %get3A_458 = arith.index_cast %add3A_457 : i32 to index
        %get3A_459 = arith.constant 0 : index
        %get3A_460 = tpu.vector_load %arg6[%get3A_458, %get3A_459] {strides = array<i32>} : memref<640x64xf32, #tpu.memory_space<vmem>>, vector<16xf32>,
        %add3A_461 = arith.addf %add3A_437, %get3A_460 : vector<16xf32>
        %add3A_462 = arith.constant 15 : i32
        %add3A_463 = arith.addi %mul3A_108, %add3A_462 : i32
        %get3A_464 = arith.index_cast %add3A_463 : i32 to index
        %get3A_465 = arith.constant 16 : index
        %get3A_466 = tpu.vector_load %arg6[%get3A_464, %get3A_465] {strides = array<i32>} : memref<640x64xf32, #tpu.memory_space<vmem>>, vector<16xf32>,
        %add3A_467 = arith.addf %add3A_443, %get3A_466 : vector<16xf32>
        %add3A_468 = arith.constant 15 : i32
        %add3A_469 = arith.addi %mul3A_108, %add3A_468 : i32
        %get3A_470 = arith.index_cast %add3A_469 : i32 to index
        %get3A_471 = arith.constant 32 : index
        %get3A_472 = tpu.vector_load %arg6[%get3A_470, %get3A_471] {strides = array<i32>} : memref<640x64xf32, #tpu.memory_space<vmem>>, vector<16xf32>,
        %add3A_473 = arith.addf %add3A_449, %get3A_472 : vector<16xf32>
        %add3A_474 = arith.constant 15 : i32
        %add3A_475 = arith.addi %mul3A_108, %add3A_474 : i32
        %get3A_476 = arith.index_cast %add3A_475 : i32 to index
        %get3A_477 = arith.constant 48 : index
        %get3A_478 = tpu.vector_load %arg6[%get3A_476, %get3A_477] {strides = array<i32>} : memref<640x64xf32, #tpu.memory_space<vmem>>, vector<16xf32>,
        %add3A_479 = arith.addf %add3A_455, %get3A_478 : vector<16xf32>
        %add3A_480 = arith.constant 16 : i32
        %add3A_481 = arith.addi %mul3A_108, %add3A_480 : i32
        %get3A_482 = arith.index_cast %add3A_481 : i32 to index
        %get3A_483 = arith.constant 0 : index
        %get3A_484 = tpu.vector_load %arg6[%get3A_482, %get3A_483] {strides = array<i32>} : memref<640x64xf32, #tpu.memory_space<vmem>>, vector<16xf32>,
        %add3A_485 = arith.addf %add3A_461, %get3A_484 : vector<16xf32>
        %add3A_486 = arith.constant 16 : i32
        %add3A_487 = arith.addi %mul3A_108, %add3A_486 : i32
        %get3A_488 = arith.index_cast %add3A_487 : i32 to index
        %get3A_489 = arith.constant 16 : index
        %get3A_490 = tpu.vector_load %arg6[%get3A_488, %get3A_489] {strides = array<i32>} : memref<640x64xf32, #tpu.memory_space<vmem>>, vector<16xf32>,
        %add3A_491 = arith.addf %add3A_467, %get3A_490 : vector<16xf32>
        %add3A_492 = arith.constant 16 : i32
        %add3A_493 = arith.addi %mul3A_108, %add3A_492 : i32
        %get3A_494 = arith.index_cast %add3A_493 : i32 to index
        %get3A_495 = arith.constant 32 : index
        %get3A_496 = tpu.vector_load %arg6[%get3A_494, %get3A_495] {strides = array<i32>} : memref<640x64xf32, #tpu.memory_space<vmem>>, vector<16xf32>,
        %add3A_497 = arith.addf %add3A_473, %get3A_496 : vector<16xf32>
        %add3A_498 = arith.constant 16 : i32
        %add3A_499 = arith.addi %mul3A_108, %add3A_498 : i32
        %get3A_500 = arith.index_cast %add3A_499 : i32 to index
        %get3A_501 = arith.constant 48 : index
        %get3A_502 = tpu.vector_load %arg6[%get3A_500, %get3A_501] {strides = array<i32>} : memref<640x64xf32, #tpu.memory_space<vmem>>, vector<16xf32>,
        %add3A_503 = arith.addf %add3A_479, %get3A_502 : vector<16xf32>
        %add3A_504 = arith.constant 17 : i32
        %add3A_505 = arith.addi %mul3A_108, %add3A_504 : i32
        %get3A_506 = arith.index_cast %add3A_505 : i32 to index
        %get3A_507 = arith.constant 0 : index
        %get3A_508 = tpu.vector_load %arg6[%get3A_506, %get3A_507] {strides = array<i32>} : memref<640x64xf32, #tpu.memory_space<vmem>>, vector<16xf32>,
        %add3A_509 = arith.addf %add3A_485, %get3A_508 : vector<16xf32>
        %add3A_510 = arith.constant 17 : i32
        %add3A_511 = arith.addi %mul3A_108, %add3A_510 : i32
        %get3A_512 = arith.index_cast %add3A_511 : i32 to index
        %get3A_513 = arith.constant 16 : index
        %get3A_514 = tpu.vector_load %arg6[%get3A_512, %get3A_513] {strides = array<i32>} : memref<640x64xf32, #tpu.memory_space<vmem>>, vector<16xf32>,
        %add3A_515 = arith.addf %add3A_491, %get3A_514 : vector<16xf32>
        %add3A_516 = arith.constant 17 : i32
        %add3A_517 = arith.addi %mul3A_108, %add3A_516 : i32
        %get3A_518 = arith.index_cast %add3A_517 : i32 to index
        %get3A_519 = arith.constant 32 : index
        %get3A_520 = tpu.vector_load %arg6[%get3A_518, %get3A_519] {strides = array<i32>} : memref<640x64xf32, #tpu.memory_space<vmem>>, vector<16xf32>,
        %add3A_521 = arith.addf %add3A_497, %get3A_520 : vector<16xf32>
        %add3A_522 = arith.constant 17 : i32
        %add3A_523 = arith.addi %mul3A_108, %add3A_522 : i32
        %get3A_524 = arith.index_cast %add3A_523 : i32 to index
        %get3A_525 = arith.constant 48 : index
        %get3A_526 = tpu.vector_load %arg6[%get3A_524, %get3A_525] {strides = array<i32>} : memref<640x64xf32, #tpu.memory_space<vmem>>, vector<16xf32>,
        %add3A_527 = arith.addf %add3A_503, %get3A_526 : vector<16xf32>
        %add3A_528 = arith.constant 18 : i32
        %add3A_529 = arith.addi %mul3A_108, %add3A_528 : i32
        %get3A_530 = arith.index_cast %add3A_529 : i32 to index
        %get3A_531 = arith.constant 0 : index
        %get3A_532 = tpu.vector_load %arg6[%get3A_530, %get3A_531] {strides = array<i32>} : memref<640x64xf32, #tpu.memory_space<vmem>>, vector<16xf32>,
        %add3A_533 = arith.addf %add3A_509, %get3A_532 : vector<16xf32>
        %add3A_534 = arith.constant 18 : i32
        %add3A_535 = arith.addi %mul3A_108, %add3A_534 : i32
        %get3A_536 = arith.index_cast %add3A_535 : i32 to index
        %get3A_537 = arith.constant 16 : index
        %get3A_538 = tpu.vector_load %arg6[%get3A_536, %get3A_537] {strides = array<i32>} : memref<640x64xf32, #tpu.memory_space<vmem>>, vector<16xf32>,
        %add3A_539 = arith.addf %add3A_515, %get3A_538 : vector<16xf32>
        %add3A_540 = arith.constant 18 : i32
        %add3A_541 = arith.addi %mul3A_108, %add3A_540 : i32
        %get3A_542 = arith.index_cast %add3A_541 : i32 to index
        %get3A_543 = arith.constant 32 : index
        %get3A_544 = tpu.vector_load %arg6[%get3A_542, %get3A_543] {strides = array<i32>} : memref<640x64xf32, #tpu.memory_space<vmem>>, vector<16xf32>,
        %add3A_545 = arith.addf %add3A_521, %get3A_544 : vector<16xf32>
        %add3A_546 = arith.constant 18 : i32
        %add3A_547 = arith.addi %mul3A_108, %add3A_546 : i32
        %get3A_548 = arith.index_cast %add3A_547 : i32 to index
        %get3A_549 = arith.constant 48 : index
        %get3A_550 = tpu.vector_load %arg6[%get3A_548, %get3A_549] {strides = array<i32>} : memref<640x64xf32, #tpu.memory_space<vmem>>, vector<16xf32>,
        %add3A_551 = arith.addf %add3A_527, %get3A_550 : vector<16xf32>
        %add3A_552 = arith.constant 19 : i32
        %add3A_553 = arith.addi %mul3A_108, %add3A_552 : i32
        %get3A_554 = arith.index_cast %add3A_553 : i32 to index
        %get3A_555 = arith.constant 0 : index
        %get3A_556 = tpu.vector_load %arg6[%get3A_554, %get3A_555] {strides = array<i32>} : memref<640x64xf32, #tpu.memory_space<vmem>>, vector<16xf32>,
        %add3A_557 = arith.addf %add3A_533, %get3A_556 : vector<16xf32>
        %add3A_558 = arith.constant 19 : i32
        %add3A_559 = arith.addi %mul3A_108, %add3A_558 : i32
        %get3A_560 = arith.index_cast %add3A_559 : i32 to index
        %get3A_561 = arith.constant 16 : index
        %get3A_562 = tpu.vector_load %arg6[%get3A_560, %get3A_561] {strides = array<i32>} : memref<640x64xf32, #tpu.memory_space<vmem>>, vector<16xf32>,
        %add3A_563 = arith.addf %add3A_539, %get3A_562 : vector<16xf32>
        %add3A_564 = arith.constant 19 : i32
        %add3A_565 = arith.addi %mul3A_108, %add3A_564 : i32
        %get3A_566 = arith.index_cast %add3A_565 : i32 to index
        %get3A_567 = arith.constant 32 : index
        %get3A_568 = tpu.vector_load %arg6[%get3A_566, %get3A_567] {strides = array<i32>} : memref<640x64xf32, #tpu.memory_space<vmem>>, vector<16xf32>,
        %add3A_569 = arith.addf %add3A_545, %get3A_568 : vector<16xf32>
        %add3A_570 = arith.constant 19 : i32
        %add3A_571 = arith.addi %mul3A_108, %add3A_570 : i32
        %get3A_572 = arith.index_cast %add3A_571 : i32 to index
        %get3A_573 = arith.constant 48 : index
        %get3A_574 = tpu.vector_load %arg6[%get3A_572, %get3A_573] {strides = array<i32>} : memref<640x64xf32, #tpu.memory_space<vmem>>, vector<16xf32>,
        %add3A_575 = arith.addf %add3A_551, %get3A_574 : vector<16xf32>
        %mul3A_576 = arith.constant 5.000000e-02 : f32
        %mul3A_577 = vector.broadcast %mul3A_576 : f32 to vector<16xf32>
        %mul3A_578 = arith.mulf %add3A_557, %mul3A_577 : vector<16xf32>
        %mul3A_579 = arith.constant 64 : i32
        %mul3A_580 = arith.muli %scan3A_106, %mul3A_579 : i32
        %add3A_581 = arith.constant 0 : i32
        %add3A_582 = arith.addi %mul3A_580, %add3A_581 : i32
        %multiple_of3A_583 = tpu.assume_multiple %add3A_582, 8 : i32
        %swap3A = arith.index_cast %multiple_of3A_583 : i32 to index
        %swap3A_584 = tpu.vector_load %arg7[%swap3A] {strides = array<i32>} : memref<2048xf32, #tpu.memory_space<vmem>>, vector<16xf32>,
        tpu.vector_store %arg7[%swap3A], %mul3A_578 {strides = array<i32>} : memref<2048xf32, #tpu.memory_space<vmem>>, vector<16xf32>,
        %mul3A_585 = arith.constant 5.000000e-02 : f32
        %mul3A_586 = vector.broadcast %mul3A_585 : f32 to vector<16xf32>
        %mul3A_587 = arith.mulf %add3A_563, %mul3A_586 : vector<16xf32>
        %mul3A_588 = arith.constant 64 : i32
        %mul3A_589 = arith.muli %scan3A_106, %mul3A_588 : i32
        %add3A_590 = arith.constant 16 : i32
        %add3A_591 = arith.addi %mul3A_589, %add3A_590 : i32
        %multiple_of3A_592 = tpu.assume_multiple %add3A_591, 8 : i32
        %swap3A_593 = arith.index_cast %multiple_of3A_592 : i32 to index
        %swap3A_594 = tpu.vector_load %arg7[%swap3A_593] {strides = array<i32>} : memref<2048xf32, #tpu.memory_space<vmem>>, vector<16xf32>,
        tpu.vector_store %arg7[%swap3A_593], %mul3A_587 {strides = array<i32>} : memref<2048xf32, #tpu.memory_space<vmem>>, vector<16xf32>,
        %mul3A_595 = arith.constant 5.000000e-02 : f32
        %mul3A_596 = vector.broadcast %mul3A_595 : f32 to vector<16xf32>
        %mul3A_597 = arith.mulf %add3A_569, %mul3A_596 : vector<16xf32>
        %mul3A_598 = arith.constant 64 : i32
        %mul3A_599 = arith.muli %scan3A_106, %mul3A_598 : i32
        %add3A_600 = arith.constant 32 : i32
        %add3A_601 = arith.addi %mul3A_599, %add3A_600 : i32
        %multiple_of3A_602 = tpu.assume_multiple %add3A_601, 8 : i32
        %swap3A_603 = arith.index_cast %multiple_of3A_602 : i32 to index
        %swap3A_604 = tpu.vector_load %arg7[%swap3A_603] {strides = array<i32>} : memref<2048xf32, #tpu.memory_space<vmem>>, vector<16xf32>,
        tpu.vector_store %arg7[%swap3A_603], %mul3A_597 {strides = array<i32>} : memref<2048xf32, #tpu.memory_space<vmem>>, vector<16xf32>,
        %mul3A_605 = arith.constant 5.000000e-02 : f32
        %mul3A_606 = vector.broadcast %mul3A_605 : f32 to vector<16xf32>
        %mul3A_607 = arith.mulf %add3A_575, %mul3A_606 : vector<16xf32>
        %mul3A_608 = arith.constant 64 : i32
        %mul3A_609 = arith.muli %scan3A_106, %mul3A_608 : i32
        %add3A_610 = arith.constant 48 : i32
        %add3A_611 = arith.addi %mul3A_609, %add3A_610 : i32
        %multiple_of3A_612 = tpu.assume_multiple %add3A_611, 8 : i32
        %swap3A_613 = arith.index_cast %multiple_of3A_612 : i32 to index
        %swap3A_614 = tpu.vector_load %arg7[%swap3A_613] {strides = array<i32>} : memref<2048xf32, #tpu.memory_space<vmem>>, vector<16xf32>,
        tpu.vector_store %arg7[%swap3A_613], %mul3A_607 {strides = array<i32>} : memref<2048xf32, #tpu.memory_space<vmem>>, vector<16xf32>,
      }
      %scan3A_97 = arith.constant 32 : i32
      %mul3A_98 = arith.constant 512 : i32
      %mul3A_99 = arith.muli %add3A, %mul3A_98 : i32
      %mul3A_100 = arith.constant 32 : i32
      %mul3A_101 = arith.muli %scan3A_10, %mul3A_100 : i32
      %add3A_102 = arith.addi %mul3A_99, %mul3A_101 : i32
      %mul3A_103 = arith.constant 64 : i32
      %mul3A_104 = arith.muli %add3A_102, %mul3A_103 : i32
      %multiple_of3A_105 = tpu.assume_multiple %mul3A_104, 8 : i32
      "tpu.region"() ({
        %run_scoped3A = tpu.sem_alloc : memref<!tpu.dma_semaphore, #tpu.memory_space<semaphore_mem>>
        %dma_start3A_106 = tpu.memref_slice %arg4[%multiple_of3A_105] : memref<1048576xf32, #tpu.memory_space<hbm>> -> memref<2048xf32, #tpu.memory_space<hbm>>
        %dma_start3A_107 = tpu.memref_slice %arg4[%multiple_of3A_105] : memref<1048576xf32, #tpu.memory_space<hbm>> -> memref<2048xf32, #tpu.memory_space<hbm>>
        tpu.enqueue_dma source(%arg7 : memref<2048xf32, #tpu.memory_space<vmem>>) target(%dma_start3A_107 : memref<2048xf32, #tpu.memory_space<hbm>>) target_semaphore(%run_scoped3A : memref<!tpu.dma_semaphore, #tpu.memory_space<semaphore_mem>>)
        %dma_wait3A_108 = tpu.memref_slice %arg4[%multiple_of3A_105] : memref<1048576xf32, #tpu.memory_space<hbm>> -> memref<2048xf32, #tpu.memory_space<hbm>>
        %dma_wait3A_109 = tpu.memref_slice %arg4[%multiple_of3A_105] : memref<1048576xf32, #tpu.memory_space<hbm>> -> memref<2048xf32, #tpu.memory_space<hbm>>
        tpu.wait_dma2 semaphore(%run_scoped3A : memref<!tpu.dma_semaphore, #tpu.memory_space<semaphore_mem>>) src(%arg7 : memref<2048xf32, #tpu.memory_space<vmem>>) dst(%dma_wait3A_109 : memref<2048xf32, #tpu.memory_space<hbm>>)
        tpu.yield
      }) : () -> ()
    }
    %scan3A_9 = arith.constant 16 : i32
    return
  }
}

#map = affine_map<(d0, d1) -> (0)>
#map1 = affine_map<(d0, d1) -> (0, 0)>
module attributes {stable_mosaic.version = 14 : i64} {
  func.func @_k2_body(%arg0: i32, %arg1: i32, %arg2: memref<16384xi32, #tpu.memory_space<hbm>>, %arg3: memref<327680xi32, #tpu.memory_space<hbm>>, %arg4: memref<1048576xf32, #tpu.memory_space<hbm>>, %arg5: memref<1000000x64xf32, #tpu.memory_space<hbm>>, %arg6: memref<16384xf32, #tpu.memory_space<hbm>>, %arg7: memref<327680xf32, #tpu.memory_space<hbm>>, %arg8: memref<512xi32, #tpu.memory_space<vmem>>, %arg9: memref<10240xi32, #tpu.memory_space<vmem>>, %arg10: memref<4096xf32, #tpu.memory_space<vmem>>, %arg11: memref<1280x64xf32, #tpu.memory_space<vmem>>, %arg12: memref<64x64xf32, #tpu.memory_space<vmem>>, %arg13: memref<512xf32, #tpu.memory_space<vmem>>, %arg14: memref<10240xf32, #tpu.memory_space<vmem>>, %arg15: memref<64xf32, #tpu.memory_space<vmem>>, %arg16: memref<1280xf32, #tpu.memory_space<vmem>>, %arg17: memref<!tpu.dma_semaphore, #tpu.memory_space<semaphore_mem>>, %arg18: memref<!tpu.dma_semaphore, #tpu.memory_space<semaphore_mem>>, %arg19: memref<!tpu.dma_semaphore, #tpu.memory_space<semaphore_mem>>) attributes {dimension_semantics = [#tpu.dimension_semantics<core_parallel>, #tpu.dimension_semantics<subcore_parallel>], iteration_bounds = array<i64: 2, 16>, scalar_prefetch = 0 : i64, scratch_operands = 12 : i64, tpu.core_type = #tpu.core_type<sc_vector_subcore>, window_params = [{transform_indices = #map}, {transform_indices = #map}, {transform_indices = #map}, {transform_indices = #map1}, {transform_indices = #map}, {transform_indices = #map}]} {
    %mul3A = arith.constant 2 : i32
    %mul3A_0 = arith.muli %arg1, %mul3A : i32
    %add3A = arith.addi %mul3A_0, %arg0 : i32
    %mul3A_1 = arith.constant 512 : i32
    %mul3A_2 = arith.muli %add3A, %mul3A_1 : i32
    %mul3A_3 = arith.constant 20 : i32
    %mul3A_4 = arith.muli %mul3A_2, %mul3A_3 : i32
    %multiple_of3A = tpu.assume_multiple %mul3A_4, 8 : i32
    "tpu.region"() ({
      %run_scoped3A = tpu.sem_alloc : memref<!tpu.dma_semaphore, #tpu.memory_space<semaphore_mem>>
      %dma_start3A_144 = tpu.memref_slice %arg3[%multiple_of3A] : memref<327680xi32, #tpu.memory_space<hbm>> -> memref<10240xi32, #tpu.memory_space<hbm>>
      %dma_start3A_145 = tpu.memref_slice %arg3[%multiple_of3A] : memref<327680xi32, #tpu.memory_space<hbm>> -> memref<10240xi32, #tpu.memory_space<hbm>>
      tpu.enqueue_dma source(%dma_start3A_145 : memref<10240xi32, #tpu.memory_space<hbm>>) target(%arg9 : memref<10240xi32, #tpu.memory_space<vmem>>) target_semaphore(%run_scoped3A : memref<!tpu.dma_semaphore, #tpu.memory_space<semaphore_mem>>)
      %dma_wait3A_146 = tpu.memref_slice %arg3[%multiple_of3A] : memref<327680xi32, #tpu.memory_space<hbm>> -> memref<10240xi32, #tpu.memory_space<hbm>>
      %dma_wait3A_147 = tpu.memref_slice %arg3[%multiple_of3A] : memref<327680xi32, #tpu.memory_space<hbm>> -> memref<10240xi32, #tpu.memory_space<hbm>>
      tpu.wait_dma2 semaphore(%run_scoped3A : memref<!tpu.dma_semaphore, #tpu.memory_space<semaphore_mem>>) src(%dma_wait3A_147 : memref<10240xi32, #tpu.memory_space<hbm>>) dst(%arg9 : memref<10240xi32, #tpu.memory_space<vmem>>)
      tpu.yield
    }) : () -> ()
    %mul3A_5 = arith.constant 512 : i32
    %mul3A_6 = arith.muli %add3A, %mul3A_5 : i32
    %multiple_of3A_7 = tpu.assume_multiple %mul3A_6, 8 : i32
    "tpu.region"() ({
      %run_scoped3A = tpu.sem_alloc : memref<!tpu.dma_semaphore, #tpu.memory_space<semaphore_mem>>
      %dma_start3A_144 = tpu.memref_slice %arg2[%multiple_of3A_7] : memref<16384xi32, #tpu.memory_space<hbm>> -> memref<512xi32, #tpu.memory_space<hbm>>
      %dma_start3A_145 = tpu.memref_slice %arg2[%multiple_of3A_7] : memref<16384xi32, #tpu.memory_space<hbm>> -> memref<512xi32, #tpu.memory_space<hbm>>
      tpu.enqueue_dma source(%dma_start3A_145 : memref<512xi32, #tpu.memory_space<hbm>>) target(%arg8 : memref<512xi32, #tpu.memory_space<vmem>>) target_semaphore(%run_scoped3A : memref<!tpu.dma_semaphore, #tpu.memory_space<semaphore_mem>>)
      %dma_wait3A_146 = tpu.memref_slice %arg2[%multiple_of3A_7] : memref<16384xi32, #tpu.memory_space<hbm>> -> memref<512xi32, #tpu.memory_space<hbm>>
      %dma_wait3A_147 = tpu.memref_slice %arg2[%multiple_of3A_7] : memref<16384xi32, #tpu.memory_space<hbm>> -> memref<512xi32, #tpu.memory_space<hbm>>
      tpu.wait_dma2 semaphore(%run_scoped3A : memref<!tpu.dma_semaphore, #tpu.memory_space<semaphore_mem>>) src(%dma_wait3A_147 : memref<512xi32, #tpu.memory_space<hbm>>) dst(%arg8 : memref<512xi32, #tpu.memory_space<vmem>>)
      tpu.yield
    }) : () -> ()
    %iota3A = tpu.iota {dimensions = array<i32: 0>} : vector<16xi32>
    %multiple_of3A_8 = arith.constant 0 : i32
    %multiple_of3A_9 = tpu.assume_multiple %multiple_of3A_8, 8 : i32
    %add3A_10 = arith.constant 0 : i32
    %add3A_11 = arith.addi %multiple_of3A_9, %add3A_10 : i32
    %multiple_of3A_12 = arith.constant 0 : i32
    %multiple_of3A_13 = tpu.assume_multiple %multiple_of3A_12, 8 : i32
    %add3A_14 = arith.constant 0 : i32
    %add3A_15 = arith.addi %multiple_of3A_13, %add3A_14 : i32
    %dma_start3A = arith.constant 0 : i32
    %dma_start3A_16 = tpu.memref_slice %arg11[%add3A_15, %dma_start3A] : memref<1280x64xf32, #tpu.memory_space<vmem>> -> memref<128x64xf32, #tpu.memory_space<vmem>>
    %dma_start3A_17 = tpu.memref_slice %arg9[%add3A_11] : memref<10240xi32, #tpu.memory_space<vmem>> -> memref<128xi32, #tpu.memory_space<vmem>>
    %dma_start3A_18 = arith.constant 0 : i32
    %dma_start3A_19 = arith.constant 0 : i32
    %dma_start3A_20 = tpu.memref_slice %arg5[%dma_start3A_18, %dma_start3A_19] : memref<1000000x64xf32, #tpu.memory_space<hbm>> -> memref<1000000x64xf32, #tpu.memory_space<hbm>>
    tpu.enqueue_indirect_dma source(%dma_start3A_20 : memref<1000000x64xf32, #tpu.memory_space<hbm>>) target(%dma_start3A_16 : memref<128x64xf32, #tpu.memory_space<vmem>>) offsets(%dma_start3A_17 : memref<128xi32, #tpu.memory_space<vmem>>) semaphore(%arg17 : memref<!tpu.dma_semaphore, #tpu.memory_space<semaphore_mem>>)
    %add3A_21 = arith.constant 128 : i32
    %add3A_22 = arith.addi %multiple_of3A_9, %add3A_21 : i32
    %multiple_of3A_23 = arith.constant 0 : i32
    %multiple_of3A_24 = tpu.assume_multiple %multiple_of3A_23, 8 : i32
    %add3A_25 = arith.constant 128 : i32
    %add3A_26 = arith.addi %multiple_of3A_24, %add3A_25 : i32
    %dma_start3A_27 = arith.constant 0 : i32
    %dma_start3A_28 = tpu.memref_slice %arg11[%add3A_26, %dma_start3A_27] : memref<1280x64xf32, #tpu.memory_space<vmem>> -> memref<128x64xf32, #tpu.memory_space<vmem>>
    %dma_start3A_29 = tpu.memref_slice %arg9[%add3A_22] : memref<10240xi32, #tpu.memory_space<vmem>> -> memref<128xi32, #tpu.memory_space<vmem>>
    %dma_start3A_30 = arith.constant 0 : i32
    %dma_start3A_31 = arith.constant 0 : i32
    %dma_start3A_32 = tpu.memref_slice %arg5[%dma_start3A_30, %dma_start3A_31] : memref<1000000x64xf32, #tpu.memory_space<hbm>> -> memref<1000000x64xf32, #tpu.memory_space<hbm>>
    tpu.enqueue_indirect_dma source(%dma_start3A_32 : memref<1000000x64xf32, #tpu.memory_space<hbm>>) target(%dma_start3A_28 : memref<128x64xf32, #tpu.memory_space<vmem>>) offsets(%dma_start3A_29 : memref<128xi32, #tpu.memory_space<vmem>>) semaphore(%arg17 : memref<!tpu.dma_semaphore, #tpu.memory_space<semaphore_mem>>)
    %add3A_33 = arith.constant 256 : i32
    %add3A_34 = arith.addi %multiple_of3A_9, %add3A_33 : i32
    %multiple_of3A_35 = arith.constant 0 : i32
    %multiple_of3A_36 = tpu.assume_multiple %multiple_of3A_35, 8 : i32
    %add3A_37 = arith.constant 256 : i32
    %add3A_38 = arith.addi %multiple_of3A_36, %add3A_37 : i32
    %dma_start3A_39 = arith.constant 0 : i32
    %dma_start3A_40 = tpu.memref_slice %arg11[%add3A_38, %dma_start3A_39] : memref<1280x64xf32, #tpu.memory_space<vmem>> -> memref<128x64xf32, #tpu.memory_space<vmem>>
    %dma_start3A_41 = tpu.memref_slice %arg9[%add3A_34] : memref<10240xi32, #tpu.memory_space<vmem>> -> memref<128xi32, #tpu.memory_space<vmem>>
    %dma_start3A_42 = arith.constant 0 : i32
    %dma_start3A_43 = arith.constant 0 : i32
    %dma_start3A_44 = tpu.memref_slice %arg5[%dma_start3A_42, %dma_start3A_43] : memref<1000000x64xf32, #tpu.memory_space<hbm>> -> memref<1000000x64xf32, #tpu.memory_space<hbm>>
    tpu.enqueue_indirect_dma source(%dma_start3A_44 : memref<1000000x64xf32, #tpu.memory_space<hbm>>) target(%dma_start3A_40 : memref<128x64xf32, #tpu.memory_space<vmem>>) offsets(%dma_start3A_41 : memref<128xi32, #tpu.memory_space<vmem>>) semaphore(%arg17 : memref<!tpu.dma_semaphore, #tpu.memory_space<semaphore_mem>>)
    %add3A_45 = arith.constant 384 : i32
    %add3A_46 = arith.addi %multiple_of3A_9, %add3A_45 : i32
    %multiple_of3A_47 = arith.constant 0 : i32
    %multiple_of3A_48 = tpu.assume_multiple %multiple_of3A_47, 8 : i32
    %add3A_49 = arith.constant 384 : i32
    %add3A_50 = arith.addi %multiple_of3A_48, %add3A_49 : i32
    %dma_start3A_51 = arith.constant 0 : i32
    %dma_start3A_52 = tpu.memref_slice %arg11[%add3A_50, %dma_start3A_51] : memref<1280x64xf32, #tpu.memory_space<vmem>> -> memref<128x64xf32, #tpu.memory_space<vmem>>
    %dma_start3A_53 = tpu.memref_slice %arg9[%add3A_46] : memref<10240xi32, #tpu.memory_space<vmem>> -> memref<128xi32, #tpu.memory_space<vmem>>
    %dma_start3A_54 = arith.constant 0 : i32
    %dma_start3A_55 = arith.constant 0 : i32
    %dma_start3A_56 = tpu.memref_slice %arg5[%dma_start3A_54, %dma_start3A_55] : memref<1000000x64xf32, #tpu.memory_space<hbm>> -> memref<1000000x64xf32, #tpu.memory_space<hbm>>
    tpu.enqueue_indirect_dma source(%dma_start3A_56 : memref<1000000x64xf32, #tpu.memory_space<hbm>>) target(%dma_start3A_52 : memref<128x64xf32, #tpu.memory_space<vmem>>) offsets(%dma_start3A_53 : memref<128xi32, #tpu.memory_space<vmem>>) semaphore(%arg17 : memref<!tpu.dma_semaphore, #tpu.memory_space<semaphore_mem>>)
    %add3A_57 = arith.constant 512 : i32
    %add3A_58 = arith.addi %multiple_of3A_9, %add3A_57 : i32
    %multiple_of3A_59 = arith.constant 0 : i32
    %multiple_of3A_60 = tpu.assume_multiple %multiple_of3A_59, 8 : i32
    %add3A_61 = arith.constant 512 : i32
    %add3A_62 = arith.addi %multiple_of3A_60, %add3A_61 : i32
    %dma_start3A_63 = arith.constant 0 : i32
    %dma_start3A_64 = tpu.memref_slice %arg11[%add3A_62, %dma_start3A_63] : memref<1280x64xf32, #tpu.memory_space<vmem>> -> memref<128x64xf32, #tpu.memory_space<vmem>>
    %dma_start3A_65 = tpu.memref_slice %arg9[%add3A_58] : memref<10240xi32, #tpu.memory_space<vmem>> -> memref<128xi32, #tpu.memory_space<vmem>>
    %dma_start3A_66 = arith.constant 0 : i32
    %dma_start3A_67 = arith.constant 0 : i32
    %dma_start3A_68 = tpu.memref_slice %arg5[%dma_start3A_66, %dma_start3A_67] : memref<1000000x64xf32, #tpu.memory_space<hbm>> -> memref<1000000x64xf32, #tpu.memory_space<hbm>>
    tpu.enqueue_indirect_dma source(%dma_start3A_68 : memref<1000000x64xf32, #tpu.memory_space<hbm>>) target(%dma_start3A_64 : memref<128x64xf32, #tpu.memory_space<vmem>>) offsets(%dma_start3A_65 : memref<128xi32, #tpu.memory_space<vmem>>) semaphore(%arg17 : memref<!tpu.dma_semaphore, #tpu.memory_space<semaphore_mem>>)
    %multiple_of3A_69 = arith.constant 0 : i32
    %multiple_of3A_70 = tpu.assume_multiple %multiple_of3A_69, 8 : i32
    %multiple_of3A_71 = arith.constant 0 : i32
    %multiple_of3A_72 = tpu.assume_multiple %multiple_of3A_71, 8 : i32
    %dma_start3A_73 = arith.constant 0 : i32
    %dma_start3A_74 = tpu.memref_slice %arg12[%multiple_of3A_72, %dma_start3A_73] : memref<64x64xf32, #tpu.memory_space<vmem>> -> memref<32x64xf32, #tpu.memory_space<vmem>>
    %dma_start3A_75 = tpu.memref_slice %arg8[%multiple_of3A_70] : memref<512xi32, #tpu.memory_space<vmem>> -> memref<32xi32, #tpu.memory_space<vmem>>
    %dma_start3A_76 = arith.constant 0 : i32
    %dma_start3A_77 = arith.constant 0 : i32
    %dma_start3A_78 = tpu.memref_slice %arg5[%dma_start3A_76, %dma_start3A_77] : memref<1000000x64xf32, #tpu.memory_space<hbm>> -> memref<1000000x64xf32, #tpu.memory_space<hbm>>
    tpu.enqueue_indirect_dma source(%dma_start3A_78 : memref<1000000x64xf32, #tpu.memory_space<hbm>>) target(%dma_start3A_74 : memref<32x64xf32, #tpu.memory_space<vmem>>) offsets(%dma_start3A_75 : memref<32xi32, #tpu.memory_space<vmem>>) semaphore(%arg18 : memref<!tpu.dma_semaphore, #tpu.memory_space<semaphore_mem>>)
    %mul3A_79 = arith.constant 512 : i32
    %mul3A_80 = arith.muli %add3A, %mul3A_79 : i32
    %add3A_81 = arith.constant 0 : i32
    %add3A_82 = arith.addi %mul3A_80, %add3A_81 : i32
    %mul3A_83 = arith.constant 64 : i32
    %mul3A_84 = arith.muli %add3A_82, %mul3A_83 : i32
    %multiple_of3A_85 = tpu.assume_multiple %mul3A_84, 8 : i32
    %multiple_of3A_86 = arith.constant 0 : i32
    %multiple_of3A_87 = tpu.assume_multiple %multiple_of3A_86, 8 : i32
    %dma_start3A_88 = tpu.memref_slice %arg10[%multiple_of3A_87] : memref<4096xf32, #tpu.memory_space<vmem>> -> memref<2048xf32, #tpu.memory_space<vmem>>
    %dma_start3A_89 = tpu.memref_slice %arg4[%multiple_of3A_85] : memref<1048576xf32, #tpu.memory_space<hbm>> -> memref<2048xf32, #tpu.memory_space<hbm>>
    %dma_start3A_90 = tpu.memref_slice %arg10[%multiple_of3A_87] : memref<4096xf32, #tpu.memory_space<vmem>> -> memref<2048xf32, #tpu.memory_space<vmem>>
    %dma_start3A_91 = tpu.memref_slice %arg4[%multiple_of3A_85] : memref<1048576xf32, #tpu.memory_space<hbm>> -> memref<2048xf32, #tpu.memory_space<hbm>>
    tpu.enqueue_dma source(%dma_start3A_91 : memref<2048xf32, #tpu.memory_space<hbm>>) target(%dma_start3A_90 : memref<2048xf32, #tpu.memory_space<vmem>>) target_semaphore(%arg18 : memref<!tpu.dma_semaphore, #tpu.memory_space<semaphore_mem>>)
    %scan3A = arith.constant 0 : i32
    %scan3A_92 = arith.constant 0 : i32
    %scan3A_93 = arith.constant 16 : i32
    %scan3A_94 = arith.addi %scan3A_92, %scan3A_93 : i32
    %scan3A_95 = arith.constant 1 : i32
    scf.for %scan3A_144 = %scan3A_92 to %scan3A_94 step %scan3A_95  : i32 {
      %rem3A = arith.constant 2 : i32
      %rem3A_145 = arith.remsi %scan3A_144, %rem3A : i32
      %mul3A_146 = arith.constant 640 : i32
      %mul3A_147 = arith.muli %rem3A_145, %mul3A_146 : i32
      %multiple_of3A_148 = tpu.assume_multiple %mul3A_147, 8 : i32
      %mul3A_149 = arith.constant 32 : i32
      %mul3A_150 = arith.muli %rem3A_145, %mul3A_149 : i32
      %multiple_of3A_151 = tpu.assume_multiple %mul3A_150, 8 : i32
      %mul3A_152 = arith.constant 32 : i32
      %mul3A_153 = arith.muli %rem3A_145, %mul3A_152 : i32
      %mul3A_154 = arith.constant 64 : i32
      %mul3A_155 = arith.muli %mul3A_153, %mul3A_154 : i32
      %multiple_of3A_156 = tpu.assume_multiple %mul3A_155, 8 : i32
      %mul3A_157 = arith.constant 32 : i32
      %mul3A_158 = arith.muli %rem3A_145, %mul3A_157 : i32
      %multiple_of3A_159 = tpu.assume_multiple %mul3A_158, 8 : i32
      %mul3A_160 = arith.constant 32 : i32
      %mul3A_161 = arith.muli %rem3A_145, %mul3A_160 : i32
      %mul3A_162 = arith.constant 20 : i32
      %mul3A_163 = arith.muli %mul3A_161, %mul3A_162 : i32
      %multiple_of3A_164 = tpu.assume_multiple %mul3A_163, 8 : i32
      %add3A_165 = arith.constant 1 : i32
      %add3A_166 = arith.addi %scan3A_144, %add3A_165 : i32
      %lt3A = arith.constant 16 : i32
      %lt3A_167 = arith.cmpi slt, %add3A_166, %lt3A : i32
      %convert_element_type3A = arith.extui %lt3A_167 : i1 to i32
      %cond3A = arith.constant 0 : i32
      %cond3A_168 = arith.cmpi ne, %convert_element_type3A, %cond3A : i32
      scf.if %cond3A_168 {
        %add3A_299 = arith.constant 1 : i32
        %add3A_300 = arith.addi %scan3A_144, %add3A_299 : i32
        %sub3A = arith.constant 1 : i32
        %sub3A_301 = arith.subi %sub3A, %rem3A_145 : i32
        %mul3A_302 = arith.constant 640 : i32
        %mul3A_303 = arith.muli %add3A_300, %mul3A_302 : i32
        %multiple_of3A_304 = tpu.assume_multiple %mul3A_303, 8 : i32
        %add3A_305 = arith.constant 0 : i32
        %add3A_306 = arith.addi %multiple_of3A_304, %add3A_305 : i32
        %mul3A_307 = arith.constant 640 : i32
        %mul3A_308 = arith.muli %sub3A_301, %mul3A_307 : i32
        %multiple_of3A_309 = tpu.assume_multiple %mul3A_308, 8 : i32
        %add3A_310 = arith.constant 0 : i32
        %add3A_311 = arith.addi %multiple_of3A_309, %add3A_310 : i32
        %dma_start3A_312 = arith.constant 0 : i32
        %dma_start3A_313 = tpu.memref_slice %arg11[%add3A_311, %dma_start3A_312] : memref<1280x64xf32, #tpu.memory_space<vmem>> -> memref<128x64xf32, #tpu.memory_space<vmem>>
        %dma_start3A_314 = tpu.memref_slice %arg9[%add3A_306] : memref<10240xi32, #tpu.memory_space<vmem>> -> memref<128xi32, #tpu.memory_space<vmem>>
        %dma_start3A_315 = arith.constant 0 : i32
        %dma_start3A_316 = arith.constant 0 : i32
        %dma_start3A_317 = tpu.memref_slice %arg5[%dma_start3A_315, %dma_start3A_316] : memref<1000000x64xf32, #tpu.memory_space<hbm>> -> memref<1000000x64xf32, #tpu.memory_space<hbm>>
        tpu.enqueue_indirect_dma source(%dma_start3A_317 : memref<1000000x64xf32, #tpu.memory_space<hbm>>) target(%dma_start3A_313 : memref<128x64xf32, #tpu.memory_space<vmem>>) offsets(%dma_start3A_314 : memref<128xi32, #tpu.memory_space<vmem>>) semaphore(%arg17 : memref<!tpu.dma_semaphore, #tpu.memory_space<semaphore_mem>>)
        %add3A_318 = arith.constant 128 : i32
        %add3A_319 = arith.addi %multiple_of3A_304, %add3A_318 : i32
        %mul3A_320 = arith.constant 640 : i32
        %mul3A_321 = arith.muli %sub3A_301, %mul3A_320 : i32
        %multiple_of3A_322 = tpu.assume_multiple %mul3A_321, 8 : i32
        %add3A_323 = arith.constant 128 : i32
        %add3A_324 = arith.addi %multiple_of3A_322, %add3A_323 : i32
        %dma_start3A_325 = arith.constant 0 : i32
        %dma_start3A_326 = tpu.memref_slice %arg11[%add3A_324, %dma_start3A_325] : memref<1280x64xf32, #tpu.memory_space<vmem>> -> memref<128x64xf32, #tpu.memory_space<vmem>>
        %dma_start3A_327 = tpu.memref_slice %arg9[%add3A_319] : memref<10240xi32, #tpu.memory_space<vmem>> -> memref<128xi32, #tpu.memory_space<vmem>>
        %dma_start3A_328 = arith.constant 0 : i32
        %dma_start3A_329 = arith.constant 0 : i32
        %dma_start3A_330 = tpu.memref_slice %arg5[%dma_start3A_328, %dma_start3A_329] : memref<1000000x64xf32, #tpu.memory_space<hbm>> -> memref<1000000x64xf32, #tpu.memory_space<hbm>>
        tpu.enqueue_indirect_dma source(%dma_start3A_330 : memref<1000000x64xf32, #tpu.memory_space<hbm>>) target(%dma_start3A_326 : memref<128x64xf32, #tpu.memory_space<vmem>>) offsets(%dma_start3A_327 : memref<128xi32, #tpu.memory_space<vmem>>) semaphore(%arg17 : memref<!tpu.dma_semaphore, #tpu.memory_space<semaphore_mem>>)
        %add3A_331 = arith.constant 256 : i32
        %add3A_332 = arith.addi %multiple_of3A_304, %add3A_331 : i32
        %mul3A_333 = arith.constant 640 : i32
        %mul3A_334 = arith.muli %sub3A_301, %mul3A_333 : i32
        %multiple_of3A_335 = tpu.assume_multiple %mul3A_334, 8 : i32
        %add3A_336 = arith.constant 256 : i32
        %add3A_337 = arith.addi %multiple_of3A_335, %add3A_336 : i32
        %dma_start3A_338 = arith.constant 0 : i32
        %dma_start3A_339 = tpu.memref_slice %arg11[%add3A_337, %dma_start3A_338] : memref<1280x64xf32, #tpu.memory_space<vmem>> -> memref<128x64xf32, #tpu.memory_space<vmem>>
        %dma_start3A_340 = tpu.memref_slice %arg9[%add3A_332] : memref<10240xi32, #tpu.memory_space<vmem>> -> memref<128xi32, #tpu.memory_space<vmem>>
        %dma_start3A_341 = arith.constant 0 : i32
        %dma_start3A_342 = arith.constant 0 : i32
        %dma_start3A_343 = tpu.memref_slice %arg5[%dma_start3A_341, %dma_start3A_342] : memref<1000000x64xf32, #tpu.memory_space<hbm>> -> memref<1000000x64xf32, #tpu.memory_space<hbm>>
        tpu.enqueue_indirect_dma source(%dma_start3A_343 : memref<1000000x64xf32, #tpu.memory_space<hbm>>) target(%dma_start3A_339 : memref<128x64xf32, #tpu.memory_space<vmem>>) offsets(%dma_start3A_340 : memref<128xi32, #tpu.memory_space<vmem>>) semaphore(%arg17 : memref<!tpu.dma_semaphore, #tpu.memory_space<semaphore_mem>>)
        %add3A_344 = arith.constant 384 : i32
        %add3A_345 = arith.addi %multiple_of3A_304, %add3A_344 : i32
        %mul3A_346 = arith.constant 640 : i32
        %mul3A_347 = arith.muli %sub3A_301, %mul3A_346 : i32
        %multiple_of3A_348 = tpu.assume_multiple %mul3A_347, 8 : i32
        %add3A_349 = arith.constant 384 : i32
        %add3A_350 = arith.addi %multiple_of3A_348, %add3A_349 : i32
        %dma_start3A_351 = arith.constant 0 : i32
        %dma_start3A_352 = tpu.memref_slice %arg11[%add3A_350, %dma_start3A_351] : memref<1280x64xf32, #tpu.memory_space<vmem>> -> memref<128x64xf32, #tpu.memory_space<vmem>>
        %dma_start3A_353 = tpu.memref_slice %arg9[%add3A_345] : memref<10240xi32, #tpu.memory_space<vmem>> -> memref<128xi32, #tpu.memory_space<vmem>>
        %dma_start3A_354 = arith.constant 0 : i32
        %dma_start3A_355 = arith.constant 0 : i32
        %dma_start3A_356 = tpu.memref_slice %arg5[%dma_start3A_354, %dma_start3A_355] : memref<1000000x64xf32, #tpu.memory_space<hbm>> -> memref<1000000x64xf32, #tpu.memory_space<hbm>>
        tpu.enqueue_indirect_dma source(%dma_start3A_356 : memref<1000000x64xf32, #tpu.memory_space<hbm>>) target(%dma_start3A_352 : memref<128x64xf32, #tpu.memory_space<vmem>>) offsets(%dma_start3A_353 : memref<128xi32, #tpu.memory_space<vmem>>) semaphore(%arg17 : memref<!tpu.dma_semaphore, #tpu.memory_space<semaphore_mem>>)
        %add3A_357 = arith.constant 512 : i32
        %add3A_358 = arith.addi %multiple_of3A_304, %add3A_357 : i32
        %mul3A_359 = arith.constant 640 : i32
        %mul3A_360 = arith.muli %sub3A_301, %mul3A_359 : i32
        %multiple_of3A_361 = tpu.assume_multiple %mul3A_360, 8 : i32
        %add3A_362 = arith.constant 512 : i32
        %add3A_363 = arith.addi %multiple_of3A_361, %add3A_362 : i32
        %dma_start3A_364 = arith.constant 0 : i32
        %dma_start3A_365 = tpu.memref_slice %arg11[%add3A_363, %dma_start3A_364] : memref<1280x64xf32, #tpu.memory_space<vmem>> -> memref<128x64xf32, #tpu.memory_space<vmem>>
        %dma_start3A_366 = tpu.memref_slice %arg9[%add3A_358] : memref<10240xi32, #tpu.memory_space<vmem>> -> memref<128xi32, #tpu.memory_space<vmem>>
        %dma_start3A_367 = arith.constant 0 : i32
        %dma_start3A_368 = arith.constant 0 : i32
        %dma_start3A_369 = tpu.memref_slice %arg5[%dma_start3A_367, %dma_start3A_368] : memref<1000000x64xf32, #tpu.memory_space<hbm>> -> memref<1000000x64xf32, #tpu.memory_space<hbm>>
        tpu.enqueue_indirect_dma source(%dma_start3A_369 : memref<1000000x64xf32, #tpu.memory_space<hbm>>) target(%dma_start3A_365 : memref<128x64xf32, #tpu.memory_space<vmem>>) offsets(%dma_start3A_366 : memref<128xi32, #tpu.memory_space<vmem>>) semaphore(%arg17 : memref<!tpu.dma_semaphore, #tpu.memory_space<semaphore_mem>>)
        %add3A_370 = arith.constant 1 : i32
        %add3A_371 = arith.addi %scan3A_144, %add3A_370 : i32
        %sub3A_372 = arith.constant 1 : i32
        %sub3A_373 = arith.subi %sub3A_372, %rem3A_145 : i32
        %mul3A_374 = arith.constant 32 : i32
        %mul3A_375 = arith.muli %add3A_371, %mul3A_374 : i32
        %multiple_of3A_376 = tpu.assume_multiple %mul3A_375, 8 : i32
        %mul3A_377 = arith.constant 32 : i32
        %mul3A_378 = arith.muli %sub3A_373, %mul3A_377 : i32
        %multiple_of3A_379 = tpu.assume_multiple %mul3A_378, 8 : i32
        %dma_start3A_380 = arith.constant 0 : i32
        %dma_start3A_381 = tpu.memref_slice %arg12[%multiple_of3A_379, %dma_start3A_380] : memref<64x64xf32, #tpu.memory_space<vmem>> -> memref<32x64xf32, #tpu.memory_space<vmem>>
        %dma_start3A_382 = tpu.memref_slice %arg8[%multiple_of3A_376] : memref<512xi32, #tpu.memory_space<vmem>> -> memref<32xi32, #tpu.memory_space<vmem>>
        %dma_start3A_383 = arith.constant 0 : i32
        %dma_start3A_384 = arith.constant 0 : i32
        %dma_start3A_385 = tpu.memref_slice %arg5[%dma_start3A_383, %dma_start3A_384] : memref<1000000x64xf32, #tpu.memory_space<hbm>> -> memref<1000000x64xf32, #tpu.memory_space<hbm>>
        tpu.enqueue_indirect_dma source(%dma_start3A_385 : memref<1000000x64xf32, #tpu.memory_space<hbm>>) target(%dma_start3A_381 : memref<32x64xf32, #tpu.memory_space<vmem>>) offsets(%dma_start3A_382 : memref<32xi32, #tpu.memory_space<vmem>>) semaphore(%arg18 : memref<!tpu.dma_semaphore, #tpu.memory_space<semaphore_mem>>)
        %mul3A_386 = arith.constant 512 : i32
        %mul3A_387 = arith.muli %add3A, %mul3A_386 : i32
        %mul3A_388 = arith.constant 32 : i32
        %mul3A_389 = arith.muli %add3A_371, %mul3A_388 : i32
        %add3A_390 = arith.addi %mul3A_387, %mul3A_389 : i32
        %mul3A_391 = arith.constant 64 : i32
        %mul3A_392 = arith.muli %add3A_390, %mul3A_391 : i32
        %multiple_of3A_393 = tpu.assume_multiple %mul3A_392, 8 : i32
        %mul3A_394 = arith.constant 32 : i32
        %mul3A_395 = arith.muli %sub3A_373, %mul3A_394 : i32
        %mul3A_396 = arith.constant 64 : i32
        %mul3A_397 = arith.muli %mul3A_395, %mul3A_396 : i32
        %multiple_of3A_398 = tpu.assume_multiple %mul3A_397, 8 : i32
        %dma_start3A_399 = tpu.memref_slice %arg10[%multiple_of3A_398] : memref<4096xf32, #tpu.memory_space<vmem>> -> memref<2048xf32, #tpu.memory_space<vmem>>
        %dma_start3A_400 = tpu.memref_slice %arg4[%multiple_of3A_393] : memref<1048576xf32, #tpu.memory_space<hbm>> -> memref<2048xf32, #tpu.memory_space<hbm>>
        %dma_start3A_401 = tpu.memref_slice %arg10[%multiple_of3A_398] : memref<4096xf32, #tpu.memory_space<vmem>> -> memref<2048xf32, #tpu.memory_space<vmem>>
        %dma_start3A_402 = tpu.memref_slice %arg4[%multiple_of3A_393] : memref<1048576xf32, #tpu.memory_space<hbm>> -> memref<2048xf32, #tpu.memory_space<hbm>>
        tpu.enqueue_dma source(%dma_start3A_402 : memref<2048xf32, #tpu.memory_space<hbm>>) target(%dma_start3A_401 : memref<2048xf32, #tpu.memory_space<vmem>>) target_semaphore(%arg18 : memref<!tpu.dma_semaphore, #tpu.memory_space<semaphore_mem>>)
      } else {
      }
      %ge3A = arith.constant 2 : i32
      %ge3A_169 = arith.cmpi sge, %scan3A_144, %ge3A : i32
      %convert_element_type3A_170 = arith.extui %ge3A_169 : i1 to i32
      %cond3A_171 = arith.constant 0 : i32
      %cond3A_172 = arith.cmpi ne, %convert_element_type3A_170, %cond3A_171 : i32
      scf.if %cond3A_172 {
        %sub3A = arith.constant 2 : i32
        %sub3A_299 = arith.subi %scan3A_144, %sub3A : i32
        %mul3A_300 = arith.constant 32 : i32
        %mul3A_301 = arith.muli %rem3A_145, %mul3A_300 : i32
        %multiple_of3A_302 = tpu.assume_multiple %mul3A_301, 8 : i32
        %mul3A_303 = arith.constant 512 : i32
        %mul3A_304 = arith.muli %add3A, %mul3A_303 : i32
        %mul3A_305 = arith.constant 32 : i32
        %mul3A_306 = arith.muli %sub3A_299, %mul3A_305 : i32
        %add3A_307 = arith.addi %mul3A_304, %mul3A_306 : i32
        %multiple_of3A_308 = tpu.assume_multiple %add3A_307, 8 : i32
        %dma_wait3A_309 = tpu.memref_slice %arg15[%multiple_of3A_302] : memref<64xf32, #tpu.memory_space<vmem>> -> memref<32xf32, #tpu.memory_space<vmem>>
        %dma_wait3A_310 = tpu.memref_slice %arg6[%multiple_of3A_308] : memref<16384xf32, #tpu.memory_space<hbm>> -> memref<32xf32, #tpu.memory_space<hbm>>
        %dma_wait3A_311 = tpu.memref_slice %arg6[%multiple_of3A_308] : memref<16384xf32, #tpu.memory_space<hbm>> -> memref<32xf32, #tpu.memory_space<hbm>>
        %dma_wait3A_312 = tpu.memref_slice %arg15[%multiple_of3A_302] : memref<64xf32, #tpu.memory_space<vmem>> -> memref<32xf32, #tpu.memory_space<vmem>>
        tpu.wait_dma2 semaphore(%arg19 : memref<!tpu.dma_semaphore, #tpu.memory_space<semaphore_mem>>) src(%dma_wait3A_312 : memref<32xf32, #tpu.memory_space<vmem>>) dst(%dma_wait3A_311 : memref<32xf32, #tpu.memory_space<hbm>>)
        %mul3A_313 = arith.constant 32 : i32
        %mul3A_314 = arith.muli %rem3A_145, %mul3A_313 : i32
        %mul3A_315 = arith.constant 20 : i32
        %mul3A_316 = arith.muli %mul3A_314, %mul3A_315 : i32
        %multiple_of3A_317 = tpu.assume_multiple %mul3A_316, 8 : i32
        %mul3A_318 = arith.constant 512 : i32
        %mul3A_319 = arith.muli %add3A, %mul3A_318 : i32
        %mul3A_320 = arith.constant 32 : i32
        %mul3A_321 = arith.muli %sub3A_299, %mul3A_320 : i32
        %add3A_322 = arith.addi %mul3A_319, %mul3A_321 : i32
        %mul3A_323 = arith.constant 20 : i32
        %mul3A_324 = arith.muli %add3A_322, %mul3A_323 : i32
        %multiple_of3A_325 = tpu.assume_multiple %mul3A_324, 8 : i32
        %dma_wait3A_326 = tpu.memref_slice %arg16[%multiple_of3A_317] : memref<1280xf32, #tpu.memory_space<vmem>> -> memref<640xf32, #tpu.memory_space<vmem>>
        %dma_wait3A_327 = tpu.memref_slice %arg7[%multiple_of3A_325] : memref<327680xf32, #tpu.memory_space<hbm>> -> memref<640xf32, #tpu.memory_space<hbm>>
        %dma_wait3A_328 = tpu.memref_slice %arg7[%multiple_of3A_325] : memref<327680xf32, #tpu.memory_space<hbm>> -> memref<640xf32, #tpu.memory_space<hbm>>
        %dma_wait3A_329 = tpu.memref_slice %arg16[%multiple_of3A_317] : memref<1280xf32, #tpu.memory_space<vmem>> -> memref<640xf32, #tpu.memory_space<vmem>>
        tpu.wait_dma2 semaphore(%arg19 : memref<!tpu.dma_semaphore, #tpu.memory_space<semaphore_mem>>) src(%dma_wait3A_329 : memref<640xf32, #tpu.memory_space<vmem>>) dst(%dma_wait3A_328 : memref<640xf32, #tpu.memory_space<hbm>>)
      } else {
      }
      %mul3A_173 = arith.constant 640 : i32
      %mul3A_174 = arith.muli %scan3A_144, %mul3A_173 : i32
      %multiple_of3A_175 = tpu.assume_multiple %mul3A_174, 8 : i32
      %add3A_176 = arith.constant 0 : i32
      %add3A_177 = arith.addi %multiple_of3A_175, %add3A_176 : i32
      %add3A_178 = arith.constant 0 : i32
      %add3A_179 = arith.addi %multiple_of3A_148, %add3A_178 : i32
      %dma_wait3A_180 = arith.constant 0 : i32
      %dma_wait3A_181 = tpu.memref_slice %arg11[%add3A_179, %dma_wait3A_180] : memref<1280x64xf32, #tpu.memory_space<vmem>> -> memref<128x64xf32, #tpu.memory_space<vmem>>
      %dma_wait3A_182 = tpu.memref_slice %arg9[%add3A_177] : memref<10240xi32, #tpu.memory_space<vmem>> -> memref<128xi32, #tpu.memory_space<vmem>>
      %dma_wait3A_183 = arith.constant 0 : i32
      %dma_wait3A_184 = arith.constant 0 : i32
      %dma_wait3A_185 = tpu.memref_slice %arg5[%dma_wait3A_183, %dma_wait3A_184] : memref<1000000x64xf32, #tpu.memory_space<hbm>> -> memref<1000000x64xf32, #tpu.memory_space<hbm>>
      tpu.wait_indirect_dma semaphore(%arg17 : memref<!tpu.dma_semaphore, #tpu.memory_space<semaphore_mem>>) src(%dma_wait3A_185 : memref<1000000x64xf32, #tpu.memory_space<hbm>>) dst(%dma_wait3A_181 : memref<128x64xf32, #tpu.memory_space<vmem>>)
      %mul3A_186 = arith.constant 640 : i32
      %mul3A_187 = arith.muli %scan3A_144, %mul3A_186 : i32
      %multiple_of3A_188 = tpu.assume_multiple %mul3A_187, 8 : i32
      %add3A_189 = arith.constant 128 : i32
      %add3A_190 = arith.addi %multiple_of3A_188, %add3A_189 : i32
      %add3A_191 = arith.constant 128 : i32
      %add3A_192 = arith.addi %multiple_of3A_148, %add3A_191 : i32
      %dma_wait3A_193 = arith.constant 0 : i32
      %dma_wait3A_194 = tpu.memref_slice %arg11[%add3A_192, %dma_wait3A_193] : memref<1280x64xf32, #tpu.memory_space<vmem>> -> memref<128x64xf32, #tpu.memory_space<vmem>>
      %dma_wait3A_195 = tpu.memref_slice %arg9[%add3A_190] : memref<10240xi32, #tpu.memory_space<vmem>> -> memref<128xi32, #tpu.memory_space<vmem>>
      %dma_wait3A_196 = arith.constant 0 : i32
      %dma_wait3A_197 = arith.constant 0 : i32
      %dma_wait3A_198 = tpu.memref_slice %arg5[%dma_wait3A_196, %dma_wait3A_197] : memref<1000000x64xf32, #tpu.memory_space<hbm>> -> memref<1000000x64xf32, #tpu.memory_space<hbm>>
      tpu.wait_indirect_dma semaphore(%arg17 : memref<!tpu.dma_semaphore, #tpu.memory_space<semaphore_mem>>) src(%dma_wait3A_198 : memref<1000000x64xf32, #tpu.memory_space<hbm>>) dst(%dma_wait3A_194 : memref<128x64xf32, #tpu.memory_space<vmem>>)
      %mul3A_199 = arith.constant 640 : i32
      %mul3A_200 = arith.muli %scan3A_144, %mul3A_199 : i32
      %multiple_of3A_201 = tpu.assume_multiple %mul3A_200, 8 : i32
      %add3A_202 = arith.constant 256 : i32
      %add3A_203 = arith.addi %multiple_of3A_201, %add3A_202 : i32
      %add3A_204 = arith.constant 256 : i32
      %add3A_205 = arith.addi %multiple_of3A_148, %add3A_204 : i32
      %dma_wait3A_206 = arith.constant 0 : i32
      %dma_wait3A_207 = tpu.memref_slice %arg11[%add3A_205, %dma_wait3A_206] : memref<1280x64xf32, #tpu.memory_space<vmem>> -> memref<128x64xf32, #tpu.memory_space<vmem>>
      %dma_wait3A_208 = tpu.memref_slice %arg9[%add3A_203] : memref<10240xi32, #tpu.memory_space<vmem>> -> memref<128xi32, #tpu.memory_space<vmem>>
      %dma_wait3A_209 = arith.constant 0 : i32
      %dma_wait3A_210 = arith.constant 0 : i32
      %dma_wait3A_211 = tpu.memref_slice %arg5[%dma_wait3A_209, %dma_wait3A_210] : memref<1000000x64xf32, #tpu.memory_space<hbm>> -> memref<1000000x64xf32, #tpu.memory_space<hbm>>
      tpu.wait_indirect_dma semaphore(%arg17 : memref<!tpu.dma_semaphore, #tpu.memory_space<semaphore_mem>>) src(%dma_wait3A_211 : memref<1000000x64xf32, #tpu.memory_space<hbm>>) dst(%dma_wait3A_207 : memref<128x64xf32, #tpu.memory_space<vmem>>)
      %mul3A_212 = arith.constant 640 : i32
      %mul3A_213 = arith.muli %scan3A_144, %mul3A_212 : i32
      %multiple_of3A_214 = tpu.assume_multiple %mul3A_213, 8 : i32
      %add3A_215 = arith.constant 384 : i32
      %add3A_216 = arith.addi %multiple_of3A_214, %add3A_215 : i32
      %add3A_217 = arith.constant 384 : i32
      %add3A_218 = arith.addi %multiple_of3A_148, %add3A_217 : i32
      %dma_wait3A_219 = arith.constant 0 : i32
      %dma_wait3A_220 = tpu.memref_slice %arg11[%add3A_218, %dma_wait3A_219] : memref<1280x64xf32, #tpu.memory_space<vmem>> -> memref<128x64xf32, #tpu.memory_space<vmem>>
      %dma_wait3A_221 = tpu.memref_slice %arg9[%add3A_216] : memref<10240xi32, #tpu.memory_space<vmem>> -> memref<128xi32, #tpu.memory_space<vmem>>
      %dma_wait3A_222 = arith.constant 0 : i32
      %dma_wait3A_223 = arith.constant 0 : i32
      %dma_wait3A_224 = tpu.memref_slice %arg5[%dma_wait3A_222, %dma_wait3A_223] : memref<1000000x64xf32, #tpu.memory_space<hbm>> -> memref<1000000x64xf32, #tpu.memory_space<hbm>>
      tpu.wait_indirect_dma semaphore(%arg17 : memref<!tpu.dma_semaphore, #tpu.memory_space<semaphore_mem>>) src(%dma_wait3A_224 : memref<1000000x64xf32, #tpu.memory_space<hbm>>) dst(%dma_wait3A_220 : memref<128x64xf32, #tpu.memory_space<vmem>>)
      %mul3A_225 = arith.constant 640 : i32
      %mul3A_226 = arith.muli %scan3A_144, %mul3A_225 : i32
      %multiple_of3A_227 = tpu.assume_multiple %mul3A_226, 8 : i32
      %add3A_228 = arith.constant 512 : i32
      %add3A_229 = arith.addi %multiple_of3A_227, %add3A_228 : i32
      %add3A_230 = arith.constant 512 : i32
      %add3A_231 = arith.addi %multiple_of3A_148, %add3A_230 : i32
      %dma_wait3A_232 = arith.constant 0 : i32
      %dma_wait3A_233 = tpu.memref_slice %arg11[%add3A_231, %dma_wait3A_232] : memref<1280x64xf32, #tpu.memory_space<vmem>> -> memref<128x64xf32, #tpu.memory_space<vmem>>
      %dma_wait3A_234 = tpu.memref_slice %arg9[%add3A_229] : memref<10240xi32, #tpu.memory_space<vmem>> -> memref<128xi32, #tpu.memory_space<vmem>>
      %dma_wait3A_235 = arith.constant 0 : i32
      %dma_wait3A_236 = arith.constant 0 : i32
      %dma_wait3A_237 = tpu.memref_slice %arg5[%dma_wait3A_235, %dma_wait3A_236] : memref<1000000x64xf32, #tpu.memory_space<hbm>> -> memref<1000000x64xf32, #tpu.memory_space<hbm>>
      tpu.wait_indirect_dma semaphore(%arg17 : memref<!tpu.dma_semaphore, #tpu.memory_space<semaphore_mem>>) src(%dma_wait3A_237 : memref<1000000x64xf32, #tpu.memory_space<hbm>>) dst(%dma_wait3A_233 : memref<128x64xf32, #tpu.memory_space<vmem>>)
      %mul3A_238 = arith.constant 32 : i32
      %mul3A_239 = arith.muli %scan3A_144, %mul3A_238 : i32
      %multiple_of3A_240 = tpu.assume_multiple %mul3A_239, 8 : i32
      %dma_wait3A_241 = arith.constant 0 : i32
      %dma_wait3A_242 = tpu.memref_slice %arg12[%multiple_of3A_151, %dma_wait3A_241] : memref<64x64xf32, #tpu.memory_space<vmem>> -> memref<32x64xf32, #tpu.memory_space<vmem>>
      %dma_wait3A_243 = tpu.memref_slice %arg8[%multiple_of3A_240] : memref<512xi32, #tpu.memory_space<vmem>> -> memref<32xi32, #tpu.memory_space<vmem>>
      %dma_wait3A_244 = arith.constant 0 : i32
      %dma_wait3A_245 = arith.constant 0 : i32
      %dma_wait3A_246 = tpu.memref_slice %arg5[%dma_wait3A_244, %dma_wait3A_245] : memref<1000000x64xf32, #tpu.memory_space<hbm>> -> memref<1000000x64xf32, #tpu.memory_space<hbm>>
      tpu.wait_indirect_dma semaphore(%arg18 : memref<!tpu.dma_semaphore, #tpu.memory_space<semaphore_mem>>) src(%dma_wait3A_246 : memref<1000000x64xf32, #tpu.memory_space<hbm>>) dst(%dma_wait3A_242 : memref<32x64xf32, #tpu.memory_space<vmem>>)
      %mul3A_247 = arith.constant 512 : i32
      %mul3A_248 = arith.muli %add3A, %mul3A_247 : i32
      %mul3A_249 = arith.constant 32 : i32
      %mul3A_250 = arith.muli %scan3A_144, %mul3A_249 : i32
      %add3A_251 = arith.addi %mul3A_248, %mul3A_250 : i32
      %mul3A_252 = arith.constant 64 : i32
      %mul3A_253 = arith.muli %add3A_251, %mul3A_252 : i32
      %multiple_of3A_254 = tpu.assume_multiple %mul3A_253, 8 : i32
      %dma_wait3A_255 = tpu.memref_slice %arg10[%multiple_of3A_156] : memref<4096xf32, #tpu.memory_space<vmem>> -> memref<2048xf32, #tpu.memory_space<vmem>>
      %dma_wait3A_256 = tpu.memref_slice %arg4[%multiple_of3A_254] : memref<1048576xf32, #tpu.memory_space<hbm>> -> memref<2048xf32, #tpu.memory_space<hbm>>
      %dma_wait3A_257 = tpu.memref_slice %arg10[%multiple_of3A_156] : memref<4096xf32, #tpu.memory_space<vmem>> -> memref<2048xf32, #tpu.memory_space<vmem>>
      %dma_wait3A_258 = tpu.memref_slice %arg4[%multiple_of3A_254] : memref<1048576xf32, #tpu.memory_space<hbm>> -> memref<2048xf32, #tpu.memory_space<hbm>>
      tpu.wait_dma2 semaphore(%arg18 : memref<!tpu.dma_semaphore, #tpu.memory_space<semaphore_mem>>) src(%dma_wait3A_258 : memref<2048xf32, #tpu.memory_space<hbm>>) dst(%dma_wait3A_257 : memref<2048xf32, #tpu.memory_space<vmem>>)
      %scan3A_259 = arith.constant 0 : i32
      %scan3A_260 = arith.constant 0 : i32
      %scan3A_261 = arith.constant 32 : i32
      %scan3A_262 = arith.addi %scan3A_260, %scan3A_261 : i32
      %scan3A_263 = arith.constant 2 : i32
      scf.for %scan3A_299 = %scan3A_260 to %scan3A_262 step %scan3A_263  : i32 {
        %mul3A_300 = arith.constant 64 : i32
        %mul3A_301 = arith.muli %scan3A_299, %mul3A_300 : i32
        %add3A_302 = arith.constant 0 : i32
        %add3A_303 = arith.addi %mul3A_301, %add3A_302 : i32
        %multiple_of3A_304 = tpu.assume_multiple %add3A_303, 8 : i32
        %add3A_305 = arith.addi %multiple_of3A_156, %multiple_of3A_304 : i32
        %get3A = arith.index_cast %add3A_305 : i32 to index
        %get3A_306 = tpu.vector_load %arg10[%get3A] {strides = array<i32>} : memref<4096xf32, #tpu.memory_space<vmem>>, vector<16xf32>,
        %mul3A_307 = arith.constant 64 : i32
        %mul3A_308 = arith.muli %scan3A_299, %mul3A_307 : i32
        %add3A_309 = arith.constant 16 : i32
        %add3A_310 = arith.addi %mul3A_308, %add3A_309 : i32
        %multiple_of3A_311 = tpu.assume_multiple %add3A_310, 8 : i32
        %add3A_312 = arith.addi %multiple_of3A_156, %multiple_of3A_311 : i32
        %get3A_313 = arith.index_cast %add3A_312 : i32 to index
        %get3A_314 = tpu.vector_load %arg10[%get3A_313] {strides = array<i32>} : memref<4096xf32, #tpu.memory_space<vmem>>, vector<16xf32>,
        %mul3A_315 = arith.constant 64 : i32
        %mul3A_316 = arith.muli %scan3A_299, %mul3A_315 : i32
        %add3A_317 = arith.constant 32 : i32
        %add3A_318 = arith.addi %mul3A_316, %add3A_317 : i32
        %multiple_of3A_319 = tpu.assume_multiple %add3A_318, 8 : i32
        %add3A_320 = arith.addi %multiple_of3A_156, %multiple_of3A_319 : i32
        %get3A_321 = arith.index_cast %add3A_320 : i32 to index
        %get3A_322 = tpu.vector_load %arg10[%get3A_321] {strides = array<i32>} : memref<4096xf32, #tpu.memory_space<vmem>>, vector<16xf32>,
        %mul3A_323 = arith.constant 64 : i32
        %mul3A_324 = arith.muli %scan3A_299, %mul3A_323 : i32
        %add3A_325 = arith.constant 48 : i32
        %add3A_326 = arith.addi %mul3A_324, %add3A_325 : i32
        %multiple_of3A_327 = tpu.assume_multiple %add3A_326, 8 : i32
        %add3A_328 = arith.addi %multiple_of3A_156, %multiple_of3A_327 : i32
        %get3A_329 = arith.index_cast %add3A_328 : i32 to index
        %get3A_330 = tpu.vector_load %arg10[%get3A_329] {strides = array<i32>} : memref<4096xf32, #tpu.memory_space<vmem>>, vector<16xf32>,
        %add3A_331 = arith.addi %multiple_of3A_151, %scan3A_299 : i32
        %get3A_332 = arith.index_cast %add3A_331 : i32 to index
        %get3A_333 = arith.constant 0 : index
        %get3A_334 = tpu.vector_load %arg12[%get3A_332, %get3A_333] {strides = array<i32>} : memref<64x64xf32, #tpu.memory_space<vmem>>, vector<16xf32>,
        %add3A_335 = arith.addi %multiple_of3A_151, %scan3A_299 : i32
        %get3A_336 = arith.index_cast %add3A_335 : i32 to index
        %get3A_337 = arith.constant 16 : index
        %get3A_338 = tpu.vector_load %arg12[%get3A_336, %get3A_337] {strides = array<i32>} : memref<64x64xf32, #tpu.memory_space<vmem>>, vector<16xf32>,
        %add3A_339 = arith.addi %multiple_of3A_151, %scan3A_299 : i32
        %get3A_340 = arith.index_cast %add3A_339 : i32 to index
        %get3A_341 = arith.constant 32 : index
        %get3A_342 = tpu.vector_load %arg12[%get3A_340, %get3A_341] {strides = array<i32>} : memref<64x64xf32, #tpu.memory_space<vmem>>, vector<16xf32>,
        %add3A_343 = arith.addi %multiple_of3A_151, %scan3A_299 : i32
        %get3A_344 = arith.index_cast %add3A_343 : i32 to index
        %get3A_345 = arith.constant 48 : index
        %get3A_346 = tpu.vector_load %arg12[%get3A_344, %get3A_345] {strides = array<i32>} : memref<64x64xf32, #tpu.memory_space<vmem>>, vector<16xf32>,
        %mul3A_347 = arith.mulf %get3A_306, %get3A_334 : vector<16xf32>
        %mul3A_348 = arith.mulf %get3A_314, %get3A_338 : vector<16xf32>
        %add3A_349 = arith.addf %mul3A_347, %mul3A_348 : vector<16xf32>
        %mul3A_350 = arith.mulf %get3A_322, %get3A_342 : vector<16xf32>
        %add3A_351 = arith.addf %add3A_349, %mul3A_350 : vector<16xf32>
        %mul3A_352 = arith.mulf %get3A_330, %get3A_346 : vector<16xf32>
        %add3A_353 = arith.addf %add3A_351, %mul3A_352 : vector<16xf32>
        %mul3A_354 = arith.constant 16 : i32
        %mul3A_355 = arith.muli %scan3A_299, %mul3A_354 : i32
        %multiple_of3A_356 = tpu.assume_multiple %mul3A_355, 8 : i32
        %swap3A = arith.index_cast %multiple_of3A_356 : i32 to index
        %swap3A_357 = tpu.vector_load %arg13[%swap3A] {strides = array<i32>} : memref<512xf32, #tpu.memory_space<vmem>>, vector<16xf32>,
        tpu.vector_store %arg13[%swap3A], %add3A_353 {strides = array<i32>} : memref<512xf32, #tpu.memory_space<vmem>>, vector<16xf32>,
        %mul3A_358 = arith.constant 20 : i32
        %mul3A_359 = arith.muli %scan3A_299, %mul3A_358 : i32
        %add3A_360 = arith.addi %multiple_of3A_148, %mul3A_359 : i32
        %add3A_361 = arith.constant 0 : i32
        %add3A_362 = arith.addi %add3A_360, %add3A_361 : i32
        %get3A_363 = arith.index_cast %add3A_362 : i32 to index
        %get3A_364 = arith.constant 0 : index
        %get3A_365 = tpu.vector_load %arg11[%get3A_363, %get3A_364] {strides = array<i32>} : memref<1280x64xf32, #tpu.memory_space<vmem>>, vector<16xf32>,
        %add3A_366 = arith.constant 0 : i32
        %add3A_367 = arith.addi %add3A_360, %add3A_366 : i32
        %get3A_368 = arith.index_cast %add3A_367 : i32 to index
        %get3A_369 = arith.constant 16 : index
        %get3A_370 = tpu.vector_load %arg11[%get3A_368, %get3A_369] {strides = array<i32>} : memref<1280x64xf32, #tpu.memory_space<vmem>>, vector<16xf32>,
        %add3A_371 = arith.constant 0 : i32
        %add3A_372 = arith.addi %add3A_360, %add3A_371 : i32
        %get3A_373 = arith.index_cast %add3A_372 : i32 to index
        %get3A_374 = arith.constant 32 : index
        %get3A_375 = tpu.vector_load %arg11[%get3A_373, %get3A_374] {strides = array<i32>} : memref<1280x64xf32, #tpu.memory_space<vmem>>, vector<16xf32>,
        %add3A_376 = arith.constant 0 : i32
        %add3A_377 = arith.addi %add3A_360, %add3A_376 : i32
        %get3A_378 = arith.index_cast %add3A_377 : i32 to index
        %get3A_379 = arith.constant 48 : index
        %get3A_380 = tpu.vector_load %arg11[%get3A_378, %get3A_379] {strides = array<i32>} : memref<1280x64xf32, #tpu.memory_space<vmem>>, vector<16xf32>,
        %mul3A_381 = arith.mulf %get3A_306, %get3A_365 : vector<16xf32>
        %mul3A_382 = arith.mulf %get3A_314, %get3A_370 : vector<16xf32>
        %add3A_383 = arith.addf %mul3A_381, %mul3A_382 : vector<16xf32>
        %mul3A_384 = arith.mulf %get3A_322, %get3A_375 : vector<16xf32>
        %add3A_385 = arith.addf %add3A_383, %mul3A_384 : vector<16xf32>
        %mul3A_386 = arith.mulf %get3A_330, %get3A_380 : vector<16xf32>
        %add3A_387 = arith.addf %add3A_385, %mul3A_386 : vector<16xf32>
        %mul3A_388 = arith.constant 20 : i32
        %mul3A_389 = arith.muli %scan3A_299, %mul3A_388 : i32
        %add3A_390 = arith.constant 0 : i32
        %add3A_391 = arith.addi %mul3A_389, %add3A_390 : i32
        %mul3A_392 = arith.constant 16 : i32
        %mul3A_393 = arith.muli %add3A_391, %mul3A_392 : i32
        %multiple_of3A_394 = tpu.assume_multiple %mul3A_393, 8 : i32
        %swap3A_395 = arith.index_cast %multiple_of3A_394 : i32 to index
        %swap3A_396 = tpu.vector_load %arg14[%swap3A_395] {strides = array<i32>} : memref<10240xf32, #tpu.memory_space<vmem>>, vector<16xf32>,
        tpu.vector_store %arg14[%swap3A_395], %add3A_387 {strides = array<i32>} : memref<10240xf32, #tpu.memory_space<vmem>>, vector<16xf32>,
        %add3A_397 = arith.constant 1 : i32
        %add3A_398 = arith.addi %add3A_360, %add3A_397 : i32
        %get3A_399 = arith.index_cast %add3A_398 : i32 to index
        %get3A_400 = arith.constant 0 : index
        %get3A_401 = tpu.vector_load %arg11[%get3A_399, %get3A_400] {strides = array<i32>} : memref<1280x64xf32, #tpu.memory_space<vmem>>, vector<16xf32>,
        %add3A_402 = arith.constant 1 : i32
        %add3A_403 = arith.addi %add3A_360, %add3A_402 : i32
        %get3A_404 = arith.index_cast %add3A_403 : i32 to index
        %get3A_405 = arith.constant 16 : index
        %get3A_406 = tpu.vector_load %arg11[%get3A_404, %get3A_405] {strides = array<i32>} : memref<1280x64xf32, #tpu.memory_space<vmem>>, vector<16xf32>,
        %add3A_407 = arith.constant 1 : i32
        %add3A_408 = arith.addi %add3A_360, %add3A_407 : i32
        %get3A_409 = arith.index_cast %add3A_408 : i32 to index
        %get3A_410 = arith.constant 32 : index
        %get3A_411 = tpu.vector_load %arg11[%get3A_409, %get3A_410] {strides = array<i32>} : memref<1280x64xf32, #tpu.memory_space<vmem>>, vector<16xf32>,
        %add3A_412 = arith.constant 1 : i32
        %add3A_413 = arith.addi %add3A_360, %add3A_412 : i32
        %get3A_414 = arith.index_cast %add3A_413 : i32 to index
        %get3A_415 = arith.constant 48 : index
        %get3A_416 = tpu.vector_load %arg11[%get3A_414, %get3A_415] {strides = array<i32>} : memref<1280x64xf32, #tpu.memory_space<vmem>>, vector<16xf32>,
        %mul3A_417 = arith.mulf %get3A_306, %get3A_401 : vector<16xf32>
        %mul3A_418 = arith.mulf %get3A_314, %get3A_406 : vector<16xf32>
        %add3A_419 = arith.addf %mul3A_417, %mul3A_418 : vector<16xf32>
        %mul3A_420 = arith.mulf %get3A_322, %get3A_411 : vector<16xf32>
        %add3A_421 = arith.addf %add3A_419, %mul3A_420 : vector<16xf32>
        %mul3A_422 = arith.mulf %get3A_330, %get3A_416 : vector<16xf32>
        %add3A_423 = arith.addf %add3A_421, %mul3A_422 : vector<16xf32>
        %mul3A_424 = arith.constant 20 : i32
        %mul3A_425 = arith.muli %scan3A_299, %mul3A_424 : i32
        %add3A_426 = arith.constant 1 : i32
        %add3A_427 = arith.addi %mul3A_425, %add3A_426 : i32
        %mul3A_428 = arith.constant 16 : i32
        %mul3A_429 = arith.muli %add3A_427, %mul3A_428 : i32
        %multiple_of3A_430 = tpu.assume_multiple %mul3A_429, 8 : i32
        %swap3A_431 = arith.index_cast %multiple_of3A_430 : i32 to index
        %swap3A_432 = tpu.vector_load %arg14[%swap3A_431] {strides = array<i32>} : memref<10240xf32, #tpu.memory_space<vmem>>, vector<16xf32>,
        tpu.vector_store %arg14[%swap3A_431], %add3A_423 {strides = array<i32>} : memref<10240xf32, #tpu.memory_space<vmem>>, vector<16xf32>,
        %add3A_433 = arith.constant 2 : i32
        %add3A_434 = arith.addi %add3A_360, %add3A_433 : i32
        %get3A_435 = arith.index_cast %add3A_434 : i32 to index
        %get3A_436 = arith.constant 0 : index
        %get3A_437 = tpu.vector_load %arg11[%get3A_435, %get3A_436] {strides = array<i32>} : memref<1280x64xf32, #tpu.memory_space<vmem>>, vector<16xf32>,
        %add3A_438 = arith.constant 2 : i32
        %add3A_439 = arith.addi %add3A_360, %add3A_438 : i32
        %get3A_440 = arith.index_cast %add3A_439 : i32 to index
        %get3A_441 = arith.constant 16 : index
        %get3A_442 = tpu.vector_load %arg11[%get3A_440, %get3A_441] {strides = array<i32>} : memref<1280x64xf32, #tpu.memory_space<vmem>>, vector<16xf32>,
        %add3A_443 = arith.constant 2 : i32
        %add3A_444 = arith.addi %add3A_360, %add3A_443 : i32
        %get3A_445 = arith.index_cast %add3A_444 : i32 to index
        %get3A_446 = arith.constant 32 : index
        %get3A_447 = tpu.vector_load %arg11[%get3A_445, %get3A_446] {strides = array<i32>} : memref<1280x64xf32, #tpu.memory_space<vmem>>, vector<16xf32>,
        %add3A_448 = arith.constant 2 : i32
        %add3A_449 = arith.addi %add3A_360, %add3A_448 : i32
        %get3A_450 = arith.index_cast %add3A_449 : i32 to index
        %get3A_451 = arith.constant 48 : index
        %get3A_452 = tpu.vector_load %arg11[%get3A_450, %get3A_451] {strides = array<i32>} : memref<1280x64xf32, #tpu.memory_space<vmem>>, vector<16xf32>,
        %mul3A_453 = arith.mulf %get3A_306, %get3A_437 : vector<16xf32>
        %mul3A_454 = arith.mulf %get3A_314, %get3A_442 : vector<16xf32>
        %add3A_455 = arith.addf %mul3A_453, %mul3A_454 : vector<16xf32>
        %mul3A_456 = arith.mulf %get3A_322, %get3A_447 : vector<16xf32>
        %add3A_457 = arith.addf %add3A_455, %mul3A_456 : vector<16xf32>
        %mul3A_458 = arith.mulf %get3A_330, %get3A_452 : vector<16xf32>
        %add3A_459 = arith.addf %add3A_457, %mul3A_458 : vector<16xf32>
        %mul3A_460 = arith.constant 20 : i32
        %mul3A_461 = arith.muli %scan3A_299, %mul3A_460 : i32
        %add3A_462 = arith.constant 2 : i32
        %add3A_463 = arith.addi %mul3A_461, %add3A_462 : i32
        %mul3A_464 = arith.constant 16 : i32
        %mul3A_465 = arith.muli %add3A_463, %mul3A_464 : i32
        %multiple_of3A_466 = tpu.assume_multiple %mul3A_465, 8 : i32
        %swap3A_467 = arith.index_cast %multiple_of3A_466 : i32 to index
        %swap3A_468 = tpu.vector_load %arg14[%swap3A_467] {strides = array<i32>} : memref<10240xf32, #tpu.memory_space<vmem>>, vector<16xf32>,
        tpu.vector_store %arg14[%swap3A_467], %add3A_459 {strides = array<i32>} : memref<10240xf32, #tpu.memory_space<vmem>>, vector<16xf32>,
        %add3A_469 = arith.constant 3 : i32
        %add3A_470 = arith.addi %add3A_360, %add3A_469 : i32
        %get3A_471 = arith.index_cast %add3A_470 : i32 to index
        %get3A_472 = arith.constant 0 : index
        %get3A_473 = tpu.vector_load %arg11[%get3A_471, %get3A_472] {strides = array<i32>} : memref<1280x64xf32, #tpu.memory_space<vmem>>, vector<16xf32>,
        %add3A_474 = arith.constant 3 : i32
        %add3A_475 = arith.addi %add3A_360, %add3A_474 : i32
        %get3A_476 = arith.index_cast %add3A_475 : i32 to index
        %get3A_477 = arith.constant 16 : index
        %get3A_478 = tpu.vector_load %arg11[%get3A_476, %get3A_477] {strides = array<i32>} : memref<1280x64xf32, #tpu.memory_space<vmem>>, vector<16xf32>,
        %add3A_479 = arith.constant 3 : i32
        %add3A_480 = arith.addi %add3A_360, %add3A_479 : i32
        %get3A_481 = arith.index_cast %add3A_480 : i32 to index
        %get3A_482 = arith.constant 32 : index
        %get3A_483 = tpu.vector_load %arg11[%get3A_481, %get3A_482] {strides = array<i32>} : memref<1280x64xf32, #tpu.memory_space<vmem>>, vector<16xf32>,
        %add3A_484 = arith.constant 3 : i32
        %add3A_485 = arith.addi %add3A_360, %add3A_484 : i32
        %get3A_486 = arith.index_cast %add3A_485 : i32 to index
        %get3A_487 = arith.constant 48 : index
        %get3A_488 = tpu.vector_load %arg11[%get3A_486, %get3A_487] {strides = array<i32>} : memref<1280x64xf32, #tpu.memory_space<vmem>>, vector<16xf32>,
        %mul3A_489 = arith.mulf %get3A_306, %get3A_473 : vector<16xf32>
        %mul3A_490 = arith.mulf %get3A_314, %get3A_478 : vector<16xf32>
        %add3A_491 = arith.addf %mul3A_489, %mul3A_490 : vector<16xf32>
        %mul3A_492 = arith.mulf %get3A_322, %get3A_483 : vector<16xf32>
        %add3A_493 = arith.addf %add3A_491, %mul3A_492 : vector<16xf32>
        %mul3A_494 = arith.mulf %get3A_330, %get3A_488 : vector<16xf32>
        %add3A_495 = arith.addf %add3A_493, %mul3A_494 : vector<16xf32>
        %mul3A_496 = arith.constant 20 : i32
        %mul3A_497 = arith.muli %scan3A_299, %mul3A_496 : i32
        %add3A_498 = arith.constant 3 : i32
        %add3A_499 = arith.addi %mul3A_497, %add3A_498 : i32
        %mul3A_500 = arith.constant 16 : i32
        %mul3A_501 = arith.muli %add3A_499, %mul3A_500 : i32
        %multiple_of3A_502 = tpu.assume_multiple %mul3A_501, 8 : i32
        %swap3A_503 = arith.index_cast %multiple_of3A_502 : i32 to index
        %swap3A_504 = tpu.vector_load %arg14[%swap3A_503] {strides = array<i32>} : memref<10240xf32, #tpu.memory_space<vmem>>, vector<16xf32>,
        tpu.vector_store %arg14[%swap3A_503], %add3A_495 {strides = array<i32>} : memref<10240xf32, #tpu.memory_space<vmem>>, vector<16xf32>,
        %add3A_505 = arith.constant 4 : i32
        %add3A_506 = arith.addi %add3A_360, %add3A_505 : i32
        %get3A_507 = arith.index_cast %add3A_506 : i32 to index
        %get3A_508 = arith.constant 0 : index
        %get3A_509 = tpu.vector_load %arg11[%get3A_507, %get3A_508] {strides = array<i32>} : memref<1280x64xf32, #tpu.memory_space<vmem>>, vector<16xf32>,
        %add3A_510 = arith.constant 4 : i32
        %add3A_511 = arith.addi %add3A_360, %add3A_510 : i32
        %get3A_512 = arith.index_cast %add3A_511 : i32 to index
        %get3A_513 = arith.constant 16 : index
        %get3A_514 = tpu.vector_load %arg11[%get3A_512, %get3A_513] {strides = array<i32>} : memref<1280x64xf32, #tpu.memory_space<vmem>>, vector<16xf32>,
        %add3A_515 = arith.constant 4 : i32
        %add3A_516 = arith.addi %add3A_360, %add3A_515 : i32
        %get3A_517 = arith.index_cast %add3A_516 : i32 to index
        %get3A_518 = arith.constant 32 : index
        %get3A_519 = tpu.vector_load %arg11[%get3A_517, %get3A_518] {strides = array<i32>} : memref<1280x64xf32, #tpu.memory_space<vmem>>, vector<16xf32>,
        %add3A_520 = arith.constant 4 : i32
        %add3A_521 = arith.addi %add3A_360, %add3A_520 : i32
        %get3A_522 = arith.index_cast %add3A_521 : i32 to index
        %get3A_523 = arith.constant 48 : index
        %get3A_524 = tpu.vector_load %arg11[%get3A_522, %get3A_523] {strides = array<i32>} : memref<1280x64xf32, #tpu.memory_space<vmem>>, vector<16xf32>,
        %mul3A_525 = arith.mulf %get3A_306, %get3A_509 : vector<16xf32>
        %mul3A_526 = arith.mulf %get3A_314, %get3A_514 : vector<16xf32>
        %add3A_527 = arith.addf %mul3A_525, %mul3A_526 : vector<16xf32>
        %mul3A_528 = arith.mulf %get3A_322, %get3A_519 : vector<16xf32>
        %add3A_529 = arith.addf %add3A_527, %mul3A_528 : vector<16xf32>
        %mul3A_530 = arith.mulf %get3A_330, %get3A_524 : vector<16xf32>
        %add3A_531 = arith.addf %add3A_529, %mul3A_530 : vector<16xf32>
        %mul3A_532 = arith.constant 20 : i32
        %mul3A_533 = arith.muli %scan3A_299, %mul3A_532 : i32
        %add3A_534 = arith.constant 4 : i32
        %add3A_535 = arith.addi %mul3A_533, %add3A_534 : i32
        %mul3A_536 = arith.constant 16 : i32
        %mul3A_537 = arith.muli %add3A_535, %mul3A_536 : i32
        %multiple_of3A_538 = tpu.assume_multiple %mul3A_537, 8 : i32
        %swap3A_539 = arith.index_cast %multiple_of3A_538 : i32 to index
        %swap3A_540 = tpu.vector_load %arg14[%swap3A_539] {strides = array<i32>} : memref<10240xf32, #tpu.memory_space<vmem>>, vector<16xf32>,
        tpu.vector_store %arg14[%swap3A_539], %add3A_531 {strides = array<i32>} : memref<10240xf32, #tpu.memory_space<vmem>>, vector<16xf32>,
        %add3A_541 = arith.constant 5 : i32
        %add3A_542 = arith.addi %add3A_360, %add3A_541 : i32
        %get3A_543 = arith.index_cast %add3A_542 : i32 to index
        %get3A_544 = arith.constant 0 : index
        %get3A_545 = tpu.vector_load %arg11[%get3A_543, %get3A_544] {strides = array<i32>} : memref<1280x64xf32, #tpu.memory_space<vmem>>, vector<16xf32>,
        %add3A_546 = arith.constant 5 : i32
        %add3A_547 = arith.addi %add3A_360, %add3A_546 : i32
        %get3A_548 = arith.index_cast %add3A_547 : i32 to index
        %get3A_549 = arith.constant 16 : index
        %get3A_550 = tpu.vector_load %arg11[%get3A_548, %get3A_549] {strides = array<i32>} : memref<1280x64xf32, #tpu.memory_space<vmem>>, vector<16xf32>,
        %add3A_551 = arith.constant 5 : i32
        %add3A_552 = arith.addi %add3A_360, %add3A_551 : i32
        %get3A_553 = arith.index_cast %add3A_552 : i32 to index
        %get3A_554 = arith.constant 32 : index
        %get3A_555 = tpu.vector_load %arg11[%get3A_553, %get3A_554] {strides = array<i32>} : memref<1280x64xf32, #tpu.memory_space<vmem>>, vector<16xf32>,
        %add3A_556 = arith.constant 5 : i32
        %add3A_557 = arith.addi %add3A_360, %add3A_556 : i32
        %get3A_558 = arith.index_cast %add3A_557 : i32 to index
        %get3A_559 = arith.constant 48 : index
        %get3A_560 = tpu.vector_load %arg11[%get3A_558, %get3A_559] {strides = array<i32>} : memref<1280x64xf32, #tpu.memory_space<vmem>>, vector<16xf32>,
        %mul3A_561 = arith.mulf %get3A_306, %get3A_545 : vector<16xf32>
        %mul3A_562 = arith.mulf %get3A_314, %get3A_550 : vector<16xf32>
        %add3A_563 = arith.addf %mul3A_561, %mul3A_562 : vector<16xf32>
        %mul3A_564 = arith.mulf %get3A_322, %get3A_555 : vector<16xf32>
        %add3A_565 = arith.addf %add3A_563, %mul3A_564 : vector<16xf32>
        %mul3A_566 = arith.mulf %get3A_330, %get3A_560 : vector<16xf32>
        %add3A_567 = arith.addf %add3A_565, %mul3A_566 : vector<16xf32>
        %mul3A_568 = arith.constant 20 : i32
        %mul3A_569 = arith.muli %scan3A_299, %mul3A_568 : i32
        %add3A_570 = arith.constant 5 : i32
        %add3A_571 = arith.addi %mul3A_569, %add3A_570 : i32
        %mul3A_572 = arith.constant 16 : i32
        %mul3A_573 = arith.muli %add3A_571, %mul3A_572 : i32
        %multiple_of3A_574 = tpu.assume_multiple %mul3A_573, 8 : i32
        %swap3A_575 = arith.index_cast %multiple_of3A_574 : i32 to index
        %swap3A_576 = tpu.vector_load %arg14[%swap3A_575] {strides = array<i32>} : memref<10240xf32, #tpu.memory_space<vmem>>, vector<16xf32>,
        tpu.vector_store %arg14[%swap3A_575], %add3A_567 {strides = array<i32>} : memref<10240xf32, #tpu.memory_space<vmem>>, vector<16xf32>,
        %add3A_577 = arith.constant 6 : i32
        %add3A_578 = arith.addi %add3A_360, %add3A_577 : i32
        %get3A_579 = arith.index_cast %add3A_578 : i32 to index
        %get3A_580 = arith.constant 0 : index
        %get3A_581 = tpu.vector_load %arg11[%get3A_579, %get3A_580] {strides = array<i32>} : memref<1280x64xf32, #tpu.memory_space<vmem>>, vector<16xf32>,
        %add3A_582 = arith.constant 6 : i32
        %add3A_583 = arith.addi %add3A_360, %add3A_582 : i32
        %get3A_584 = arith.index_cast %add3A_583 : i32 to index
        %get3A_585 = arith.constant 16 : index
        %get3A_586 = tpu.vector_load %arg11[%get3A_584, %get3A_585] {strides = array<i32>} : memref<1280x64xf32, #tpu.memory_space<vmem>>, vector<16xf32>,
        %add3A_587 = arith.constant 6 : i32
        %add3A_588 = arith.addi %add3A_360, %add3A_587 : i32
        %get3A_589 = arith.index_cast %add3A_588 : i32 to index
        %get3A_590 = arith.constant 32 : index
        %get3A_591 = tpu.vector_load %arg11[%get3A_589, %get3A_590] {strides = array<i32>} : memref<1280x64xf32, #tpu.memory_space<vmem>>, vector<16xf32>,
        %add3A_592 = arith.constant 6 : i32
        %add3A_593 = arith.addi %add3A_360, %add3A_592 : i32
        %get3A_594 = arith.index_cast %add3A_593 : i32 to index
        %get3A_595 = arith.constant 48 : index
        %get3A_596 = tpu.vector_load %arg11[%get3A_594, %get3A_595] {strides = array<i32>} : memref<1280x64xf32, #tpu.memory_space<vmem>>, vector<16xf32>,
        %mul3A_597 = arith.mulf %get3A_306, %get3A_581 : vector<16xf32>
        %mul3A_598 = arith.mulf %get3A_314, %get3A_586 : vector<16xf32>
        %add3A_599 = arith.addf %mul3A_597, %mul3A_598 : vector<16xf32>
        %mul3A_600 = arith.mulf %get3A_322, %get3A_591 : vector<16xf32>
        %add3A_601 = arith.addf %add3A_599, %mul3A_600 : vector<16xf32>
        %mul3A_602 = arith.mulf %get3A_330, %get3A_596 : vector<16xf32>
        %add3A_603 = arith.addf %add3A_601, %mul3A_602 : vector<16xf32>
        %mul3A_604 = arith.constant 20 : i32
        %mul3A_605 = arith.muli %scan3A_299, %mul3A_604 : i32
        %add3A_606 = arith.constant 6 : i32
        %add3A_607 = arith.addi %mul3A_605, %add3A_606 : i32
        %mul3A_608 = arith.constant 16 : i32
        %mul3A_609 = arith.muli %add3A_607, %mul3A_608 : i32
        %multiple_of3A_610 = tpu.assume_multiple %mul3A_609, 8 : i32
        %swap3A_611 = arith.index_cast %multiple_of3A_610 : i32 to index
        %swap3A_612 = tpu.vector_load %arg14[%swap3A_611] {strides = array<i32>} : memref<10240xf32, #tpu.memory_space<vmem>>, vector<16xf32>,
        tpu.vector_store %arg14[%swap3A_611], %add3A_603 {strides = array<i32>} : memref<10240xf32, #tpu.memory_space<vmem>>, vector<16xf32>,
        %add3A_613 = arith.constant 7 : i32
        %add3A_614 = arith.addi %add3A_360, %add3A_613 : i32
        %get3A_615 = arith.index_cast %add3A_614 : i32 to index
        %get3A_616 = arith.constant 0 : index
        %get3A_617 = tpu.vector_load %arg11[%get3A_615, %get3A_616] {strides = array<i32>} : memref<1280x64xf32, #tpu.memory_space<vmem>>, vector<16xf32>,
        %add3A_618 = arith.constant 7 : i32
        %add3A_619 = arith.addi %add3A_360, %add3A_618 : i32
        %get3A_620 = arith.index_cast %add3A_619 : i32 to index
        %get3A_621 = arith.constant 16 : index
        %get3A_622 = tpu.vector_load %arg11[%get3A_620, %get3A_621] {strides = array<i32>} : memref<1280x64xf32, #tpu.memory_space<vmem>>, vector<16xf32>,
        %add3A_623 = arith.constant 7 : i32
        %add3A_624 = arith.addi %add3A_360, %add3A_623 : i32
        %get3A_625 = arith.index_cast %add3A_624 : i32 to index
        %get3A_626 = arith.constant 32 : index
        %get3A_627 = tpu.vector_load %arg11[%get3A_625, %get3A_626] {strides = array<i32>} : memref<1280x64xf32, #tpu.memory_space<vmem>>, vector<16xf32>,
        %add3A_628 = arith.constant 7 : i32
        %add3A_629 = arith.addi %add3A_360, %add3A_628 : i32
        %get3A_630 = arith.index_cast %add3A_629 : i32 to index
        %get3A_631 = arith.constant 48 : index
        %get3A_632 = tpu.vector_load %arg11[%get3A_630, %get3A_631] {strides = array<i32>} : memref<1280x64xf32, #tpu.memory_space<vmem>>, vector<16xf32>,
        %mul3A_633 = arith.mulf %get3A_306, %get3A_617 : vector<16xf32>
        %mul3A_634 = arith.mulf %get3A_314, %get3A_622 : vector<16xf32>
        %add3A_635 = arith.addf %mul3A_633, %mul3A_634 : vector<16xf32>
        %mul3A_636 = arith.mulf %get3A_322, %get3A_627 : vector<16xf32>
        %add3A_637 = arith.addf %add3A_635, %mul3A_636 : vector<16xf32>
        %mul3A_638 = arith.mulf %get3A_330, %get3A_632 : vector<16xf32>
        %add3A_639 = arith.addf %add3A_637, %mul3A_638 : vector<16xf32>
        %mul3A_640 = arith.constant 20 : i32
        %mul3A_641 = arith.muli %scan3A_299, %mul3A_640 : i32
        %add3A_642 = arith.constant 7 : i32
        %add3A_643 = arith.addi %mul3A_641, %add3A_642 : i32
        %mul3A_644 = arith.constant 16 : i32
        %mul3A_645 = arith.muli %add3A_643, %mul3A_644 : i32
        %multiple_of3A_646 = tpu.assume_multiple %mul3A_645, 8 : i32
        %swap3A_647 = arith.index_cast %multiple_of3A_646 : i32 to index
        %swap3A_648 = tpu.vector_load %arg14[%swap3A_647] {strides = array<i32>} : memref<10240xf32, #tpu.memory_space<vmem>>, vector<16xf32>,
        tpu.vector_store %arg14[%swap3A_647], %add3A_639 {strides = array<i32>} : memref<10240xf32, #tpu.memory_space<vmem>>, vector<16xf32>,
        %add3A_649 = arith.constant 8 : i32
        %add3A_650 = arith.addi %add3A_360, %add3A_649 : i32
        %get3A_651 = arith.index_cast %add3A_650 : i32 to index
        %get3A_652 = arith.constant 0 : index
        %get3A_653 = tpu.vector_load %arg11[%get3A_651, %get3A_652] {strides = array<i32>} : memref<1280x64xf32, #tpu.memory_space<vmem>>, vector<16xf32>,
        %add3A_654 = arith.constant 8 : i32
        %add3A_655 = arith.addi %add3A_360, %add3A_654 : i32
        %get3A_656 = arith.index_cast %add3A_655 : i32 to index
        %get3A_657 = arith.constant 16 : index
        %get3A_658 = tpu.vector_load %arg11[%get3A_656, %get3A_657] {strides = array<i32>} : memref<1280x64xf32, #tpu.memory_space<vmem>>, vector<16xf32>,
        %add3A_659 = arith.constant 8 : i32
        %add3A_660 = arith.addi %add3A_360, %add3A_659 : i32
        %get3A_661 = arith.index_cast %add3A_660 : i32 to index
        %get3A_662 = arith.constant 32 : index
        %get3A_663 = tpu.vector_load %arg11[%get3A_661, %get3A_662] {strides = array<i32>} : memref<1280x64xf32, #tpu.memory_space<vmem>>, vector<16xf32>,
        %add3A_664 = arith.constant 8 : i32
        %add3A_665 = arith.addi %add3A_360, %add3A_664 : i32
        %get3A_666 = arith.index_cast %add3A_665 : i32 to index
        %get3A_667 = arith.constant 48 : index
        %get3A_668 = tpu.vector_load %arg11[%get3A_666, %get3A_667] {strides = array<i32>} : memref<1280x64xf32, #tpu.memory_space<vmem>>, vector<16xf32>,
        %mul3A_669 = arith.mulf %get3A_306, %get3A_653 : vector<16xf32>
        %mul3A_670 = arith.mulf %get3A_314, %get3A_658 : vector<16xf32>
        %add3A_671 = arith.addf %mul3A_669, %mul3A_670 : vector<16xf32>
        %mul3A_672 = arith.mulf %get3A_322, %get3A_663 : vector<16xf32>
        %add3A_673 = arith.addf %add3A_671, %mul3A_672 : vector<16xf32>
        %mul3A_674 = arith.mulf %get3A_330, %get3A_668 : vector<16xf32>
        %add3A_675 = arith.addf %add3A_673, %mul3A_674 : vector<16xf32>
        %mul3A_676 = arith.constant 20 : i32
        %mul3A_677 = arith.muli %scan3A_299, %mul3A_676 : i32
        %add3A_678 = arith.constant 8 : i32
        %add3A_679 = arith.addi %mul3A_677, %add3A_678 : i32
        %mul3A_680 = arith.constant 16 : i32
        %mul3A_681 = arith.muli %add3A_679, %mul3A_680 : i32
        %multiple_of3A_682 = tpu.assume_multiple %mul3A_681, 8 : i32
        %swap3A_683 = arith.index_cast %multiple_of3A_682 : i32 to index
        %swap3A_684 = tpu.vector_load %arg14[%swap3A_683] {strides = array<i32>} : memref<10240xf32, #tpu.memory_space<vmem>>, vector<16xf32>,
        tpu.vector_store %arg14[%swap3A_683], %add3A_675 {strides = array<i32>} : memref<10240xf32, #tpu.memory_space<vmem>>, vector<16xf32>,
        %add3A_685 = arith.constant 9 : i32
        %add3A_686 = arith.addi %add3A_360, %add3A_685 : i32
        %get3A_687 = arith.index_cast %add3A_686 : i32 to index
        %get3A_688 = arith.constant 0 : index
        %get3A_689 = tpu.vector_load %arg11[%get3A_687, %get3A_688] {strides = array<i32>} : memref<1280x64xf32, #tpu.memory_space<vmem>>, vector<16xf32>,
        %add3A_690 = arith.constant 9 : i32
        %add3A_691 = arith.addi %add3A_360, %add3A_690 : i32
        %get3A_692 = arith.index_cast %add3A_691 : i32 to index
        %get3A_693 = arith.constant 16 : index
        %get3A_694 = tpu.vector_load %arg11[%get3A_692, %get3A_693] {strides = array<i32>} : memref<1280x64xf32, #tpu.memory_space<vmem>>, vector<16xf32>,
        %add3A_695 = arith.constant 9 : i32
        %add3A_696 = arith.addi %add3A_360, %add3A_695 : i32
        %get3A_697 = arith.index_cast %add3A_696 : i32 to index
        %get3A_698 = arith.constant 32 : index
        %get3A_699 = tpu.vector_load %arg11[%get3A_697, %get3A_698] {strides = array<i32>} : memref<1280x64xf32, #tpu.memory_space<vmem>>, vector<16xf32>,
        %add3A_700 = arith.constant 9 : i32
        %add3A_701 = arith.addi %add3A_360, %add3A_700 : i32
        %get3A_702 = arith.index_cast %add3A_701 : i32 to index
        %get3A_703 = arith.constant 48 : index
        %get3A_704 = tpu.vector_load %arg11[%get3A_702, %get3A_703] {strides = array<i32>} : memref<1280x64xf32, #tpu.memory_space<vmem>>, vector<16xf32>,
        %mul3A_705 = arith.mulf %get3A_306, %get3A_689 : vector<16xf32>
        %mul3A_706 = arith.mulf %get3A_314, %get3A_694 : vector<16xf32>
        %add3A_707 = arith.addf %mul3A_705, %mul3A_706 : vector<16xf32>
        %mul3A_708 = arith.mulf %get3A_322, %get3A_699 : vector<16xf32>
        %add3A_709 = arith.addf %add3A_707, %mul3A_708 : vector<16xf32>
        %mul3A_710 = arith.mulf %get3A_330, %get3A_704 : vector<16xf32>
        %add3A_711 = arith.addf %add3A_709, %mul3A_710 : vector<16xf32>
        %mul3A_712 = arith.constant 20 : i32
        %mul3A_713 = arith.muli %scan3A_299, %mul3A_712 : i32
        %add3A_714 = arith.constant 9 : i32
        %add3A_715 = arith.addi %mul3A_713, %add3A_714 : i32
        %mul3A_716 = arith.constant 16 : i32
        %mul3A_717 = arith.muli %add3A_715, %mul3A_716 : i32
        %multiple_of3A_718 = tpu.assume_multiple %mul3A_717, 8 : i32
        %swap3A_719 = arith.index_cast %multiple_of3A_718 : i32 to index
        %swap3A_720 = tpu.vector_load %arg14[%swap3A_719] {strides = array<i32>} : memref<10240xf32, #tpu.memory_space<vmem>>, vector<16xf32>,
        tpu.vector_store %arg14[%swap3A_719], %add3A_711 {strides = array<i32>} : memref<10240xf32, #tpu.memory_space<vmem>>, vector<16xf32>,
        %add3A_721 = arith.constant 10 : i32
        %add3A_722 = arith.addi %add3A_360, %add3A_721 : i32
        %get3A_723 = arith.index_cast %add3A_722 : i32 to index
        %get3A_724 = arith.constant 0 : index
        %get3A_725 = tpu.vector_load %arg11[%get3A_723, %get3A_724] {strides = array<i32>} : memref<1280x64xf32, #tpu.memory_space<vmem>>, vector<16xf32>,
        %add3A_726 = arith.constant 10 : i32
        %add3A_727 = arith.addi %add3A_360, %add3A_726 : i32
        %get3A_728 = arith.index_cast %add3A_727 : i32 to index
        %get3A_729 = arith.constant 16 : index
        %get3A_730 = tpu.vector_load %arg11[%get3A_728, %get3A_729] {strides = array<i32>} : memref<1280x64xf32, #tpu.memory_space<vmem>>, vector<16xf32>,
        %add3A_731 = arith.constant 10 : i32
        %add3A_732 = arith.addi %add3A_360, %add3A_731 : i32
        %get3A_733 = arith.index_cast %add3A_732 : i32 to index
        %get3A_734 = arith.constant 32 : index
        %get3A_735 = tpu.vector_load %arg11[%get3A_733, %get3A_734] {strides = array<i32>} : memref<1280x64xf32, #tpu.memory_space<vmem>>, vector<16xf32>,
        %add3A_736 = arith.constant 10 : i32
        %add3A_737 = arith.addi %add3A_360, %add3A_736 : i32
        %get3A_738 = arith.index_cast %add3A_737 : i32 to index
        %get3A_739 = arith.constant 48 : index
        %get3A_740 = tpu.vector_load %arg11[%get3A_738, %get3A_739] {strides = array<i32>} : memref<1280x64xf32, #tpu.memory_space<vmem>>, vector<16xf32>,
        %mul3A_741 = arith.mulf %get3A_306, %get3A_725 : vector<16xf32>
        %mul3A_742 = arith.mulf %get3A_314, %get3A_730 : vector<16xf32>
        %add3A_743 = arith.addf %mul3A_741, %mul3A_742 : vector<16xf32>
        %mul3A_744 = arith.mulf %get3A_322, %get3A_735 : vector<16xf32>
        %add3A_745 = arith.addf %add3A_743, %mul3A_744 : vector<16xf32>
        %mul3A_746 = arith.mulf %get3A_330, %get3A_740 : vector<16xf32>
        %add3A_747 = arith.addf %add3A_745, %mul3A_746 : vector<16xf32>
        %mul3A_748 = arith.constant 20 : i32
        %mul3A_749 = arith.muli %scan3A_299, %mul3A_748 : i32
        %add3A_750 = arith.constant 10 : i32
        %add3A_751 = arith.addi %mul3A_749, %add3A_750 : i32
        %mul3A_752 = arith.constant 16 : i32
        %mul3A_753 = arith.muli %add3A_751, %mul3A_752 : i32
        %multiple_of3A_754 = tpu.assume_multiple %mul3A_753, 8 : i32
        %swap3A_755 = arith.index_cast %multiple_of3A_754 : i32 to index
        %swap3A_756 = tpu.vector_load %arg14[%swap3A_755] {strides = array<i32>} : memref<10240xf32, #tpu.memory_space<vmem>>, vector<16xf32>,
        tpu.vector_store %arg14[%swap3A_755], %add3A_747 {strides = array<i32>} : memref<10240xf32, #tpu.memory_space<vmem>>, vector<16xf32>,
        %add3A_757 = arith.constant 11 : i32
        %add3A_758 = arith.addi %add3A_360, %add3A_757 : i32
        %get3A_759 = arith.index_cast %add3A_758 : i32 to index
        %get3A_760 = arith.constant 0 : index
        %get3A_761 = tpu.vector_load %arg11[%get3A_759, %get3A_760] {strides = array<i32>} : memref<1280x64xf32, #tpu.memory_space<vmem>>, vector<16xf32>,
        %add3A_762 = arith.constant 11 : i32
        %add3A_763 = arith.addi %add3A_360, %add3A_762 : i32
        %get3A_764 = arith.index_cast %add3A_763 : i32 to index
        %get3A_765 = arith.constant 16 : index
        %get3A_766 = tpu.vector_load %arg11[%get3A_764, %get3A_765] {strides = array<i32>} : memref<1280x64xf32, #tpu.memory_space<vmem>>, vector<16xf32>,
        %add3A_767 = arith.constant 11 : i32
        %add3A_768 = arith.addi %add3A_360, %add3A_767 : i32
        %get3A_769 = arith.index_cast %add3A_768 : i32 to index
        %get3A_770 = arith.constant 32 : index
        %get3A_771 = tpu.vector_load %arg11[%get3A_769, %get3A_770] {strides = array<i32>} : memref<1280x64xf32, #tpu.memory_space<vmem>>, vector<16xf32>,
        %add3A_772 = arith.constant 11 : i32
        %add3A_773 = arith.addi %add3A_360, %add3A_772 : i32
        %get3A_774 = arith.index_cast %add3A_773 : i32 to index
        %get3A_775 = arith.constant 48 : index
        %get3A_776 = tpu.vector_load %arg11[%get3A_774, %get3A_775] {strides = array<i32>} : memref<1280x64xf32, #tpu.memory_space<vmem>>, vector<16xf32>,
        %mul3A_777 = arith.mulf %get3A_306, %get3A_761 : vector<16xf32>
        %mul3A_778 = arith.mulf %get3A_314, %get3A_766 : vector<16xf32>
        %add3A_779 = arith.addf %mul3A_777, %mul3A_778 : vector<16xf32>
        %mul3A_780 = arith.mulf %get3A_322, %get3A_771 : vector<16xf32>
        %add3A_781 = arith.addf %add3A_779, %mul3A_780 : vector<16xf32>
        %mul3A_782 = arith.mulf %get3A_330, %get3A_776 : vector<16xf32>
        %add3A_783 = arith.addf %add3A_781, %mul3A_782 : vector<16xf32>
        %mul3A_784 = arith.constant 20 : i32
        %mul3A_785 = arith.muli %scan3A_299, %mul3A_784 : i32
        %add3A_786 = arith.constant 11 : i32
        %add3A_787 = arith.addi %mul3A_785, %add3A_786 : i32
        %mul3A_788 = arith.constant 16 : i32
        %mul3A_789 = arith.muli %add3A_787, %mul3A_788 : i32
        %multiple_of3A_790 = tpu.assume_multiple %mul3A_789, 8 : i32
        %swap3A_791 = arith.index_cast %multiple_of3A_790 : i32 to index
        %swap3A_792 = tpu.vector_load %arg14[%swap3A_791] {strides = array<i32>} : memref<10240xf32, #tpu.memory_space<vmem>>, vector<16xf32>,
        tpu.vector_store %arg14[%swap3A_791], %add3A_783 {strides = array<i32>} : memref<10240xf32, #tpu.memory_space<vmem>>, vector<16xf32>,
        %add3A_793 = arith.constant 12 : i32
        %add3A_794 = arith.addi %add3A_360, %add3A_793 : i32
        %get3A_795 = arith.index_cast %add3A_794 : i32 to index
        %get3A_796 = arith.constant 0 : index
        %get3A_797 = tpu.vector_load %arg11[%get3A_795, %get3A_796] {strides = array<i32>} : memref<1280x64xf32, #tpu.memory_space<vmem>>, vector<16xf32>,
        %add3A_798 = arith.constant 12 : i32
        %add3A_799 = arith.addi %add3A_360, %add3A_798 : i32
        %get3A_800 = arith.index_cast %add3A_799 : i32 to index
        %get3A_801 = arith.constant 16 : index
        %get3A_802 = tpu.vector_load %arg11[%get3A_800, %get3A_801] {strides = array<i32>} : memref<1280x64xf32, #tpu.memory_space<vmem>>, vector<16xf32>,
        %add3A_803 = arith.constant 12 : i32
        %add3A_804 = arith.addi %add3A_360, %add3A_803 : i32
        %get3A_805 = arith.index_cast %add3A_804 : i32 to index
        %get3A_806 = arith.constant 32 : index
        %get3A_807 = tpu.vector_load %arg11[%get3A_805, %get3A_806] {strides = array<i32>} : memref<1280x64xf32, #tpu.memory_space<vmem>>, vector<16xf32>,
        %add3A_808 = arith.constant 12 : i32
        %add3A_809 = arith.addi %add3A_360, %add3A_808 : i32
        %get3A_810 = arith.index_cast %add3A_809 : i32 to index
        %get3A_811 = arith.constant 48 : index
        %get3A_812 = tpu.vector_load %arg11[%get3A_810, %get3A_811] {strides = array<i32>} : memref<1280x64xf32, #tpu.memory_space<vmem>>, vector<16xf32>,
        %mul3A_813 = arith.mulf %get3A_306, %get3A_797 : vector<16xf32>
        %mul3A_814 = arith.mulf %get3A_314, %get3A_802 : vector<16xf32>
        %add3A_815 = arith.addf %mul3A_813, %mul3A_814 : vector<16xf32>
        %mul3A_816 = arith.mulf %get3A_322, %get3A_807 : vector<16xf32>
        %add3A_817 = arith.addf %add3A_815, %mul3A_816 : vector<16xf32>
        %mul3A_818 = arith.mulf %get3A_330, %get3A_812 : vector<16xf32>
        %add3A_819 = arith.addf %add3A_817, %mul3A_818 : vector<16xf32>
        %mul3A_820 = arith.constant 20 : i32
        %mul3A_821 = arith.muli %scan3A_299, %mul3A_820 : i32
        %add3A_822 = arith.constant 12 : i32
        %add3A_823 = arith.addi %mul3A_821, %add3A_822 : i32
        %mul3A_824 = arith.constant 16 : i32
        %mul3A_825 = arith.muli %add3A_823, %mul3A_824 : i32
        %multiple_of3A_826 = tpu.assume_multiple %mul3A_825, 8 : i32
        %swap3A_827 = arith.index_cast %multiple_of3A_826 : i32 to index
        %swap3A_828 = tpu.vector_load %arg14[%swap3A_827] {strides = array<i32>} : memref<10240xf32, #tpu.memory_space<vmem>>, vector<16xf32>,
        tpu.vector_store %arg14[%swap3A_827], %add3A_819 {strides = array<i32>} : memref<10240xf32, #tpu.memory_space<vmem>>, vector<16xf32>,
        %add3A_829 = arith.constant 13 : i32
        %add3A_830 = arith.addi %add3A_360, %add3A_829 : i32
        %get3A_831 = arith.index_cast %add3A_830 : i32 to index
        %get3A_832 = arith.constant 0 : index
        %get3A_833 = tpu.vector_load %arg11[%get3A_831, %get3A_832] {strides = array<i32>} : memref<1280x64xf32, #tpu.memory_space<vmem>>, vector<16xf32>,
        %add3A_834 = arith.constant 13 : i32
        %add3A_835 = arith.addi %add3A_360, %add3A_834 : i32
        %get3A_836 = arith.index_cast %add3A_835 : i32 to index
        %get3A_837 = arith.constant 16 : index
        %get3A_838 = tpu.vector_load %arg11[%get3A_836, %get3A_837] {strides = array<i32>} : memref<1280x64xf32, #tpu.memory_space<vmem>>, vector<16xf32>,
        %add3A_839 = arith.constant 13 : i32
        %add3A_840 = arith.addi %add3A_360, %add3A_839 : i32
        %get3A_841 = arith.index_cast %add3A_840 : i32 to index
        %get3A_842 = arith.constant 32 : index
        %get3A_843 = tpu.vector_load %arg11[%get3A_841, %get3A_842] {strides = array<i32>} : memref<1280x64xf32, #tpu.memory_space<vmem>>, vector<16xf32>,
        %add3A_844 = arith.constant 13 : i32
        %add3A_845 = arith.addi %add3A_360, %add3A_844 : i32
        %get3A_846 = arith.index_cast %add3A_845 : i32 to index
        %get3A_847 = arith.constant 48 : index
        %get3A_848 = tpu.vector_load %arg11[%get3A_846, %get3A_847] {strides = array<i32>} : memref<1280x64xf32, #tpu.memory_space<vmem>>, vector<16xf32>,
        %mul3A_849 = arith.mulf %get3A_306, %get3A_833 : vector<16xf32>
        %mul3A_850 = arith.mulf %get3A_314, %get3A_838 : vector<16xf32>
        %add3A_851 = arith.addf %mul3A_849, %mul3A_850 : vector<16xf32>
        %mul3A_852 = arith.mulf %get3A_322, %get3A_843 : vector<16xf32>
        %add3A_853 = arith.addf %add3A_851, %mul3A_852 : vector<16xf32>
        %mul3A_854 = arith.mulf %get3A_330, %get3A_848 : vector<16xf32>
        %add3A_855 = arith.addf %add3A_853, %mul3A_854 : vector<16xf32>
        %mul3A_856 = arith.constant 20 : i32
        %mul3A_857 = arith.muli %scan3A_299, %mul3A_856 : i32
        %add3A_858 = arith.constant 13 : i32
        %add3A_859 = arith.addi %mul3A_857, %add3A_858 : i32
        %mul3A_860 = arith.constant 16 : i32
        %mul3A_861 = arith.muli %add3A_859, %mul3A_860 : i32
        %multiple_of3A_862 = tpu.assume_multiple %mul3A_861, 8 : i32
        %swap3A_863 = arith.index_cast %multiple_of3A_862 : i32 to index
        %swap3A_864 = tpu.vector_load %arg14[%swap3A_863] {strides = array<i32>} : memref<10240xf32, #tpu.memory_space<vmem>>, vector<16xf32>,
        tpu.vector_store %arg14[%swap3A_863], %add3A_855 {strides = array<i32>} : memref<10240xf32, #tpu.memory_space<vmem>>, vector<16xf32>,
        %add3A_865 = arith.constant 14 : i32
        %add3A_866 = arith.addi %add3A_360, %add3A_865 : i32
        %get3A_867 = arith.index_cast %add3A_866 : i32 to index
        %get3A_868 = arith.constant 0 : index
        %get3A_869 = tpu.vector_load %arg11[%get3A_867, %get3A_868] {strides = array<i32>} : memref<1280x64xf32, #tpu.memory_space<vmem>>, vector<16xf32>,
        %add3A_870 = arith.constant 14 : i32
        %add3A_871 = arith.addi %add3A_360, %add3A_870 : i32
        %get3A_872 = arith.index_cast %add3A_871 : i32 to index
        %get3A_873 = arith.constant 16 : index
        %get3A_874 = tpu.vector_load %arg11[%get3A_872, %get3A_873] {strides = array<i32>} : memref<1280x64xf32, #tpu.memory_space<vmem>>, vector<16xf32>,
        %add3A_875 = arith.constant 14 : i32
        %add3A_876 = arith.addi %add3A_360, %add3A_875 : i32
        %get3A_877 = arith.index_cast %add3A_876 : i32 to index
        %get3A_878 = arith.constant 32 : index
        %get3A_879 = tpu.vector_load %arg11[%get3A_877, %get3A_878] {strides = array<i32>} : memref<1280x64xf32, #tpu.memory_space<vmem>>, vector<16xf32>,
        %add3A_880 = arith.constant 14 : i32
        %add3A_881 = arith.addi %add3A_360, %add3A_880 : i32
        %get3A_882 = arith.index_cast %add3A_881 : i32 to index
        %get3A_883 = arith.constant 48 : index
        %get3A_884 = tpu.vector_load %arg11[%get3A_882, %get3A_883] {strides = array<i32>} : memref<1280x64xf32, #tpu.memory_space<vmem>>, vector<16xf32>,
        %mul3A_885 = arith.mulf %get3A_306, %get3A_869 : vector<16xf32>
        %mul3A_886 = arith.mulf %get3A_314, %get3A_874 : vector<16xf32>
        %add3A_887 = arith.addf %mul3A_885, %mul3A_886 : vector<16xf32>
        %mul3A_888 = arith.mulf %get3A_322, %get3A_879 : vector<16xf32>
        %add3A_889 = arith.addf %add3A_887, %mul3A_888 : vector<16xf32>
        %mul3A_890 = arith.mulf %get3A_330, %get3A_884 : vector<16xf32>
        %add3A_891 = arith.addf %add3A_889, %mul3A_890 : vector<16xf32>
        %mul3A_892 = arith.constant 20 : i32
        %mul3A_893 = arith.muli %scan3A_299, %mul3A_892 : i32
        %add3A_894 = arith.constant 14 : i32
        %add3A_895 = arith.addi %mul3A_893, %add3A_894 : i32
        %mul3A_896 = arith.constant 16 : i32
        %mul3A_897 = arith.muli %add3A_895, %mul3A_896 : i32
        %multiple_of3A_898 = tpu.assume_multiple %mul3A_897, 8 : i32
        %swap3A_899 = arith.index_cast %multiple_of3A_898 : i32 to index
        %swap3A_900 = tpu.vector_load %arg14[%swap3A_899] {strides = array<i32>} : memref<10240xf32, #tpu.memory_space<vmem>>, vector<16xf32>,
        tpu.vector_store %arg14[%swap3A_899], %add3A_891 {strides = array<i32>} : memref<10240xf32, #tpu.memory_space<vmem>>, vector<16xf32>,
        %add3A_901 = arith.constant 15 : i32
        %add3A_902 = arith.addi %add3A_360, %add3A_901 : i32
        %get3A_903 = arith.index_cast %add3A_902 : i32 to index
        %get3A_904 = arith.constant 0 : index
        %get3A_905 = tpu.vector_load %arg11[%get3A_903, %get3A_904] {strides = array<i32>} : memref<1280x64xf32, #tpu.memory_space<vmem>>, vector<16xf32>,
        %add3A_906 = arith.constant 15 : i32
        %add3A_907 = arith.addi %add3A_360, %add3A_906 : i32
        %get3A_908 = arith.index_cast %add3A_907 : i32 to index
        %get3A_909 = arith.constant 16 : index
        %get3A_910 = tpu.vector_load %arg11[%get3A_908, %get3A_909] {strides = array<i32>} : memref<1280x64xf32, #tpu.memory_space<vmem>>, vector<16xf32>,
        %add3A_911 = arith.constant 15 : i32
        %add3A_912 = arith.addi %add3A_360, %add3A_911 : i32
        %get3A_913 = arith.index_cast %add3A_912 : i32 to index
        %get3A_914 = arith.constant 32 : index
        %get3A_915 = tpu.vector_load %arg11[%get3A_913, %get3A_914] {strides = array<i32>} : memref<1280x64xf32, #tpu.memory_space<vmem>>, vector<16xf32>,
        %add3A_916 = arith.constant 15 : i32
        %add3A_917 = arith.addi %add3A_360, %add3A_916 : i32
        %get3A_918 = arith.index_cast %add3A_917 : i32 to index
        %get3A_919 = arith.constant 48 : index
        %get3A_920 = tpu.vector_load %arg11[%get3A_918, %get3A_919] {strides = array<i32>} : memref<1280x64xf32, #tpu.memory_space<vmem>>, vector<16xf32>,
        %mul3A_921 = arith.mulf %get3A_306, %get3A_905 : vector<16xf32>
        %mul3A_922 = arith.mulf %get3A_314, %get3A_910 : vector<16xf32>
        %add3A_923 = arith.addf %mul3A_921, %mul3A_922 : vector<16xf32>
        %mul3A_924 = arith.mulf %get3A_322, %get3A_915 : vector<16xf32>
        %add3A_925 = arith.addf %add3A_923, %mul3A_924 : vector<16xf32>
        %mul3A_926 = arith.mulf %get3A_330, %get3A_920 : vector<16xf32>
        %add3A_927 = arith.addf %add3A_925, %mul3A_926 : vector<16xf32>
        %mul3A_928 = arith.constant 20 : i32
        %mul3A_929 = arith.muli %scan3A_299, %mul3A_928 : i32
        %add3A_930 = arith.constant 15 : i32
        %add3A_931 = arith.addi %mul3A_929, %add3A_930 : i32
        %mul3A_932 = arith.constant 16 : i32
        %mul3A_933 = arith.muli %add3A_931, %mul3A_932 : i32
        %multiple_of3A_934 = tpu.assume_multiple %mul3A_933, 8 : i32
        %swap3A_935 = arith.index_cast %multiple_of3A_934 : i32 to index
        %swap3A_936 = tpu.vector_load %arg14[%swap3A_935] {strides = array<i32>} : memref<10240xf32, #tpu.memory_space<vmem>>, vector<16xf32>,
        tpu.vector_store %arg14[%swap3A_935], %add3A_927 {strides = array<i32>} : memref<10240xf32, #tpu.memory_space<vmem>>, vector<16xf32>,
        %add3A_937 = arith.constant 16 : i32
        %add3A_938 = arith.addi %add3A_360, %add3A_937 : i32
        %get3A_939 = arith.index_cast %add3A_938 : i32 to index
        %get3A_940 = arith.constant 0 : index
        %get3A_941 = tpu.vector_load %arg11[%get3A_939, %get3A_940] {strides = array<i32>} : memref<1280x64xf32, #tpu.memory_space<vmem>>, vector<16xf32>,
        %add3A_942 = arith.constant 16 : i32
        %add3A_943 = arith.addi %add3A_360, %add3A_942 : i32
        %get3A_944 = arith.index_cast %add3A_943 : i32 to index
        %get3A_945 = arith.constant 16 : index
        %get3A_946 = tpu.vector_load %arg11[%get3A_944, %get3A_945] {strides = array<i32>} : memref<1280x64xf32, #tpu.memory_space<vmem>>, vector<16xf32>,
        %add3A_947 = arith.constant 16 : i32
        %add3A_948 = arith.addi %add3A_360, %add3A_947 : i32
        %get3A_949 = arith.index_cast %add3A_948 : i32 to index
        %get3A_950 = arith.constant 32 : index
        %get3A_951 = tpu.vector_load %arg11[%get3A_949, %get3A_950] {strides = array<i32>} : memref<1280x64xf32, #tpu.memory_space<vmem>>, vector<16xf32>,
        %add3A_952 = arith.constant 16 : i32
        %add3A_953 = arith.addi %add3A_360, %add3A_952 : i32
        %get3A_954 = arith.index_cast %add3A_953 : i32 to index
        %get3A_955 = arith.constant 48 : index
        %get3A_956 = tpu.vector_load %arg11[%get3A_954, %get3A_955] {strides = array<i32>} : memref<1280x64xf32, #tpu.memory_space<vmem>>, vector<16xf32>,
        %mul3A_957 = arith.mulf %get3A_306, %get3A_941 : vector<16xf32>
        %mul3A_958 = arith.mulf %get3A_314, %get3A_946 : vector<16xf32>
        %add3A_959 = arith.addf %mul3A_957, %mul3A_958 : vector<16xf32>
        %mul3A_960 = arith.mulf %get3A_322, %get3A_951 : vector<16xf32>
        %add3A_961 = arith.addf %add3A_959, %mul3A_960 : vector<16xf32>
        %mul3A_962 = arith.mulf %get3A_330, %get3A_956 : vector<16xf32>
        %add3A_963 = arith.addf %add3A_961, %mul3A_962 : vector<16xf32>
        %mul3A_964 = arith.constant 20 : i32
        %mul3A_965 = arith.muli %scan3A_299, %mul3A_964 : i32
        %add3A_966 = arith.constant 16 : i32
        %add3A_967 = arith.addi %mul3A_965, %add3A_966 : i32
        %mul3A_968 = arith.constant 16 : i32
        %mul3A_969 = arith.muli %add3A_967, %mul3A_968 : i32
        %multiple_of3A_970 = tpu.assume_multiple %mul3A_969, 8 : i32
        %swap3A_971 = arith.index_cast %multiple_of3A_970 : i32 to index
        %swap3A_972 = tpu.vector_load %arg14[%swap3A_971] {strides = array<i32>} : memref<10240xf32, #tpu.memory_space<vmem>>, vector<16xf32>,
        tpu.vector_store %arg14[%swap3A_971], %add3A_963 {strides = array<i32>} : memref<10240xf32, #tpu.memory_space<vmem>>, vector<16xf32>,
        %add3A_973 = arith.constant 17 : i32
        %add3A_974 = arith.addi %add3A_360, %add3A_973 : i32
        %get3A_975 = arith.index_cast %add3A_974 : i32 to index
        %get3A_976 = arith.constant 0 : index
        %get3A_977 = tpu.vector_load %arg11[%get3A_975, %get3A_976] {strides = array<i32>} : memref<1280x64xf32, #tpu.memory_space<vmem>>, vector<16xf32>,
        %add3A_978 = arith.constant 17 : i32
        %add3A_979 = arith.addi %add3A_360, %add3A_978 : i32
        %get3A_980 = arith.index_cast %add3A_979 : i32 to index
        %get3A_981 = arith.constant 16 : index
        %get3A_982 = tpu.vector_load %arg11[%get3A_980, %get3A_981] {strides = array<i32>} : memref<1280x64xf32, #tpu.memory_space<vmem>>, vector<16xf32>,
        %add3A_983 = arith.constant 17 : i32
        %add3A_984 = arith.addi %add3A_360, %add3A_983 : i32
        %get3A_985 = arith.index_cast %add3A_984 : i32 to index
        %get3A_986 = arith.constant 32 : index
        %get3A_987 = tpu.vector_load %arg11[%get3A_985, %get3A_986] {strides = array<i32>} : memref<1280x64xf32, #tpu.memory_space<vmem>>, vector<16xf32>,
        %add3A_988 = arith.constant 17 : i32
        %add3A_989 = arith.addi %add3A_360, %add3A_988 : i32
        %get3A_990 = arith.index_cast %add3A_989 : i32 to index
        %get3A_991 = arith.constant 48 : index
        %get3A_992 = tpu.vector_load %arg11[%get3A_990, %get3A_991] {strides = array<i32>} : memref<1280x64xf32, #tpu.memory_space<vmem>>, vector<16xf32>,
        %mul3A_993 = arith.mulf %get3A_306, %get3A_977 : vector<16xf32>
        %mul3A_994 = arith.mulf %get3A_314, %get3A_982 : vector<16xf32>
        %add3A_995 = arith.addf %mul3A_993, %mul3A_994 : vector<16xf32>
        %mul3A_996 = arith.mulf %get3A_322, %get3A_987 : vector<16xf32>
        %add3A_997 = arith.addf %add3A_995, %mul3A_996 : vector<16xf32>
        %mul3A_998 = arith.mulf %get3A_330, %get3A_992 : vector<16xf32>
        %add3A_999 = arith.addf %add3A_997, %mul3A_998 : vector<16xf32>
        %mul3A_1000 = arith.constant 20 : i32
        %mul3A_1001 = arith.muli %scan3A_299, %mul3A_1000 : i32
        %add3A_1002 = arith.constant 17 : i32
        %add3A_1003 = arith.addi %mul3A_1001, %add3A_1002 : i32
        %mul3A_1004 = arith.constant 16 : i32
        %mul3A_1005 = arith.muli %add3A_1003, %mul3A_1004 : i32
        %multiple_of3A_1006 = tpu.assume_multiple %mul3A_1005, 8 : i32
        %swap3A_1007 = arith.index_cast %multiple_of3A_1006 : i32 to index
        %swap3A_1008 = tpu.vector_load %arg14[%swap3A_1007] {strides = array<i32>} : memref<10240xf32, #tpu.memory_space<vmem>>, vector<16xf32>,
        tpu.vector_store %arg14[%swap3A_1007], %add3A_999 {strides = array<i32>} : memref<10240xf32, #tpu.memory_space<vmem>>, vector<16xf32>,
        %add3A_1009 = arith.constant 18 : i32
        %add3A_1010 = arith.addi %add3A_360, %add3A_1009 : i32
        %get3A_1011 = arith.index_cast %add3A_1010 : i32 to index
        %get3A_1012 = arith.constant 0 : index
        %get3A_1013 = tpu.vector_load %arg11[%get3A_1011, %get3A_1012] {strides = array<i32>} : memref<1280x64xf32, #tpu.memory_space<vmem>>, vector<16xf32>,
        %add3A_1014 = arith.constant 18 : i32
        %add3A_1015 = arith.addi %add3A_360, %add3A_1014 : i32
        %get3A_1016 = arith.index_cast %add3A_1015 : i32 to index
        %get3A_1017 = arith.constant 16 : index
        %get3A_1018 = tpu.vector_load %arg11[%get3A_1016, %get3A_1017] {strides = array<i32>} : memref<1280x64xf32, #tpu.memory_space<vmem>>, vector<16xf32>,
        %add3A_1019 = arith.constant 18 : i32
        %add3A_1020 = arith.addi %add3A_360, %add3A_1019 : i32
        %get3A_1021 = arith.index_cast %add3A_1020 : i32 to index
        %get3A_1022 = arith.constant 32 : index
        %get3A_1023 = tpu.vector_load %arg11[%get3A_1021, %get3A_1022] {strides = array<i32>} : memref<1280x64xf32, #tpu.memory_space<vmem>>, vector<16xf32>,
        %add3A_1024 = arith.constant 18 : i32
        %add3A_1025 = arith.addi %add3A_360, %add3A_1024 : i32
        %get3A_1026 = arith.index_cast %add3A_1025 : i32 to index
        %get3A_1027 = arith.constant 48 : index
        %get3A_1028 = tpu.vector_load %arg11[%get3A_1026, %get3A_1027] {strides = array<i32>} : memref<1280x64xf32, #tpu.memory_space<vmem>>, vector<16xf32>,
        %mul3A_1029 = arith.mulf %get3A_306, %get3A_1013 : vector<16xf32>
        %mul3A_1030 = arith.mulf %get3A_314, %get3A_1018 : vector<16xf32>
        %add3A_1031 = arith.addf %mul3A_1029, %mul3A_1030 : vector<16xf32>
        %mul3A_1032 = arith.mulf %get3A_322, %get3A_1023 : vector<16xf32>
        %add3A_1033 = arith.addf %add3A_1031, %mul3A_1032 : vector<16xf32>
        %mul3A_1034 = arith.mulf %get3A_330, %get3A_1028 : vector<16xf32>
        %add3A_1035 = arith.addf %add3A_1033, %mul3A_1034 : vector<16xf32>
        %mul3A_1036 = arith.constant 20 : i32
        %mul3A_1037 = arith.muli %scan3A_299, %mul3A_1036 : i32
        %add3A_1038 = arith.constant 18 : i32
        %add3A_1039 = arith.addi %mul3A_1037, %add3A_1038 : i32
        %mul3A_1040 = arith.constant 16 : i32
        %mul3A_1041 = arith.muli %add3A_1039, %mul3A_1040 : i32
        %multiple_of3A_1042 = tpu.assume_multiple %mul3A_1041, 8 : i32
        %swap3A_1043 = arith.index_cast %multiple_of3A_1042 : i32 to index
        %swap3A_1044 = tpu.vector_load %arg14[%swap3A_1043] {strides = array<i32>} : memref<10240xf32, #tpu.memory_space<vmem>>, vector<16xf32>,
        tpu.vector_store %arg14[%swap3A_1043], %add3A_1035 {strides = array<i32>} : memref<10240xf32, #tpu.memory_space<vmem>>, vector<16xf32>,
        %add3A_1045 = arith.constant 19 : i32
        %add3A_1046 = arith.addi %add3A_360, %add3A_1045 : i32
        %get3A_1047 = arith.index_cast %add3A_1046 : i32 to index
        %get3A_1048 = arith.constant 0 : index
        %get3A_1049 = tpu.vector_load %arg11[%get3A_1047, %get3A_1048] {strides = array<i32>} : memref<1280x64xf32, #tpu.memory_space<vmem>>, vector<16xf32>,
        %add3A_1050 = arith.constant 19 : i32
        %add3A_1051 = arith.addi %add3A_360, %add3A_1050 : i32
        %get3A_1052 = arith.index_cast %add3A_1051 : i32 to index
        %get3A_1053 = arith.constant 16 : index
        %get3A_1054 = tpu.vector_load %arg11[%get3A_1052, %get3A_1053] {strides = array<i32>} : memref<1280x64xf32, #tpu.memory_space<vmem>>, vector<16xf32>,
        %add3A_1055 = arith.constant 19 : i32
        %add3A_1056 = arith.addi %add3A_360, %add3A_1055 : i32
        %get3A_1057 = arith.index_cast %add3A_1056 : i32 to index
        %get3A_1058 = arith.constant 32 : index
        %get3A_1059 = tpu.vector_load %arg11[%get3A_1057, %get3A_1058] {strides = array<i32>} : memref<1280x64xf32, #tpu.memory_space<vmem>>, vector<16xf32>,
        %add3A_1060 = arith.constant 19 : i32
        %add3A_1061 = arith.addi %add3A_360, %add3A_1060 : i32
        %get3A_1062 = arith.index_cast %add3A_1061 : i32 to index
        %get3A_1063 = arith.constant 48 : index
        %get3A_1064 = tpu.vector_load %arg11[%get3A_1062, %get3A_1063] {strides = array<i32>} : memref<1280x64xf32, #tpu.memory_space<vmem>>, vector<16xf32>,
        %mul3A_1065 = arith.mulf %get3A_306, %get3A_1049 : vector<16xf32>
        %mul3A_1066 = arith.mulf %get3A_314, %get3A_1054 : vector<16xf32>
        %add3A_1067 = arith.addf %mul3A_1065, %mul3A_1066 : vector<16xf32>
        %mul3A_1068 = arith.mulf %get3A_322, %get3A_1059 : vector<16xf32>
        %add3A_1069 = arith.addf %add3A_1067, %mul3A_1068 : vector<16xf32>
        %mul3A_1070 = arith.mulf %get3A_330, %get3A_1064 : vector<16xf32>
        %add3A_1071 = arith.addf %add3A_1069, %mul3A_1070 : vector<16xf32>
        %mul3A_1072 = arith.constant 20 : i32
        %mul3A_1073 = arith.muli %scan3A_299, %mul3A_1072 : i32
        %add3A_1074 = arith.constant 19 : i32
        %add3A_1075 = arith.addi %mul3A_1073, %add3A_1074 : i32
        %mul3A_1076 = arith.constant 16 : i32
        %mul3A_1077 = arith.muli %add3A_1075, %mul3A_1076 : i32
        %multiple_of3A_1078 = tpu.assume_multiple %mul3A_1077, 8 : i32
        %swap3A_1079 = arith.index_cast %multiple_of3A_1078 : i32 to index
        %swap3A_1080 = tpu.vector_load %arg14[%swap3A_1079] {strides = array<i32>} : memref<10240xf32, #tpu.memory_space<vmem>>, vector<16xf32>,
        tpu.vector_store %arg14[%swap3A_1079], %add3A_1071 {strides = array<i32>} : memref<10240xf32, #tpu.memory_space<vmem>>, vector<16xf32>,
        %scan3A_1081 = arith.constant 1 : i32
        %scan3A_1082 = arith.addi %scan3A_299, %scan3A_1081 : i32
        %mul3A_1083 = arith.constant 64 : i32
        %mul3A_1084 = arith.muli %scan3A_1082, %mul3A_1083 : i32
        %add3A_1085 = arith.constant 0 : i32
        %add3A_1086 = arith.addi %mul3A_1084, %add3A_1085 : i32
        %multiple_of3A_1087 = tpu.assume_multiple %add3A_1086, 8 : i32
        %add3A_1088 = arith.addi %multiple_of3A_156, %multiple_of3A_1087 : i32
        %get3A_1089 = arith.index_cast %add3A_1088 : i32 to index
        %get3A_1090 = tpu.vector_load %arg10[%get3A_1089] {strides = array<i32>} : memref<4096xf32, #tpu.memory_space<vmem>>, vector<16xf32>,
        %mul3A_1091 = arith.constant 64 : i32
        %mul3A_1092 = arith.muli %scan3A_1082, %mul3A_1091 : i32
        %add3A_1093 = arith.constant 16 : i32
        %add3A_1094 = arith.addi %mul3A_1092, %add3A_1093 : i32
        %multiple_of3A_1095 = tpu.assume_multiple %add3A_1094, 8 : i32
        %add3A_1096 = arith.addi %multiple_of3A_156, %multiple_of3A_1095 : i32
        %get3A_1097 = arith.index_cast %add3A_1096 : i32 to index
        %get3A_1098 = tpu.vector_load %arg10[%get3A_1097] {strides = array<i32>} : memref<4096xf32, #tpu.memory_space<vmem>>, vector<16xf32>,
        %mul3A_1099 = arith.constant 64 : i32
        %mul3A_1100 = arith.muli %scan3A_1082, %mul3A_1099 : i32
        %add3A_1101 = arith.constant 32 : i32
        %add3A_1102 = arith.addi %mul3A_1100, %add3A_1101 : i32
        %multiple_of3A_1103 = tpu.assume_multiple %add3A_1102, 8 : i32
        %add3A_1104 = arith.addi %multiple_of3A_156, %multiple_of3A_1103 : i32
        %get3A_1105 = arith.index_cast %add3A_1104 : i32 to index
        %get3A_1106 = tpu.vector_load %arg10[%get3A_1105] {strides = array<i32>} : memref<4096xf32, #tpu.memory_space<vmem>>, vector<16xf32>,
        %mul3A_1107 = arith.constant 64 : i32
        %mul3A_1108 = arith.muli %scan3A_1082, %mul3A_1107 : i32
        %add3A_1109 = arith.constant 48 : i32
        %add3A_1110 = arith.addi %mul3A_1108, %add3A_1109 : i32
        %multiple_of3A_1111 = tpu.assume_multiple %add3A_1110, 8 : i32
        %add3A_1112 = arith.addi %multiple_of3A_156, %multiple_of3A_1111 : i32
        %get3A_1113 = arith.index_cast %add3A_1112 : i32 to index
        %get3A_1114 = tpu.vector_load %arg10[%get3A_1113] {strides = array<i32>} : memref<4096xf32, #tpu.memory_space<vmem>>, vector<16xf32>,
        %add3A_1115 = arith.addi %multiple_of3A_151, %scan3A_1082 : i32
        %get3A_1116 = arith.index_cast %add3A_1115 : i32 to index
        %get3A_1117 = arith.constant 0 : index
        %get3A_1118 = tpu.vector_load %arg12[%get3A_1116, %get3A_1117] {strides = array<i32>} : memref<64x64xf32, #tpu.memory_space<vmem>>, vector<16xf32>,
        %add3A_1119 = arith.addi %multiple_of3A_151, %scan3A_1082 : i32
        %get3A_1120 = arith.index_cast %add3A_1119 : i32 to index
        %get3A_1121 = arith.constant 16 : index
        %get3A_1122 = tpu.vector_load %arg12[%get3A_1120, %get3A_1121] {strides = array<i32>} : memref<64x64xf32, #tpu.memory_space<vmem>>, vector<16xf32>,
        %add3A_1123 = arith.addi %multiple_of3A_151, %scan3A_1082 : i32
        %get3A_1124 = arith.index_cast %add3A_1123 : i32 to index
        %get3A_1125 = arith.constant 32 : index
        %get3A_1126 = tpu.vector_load %arg12[%get3A_1124, %get3A_1125] {strides = array<i32>} : memref<64x64xf32, #tpu.memory_space<vmem>>, vector<16xf32>,
        %add3A_1127 = arith.addi %multiple_of3A_151, %scan3A_1082 : i32
        %get3A_1128 = arith.index_cast %add3A_1127 : i32 to index
        %get3A_1129 = arith.constant 48 : index
        %get3A_1130 = tpu.vector_load %arg12[%get3A_1128, %get3A_1129] {strides = array<i32>} : memref<64x64xf32, #tpu.memory_space<vmem>>, vector<16xf32>,
        %mul3A_1131 = arith.mulf %get3A_1090, %get3A_1118 : vector<16xf32>
        %mul3A_1132 = arith.mulf %get3A_1098, %get3A_1122 : vector<16xf32>
        %add3A_1133 = arith.addf %mul3A_1131, %mul3A_1132 : vector<16xf32>
        %mul3A_1134 = arith.mulf %get3A_1106, %get3A_1126 : vector<16xf32>
        %add3A_1135 = arith.addf %add3A_1133, %mul3A_1134 : vector<16xf32>
        %mul3A_1136 = arith.mulf %get3A_1114, %get3A_1130 : vector<16xf32>
        %add3A_1137 = arith.addf %add3A_1135, %mul3A_1136 : vector<16xf32>
        %mul3A_1138 = arith.constant 16 : i32
        %mul3A_1139 = arith.muli %scan3A_1082, %mul3A_1138 : i32
        %multiple_of3A_1140 = tpu.assume_multiple %mul3A_1139, 8 : i32
        %swap3A_1141 = arith.index_cast %multiple_of3A_1140 : i32 to index
        %swap3A_1142 = tpu.vector_load %arg13[%swap3A_1141] {strides = array<i32>} : memref<512xf32, #tpu.memory_space<vmem>>, vector<16xf32>,
        tpu.vector_store %arg13[%swap3A_1141], %add3A_1137 {strides = array<i32>} : memref<512xf32, #tpu.memory_space<vmem>>, vector<16xf32>,
        %mul3A_1143 = arith.constant 20 : i32
        %mul3A_1144 = arith.muli %scan3A_1082, %mul3A_1143 : i32
        %add3A_1145 = arith.addi %multiple_of3A_148, %mul3A_1144 : i32
        %add3A_1146 = arith.constant 0 : i32
        %add3A_1147 = arith.addi %add3A_1145, %add3A_1146 : i32
        %get3A_1148 = arith.index_cast %add3A_1147 : i32 to index
        %get3A_1149 = arith.constant 0 : index
        %get3A_1150 = tpu.vector_load %arg11[%get3A_1148, %get3A_1149] {strides = array<i32>} : memref<1280x64xf32, #tpu.memory_space<vmem>>, vector<16xf32>,
        %add3A_1151 = arith.constant 0 : i32
        %add3A_1152 = arith.addi %add3A_1145, %add3A_1151 : i32
        %get3A_1153 = arith.index_cast %add3A_1152 : i32 to index
        %get3A_1154 = arith.constant 16 : index
        %get3A_1155 = tpu.vector_load %arg11[%get3A_1153, %get3A_1154] {strides = array<i32>} : memref<1280x64xf32, #tpu.memory_space<vmem>>, vector<16xf32>,
        %add3A_1156 = arith.constant 0 : i32
        %add3A_1157 = arith.addi %add3A_1145, %add3A_1156 : i32
        %get3A_1158 = arith.index_cast %add3A_1157 : i32 to index
        %get3A_1159 = arith.constant 32 : index
        %get3A_1160 = tpu.vector_load %arg11[%get3A_1158, %get3A_1159] {strides = array<i32>} : memref<1280x64xf32, #tpu.memory_space<vmem>>, vector<16xf32>,
        %add3A_1161 = arith.constant 0 : i32
        %add3A_1162 = arith.addi %add3A_1145, %add3A_1161 : i32
        %get3A_1163 = arith.index_cast %add3A_1162 : i32 to index
        %get3A_1164 = arith.constant 48 : index
        %get3A_1165 = tpu.vector_load %arg11[%get3A_1163, %get3A_1164] {strides = array<i32>} : memref<1280x64xf32, #tpu.memory_space<vmem>>, vector<16xf32>,
        %mul3A_1166 = arith.mulf %get3A_1090, %get3A_1150 : vector<16xf32>
        %mul3A_1167 = arith.mulf %get3A_1098, %get3A_1155 : vector<16xf32>
        %add3A_1168 = arith.addf %mul3A_1166, %mul3A_1167 : vector<16xf32>
        %mul3A_1169 = arith.mulf %get3A_1106, %get3A_1160 : vector<16xf32>
        %add3A_1170 = arith.addf %add3A_1168, %mul3A_1169 : vector<16xf32>
        %mul3A_1171 = arith.mulf %get3A_1114, %get3A_1165 : vector<16xf32>
        %add3A_1172 = arith.addf %add3A_1170, %mul3A_1171 : vector<16xf32>
        %mul3A_1173 = arith.constant 20 : i32
        %mul3A_1174 = arith.muli %scan3A_1082, %mul3A_1173 : i32
        %add3A_1175 = arith.constant 0 : i32
        %add3A_1176 = arith.addi %mul3A_1174, %add3A_1175 : i32
        %mul3A_1177 = arith.constant 16 : i32
        %mul3A_1178 = arith.muli %add3A_1176, %mul3A_1177 : i32
        %multiple_of3A_1179 = tpu.assume_multiple %mul3A_1178, 8 : i32
        %swap3A_1180 = arith.index_cast %multiple_of3A_1179 : i32 to index
        %swap3A_1181 = tpu.vector_load %arg14[%swap3A_1180] {strides = array<i32>} : memref<10240xf32, #tpu.memory_space<vmem>>, vector<16xf32>,
        tpu.vector_store %arg14[%swap3A_1180], %add3A_1172 {strides = array<i32>} : memref<10240xf32, #tpu.memory_space<vmem>>, vector<16xf32>,
        %add3A_1182 = arith.constant 1 : i32
        %add3A_1183 = arith.addi %add3A_1145, %add3A_1182 : i32
        %get3A_1184 = arith.index_cast %add3A_1183 : i32 to index
        %get3A_1185 = arith.constant 0 : index
        %get3A_1186 = tpu.vector_load %arg11[%get3A_1184, %get3A_1185] {strides = array<i32>} : memref<1280x64xf32, #tpu.memory_space<vmem>>, vector<16xf32>,
        %add3A_1187 = arith.constant 1 : i32
        %add3A_1188 = arith.addi %add3A_1145, %add3A_1187 : i32
        %get3A_1189 = arith.index_cast %add3A_1188 : i32 to index
        %get3A_1190 = arith.constant 16 : index
        %get3A_1191 = tpu.vector_load %arg11[%get3A_1189, %get3A_1190] {strides = array<i32>} : memref<1280x64xf32, #tpu.memory_space<vmem>>, vector<16xf32>,
        %add3A_1192 = arith.constant 1 : i32
        %add3A_1193 = arith.addi %add3A_1145, %add3A_1192 : i32
        %get3A_1194 = arith.index_cast %add3A_1193 : i32 to index
        %get3A_1195 = arith.constant 32 : index
        %get3A_1196 = tpu.vector_load %arg11[%get3A_1194, %get3A_1195] {strides = array<i32>} : memref<1280x64xf32, #tpu.memory_space<vmem>>, vector<16xf32>,
        %add3A_1197 = arith.constant 1 : i32
        %add3A_1198 = arith.addi %add3A_1145, %add3A_1197 : i32
        %get3A_1199 = arith.index_cast %add3A_1198 : i32 to index
        %get3A_1200 = arith.constant 48 : index
        %get3A_1201 = tpu.vector_load %arg11[%get3A_1199, %get3A_1200] {strides = array<i32>} : memref<1280x64xf32, #tpu.memory_space<vmem>>, vector<16xf32>,
        %mul3A_1202 = arith.mulf %get3A_1090, %get3A_1186 : vector<16xf32>
        %mul3A_1203 = arith.mulf %get3A_1098, %get3A_1191 : vector<16xf32>
        %add3A_1204 = arith.addf %mul3A_1202, %mul3A_1203 : vector<16xf32>
        %mul3A_1205 = arith.mulf %get3A_1106, %get3A_1196 : vector<16xf32>
        %add3A_1206 = arith.addf %add3A_1204, %mul3A_1205 : vector<16xf32>
        %mul3A_1207 = arith.mulf %get3A_1114, %get3A_1201 : vector<16xf32>
        %add3A_1208 = arith.addf %add3A_1206, %mul3A_1207 : vector<16xf32>
        %mul3A_1209 = arith.constant 20 : i32
        %mul3A_1210 = arith.muli %scan3A_1082, %mul3A_1209 : i32
        %add3A_1211 = arith.constant 1 : i32
        %add3A_1212 = arith.addi %mul3A_1210, %add3A_1211 : i32
        %mul3A_1213 = arith.constant 16 : i32
        %mul3A_1214 = arith.muli %add3A_1212, %mul3A_1213 : i32
        %multiple_of3A_1215 = tpu.assume_multiple %mul3A_1214, 8 : i32
        %swap3A_1216 = arith.index_cast %multiple_of3A_1215 : i32 to index
        %swap3A_1217 = tpu.vector_load %arg14[%swap3A_1216] {strides = array<i32>} : memref<10240xf32, #tpu.memory_space<vmem>>, vector<16xf32>,
        tpu.vector_store %arg14[%swap3A_1216], %add3A_1208 {strides = array<i32>} : memref<10240xf32, #tpu.memory_space<vmem>>, vector<16xf32>,
        %add3A_1218 = arith.constant 2 : i32
        %add3A_1219 = arith.addi %add3A_1145, %add3A_1218 : i32
        %get3A_1220 = arith.index_cast %add3A_1219 : i32 to index
        %get3A_1221 = arith.constant 0 : index
        %get3A_1222 = tpu.vector_load %arg11[%get3A_1220, %get3A_1221] {strides = array<i32>} : memref<1280x64xf32, #tpu.memory_space<vmem>>, vector<16xf32>,
        %add3A_1223 = arith.constant 2 : i32
        %add3A_1224 = arith.addi %add3A_1145, %add3A_1223 : i32
        %get3A_1225 = arith.index_cast %add3A_1224 : i32 to index
        %get3A_1226 = arith.constant 16 : index
        %get3A_1227 = tpu.vector_load %arg11[%get3A_1225, %get3A_1226] {strides = array<i32>} : memref<1280x64xf32, #tpu.memory_space<vmem>>, vector<16xf32>,
        %add3A_1228 = arith.constant 2 : i32
        %add3A_1229 = arith.addi %add3A_1145, %add3A_1228 : i32
        %get3A_1230 = arith.index_cast %add3A_1229 : i32 to index
        %get3A_1231 = arith.constant 32 : index
        %get3A_1232 = tpu.vector_load %arg11[%get3A_1230, %get3A_1231] {strides = array<i32>} : memref<1280x64xf32, #tpu.memory_space<vmem>>, vector<16xf32>,
        %add3A_1233 = arith.constant 2 : i32
        %add3A_1234 = arith.addi %add3A_1145, %add3A_1233 : i32
        %get3A_1235 = arith.index_cast %add3A_1234 : i32 to index
        %get3A_1236 = arith.constant 48 : index
        %get3A_1237 = tpu.vector_load %arg11[%get3A_1235, %get3A_1236] {strides = array<i32>} : memref<1280x64xf32, #tpu.memory_space<vmem>>, vector<16xf32>,
        %mul3A_1238 = arith.mulf %get3A_1090, %get3A_1222 : vector<16xf32>
        %mul3A_1239 = arith.mulf %get3A_1098, %get3A_1227 : vector<16xf32>
        %add3A_1240 = arith.addf %mul3A_1238, %mul3A_1239 : vector<16xf32>
        %mul3A_1241 = arith.mulf %get3A_1106, %get3A_1232 : vector<16xf32>
        %add3A_1242 = arith.addf %add3A_1240, %mul3A_1241 : vector<16xf32>
        %mul3A_1243 = arith.mulf %get3A_1114, %get3A_1237 : vector<16xf32>
        %add3A_1244 = arith.addf %add3A_1242, %mul3A_1243 : vector<16xf32>
        %mul3A_1245 = arith.constant 20 : i32
        %mul3A_1246 = arith.muli %scan3A_1082, %mul3A_1245 : i32
        %add3A_1247 = arith.constant 2 : i32
        %add3A_1248 = arith.addi %mul3A_1246, %add3A_1247 : i32
        %mul3A_1249 = arith.constant 16 : i32
        %mul3A_1250 = arith.muli %add3A_1248, %mul3A_1249 : i32
        %multiple_of3A_1251 = tpu.assume_multiple %mul3A_1250, 8 : i32
        %swap3A_1252 = arith.index_cast %multiple_of3A_1251 : i32 to index
        %swap3A_1253 = tpu.vector_load %arg14[%swap3A_1252] {strides = array<i32>} : memref<10240xf32, #tpu.memory_space<vmem>>, vector<16xf32>,
        tpu.vector_store %arg14[%swap3A_1252], %add3A_1244 {strides = array<i32>} : memref<10240xf32, #tpu.memory_space<vmem>>, vector<16xf32>,
        %add3A_1254 = arith.constant 3 : i32
        %add3A_1255 = arith.addi %add3A_1145, %add3A_1254 : i32
        %get3A_1256 = arith.index_cast %add3A_1255 : i32 to index
        %get3A_1257 = arith.constant 0 : index
        %get3A_1258 = tpu.vector_load %arg11[%get3A_1256, %get3A_1257] {strides = array<i32>} : memref<1280x64xf32, #tpu.memory_space<vmem>>, vector<16xf32>,
        %add3A_1259 = arith.constant 3 : i32
        %add3A_1260 = arith.addi %add3A_1145, %add3A_1259 : i32
        %get3A_1261 = arith.index_cast %add3A_1260 : i32 to index
        %get3A_1262 = arith.constant 16 : index
        %get3A_1263 = tpu.vector_load %arg11[%get3A_1261, %get3A_1262] {strides = array<i32>} : memref<1280x64xf32, #tpu.memory_space<vmem>>, vector<16xf32>,
        %add3A_1264 = arith.constant 3 : i32
        %add3A_1265 = arith.addi %add3A_1145, %add3A_1264 : i32
        %get3A_1266 = arith.index_cast %add3A_1265 : i32 to index
        %get3A_1267 = arith.constant 32 : index
        %get3A_1268 = tpu.vector_load %arg11[%get3A_1266, %get3A_1267] {strides = array<i32>} : memref<1280x64xf32, #tpu.memory_space<vmem>>, vector<16xf32>,
        %add3A_1269 = arith.constant 3 : i32
        %add3A_1270 = arith.addi %add3A_1145, %add3A_1269 : i32
        %get3A_1271 = arith.index_cast %add3A_1270 : i32 to index
        %get3A_1272 = arith.constant 48 : index
        %get3A_1273 = tpu.vector_load %arg11[%get3A_1271, %get3A_1272] {strides = array<i32>} : memref<1280x64xf32, #tpu.memory_space<vmem>>, vector<16xf32>,
        %mul3A_1274 = arith.mulf %get3A_1090, %get3A_1258 : vector<16xf32>
        %mul3A_1275 = arith.mulf %get3A_1098, %get3A_1263 : vector<16xf32>
        %add3A_1276 = arith.addf %mul3A_1274, %mul3A_1275 : vector<16xf32>
        %mul3A_1277 = arith.mulf %get3A_1106, %get3A_1268 : vector<16xf32>
        %add3A_1278 = arith.addf %add3A_1276, %mul3A_1277 : vector<16xf32>
        %mul3A_1279 = arith.mulf %get3A_1114, %get3A_1273 : vector<16xf32>
        %add3A_1280 = arith.addf %add3A_1278, %mul3A_1279 : vector<16xf32>
        %mul3A_1281 = arith.constant 20 : i32
        %mul3A_1282 = arith.muli %scan3A_1082, %mul3A_1281 : i32
        %add3A_1283 = arith.constant 3 : i32
        %add3A_1284 = arith.addi %mul3A_1282, %add3A_1283 : i32
        %mul3A_1285 = arith.constant 16 : i32
        %mul3A_1286 = arith.muli %add3A_1284, %mul3A_1285 : i32
        %multiple_of3A_1287 = tpu.assume_multiple %mul3A_1286, 8 : i32
        %swap3A_1288 = arith.index_cast %multiple_of3A_1287 : i32 to index
        %swap3A_1289 = tpu.vector_load %arg14[%swap3A_1288] {strides = array<i32>} : memref<10240xf32, #tpu.memory_space<vmem>>, vector<16xf32>,
        tpu.vector_store %arg14[%swap3A_1288], %add3A_1280 {strides = array<i32>} : memref<10240xf32, #tpu.memory_space<vmem>>, vector<16xf32>,
        %add3A_1290 = arith.constant 4 : i32
        %add3A_1291 = arith.addi %add3A_1145, %add3A_1290 : i32
        %get3A_1292 = arith.index_cast %add3A_1291 : i32 to index
        %get3A_1293 = arith.constant 0 : index
        %get3A_1294 = tpu.vector_load %arg11[%get3A_1292, %get3A_1293] {strides = array<i32>} : memref<1280x64xf32, #tpu.memory_space<vmem>>, vector<16xf32>,
        %add3A_1295 = arith.constant 4 : i32
        %add3A_1296 = arith.addi %add3A_1145, %add3A_1295 : i32
        %get3A_1297 = arith.index_cast %add3A_1296 : i32 to index
        %get3A_1298 = arith.constant 16 : index
        %get3A_1299 = tpu.vector_load %arg11[%get3A_1297, %get3A_1298] {strides = array<i32>} : memref<1280x64xf32, #tpu.memory_space<vmem>>, vector<16xf32>,
        %add3A_1300 = arith.constant 4 : i32
        %add3A_1301 = arith.addi %add3A_1145, %add3A_1300 : i32
        %get3A_1302 = arith.index_cast %add3A_1301 : i32 to index
        %get3A_1303 = arith.constant 32 : index
        %get3A_1304 = tpu.vector_load %arg11[%get3A_1302, %get3A_1303] {strides = array<i32>} : memref<1280x64xf32, #tpu.memory_space<vmem>>, vector<16xf32>,
        %add3A_1305 = arith.constant 4 : i32
        %add3A_1306 = arith.addi %add3A_1145, %add3A_1305 : i32
        %get3A_1307 = arith.index_cast %add3A_1306 : i32 to index
        %get3A_1308 = arith.constant 48 : index
        %get3A_1309 = tpu.vector_load %arg11[%get3A_1307, %get3A_1308] {strides = array<i32>} : memref<1280x64xf32, #tpu.memory_space<vmem>>, vector<16xf32>,
        %mul3A_1310 = arith.mulf %get3A_1090, %get3A_1294 : vector<16xf32>
        %mul3A_1311 = arith.mulf %get3A_1098, %get3A_1299 : vector<16xf32>
        %add3A_1312 = arith.addf %mul3A_1310, %mul3A_1311 : vector<16xf32>
        %mul3A_1313 = arith.mulf %get3A_1106, %get3A_1304 : vector<16xf32>
        %add3A_1314 = arith.addf %add3A_1312, %mul3A_1313 : vector<16xf32>
        %mul3A_1315 = arith.mulf %get3A_1114, %get3A_1309 : vector<16xf32>
        %add3A_1316 = arith.addf %add3A_1314, %mul3A_1315 : vector<16xf32>
        %mul3A_1317 = arith.constant 20 : i32
        %mul3A_1318 = arith.muli %scan3A_1082, %mul3A_1317 : i32
        %add3A_1319 = arith.constant 4 : i32
        %add3A_1320 = arith.addi %mul3A_1318, %add3A_1319 : i32
        %mul3A_1321 = arith.constant 16 : i32
        %mul3A_1322 = arith.muli %add3A_1320, %mul3A_1321 : i32
        %multiple_of3A_1323 = tpu.assume_multiple %mul3A_1322, 8 : i32
        %swap3A_1324 = arith.index_cast %multiple_of3A_1323 : i32 to index
        %swap3A_1325 = tpu.vector_load %arg14[%swap3A_1324] {strides = array<i32>} : memref<10240xf32, #tpu.memory_space<vmem>>, vector<16xf32>,
        tpu.vector_store %arg14[%swap3A_1324], %add3A_1316 {strides = array<i32>} : memref<10240xf32, #tpu.memory_space<vmem>>, vector<16xf32>,
        %add3A_1326 = arith.constant 5 : i32
        %add3A_1327 = arith.addi %add3A_1145, %add3A_1326 : i32
        %get3A_1328 = arith.index_cast %add3A_1327 : i32 to index
        %get3A_1329 = arith.constant 0 : index
        %get3A_1330 = tpu.vector_load %arg11[%get3A_1328, %get3A_1329] {strides = array<i32>} : memref<1280x64xf32, #tpu.memory_space<vmem>>, vector<16xf32>,
        %add3A_1331 = arith.constant 5 : i32
        %add3A_1332 = arith.addi %add3A_1145, %add3A_1331 : i32
        %get3A_1333 = arith.index_cast %add3A_1332 : i32 to index
        %get3A_1334 = arith.constant 16 : index
        %get3A_1335 = tpu.vector_load %arg11[%get3A_1333, %get3A_1334] {strides = array<i32>} : memref<1280x64xf32, #tpu.memory_space<vmem>>, vector<16xf32>,
        %add3A_1336 = arith.constant 5 : i32
        %add3A_1337 = arith.addi %add3A_1145, %add3A_1336 : i32
        %get3A_1338 = arith.index_cast %add3A_1337 : i32 to index
        %get3A_1339 = arith.constant 32 : index
        %get3A_1340 = tpu.vector_load %arg11[%get3A_1338, %get3A_1339] {strides = array<i32>} : memref<1280x64xf32, #tpu.memory_space<vmem>>, vector<16xf32>,
        %add3A_1341 = arith.constant 5 : i32
        %add3A_1342 = arith.addi %add3A_1145, %add3A_1341 : i32
        %get3A_1343 = arith.index_cast %add3A_1342 : i32 to index
        %get3A_1344 = arith.constant 48 : index
        %get3A_1345 = tpu.vector_load %arg11[%get3A_1343, %get3A_1344] {strides = array<i32>} : memref<1280x64xf32, #tpu.memory_space<vmem>>, vector<16xf32>,
        %mul3A_1346 = arith.mulf %get3A_1090, %get3A_1330 : vector<16xf32>
        %mul3A_1347 = arith.mulf %get3A_1098, %get3A_1335 : vector<16xf32>
        %add3A_1348 = arith.addf %mul3A_1346, %mul3A_1347 : vector<16xf32>
        %mul3A_1349 = arith.mulf %get3A_1106, %get3A_1340 : vector<16xf32>
        %add3A_1350 = arith.addf %add3A_1348, %mul3A_1349 : vector<16xf32>
        %mul3A_1351 = arith.mulf %get3A_1114, %get3A_1345 : vector<16xf32>
        %add3A_1352 = arith.addf %add3A_1350, %mul3A_1351 : vector<16xf32>
        %mul3A_1353 = arith.constant 20 : i32
        %mul3A_1354 = arith.muli %scan3A_1082, %mul3A_1353 : i32
        %add3A_1355 = arith.constant 5 : i32
        %add3A_1356 = arith.addi %mul3A_1354, %add3A_1355 : i32
        %mul3A_1357 = arith.constant 16 : i32
        %mul3A_1358 = arith.muli %add3A_1356, %mul3A_1357 : i32
        %multiple_of3A_1359 = tpu.assume_multiple %mul3A_1358, 8 : i32
        %swap3A_1360 = arith.index_cast %multiple_of3A_1359 : i32 to index
        %swap3A_1361 = tpu.vector_load %arg14[%swap3A_1360] {strides = array<i32>} : memref<10240xf32, #tpu.memory_space<vmem>>, vector<16xf32>,
        tpu.vector_store %arg14[%swap3A_1360], %add3A_1352 {strides = array<i32>} : memref<10240xf32, #tpu.memory_space<vmem>>, vector<16xf32>,
        %add3A_1362 = arith.constant 6 : i32
        %add3A_1363 = arith.addi %add3A_1145, %add3A_1362 : i32
        %get3A_1364 = arith.index_cast %add3A_1363 : i32 to index
        %get3A_1365 = arith.constant 0 : index
        %get3A_1366 = tpu.vector_load %arg11[%get3A_1364, %get3A_1365] {strides = array<i32>} : memref<1280x64xf32, #tpu.memory_space<vmem>>, vector<16xf32>,
        %add3A_1367 = arith.constant 6 : i32
        %add3A_1368 = arith.addi %add3A_1145, %add3A_1367 : i32
        %get3A_1369 = arith.index_cast %add3A_1368 : i32 to index
        %get3A_1370 = arith.constant 16 : index
        %get3A_1371 = tpu.vector_load %arg11[%get3A_1369, %get3A_1370] {strides = array<i32>} : memref<1280x64xf32, #tpu.memory_space<vmem>>, vector<16xf32>,
        %add3A_1372 = arith.constant 6 : i32
        %add3A_1373 = arith.addi %add3A_1145, %add3A_1372 : i32
        %get3A_1374 = arith.index_cast %add3A_1373 : i32 to index
        %get3A_1375 = arith.constant 32 : index
        %get3A_1376 = tpu.vector_load %arg11[%get3A_1374, %get3A_1375] {strides = array<i32>} : memref<1280x64xf32, #tpu.memory_space<vmem>>, vector<16xf32>,
        %add3A_1377 = arith.constant 6 : i32
        %add3A_1378 = arith.addi %add3A_1145, %add3A_1377 : i32
        %get3A_1379 = arith.index_cast %add3A_1378 : i32 to index
        %get3A_1380 = arith.constant 48 : index
        %get3A_1381 = tpu.vector_load %arg11[%get3A_1379, %get3A_1380] {strides = array<i32>} : memref<1280x64xf32, #tpu.memory_space<vmem>>, vector<16xf32>,
        %mul3A_1382 = arith.mulf %get3A_1090, %get3A_1366 : vector<16xf32>
        %mul3A_1383 = arith.mulf %get3A_1098, %get3A_1371 : vector<16xf32>
        %add3A_1384 = arith.addf %mul3A_1382, %mul3A_1383 : vector<16xf32>
        %mul3A_1385 = arith.mulf %get3A_1106, %get3A_1376 : vector<16xf32>
        %add3A_1386 = arith.addf %add3A_1384, %mul3A_1385 : vector<16xf32>
        %mul3A_1387 = arith.mulf %get3A_1114, %get3A_1381 : vector<16xf32>
        %add3A_1388 = arith.addf %add3A_1386, %mul3A_1387 : vector<16xf32>
        %mul3A_1389 = arith.constant 20 : i32
        %mul3A_1390 = arith.muli %scan3A_1082, %mul3A_1389 : i32
        %add3A_1391 = arith.constant 6 : i32
        %add3A_1392 = arith.addi %mul3A_1390, %add3A_1391 : i32
        %mul3A_1393 = arith.constant 16 : i32
        %mul3A_1394 = arith.muli %add3A_1392, %mul3A_1393 : i32
        %multiple_of3A_1395 = tpu.assume_multiple %mul3A_1394, 8 : i32
        %swap3A_1396 = arith.index_cast %multiple_of3A_1395 : i32 to index
        %swap3A_1397 = tpu.vector_load %arg14[%swap3A_1396] {strides = array<i32>} : memref<10240xf32, #tpu.memory_space<vmem>>, vector<16xf32>,
        tpu.vector_store %arg14[%swap3A_1396], %add3A_1388 {strides = array<i32>} : memref<10240xf32, #tpu.memory_space<vmem>>, vector<16xf32>,
        %add3A_1398 = arith.constant 7 : i32
        %add3A_1399 = arith.addi %add3A_1145, %add3A_1398 : i32
        %get3A_1400 = arith.index_cast %add3A_1399 : i32 to index
        %get3A_1401 = arith.constant 0 : index
        %get3A_1402 = tpu.vector_load %arg11[%get3A_1400, %get3A_1401] {strides = array<i32>} : memref<1280x64xf32, #tpu.memory_space<vmem>>, vector<16xf32>,
        %add3A_1403 = arith.constant 7 : i32
        %add3A_1404 = arith.addi %add3A_1145, %add3A_1403 : i32
        %get3A_1405 = arith.index_cast %add3A_1404 : i32 to index
        %get3A_1406 = arith.constant 16 : index
        %get3A_1407 = tpu.vector_load %arg11[%get3A_1405, %get3A_1406] {strides = array<i32>} : memref<1280x64xf32, #tpu.memory_space<vmem>>, vector<16xf32>,
        %add3A_1408 = arith.constant 7 : i32
        %add3A_1409 = arith.addi %add3A_1145, %add3A_1408 : i32
        %get3A_1410 = arith.index_cast %add3A_1409 : i32 to index
        %get3A_1411 = arith.constant 32 : index
        %get3A_1412 = tpu.vector_load %arg11[%get3A_1410, %get3A_1411] {strides = array<i32>} : memref<1280x64xf32, #tpu.memory_space<vmem>>, vector<16xf32>,
        %add3A_1413 = arith.constant 7 : i32
        %add3A_1414 = arith.addi %add3A_1145, %add3A_1413 : i32
        %get3A_1415 = arith.index_cast %add3A_1414 : i32 to index
        %get3A_1416 = arith.constant 48 : index
        %get3A_1417 = tpu.vector_load %arg11[%get3A_1415, %get3A_1416] {strides = array<i32>} : memref<1280x64xf32, #tpu.memory_space<vmem>>, vector<16xf32>,
        %mul3A_1418 = arith.mulf %get3A_1090, %get3A_1402 : vector<16xf32>
        %mul3A_1419 = arith.mulf %get3A_1098, %get3A_1407 : vector<16xf32>
        %add3A_1420 = arith.addf %mul3A_1418, %mul3A_1419 : vector<16xf32>
        %mul3A_1421 = arith.mulf %get3A_1106, %get3A_1412 : vector<16xf32>
        %add3A_1422 = arith.addf %add3A_1420, %mul3A_1421 : vector<16xf32>
        %mul3A_1423 = arith.mulf %get3A_1114, %get3A_1417 : vector<16xf32>
        %add3A_1424 = arith.addf %add3A_1422, %mul3A_1423 : vector<16xf32>
        %mul3A_1425 = arith.constant 20 : i32
        %mul3A_1426 = arith.muli %scan3A_1082, %mul3A_1425 : i32
        %add3A_1427 = arith.constant 7 : i32
        %add3A_1428 = arith.addi %mul3A_1426, %add3A_1427 : i32
        %mul3A_1429 = arith.constant 16 : i32
        %mul3A_1430 = arith.muli %add3A_1428, %mul3A_1429 : i32
        %multiple_of3A_1431 = tpu.assume_multiple %mul3A_1430, 8 : i32
        %swap3A_1432 = arith.index_cast %multiple_of3A_1431 : i32 to index
        %swap3A_1433 = tpu.vector_load %arg14[%swap3A_1432] {strides = array<i32>} : memref<10240xf32, #tpu.memory_space<vmem>>, vector<16xf32>,
        tpu.vector_store %arg14[%swap3A_1432], %add3A_1424 {strides = array<i32>} : memref<10240xf32, #tpu.memory_space<vmem>>, vector<16xf32>,
        %add3A_1434 = arith.constant 8 : i32
        %add3A_1435 = arith.addi %add3A_1145, %add3A_1434 : i32
        %get3A_1436 = arith.index_cast %add3A_1435 : i32 to index
        %get3A_1437 = arith.constant 0 : index
        %get3A_1438 = tpu.vector_load %arg11[%get3A_1436, %get3A_1437] {strides = array<i32>} : memref<1280x64xf32, #tpu.memory_space<vmem>>, vector<16xf32>,
        %add3A_1439 = arith.constant 8 : i32
        %add3A_1440 = arith.addi %add3A_1145, %add3A_1439 : i32
        %get3A_1441 = arith.index_cast %add3A_1440 : i32 to index
        %get3A_1442 = arith.constant 16 : index
        %get3A_1443 = tpu.vector_load %arg11[%get3A_1441, %get3A_1442] {strides = array<i32>} : memref<1280x64xf32, #tpu.memory_space<vmem>>, vector<16xf32>,
        %add3A_1444 = arith.constant 8 : i32
        %add3A_1445 = arith.addi %add3A_1145, %add3A_1444 : i32
        %get3A_1446 = arith.index_cast %add3A_1445 : i32 to index
        %get3A_1447 = arith.constant 32 : index
        %get3A_1448 = tpu.vector_load %arg11[%get3A_1446, %get3A_1447] {strides = array<i32>} : memref<1280x64xf32, #tpu.memory_space<vmem>>, vector<16xf32>,
        %add3A_1449 = arith.constant 8 : i32
        %add3A_1450 = arith.addi %add3A_1145, %add3A_1449 : i32
        %get3A_1451 = arith.index_cast %add3A_1450 : i32 to index
        %get3A_1452 = arith.constant 48 : index
        %get3A_1453 = tpu.vector_load %arg11[%get3A_1451, %get3A_1452] {strides = array<i32>} : memref<1280x64xf32, #tpu.memory_space<vmem>>, vector<16xf32>,
        %mul3A_1454 = arith.mulf %get3A_1090, %get3A_1438 : vector<16xf32>
        %mul3A_1455 = arith.mulf %get3A_1098, %get3A_1443 : vector<16xf32>
        %add3A_1456 = arith.addf %mul3A_1454, %mul3A_1455 : vector<16xf32>
        %mul3A_1457 = arith.mulf %get3A_1106, %get3A_1448 : vector<16xf32>
        %add3A_1458 = arith.addf %add3A_1456, %mul3A_1457 : vector<16xf32>
        %mul3A_1459 = arith.mulf %get3A_1114, %get3A_1453 : vector<16xf32>
        %add3A_1460 = arith.addf %add3A_1458, %mul3A_1459 : vector<16xf32>
        %mul3A_1461 = arith.constant 20 : i32
        %mul3A_1462 = arith.muli %scan3A_1082, %mul3A_1461 : i32
        %add3A_1463 = arith.constant 8 : i32
        %add3A_1464 = arith.addi %mul3A_1462, %add3A_1463 : i32
        %mul3A_1465 = arith.constant 16 : i32
        %mul3A_1466 = arith.muli %add3A_1464, %mul3A_1465 : i32
        %multiple_of3A_1467 = tpu.assume_multiple %mul3A_1466, 8 : i32
        %swap3A_1468 = arith.index_cast %multiple_of3A_1467 : i32 to index
        %swap3A_1469 = tpu.vector_load %arg14[%swap3A_1468] {strides = array<i32>} : memref<10240xf32, #tpu.memory_space<vmem>>, vector<16xf32>,
        tpu.vector_store %arg14[%swap3A_1468], %add3A_1460 {strides = array<i32>} : memref<10240xf32, #tpu.memory_space<vmem>>, vector<16xf32>,
        %add3A_1470 = arith.constant 9 : i32
        %add3A_1471 = arith.addi %add3A_1145, %add3A_1470 : i32
        %get3A_1472 = arith.index_cast %add3A_1471 : i32 to index
        %get3A_1473 = arith.constant 0 : index
        %get3A_1474 = tpu.vector_load %arg11[%get3A_1472, %get3A_1473] {strides = array<i32>} : memref<1280x64xf32, #tpu.memory_space<vmem>>, vector<16xf32>,
        %add3A_1475 = arith.constant 9 : i32
        %add3A_1476 = arith.addi %add3A_1145, %add3A_1475 : i32
        %get3A_1477 = arith.index_cast %add3A_1476 : i32 to index
        %get3A_1478 = arith.constant 16 : index
        %get3A_1479 = tpu.vector_load %arg11[%get3A_1477, %get3A_1478] {strides = array<i32>} : memref<1280x64xf32, #tpu.memory_space<vmem>>, vector<16xf32>,
        %add3A_1480 = arith.constant 9 : i32
        %add3A_1481 = arith.addi %add3A_1145, %add3A_1480 : i32
        %get3A_1482 = arith.index_cast %add3A_1481 : i32 to index
        %get3A_1483 = arith.constant 32 : index
        %get3A_1484 = tpu.vector_load %arg11[%get3A_1482, %get3A_1483] {strides = array<i32>} : memref<1280x64xf32, #tpu.memory_space<vmem>>, vector<16xf32>,
        %add3A_1485 = arith.constant 9 : i32
        %add3A_1486 = arith.addi %add3A_1145, %add3A_1485 : i32
        %get3A_1487 = arith.index_cast %add3A_1486 : i32 to index
        %get3A_1488 = arith.constant 48 : index
        %get3A_1489 = tpu.vector_load %arg11[%get3A_1487, %get3A_1488] {strides = array<i32>} : memref<1280x64xf32, #tpu.memory_space<vmem>>, vector<16xf32>,
        %mul3A_1490 = arith.mulf %get3A_1090, %get3A_1474 : vector<16xf32>
        %mul3A_1491 = arith.mulf %get3A_1098, %get3A_1479 : vector<16xf32>
        %add3A_1492 = arith.addf %mul3A_1490, %mul3A_1491 : vector<16xf32>
        %mul3A_1493 = arith.mulf %get3A_1106, %get3A_1484 : vector<16xf32>
        %add3A_1494 = arith.addf %add3A_1492, %mul3A_1493 : vector<16xf32>
        %mul3A_1495 = arith.mulf %get3A_1114, %get3A_1489 : vector<16xf32>
        %add3A_1496 = arith.addf %add3A_1494, %mul3A_1495 : vector<16xf32>
        %mul3A_1497 = arith.constant 20 : i32
        %mul3A_1498 = arith.muli %scan3A_1082, %mul3A_1497 : i32
        %add3A_1499 = arith.constant 9 : i32
        %add3A_1500 = arith.addi %mul3A_1498, %add3A_1499 : i32
        %mul3A_1501 = arith.constant 16 : i32
        %mul3A_1502 = arith.muli %add3A_1500, %mul3A_1501 : i32
        %multiple_of3A_1503 = tpu.assume_multiple %mul3A_1502, 8 : i32
        %swap3A_1504 = arith.index_cast %multiple_of3A_1503 : i32 to index
        %swap3A_1505 = tpu.vector_load %arg14[%swap3A_1504] {strides = array<i32>} : memref<10240xf32, #tpu.memory_space<vmem>>, vector<16xf32>,
        tpu.vector_store %arg14[%swap3A_1504], %add3A_1496 {strides = array<i32>} : memref<10240xf32, #tpu.memory_space<vmem>>, vector<16xf32>,
        %add3A_1506 = arith.constant 10 : i32
        %add3A_1507 = arith.addi %add3A_1145, %add3A_1506 : i32
        %get3A_1508 = arith.index_cast %add3A_1507 : i32 to index
        %get3A_1509 = arith.constant 0 : index
        %get3A_1510 = tpu.vector_load %arg11[%get3A_1508, %get3A_1509] {strides = array<i32>} : memref<1280x64xf32, #tpu.memory_space<vmem>>, vector<16xf32>,
        %add3A_1511 = arith.constant 10 : i32
        %add3A_1512 = arith.addi %add3A_1145, %add3A_1511 : i32
        %get3A_1513 = arith.index_cast %add3A_1512 : i32 to index
        %get3A_1514 = arith.constant 16 : index
        %get3A_1515 = tpu.vector_load %arg11[%get3A_1513, %get3A_1514] {strides = array<i32>} : memref<1280x64xf32, #tpu.memory_space<vmem>>, vector<16xf32>,
        %add3A_1516 = arith.constant 10 : i32
        %add3A_1517 = arith.addi %add3A_1145, %add3A_1516 : i32
        %get3A_1518 = arith.index_cast %add3A_1517 : i32 to index
        %get3A_1519 = arith.constant 32 : index
        %get3A_1520 = tpu.vector_load %arg11[%get3A_1518, %get3A_1519] {strides = array<i32>} : memref<1280x64xf32, #tpu.memory_space<vmem>>, vector<16xf32>,
        %add3A_1521 = arith.constant 10 : i32
        %add3A_1522 = arith.addi %add3A_1145, %add3A_1521 : i32
        %get3A_1523 = arith.index_cast %add3A_1522 : i32 to index
        %get3A_1524 = arith.constant 48 : index
        %get3A_1525 = tpu.vector_load %arg11[%get3A_1523, %get3A_1524] {strides = array<i32>} : memref<1280x64xf32, #tpu.memory_space<vmem>>, vector<16xf32>,
        %mul3A_1526 = arith.mulf %get3A_1090, %get3A_1510 : vector<16xf32>
        %mul3A_1527 = arith.mulf %get3A_1098, %get3A_1515 : vector<16xf32>
        %add3A_1528 = arith.addf %mul3A_1526, %mul3A_1527 : vector<16xf32>
        %mul3A_1529 = arith.mulf %get3A_1106, %get3A_1520 : vector<16xf32>
        %add3A_1530 = arith.addf %add3A_1528, %mul3A_1529 : vector<16xf32>
        %mul3A_1531 = arith.mulf %get3A_1114, %get3A_1525 : vector<16xf32>
        %add3A_1532 = arith.addf %add3A_1530, %mul3A_1531 : vector<16xf32>
        %mul3A_1533 = arith.constant 20 : i32
        %mul3A_1534 = arith.muli %scan3A_1082, %mul3A_1533 : i32
        %add3A_1535 = arith.constant 10 : i32
        %add3A_1536 = arith.addi %mul3A_1534, %add3A_1535 : i32
        %mul3A_1537 = arith.constant 16 : i32
        %mul3A_1538 = arith.muli %add3A_1536, %mul3A_1537 : i32
        %multiple_of3A_1539 = tpu.assume_multiple %mul3A_1538, 8 : i32
        %swap3A_1540 = arith.index_cast %multiple_of3A_1539 : i32 to index
        %swap3A_1541 = tpu.vector_load %arg14[%swap3A_1540] {strides = array<i32>} : memref<10240xf32, #tpu.memory_space<vmem>>, vector<16xf32>,
        tpu.vector_store %arg14[%swap3A_1540], %add3A_1532 {strides = array<i32>} : memref<10240xf32, #tpu.memory_space<vmem>>, vector<16xf32>,
        %add3A_1542 = arith.constant 11 : i32
        %add3A_1543 = arith.addi %add3A_1145, %add3A_1542 : i32
        %get3A_1544 = arith.index_cast %add3A_1543 : i32 to index
        %get3A_1545 = arith.constant 0 : index
        %get3A_1546 = tpu.vector_load %arg11[%get3A_1544, %get3A_1545] {strides = array<i32>} : memref<1280x64xf32, #tpu.memory_space<vmem>>, vector<16xf32>,
        %add3A_1547 = arith.constant 11 : i32
        %add3A_1548 = arith.addi %add3A_1145, %add3A_1547 : i32
        %get3A_1549 = arith.index_cast %add3A_1548 : i32 to index
        %get3A_1550 = arith.constant 16 : index
        %get3A_1551 = tpu.vector_load %arg11[%get3A_1549, %get3A_1550] {strides = array<i32>} : memref<1280x64xf32, #tpu.memory_space<vmem>>, vector<16xf32>,
        %add3A_1552 = arith.constant 11 : i32
        %add3A_1553 = arith.addi %add3A_1145, %add3A_1552 : i32
        %get3A_1554 = arith.index_cast %add3A_1553 : i32 to index
        %get3A_1555 = arith.constant 32 : index
        %get3A_1556 = tpu.vector_load %arg11[%get3A_1554, %get3A_1555] {strides = array<i32>} : memref<1280x64xf32, #tpu.memory_space<vmem>>, vector<16xf32>,
        %add3A_1557 = arith.constant 11 : i32
        %add3A_1558 = arith.addi %add3A_1145, %add3A_1557 : i32
        %get3A_1559 = arith.index_cast %add3A_1558 : i32 to index
        %get3A_1560 = arith.constant 48 : index
        %get3A_1561 = tpu.vector_load %arg11[%get3A_1559, %get3A_1560] {strides = array<i32>} : memref<1280x64xf32, #tpu.memory_space<vmem>>, vector<16xf32>,
        %mul3A_1562 = arith.mulf %get3A_1090, %get3A_1546 : vector<16xf32>
        %mul3A_1563 = arith.mulf %get3A_1098, %get3A_1551 : vector<16xf32>
        %add3A_1564 = arith.addf %mul3A_1562, %mul3A_1563 : vector<16xf32>
        %mul3A_1565 = arith.mulf %get3A_1106, %get3A_1556 : vector<16xf32>
        %add3A_1566 = arith.addf %add3A_1564, %mul3A_1565 : vector<16xf32>
        %mul3A_1567 = arith.mulf %get3A_1114, %get3A_1561 : vector<16xf32>
        %add3A_1568 = arith.addf %add3A_1566, %mul3A_1567 : vector<16xf32>
        %mul3A_1569 = arith.constant 20 : i32
        %mul3A_1570 = arith.muli %scan3A_1082, %mul3A_1569 : i32
        %add3A_1571 = arith.constant 11 : i32
        %add3A_1572 = arith.addi %mul3A_1570, %add3A_1571 : i32
        %mul3A_1573 = arith.constant 16 : i32
        %mul3A_1574 = arith.muli %add3A_1572, %mul3A_1573 : i32
        %multiple_of3A_1575 = tpu.assume_multiple %mul3A_1574, 8 : i32
        %swap3A_1576 = arith.index_cast %multiple_of3A_1575 : i32 to index
        %swap3A_1577 = tpu.vector_load %arg14[%swap3A_1576] {strides = array<i32>} : memref<10240xf32, #tpu.memory_space<vmem>>, vector<16xf32>,
        tpu.vector_store %arg14[%swap3A_1576], %add3A_1568 {strides = array<i32>} : memref<10240xf32, #tpu.memory_space<vmem>>, vector<16xf32>,
        %add3A_1578 = arith.constant 12 : i32
        %add3A_1579 = arith.addi %add3A_1145, %add3A_1578 : i32
        %get3A_1580 = arith.index_cast %add3A_1579 : i32 to index
        %get3A_1581 = arith.constant 0 : index
        %get3A_1582 = tpu.vector_load %arg11[%get3A_1580, %get3A_1581] {strides = array<i32>} : memref<1280x64xf32, #tpu.memory_space<vmem>>, vector<16xf32>,
        %add3A_1583 = arith.constant 12 : i32
        %add3A_1584 = arith.addi %add3A_1145, %add3A_1583 : i32
        %get3A_1585 = arith.index_cast %add3A_1584 : i32 to index
        %get3A_1586 = arith.constant 16 : index
        %get3A_1587 = tpu.vector_load %arg11[%get3A_1585, %get3A_1586] {strides = array<i32>} : memref<1280x64xf32, #tpu.memory_space<vmem>>, vector<16xf32>,
        %add3A_1588 = arith.constant 12 : i32
        %add3A_1589 = arith.addi %add3A_1145, %add3A_1588 : i32
        %get3A_1590 = arith.index_cast %add3A_1589 : i32 to index
        %get3A_1591 = arith.constant 32 : index
        %get3A_1592 = tpu.vector_load %arg11[%get3A_1590, %get3A_1591] {strides = array<i32>} : memref<1280x64xf32, #tpu.memory_space<vmem>>, vector<16xf32>,
        %add3A_1593 = arith.constant 12 : i32
        %add3A_1594 = arith.addi %add3A_1145, %add3A_1593 : i32
        %get3A_1595 = arith.index_cast %add3A_1594 : i32 to index
        %get3A_1596 = arith.constant 48 : index
        %get3A_1597 = tpu.vector_load %arg11[%get3A_1595, %get3A_1596] {strides = array<i32>} : memref<1280x64xf32, #tpu.memory_space<vmem>>, vector<16xf32>,
        %mul3A_1598 = arith.mulf %get3A_1090, %get3A_1582 : vector<16xf32>
        %mul3A_1599 = arith.mulf %get3A_1098, %get3A_1587 : vector<16xf32>
        %add3A_1600 = arith.addf %mul3A_1598, %mul3A_1599 : vector<16xf32>
        %mul3A_1601 = arith.mulf %get3A_1106, %get3A_1592 : vector<16xf32>
        %add3A_1602 = arith.addf %add3A_1600, %mul3A_1601 : vector<16xf32>
        %mul3A_1603 = arith.mulf %get3A_1114, %get3A_1597 : vector<16xf32>
        %add3A_1604 = arith.addf %add3A_1602, %mul3A_1603 : vector<16xf32>
        %mul3A_1605 = arith.constant 20 : i32
        %mul3A_1606 = arith.muli %scan3A_1082, %mul3A_1605 : i32
        %add3A_1607 = arith.constant 12 : i32
        %add3A_1608 = arith.addi %mul3A_1606, %add3A_1607 : i32
        %mul3A_1609 = arith.constant 16 : i32
        %mul3A_1610 = arith.muli %add3A_1608, %mul3A_1609 : i32
        %multiple_of3A_1611 = tpu.assume_multiple %mul3A_1610, 8 : i32
        %swap3A_1612 = arith.index_cast %multiple_of3A_1611 : i32 to index
        %swap3A_1613 = tpu.vector_load %arg14[%swap3A_1612] {strides = array<i32>} : memref<10240xf32, #tpu.memory_space<vmem>>, vector<16xf32>,
        tpu.vector_store %arg14[%swap3A_1612], %add3A_1604 {strides = array<i32>} : memref<10240xf32, #tpu.memory_space<vmem>>, vector<16xf32>,
        %add3A_1614 = arith.constant 13 : i32
        %add3A_1615 = arith.addi %add3A_1145, %add3A_1614 : i32
        %get3A_1616 = arith.index_cast %add3A_1615 : i32 to index
        %get3A_1617 = arith.constant 0 : index
        %get3A_1618 = tpu.vector_load %arg11[%get3A_1616, %get3A_1617] {strides = array<i32>} : memref<1280x64xf32, #tpu.memory_space<vmem>>, vector<16xf32>,
        %add3A_1619 = arith.constant 13 : i32
        %add3A_1620 = arith.addi %add3A_1145, %add3A_1619 : i32
        %get3A_1621 = arith.index_cast %add3A_1620 : i32 to index
        %get3A_1622 = arith.constant 16 : index
        %get3A_1623 = tpu.vector_load %arg11[%get3A_1621, %get3A_1622] {strides = array<i32>} : memref<1280x64xf32, #tpu.memory_space<vmem>>, vector<16xf32>,
        %add3A_1624 = arith.constant 13 : i32
        %add3A_1625 = arith.addi %add3A_1145, %add3A_1624 : i32
        %get3A_1626 = arith.index_cast %add3A_1625 : i32 to index
        %get3A_1627 = arith.constant 32 : index
        %get3A_1628 = tpu.vector_load %arg11[%get3A_1626, %get3A_1627] {strides = array<i32>} : memref<1280x64xf32, #tpu.memory_space<vmem>>, vector<16xf32>,
        %add3A_1629 = arith.constant 13 : i32
        %add3A_1630 = arith.addi %add3A_1145, %add3A_1629 : i32
        %get3A_1631 = arith.index_cast %add3A_1630 : i32 to index
        %get3A_1632 = arith.constant 48 : index
        %get3A_1633 = tpu.vector_load %arg11[%get3A_1631, %get3A_1632] {strides = array<i32>} : memref<1280x64xf32, #tpu.memory_space<vmem>>, vector<16xf32>,
        %mul3A_1634 = arith.mulf %get3A_1090, %get3A_1618 : vector<16xf32>
        %mul3A_1635 = arith.mulf %get3A_1098, %get3A_1623 : vector<16xf32>
        %add3A_1636 = arith.addf %mul3A_1634, %mul3A_1635 : vector<16xf32>
        %mul3A_1637 = arith.mulf %get3A_1106, %get3A_1628 : vector<16xf32>
        %add3A_1638 = arith.addf %add3A_1636, %mul3A_1637 : vector<16xf32>
        %mul3A_1639 = arith.mulf %get3A_1114, %get3A_1633 : vector<16xf32>
        %add3A_1640 = arith.addf %add3A_1638, %mul3A_1639 : vector<16xf32>
        %mul3A_1641 = arith.constant 20 : i32
        %mul3A_1642 = arith.muli %scan3A_1082, %mul3A_1641 : i32
        %add3A_1643 = arith.constant 13 : i32
        %add3A_1644 = arith.addi %mul3A_1642, %add3A_1643 : i32
        %mul3A_1645 = arith.constant 16 : i32
        %mul3A_1646 = arith.muli %add3A_1644, %mul3A_1645 : i32
        %multiple_of3A_1647 = tpu.assume_multiple %mul3A_1646, 8 : i32
        %swap3A_1648 = arith.index_cast %multiple_of3A_1647 : i32 to index
        %swap3A_1649 = tpu.vector_load %arg14[%swap3A_1648] {strides = array<i32>} : memref<10240xf32, #tpu.memory_space<vmem>>, vector<16xf32>,
        tpu.vector_store %arg14[%swap3A_1648], %add3A_1640 {strides = array<i32>} : memref<10240xf32, #tpu.memory_space<vmem>>, vector<16xf32>,
        %add3A_1650 = arith.constant 14 : i32
        %add3A_1651 = arith.addi %add3A_1145, %add3A_1650 : i32
        %get3A_1652 = arith.index_cast %add3A_1651 : i32 to index
        %get3A_1653 = arith.constant 0 : index
        %get3A_1654 = tpu.vector_load %arg11[%get3A_1652, %get3A_1653] {strides = array<i32>} : memref<1280x64xf32, #tpu.memory_space<vmem>>, vector<16xf32>,
        %add3A_1655 = arith.constant 14 : i32
        %add3A_1656 = arith.addi %add3A_1145, %add3A_1655 : i32
        %get3A_1657 = arith.index_cast %add3A_1656 : i32 to index
        %get3A_1658 = arith.constant 16 : index
        %get3A_1659 = tpu.vector_load %arg11[%get3A_1657, %get3A_1658] {strides = array<i32>} : memref<1280x64xf32, #tpu.memory_space<vmem>>, vector<16xf32>,
        %add3A_1660 = arith.constant 14 : i32
        %add3A_1661 = arith.addi %add3A_1145, %add3A_1660 : i32
        %get3A_1662 = arith.index_cast %add3A_1661 : i32 to index
        %get3A_1663 = arith.constant 32 : index
        %get3A_1664 = tpu.vector_load %arg11[%get3A_1662, %get3A_1663] {strides = array<i32>} : memref<1280x64xf32, #tpu.memory_space<vmem>>, vector<16xf32>,
        %add3A_1665 = arith.constant 14 : i32
        %add3A_1666 = arith.addi %add3A_1145, %add3A_1665 : i32
        %get3A_1667 = arith.index_cast %add3A_1666 : i32 to index
        %get3A_1668 = arith.constant 48 : index
        %get3A_1669 = tpu.vector_load %arg11[%get3A_1667, %get3A_1668] {strides = array<i32>} : memref<1280x64xf32, #tpu.memory_space<vmem>>, vector<16xf32>,
        %mul3A_1670 = arith.mulf %get3A_1090, %get3A_1654 : vector<16xf32>
        %mul3A_1671 = arith.mulf %get3A_1098, %get3A_1659 : vector<16xf32>
        %add3A_1672 = arith.addf %mul3A_1670, %mul3A_1671 : vector<16xf32>
        %mul3A_1673 = arith.mulf %get3A_1106, %get3A_1664 : vector<16xf32>
        %add3A_1674 = arith.addf %add3A_1672, %mul3A_1673 : vector<16xf32>
        %mul3A_1675 = arith.mulf %get3A_1114, %get3A_1669 : vector<16xf32>
        %add3A_1676 = arith.addf %add3A_1674, %mul3A_1675 : vector<16xf32>
        %mul3A_1677 = arith.constant 20 : i32
        %mul3A_1678 = arith.muli %scan3A_1082, %mul3A_1677 : i32
        %add3A_1679 = arith.constant 14 : i32
        %add3A_1680 = arith.addi %mul3A_1678, %add3A_1679 : i32
        %mul3A_1681 = arith.constant 16 : i32
        %mul3A_1682 = arith.muli %add3A_1680, %mul3A_1681 : i32
        %multiple_of3A_1683 = tpu.assume_multiple %mul3A_1682, 8 : i32
        %swap3A_1684 = arith.index_cast %multiple_of3A_1683 : i32 to index
        %swap3A_1685 = tpu.vector_load %arg14[%swap3A_1684] {strides = array<i32>} : memref<10240xf32, #tpu.memory_space<vmem>>, vector<16xf32>,
        tpu.vector_store %arg14[%swap3A_1684], %add3A_1676 {strides = array<i32>} : memref<10240xf32, #tpu.memory_space<vmem>>, vector<16xf32>,
        %add3A_1686 = arith.constant 15 : i32
        %add3A_1687 = arith.addi %add3A_1145, %add3A_1686 : i32
        %get3A_1688 = arith.index_cast %add3A_1687 : i32 to index
        %get3A_1689 = arith.constant 0 : index
        %get3A_1690 = tpu.vector_load %arg11[%get3A_1688, %get3A_1689] {strides = array<i32>} : memref<1280x64xf32, #tpu.memory_space<vmem>>, vector<16xf32>,
        %add3A_1691 = arith.constant 15 : i32
        %add3A_1692 = arith.addi %add3A_1145, %add3A_1691 : i32
        %get3A_1693 = arith.index_cast %add3A_1692 : i32 to index
        %get3A_1694 = arith.constant 16 : index
        %get3A_1695 = tpu.vector_load %arg11[%get3A_1693, %get3A_1694] {strides = array<i32>} : memref<1280x64xf32, #tpu.memory_space<vmem>>, vector<16xf32>,
        %add3A_1696 = arith.constant 15 : i32
        %add3A_1697 = arith.addi %add3A_1145, %add3A_1696 : i32
        %get3A_1698 = arith.index_cast %add3A_1697 : i32 to index
        %get3A_1699 = arith.constant 32 : index
        %get3A_1700 = tpu.vector_load %arg11[%get3A_1698, %get3A_1699] {strides = array<i32>} : memref<1280x64xf32, #tpu.memory_space<vmem>>, vector<16xf32>,
        %add3A_1701 = arith.constant 15 : i32
        %add3A_1702 = arith.addi %add3A_1145, %add3A_1701 : i32
        %get3A_1703 = arith.index_cast %add3A_1702 : i32 to index
        %get3A_1704 = arith.constant 48 : index
        %get3A_1705 = tpu.vector_load %arg11[%get3A_1703, %get3A_1704] {strides = array<i32>} : memref<1280x64xf32, #tpu.memory_space<vmem>>, vector<16xf32>,
        %mul3A_1706 = arith.mulf %get3A_1090, %get3A_1690 : vector<16xf32>
        %mul3A_1707 = arith.mulf %get3A_1098, %get3A_1695 : vector<16xf32>
        %add3A_1708 = arith.addf %mul3A_1706, %mul3A_1707 : vector<16xf32>
        %mul3A_1709 = arith.mulf %get3A_1106, %get3A_1700 : vector<16xf32>
        %add3A_1710 = arith.addf %add3A_1708, %mul3A_1709 : vector<16xf32>
        %mul3A_1711 = arith.mulf %get3A_1114, %get3A_1705 : vector<16xf32>
        %add3A_1712 = arith.addf %add3A_1710, %mul3A_1711 : vector<16xf32>
        %mul3A_1713 = arith.constant 20 : i32
        %mul3A_1714 = arith.muli %scan3A_1082, %mul3A_1713 : i32
        %add3A_1715 = arith.constant 15 : i32
        %add3A_1716 = arith.addi %mul3A_1714, %add3A_1715 : i32
        %mul3A_1717 = arith.constant 16 : i32
        %mul3A_1718 = arith.muli %add3A_1716, %mul3A_1717 : i32
        %multiple_of3A_1719 = tpu.assume_multiple %mul3A_1718, 8 : i32
        %swap3A_1720 = arith.index_cast %multiple_of3A_1719 : i32 to index
        %swap3A_1721 = tpu.vector_load %arg14[%swap3A_1720] {strides = array<i32>} : memref<10240xf32, #tpu.memory_space<vmem>>, vector<16xf32>,
        tpu.vector_store %arg14[%swap3A_1720], %add3A_1712 {strides = array<i32>} : memref<10240xf32, #tpu.memory_space<vmem>>, vector<16xf32>,
        %add3A_1722 = arith.constant 16 : i32
        %add3A_1723 = arith.addi %add3A_1145, %add3A_1722 : i32
        %get3A_1724 = arith.index_cast %add3A_1723 : i32 to index
        %get3A_1725 = arith.constant 0 : index
        %get3A_1726 = tpu.vector_load %arg11[%get3A_1724, %get3A_1725] {strides = array<i32>} : memref<1280x64xf32, #tpu.memory_space<vmem>>, vector<16xf32>,
        %add3A_1727 = arith.constant 16 : i32
        %add3A_1728 = arith.addi %add3A_1145, %add3A_1727 : i32
        %get3A_1729 = arith.index_cast %add3A_1728 : i32 to index
        %get3A_1730 = arith.constant 16 : index
        %get3A_1731 = tpu.vector_load %arg11[%get3A_1729, %get3A_1730] {strides = array<i32>} : memref<1280x64xf32, #tpu.memory_space<vmem>>, vector<16xf32>,
        %add3A_1732 = arith.constant 16 : i32
        %add3A_1733 = arith.addi %add3A_1145, %add3A_1732 : i32
        %get3A_1734 = arith.index_cast %add3A_1733 : i32 to index
        %get3A_1735 = arith.constant 32 : index
        %get3A_1736 = tpu.vector_load %arg11[%get3A_1734, %get3A_1735] {strides = array<i32>} : memref<1280x64xf32, #tpu.memory_space<vmem>>, vector<16xf32>,
        %add3A_1737 = arith.constant 16 : i32
        %add3A_1738 = arith.addi %add3A_1145, %add3A_1737 : i32
        %get3A_1739 = arith.index_cast %add3A_1738 : i32 to index
        %get3A_1740 = arith.constant 48 : index
        %get3A_1741 = tpu.vector_load %arg11[%get3A_1739, %get3A_1740] {strides = array<i32>} : memref<1280x64xf32, #tpu.memory_space<vmem>>, vector<16xf32>,
        %mul3A_1742 = arith.mulf %get3A_1090, %get3A_1726 : vector<16xf32>
        %mul3A_1743 = arith.mulf %get3A_1098, %get3A_1731 : vector<16xf32>
        %add3A_1744 = arith.addf %mul3A_1742, %mul3A_1743 : vector<16xf32>
        %mul3A_1745 = arith.mulf %get3A_1106, %get3A_1736 : vector<16xf32>
        %add3A_1746 = arith.addf %add3A_1744, %mul3A_1745 : vector<16xf32>
        %mul3A_1747 = arith.mulf %get3A_1114, %get3A_1741 : vector<16xf32>
        %add3A_1748 = arith.addf %add3A_1746, %mul3A_1747 : vector<16xf32>
        %mul3A_1749 = arith.constant 20 : i32
        %mul3A_1750 = arith.muli %scan3A_1082, %mul3A_1749 : i32
        %add3A_1751 = arith.constant 16 : i32
        %add3A_1752 = arith.addi %mul3A_1750, %add3A_1751 : i32
        %mul3A_1753 = arith.constant 16 : i32
        %mul3A_1754 = arith.muli %add3A_1752, %mul3A_1753 : i32
        %multiple_of3A_1755 = tpu.assume_multiple %mul3A_1754, 8 : i32
        %swap3A_1756 = arith.index_cast %multiple_of3A_1755 : i32 to index
        %swap3A_1757 = tpu.vector_load %arg14[%swap3A_1756] {strides = array<i32>} : memref<10240xf32, #tpu.memory_space<vmem>>, vector<16xf32>,
        tpu.vector_store %arg14[%swap3A_1756], %add3A_1748 {strides = array<i32>} : memref<10240xf32, #tpu.memory_space<vmem>>, vector<16xf32>,
        %add3A_1758 = arith.constant 17 : i32
        %add3A_1759 = arith.addi %add3A_1145, %add3A_1758 : i32
        %get3A_1760 = arith.index_cast %add3A_1759 : i32 to index
        %get3A_1761 = arith.constant 0 : index
        %get3A_1762 = tpu.vector_load %arg11[%get3A_1760, %get3A_1761] {strides = array<i32>} : memref<1280x64xf32, #tpu.memory_space<vmem>>, vector<16xf32>,
        %add3A_1763 = arith.constant 17 : i32
        %add3A_1764 = arith.addi %add3A_1145, %add3A_1763 : i32
        %get3A_1765 = arith.index_cast %add3A_1764 : i32 to index
        %get3A_1766 = arith.constant 16 : index
        %get3A_1767 = tpu.vector_load %arg11[%get3A_1765, %get3A_1766] {strides = array<i32>} : memref<1280x64xf32, #tpu.memory_space<vmem>>, vector<16xf32>,
        %add3A_1768 = arith.constant 17 : i32
        %add3A_1769 = arith.addi %add3A_1145, %add3A_1768 : i32
        %get3A_1770 = arith.index_cast %add3A_1769 : i32 to index
        %get3A_1771 = arith.constant 32 : index
        %get3A_1772 = tpu.vector_load %arg11[%get3A_1770, %get3A_1771] {strides = array<i32>} : memref<1280x64xf32, #tpu.memory_space<vmem>>, vector<16xf32>,
        %add3A_1773 = arith.constant 17 : i32
        %add3A_1774 = arith.addi %add3A_1145, %add3A_1773 : i32
        %get3A_1775 = arith.index_cast %add3A_1774 : i32 to index
        %get3A_1776 = arith.constant 48 : index
        %get3A_1777 = tpu.vector_load %arg11[%get3A_1775, %get3A_1776] {strides = array<i32>} : memref<1280x64xf32, #tpu.memory_space<vmem>>, vector<16xf32>,
        %mul3A_1778 = arith.mulf %get3A_1090, %get3A_1762 : vector<16xf32>
        %mul3A_1779 = arith.mulf %get3A_1098, %get3A_1767 : vector<16xf32>
        %add3A_1780 = arith.addf %mul3A_1778, %mul3A_1779 : vector<16xf32>
        %mul3A_1781 = arith.mulf %get3A_1106, %get3A_1772 : vector<16xf32>
        %add3A_1782 = arith.addf %add3A_1780, %mul3A_1781 : vector<16xf32>
        %mul3A_1783 = arith.mulf %get3A_1114, %get3A_1777 : vector<16xf32>
        %add3A_1784 = arith.addf %add3A_1782, %mul3A_1783 : vector<16xf32>
        %mul3A_1785 = arith.constant 20 : i32
        %mul3A_1786 = arith.muli %scan3A_1082, %mul3A_1785 : i32
        %add3A_1787 = arith.constant 17 : i32
        %add3A_1788 = arith.addi %mul3A_1786, %add3A_1787 : i32
        %mul3A_1789 = arith.constant 16 : i32
        %mul3A_1790 = arith.muli %add3A_1788, %mul3A_1789 : i32
        %multiple_of3A_1791 = tpu.assume_multiple %mul3A_1790, 8 : i32
        %swap3A_1792 = arith.index_cast %multiple_of3A_1791 : i32 to index
        %swap3A_1793 = tpu.vector_load %arg14[%swap3A_1792] {strides = array<i32>} : memref<10240xf32, #tpu.memory_space<vmem>>, vector<16xf32>,
        tpu.vector_store %arg14[%swap3A_1792], %add3A_1784 {strides = array<i32>} : memref<10240xf32, #tpu.memory_space<vmem>>, vector<16xf32>,
        %add3A_1794 = arith.constant 18 : i32
        %add3A_1795 = arith.addi %add3A_1145, %add3A_1794 : i32
        %get3A_1796 = arith.index_cast %add3A_1795 : i32 to index
        %get3A_1797 = arith.constant 0 : index
        %get3A_1798 = tpu.vector_load %arg11[%get3A_1796, %get3A_1797] {strides = array<i32>} : memref<1280x64xf32, #tpu.memory_space<vmem>>, vector<16xf32>,
        %add3A_1799 = arith.constant 18 : i32
        %add3A_1800 = arith.addi %add3A_1145, %add3A_1799 : i32
        %get3A_1801 = arith.index_cast %add3A_1800 : i32 to index
        %get3A_1802 = arith.constant 16 : index
        %get3A_1803 = tpu.vector_load %arg11[%get3A_1801, %get3A_1802] {strides = array<i32>} : memref<1280x64xf32, #tpu.memory_space<vmem>>, vector<16xf32>,
        %add3A_1804 = arith.constant 18 : i32
        %add3A_1805 = arith.addi %add3A_1145, %add3A_1804 : i32
        %get3A_1806 = arith.index_cast %add3A_1805 : i32 to index
        %get3A_1807 = arith.constant 32 : index
        %get3A_1808 = tpu.vector_load %arg11[%get3A_1806, %get3A_1807] {strides = array<i32>} : memref<1280x64xf32, #tpu.memory_space<vmem>>, vector<16xf32>,
        %add3A_1809 = arith.constant 18 : i32
        %add3A_1810 = arith.addi %add3A_1145, %add3A_1809 : i32
        %get3A_1811 = arith.index_cast %add3A_1810 : i32 to index
        %get3A_1812 = arith.constant 48 : index
        %get3A_1813 = tpu.vector_load %arg11[%get3A_1811, %get3A_1812] {strides = array<i32>} : memref<1280x64xf32, #tpu.memory_space<vmem>>, vector<16xf32>,
        %mul3A_1814 = arith.mulf %get3A_1090, %get3A_1798 : vector<16xf32>
        %mul3A_1815 = arith.mulf %get3A_1098, %get3A_1803 : vector<16xf32>
        %add3A_1816 = arith.addf %mul3A_1814, %mul3A_1815 : vector<16xf32>
        %mul3A_1817 = arith.mulf %get3A_1106, %get3A_1808 : vector<16xf32>
        %add3A_1818 = arith.addf %add3A_1816, %mul3A_1817 : vector<16xf32>
        %mul3A_1819 = arith.mulf %get3A_1114, %get3A_1813 : vector<16xf32>
        %add3A_1820 = arith.addf %add3A_1818, %mul3A_1819 : vector<16xf32>
        %mul3A_1821 = arith.constant 20 : i32
        %mul3A_1822 = arith.muli %scan3A_1082, %mul3A_1821 : i32
        %add3A_1823 = arith.constant 18 : i32
        %add3A_1824 = arith.addi %mul3A_1822, %add3A_1823 : i32
        %mul3A_1825 = arith.constant 16 : i32
        %mul3A_1826 = arith.muli %add3A_1824, %mul3A_1825 : i32
        %multiple_of3A_1827 = tpu.assume_multiple %mul3A_1826, 8 : i32
        %swap3A_1828 = arith.index_cast %multiple_of3A_1827 : i32 to index
        %swap3A_1829 = tpu.vector_load %arg14[%swap3A_1828] {strides = array<i32>} : memref<10240xf32, #tpu.memory_space<vmem>>, vector<16xf32>,
        tpu.vector_store %arg14[%swap3A_1828], %add3A_1820 {strides = array<i32>} : memref<10240xf32, #tpu.memory_space<vmem>>, vector<16xf32>,
        %add3A_1830 = arith.constant 19 : i32
        %add3A_1831 = arith.addi %add3A_1145, %add3A_1830 : i32
        %get3A_1832 = arith.index_cast %add3A_1831 : i32 to index
        %get3A_1833 = arith.constant 0 : index
        %get3A_1834 = tpu.vector_load %arg11[%get3A_1832, %get3A_1833] {strides = array<i32>} : memref<1280x64xf32, #tpu.memory_space<vmem>>, vector<16xf32>,
        %add3A_1835 = arith.constant 19 : i32
        %add3A_1836 = arith.addi %add3A_1145, %add3A_1835 : i32
        %get3A_1837 = arith.index_cast %add3A_1836 : i32 to index
        %get3A_1838 = arith.constant 16 : index
        %get3A_1839 = tpu.vector_load %arg11[%get3A_1837, %get3A_1838] {strides = array<i32>} : memref<1280x64xf32, #tpu.memory_space<vmem>>, vector<16xf32>,
        %add3A_1840 = arith.constant 19 : i32
        %add3A_1841 = arith.addi %add3A_1145, %add3A_1840 : i32
        %get3A_1842 = arith.index_cast %add3A_1841 : i32 to index
        %get3A_1843 = arith.constant 32 : index
        %get3A_1844 = tpu.vector_load %arg11[%get3A_1842, %get3A_1843] {strides = array<i32>} : memref<1280x64xf32, #tpu.memory_space<vmem>>, vector<16xf32>,
        %add3A_1845 = arith.constant 19 : i32
        %add3A_1846 = arith.addi %add3A_1145, %add3A_1845 : i32
        %get3A_1847 = arith.index_cast %add3A_1846 : i32 to index
        %get3A_1848 = arith.constant 48 : index
        %get3A_1849 = tpu.vector_load %arg11[%get3A_1847, %get3A_1848] {strides = array<i32>} : memref<1280x64xf32, #tpu.memory_space<vmem>>, vector<16xf32>,
        %mul3A_1850 = arith.mulf %get3A_1090, %get3A_1834 : vector<16xf32>
        %mul3A_1851 = arith.mulf %get3A_1098, %get3A_1839 : vector<16xf32>
        %add3A_1852 = arith.addf %mul3A_1850, %mul3A_1851 : vector<16xf32>
        %mul3A_1853 = arith.mulf %get3A_1106, %get3A_1844 : vector<16xf32>
        %add3A_1854 = arith.addf %add3A_1852, %mul3A_1853 : vector<16xf32>
        %mul3A_1855 = arith.mulf %get3A_1114, %get3A_1849 : vector<16xf32>
        %add3A_1856 = arith.addf %add3A_1854, %mul3A_1855 : vector<16xf32>
        %mul3A_1857 = arith.constant 20 : i32
        %mul3A_1858 = arith.muli %scan3A_1082, %mul3A_1857 : i32
        %add3A_1859 = arith.constant 19 : i32
        %add3A_1860 = arith.addi %mul3A_1858, %add3A_1859 : i32
        %mul3A_1861 = arith.constant 16 : i32
        %mul3A_1862 = arith.muli %add3A_1860, %mul3A_1861 : i32
        %multiple_of3A_1863 = tpu.assume_multiple %mul3A_1862, 8 : i32
        %swap3A_1864 = arith.index_cast %multiple_of3A_1863 : i32 to index
        %swap3A_1865 = tpu.vector_load %arg14[%swap3A_1864] {strides = array<i32>} : memref<10240xf32, #tpu.memory_space<vmem>>, vector<16xf32>,
        tpu.vector_store %arg14[%swap3A_1864], %add3A_1856 {strides = array<i32>} : memref<10240xf32, #tpu.memory_space<vmem>>, vector<16xf32>,
      }
      %scan3A_264 = arith.constant 32 : i32
      %scan3A_265 = arith.constant 0 : i32
      %scan3A_266 = arith.constant 0 : i32
      %scan3A_267 = arith.constant 2 : i32
      %scan3A_268 = arith.addi %scan3A_266, %scan3A_267 : i32
      %scan3A_269 = arith.constant 1 : i32
      scf.for %scan3A_299 = %scan3A_266 to %scan3A_268 step %scan3A_269  : i32 {
        %mul3A_300 = arith.constant 256 : i32
        %mul3A_301 = arith.muli %scan3A_299, %mul3A_300 : i32
        %mul3A_302 = arith.constant 16 : i32
        %mul3A_303 = vector.broadcast %mul3A_302 : i32 to vector<16xi32>
        %mul3A_304 = arith.muli %iota3A, %mul3A_303 : vector<16xi32>
        %add3A_305 = vector.broadcast %mul3A_301 : i32 to vector<16xi32>
        %add3A_306 = arith.addi %add3A_305, %mul3A_304 : vector<16xi32>
        %gather3A = tpu.vector_load_idx %arg13[%add3A_306] : memref<512xf32, #tpu.memory_space<vmem>>[vector<16xi32>], vector<16xf32>,
        %mul3A_307 = arith.constant 16 : i32
        %mul3A_308 = vector.broadcast %mul3A_307 : i32 to vector<16xi32>
        %mul3A_309 = arith.muli %iota3A, %mul3A_308 : vector<16xi32>
        %add3A_310 = vector.broadcast %mul3A_301 : i32 to vector<16xi32>
        %add3A_311 = arith.addi %add3A_310, %mul3A_309 : vector<16xi32>
        %add3A_312 = arith.constant 1 : i32
        %add3A_313 = vector.broadcast %add3A_312 : i32 to vector<16xi32>
        %add3A_314 = arith.addi %add3A_311, %add3A_313 : vector<16xi32>
        %gather3A_315 = tpu.vector_load_idx %arg13[%add3A_314] : memref<512xf32, #tpu.memory_space<vmem>>[vector<16xi32>], vector<16xf32>,
        %add3A_316 = arith.addf %gather3A, %gather3A_315 : vector<16xf32>
        %mul3A_317 = arith.constant 16 : i32
        %mul3A_318 = vector.broadcast %mul3A_317 : i32 to vector<16xi32>
        %mul3A_319 = arith.muli %iota3A, %mul3A_318 : vector<16xi32>
        %add3A_320 = vector.broadcast %mul3A_301 : i32 to vector<16xi32>
        %add3A_321 = arith.addi %add3A_320, %mul3A_319 : vector<16xi32>
        %add3A_322 = arith.constant 2 : i32
        %add3A_323 = vector.broadcast %add3A_322 : i32 to vector<16xi32>
        %add3A_324 = arith.addi %add3A_321, %add3A_323 : vector<16xi32>
        %gather3A_325 = tpu.vector_load_idx %arg13[%add3A_324] : memref<512xf32, #tpu.memory_space<vmem>>[vector<16xi32>], vector<16xf32>,
        %add3A_326 = arith.addf %add3A_316, %gather3A_325 : vector<16xf32>
        %mul3A_327 = arith.constant 16 : i32
        %mul3A_328 = vector.broadcast %mul3A_327 : i32 to vector<16xi32>
        %mul3A_329 = arith.muli %iota3A, %mul3A_328 : vector<16xi32>
        %add3A_330 = vector.broadcast %mul3A_301 : i32 to vector<16xi32>
        %add3A_331 = arith.addi %add3A_330, %mul3A_329 : vector<16xi32>
        %add3A_332 = arith.constant 3 : i32
        %add3A_333 = vector.broadcast %add3A_332 : i32 to vector<16xi32>
        %add3A_334 = arith.addi %add3A_331, %add3A_333 : vector<16xi32>
        %gather3A_335 = tpu.vector_load_idx %arg13[%add3A_334] : memref<512xf32, #tpu.memory_space<vmem>>[vector<16xi32>], vector<16xf32>,
        %add3A_336 = arith.addf %add3A_326, %gather3A_335 : vector<16xf32>
        %mul3A_337 = arith.constant 16 : i32
        %mul3A_338 = vector.broadcast %mul3A_337 : i32 to vector<16xi32>
        %mul3A_339 = arith.muli %iota3A, %mul3A_338 : vector<16xi32>
        %add3A_340 = vector.broadcast %mul3A_301 : i32 to vector<16xi32>
        %add3A_341 = arith.addi %add3A_340, %mul3A_339 : vector<16xi32>
        %add3A_342 = arith.constant 4 : i32
        %add3A_343 = vector.broadcast %add3A_342 : i32 to vector<16xi32>
        %add3A_344 = arith.addi %add3A_341, %add3A_343 : vector<16xi32>
        %gather3A_345 = tpu.vector_load_idx %arg13[%add3A_344] : memref<512xf32, #tpu.memory_space<vmem>>[vector<16xi32>], vector<16xf32>,
        %add3A_346 = arith.addf %add3A_336, %gather3A_345 : vector<16xf32>
        %mul3A_347 = arith.constant 16 : i32
        %mul3A_348 = vector.broadcast %mul3A_347 : i32 to vector<16xi32>
        %mul3A_349 = arith.muli %iota3A, %mul3A_348 : vector<16xi32>
        %add3A_350 = vector.broadcast %mul3A_301 : i32 to vector<16xi32>
        %add3A_351 = arith.addi %add3A_350, %mul3A_349 : vector<16xi32>
        %add3A_352 = arith.constant 5 : i32
        %add3A_353 = vector.broadcast %add3A_352 : i32 to vector<16xi32>
        %add3A_354 = arith.addi %add3A_351, %add3A_353 : vector<16xi32>
        %gather3A_355 = tpu.vector_load_idx %arg13[%add3A_354] : memref<512xf32, #tpu.memory_space<vmem>>[vector<16xi32>], vector<16xf32>,
        %add3A_356 = arith.addf %add3A_346, %gather3A_355 : vector<16xf32>
        %mul3A_357 = arith.constant 16 : i32
        %mul3A_358 = vector.broadcast %mul3A_357 : i32 to vector<16xi32>
        %mul3A_359 = arith.muli %iota3A, %mul3A_358 : vector<16xi32>
        %add3A_360 = vector.broadcast %mul3A_301 : i32 to vector<16xi32>
        %add3A_361 = arith.addi %add3A_360, %mul3A_359 : vector<16xi32>
        %add3A_362 = arith.constant 6 : i32
        %add3A_363 = vector.broadcast %add3A_362 : i32 to vector<16xi32>
        %add3A_364 = arith.addi %add3A_361, %add3A_363 : vector<16xi32>
        %gather3A_365 = tpu.vector_load_idx %arg13[%add3A_364] : memref<512xf32, #tpu.memory_space<vmem>>[vector<16xi32>], vector<16xf32>,
        %add3A_366 = arith.addf %add3A_356, %gather3A_365 : vector<16xf32>
        %mul3A_367 = arith.constant 16 : i32
        %mul3A_368 = vector.broadcast %mul3A_367 : i32 to vector<16xi32>
        %mul3A_369 = arith.muli %iota3A, %mul3A_368 : vector<16xi32>
        %add3A_370 = vector.broadcast %mul3A_301 : i32 to vector<16xi32>
        %add3A_371 = arith.addi %add3A_370, %mul3A_369 : vector<16xi32>
        %add3A_372 = arith.constant 7 : i32
        %add3A_373 = vector.broadcast %add3A_372 : i32 to vector<16xi32>
        %add3A_374 = arith.addi %add3A_371, %add3A_373 : vector<16xi32>
        %gather3A_375 = tpu.vector_load_idx %arg13[%add3A_374] : memref<512xf32, #tpu.memory_space<vmem>>[vector<16xi32>], vector<16xf32>,
        %add3A_376 = arith.addf %add3A_366, %gather3A_375 : vector<16xf32>
        %mul3A_377 = arith.constant 16 : i32
        %mul3A_378 = vector.broadcast %mul3A_377 : i32 to vector<16xi32>
        %mul3A_379 = arith.muli %iota3A, %mul3A_378 : vector<16xi32>
        %add3A_380 = vector.broadcast %mul3A_301 : i32 to vector<16xi32>
        %add3A_381 = arith.addi %add3A_380, %mul3A_379 : vector<16xi32>
        %add3A_382 = arith.constant 8 : i32
        %add3A_383 = vector.broadcast %add3A_382 : i32 to vector<16xi32>
        %add3A_384 = arith.addi %add3A_381, %add3A_383 : vector<16xi32>
        %gather3A_385 = tpu.vector_load_idx %arg13[%add3A_384] : memref<512xf32, #tpu.memory_space<vmem>>[vector<16xi32>], vector<16xf32>,
        %add3A_386 = arith.addf %add3A_376, %gather3A_385 : vector<16xf32>
        %mul3A_387 = arith.constant 16 : i32
        %mul3A_388 = vector.broadcast %mul3A_387 : i32 to vector<16xi32>
        %mul3A_389 = arith.muli %iota3A, %mul3A_388 : vector<16xi32>
        %add3A_390 = vector.broadcast %mul3A_301 : i32 to vector<16xi32>
        %add3A_391 = arith.addi %add3A_390, %mul3A_389 : vector<16xi32>
        %add3A_392 = arith.constant 9 : i32
        %add3A_393 = vector.broadcast %add3A_392 : i32 to vector<16xi32>
        %add3A_394 = arith.addi %add3A_391, %add3A_393 : vector<16xi32>
        %gather3A_395 = tpu.vector_load_idx %arg13[%add3A_394] : memref<512xf32, #tpu.memory_space<vmem>>[vector<16xi32>], vector<16xf32>,
        %add3A_396 = arith.addf %add3A_386, %gather3A_395 : vector<16xf32>
        %mul3A_397 = arith.constant 16 : i32
        %mul3A_398 = vector.broadcast %mul3A_397 : i32 to vector<16xi32>
        %mul3A_399 = arith.muli %iota3A, %mul3A_398 : vector<16xi32>
        %add3A_400 = vector.broadcast %mul3A_301 : i32 to vector<16xi32>
        %add3A_401 = arith.addi %add3A_400, %mul3A_399 : vector<16xi32>
        %add3A_402 = arith.constant 10 : i32
        %add3A_403 = vector.broadcast %add3A_402 : i32 to vector<16xi32>
        %add3A_404 = arith.addi %add3A_401, %add3A_403 : vector<16xi32>
        %gather3A_405 = tpu.vector_load_idx %arg13[%add3A_404] : memref<512xf32, #tpu.memory_space<vmem>>[vector<16xi32>], vector<16xf32>,
        %add3A_406 = arith.addf %add3A_396, %gather3A_405 : vector<16xf32>
        %mul3A_407 = arith.constant 16 : i32
        %mul3A_408 = vector.broadcast %mul3A_407 : i32 to vector<16xi32>
        %mul3A_409 = arith.muli %iota3A, %mul3A_408 : vector<16xi32>
        %add3A_410 = vector.broadcast %mul3A_301 : i32 to vector<16xi32>
        %add3A_411 = arith.addi %add3A_410, %mul3A_409 : vector<16xi32>
        %add3A_412 = arith.constant 11 : i32
        %add3A_413 = vector.broadcast %add3A_412 : i32 to vector<16xi32>
        %add3A_414 = arith.addi %add3A_411, %add3A_413 : vector<16xi32>
        %gather3A_415 = tpu.vector_load_idx %arg13[%add3A_414] : memref<512xf32, #tpu.memory_space<vmem>>[vector<16xi32>], vector<16xf32>,
        %add3A_416 = arith.addf %add3A_406, %gather3A_415 : vector<16xf32>
        %mul3A_417 = arith.constant 16 : i32
        %mul3A_418 = vector.broadcast %mul3A_417 : i32 to vector<16xi32>
        %mul3A_419 = arith.muli %iota3A, %mul3A_418 : vector<16xi32>
        %add3A_420 = vector.broadcast %mul3A_301 : i32 to vector<16xi32>
        %add3A_421 = arith.addi %add3A_420, %mul3A_419 : vector<16xi32>
        %add3A_422 = arith.constant 12 : i32
        %add3A_423 = vector.broadcast %add3A_422 : i32 to vector<16xi32>
        %add3A_424 = arith.addi %add3A_421, %add3A_423 : vector<16xi32>
        %gather3A_425 = tpu.vector_load_idx %arg13[%add3A_424] : memref<512xf32, #tpu.memory_space<vmem>>[vector<16xi32>], vector<16xf32>,
        %add3A_426 = arith.addf %add3A_416, %gather3A_425 : vector<16xf32>
        %mul3A_427 = arith.constant 16 : i32
        %mul3A_428 = vector.broadcast %mul3A_427 : i32 to vector<16xi32>
        %mul3A_429 = arith.muli %iota3A, %mul3A_428 : vector<16xi32>
        %add3A_430 = vector.broadcast %mul3A_301 : i32 to vector<16xi32>
        %add3A_431 = arith.addi %add3A_430, %mul3A_429 : vector<16xi32>
        %add3A_432 = arith.constant 13 : i32
        %add3A_433 = vector.broadcast %add3A_432 : i32 to vector<16xi32>
        %add3A_434 = arith.addi %add3A_431, %add3A_433 : vector<16xi32>
        %gather3A_435 = tpu.vector_load_idx %arg13[%add3A_434] : memref<512xf32, #tpu.memory_space<vmem>>[vector<16xi32>], vector<16xf32>,
        %add3A_436 = arith.addf %add3A_426, %gather3A_435 : vector<16xf32>
        %mul3A_437 = arith.constant 16 : i32
        %mul3A_438 = vector.broadcast %mul3A_437 : i32 to vector<16xi32>
        %mul3A_439 = arith.muli %iota3A, %mul3A_438 : vector<16xi32>
        %add3A_440 = vector.broadcast %mul3A_301 : i32 to vector<16xi32>
        %add3A_441 = arith.addi %add3A_440, %mul3A_439 : vector<16xi32>
        %add3A_442 = arith.constant 14 : i32
        %add3A_443 = vector.broadcast %add3A_442 : i32 to vector<16xi32>
        %add3A_444 = arith.addi %add3A_441, %add3A_443 : vector<16xi32>
        %gather3A_445 = tpu.vector_load_idx %arg13[%add3A_444] : memref<512xf32, #tpu.memory_space<vmem>>[vector<16xi32>], vector<16xf32>,
        %add3A_446 = arith.addf %add3A_436, %gather3A_445 : vector<16xf32>
        %mul3A_447 = arith.constant 16 : i32
        %mul3A_448 = vector.broadcast %mul3A_447 : i32 to vector<16xi32>
        %mul3A_449 = arith.muli %iota3A, %mul3A_448 : vector<16xi32>
        %add3A_450 = vector.broadcast %mul3A_301 : i32 to vector<16xi32>
        %add3A_451 = arith.addi %add3A_450, %mul3A_449 : vector<16xi32>
        %add3A_452 = arith.constant 15 : i32
        %add3A_453 = vector.broadcast %add3A_452 : i32 to vector<16xi32>
        %add3A_454 = arith.addi %add3A_451, %add3A_453 : vector<16xi32>
        %gather3A_455 = tpu.vector_load_idx %arg13[%add3A_454] : memref<512xf32, #tpu.memory_space<vmem>>[vector<16xi32>], vector<16xf32>,
        %add3A_456 = arith.addf %add3A_446, %gather3A_455 : vector<16xf32>
        %mul3A_457 = arith.constant 16 : i32
        %mul3A_458 = arith.muli %scan3A_299, %mul3A_457 : i32
        %add3A_459 = arith.addi %multiple_of3A_159, %mul3A_458 : i32
        %multiple_of3A_460 = tpu.assume_multiple %add3A_459, 8 : i32
        %swap3A = arith.index_cast %multiple_of3A_460 : i32 to index
        %swap3A_461 = tpu.vector_load %arg15[%swap3A] {strides = array<i32>} : memref<64xf32, #tpu.memory_space<vmem>>, vector<16xf32>,
        tpu.vector_store %arg15[%swap3A], %add3A_456 {strides = array<i32>} : memref<64xf32, #tpu.memory_space<vmem>>, vector<16xf32>,
      }
      %scan3A_270 = arith.constant 2 : i32
      %scan3A_271 = arith.constant 0 : i32
      %scan3A_272 = arith.constant 0 : i32
      %scan3A_273 = arith.constant 40 : i32
      %scan3A_274 = arith.addi %scan3A_272, %scan3A_273 : i32
      %scan3A_275 = arith.constant 2 : i32
      scf.for %scan3A_299 = %scan3A_272 to %scan3A_274 step %scan3A_275  : i32 {
        %mul3A_300 = arith.constant 256 : i32
        %mul3A_301 = arith.muli %scan3A_299, %mul3A_300 : i32
        %mul3A_302 = arith.constant 16 : i32
        %mul3A_303 = vector.broadcast %mul3A_302 : i32 to vector<16xi32>
        %mul3A_304 = arith.muli %iota3A, %mul3A_303 : vector<16xi32>
        %add3A_305 = vector.broadcast %mul3A_301 : i32 to vector<16xi32>
        %add3A_306 = arith.addi %add3A_305, %mul3A_304 : vector<16xi32>
        %gather3A = tpu.vector_load_idx %arg14[%add3A_306] : memref<10240xf32, #tpu.memory_space<vmem>>[vector<16xi32>], vector<16xf32>,
        %mul3A_307 = arith.constant 16 : i32
        %mul3A_308 = vector.broadcast %mul3A_307 : i32 to vector<16xi32>
        %mul3A_309 = arith.muli %iota3A, %mul3A_308 : vector<16xi32>
        %add3A_310 = vector.broadcast %mul3A_301 : i32 to vector<16xi32>
        %add3A_311 = arith.addi %add3A_310, %mul3A_309 : vector<16xi32>
        %add3A_312 = arith.constant 1 : i32
        %add3A_313 = vector.broadcast %add3A_312 : i32 to vector<16xi32>
        %add3A_314 = arith.addi %add3A_311, %add3A_313 : vector<16xi32>
        %gather3A_315 = tpu.vector_load_idx %arg14[%add3A_314] : memref<10240xf32, #tpu.memory_space<vmem>>[vector<16xi32>], vector<16xf32>,
        %add3A_316 = arith.addf %gather3A, %gather3A_315 : vector<16xf32>
        %mul3A_317 = arith.constant 16 : i32
        %mul3A_318 = vector.broadcast %mul3A_317 : i32 to vector<16xi32>
        %mul3A_319 = arith.muli %iota3A, %mul3A_318 : vector<16xi32>
        %add3A_320 = vector.broadcast %mul3A_301 : i32 to vector<16xi32>
        %add3A_321 = arith.addi %add3A_320, %mul3A_319 : vector<16xi32>
        %add3A_322 = arith.constant 2 : i32
        %add3A_323 = vector.broadcast %add3A_322 : i32 to vector<16xi32>
        %add3A_324 = arith.addi %add3A_321, %add3A_323 : vector<16xi32>
        %gather3A_325 = tpu.vector_load_idx %arg14[%add3A_324] : memref<10240xf32, #tpu.memory_space<vmem>>[vector<16xi32>], vector<16xf32>,
        %add3A_326 = arith.addf %add3A_316, %gather3A_325 : vector<16xf32>
        %mul3A_327 = arith.constant 16 : i32
        %mul3A_328 = vector.broadcast %mul3A_327 : i32 to vector<16xi32>
        %mul3A_329 = arith.muli %iota3A, %mul3A_328 : vector<16xi32>
        %add3A_330 = vector.broadcast %mul3A_301 : i32 to vector<16xi32>
        %add3A_331 = arith.addi %add3A_330, %mul3A_329 : vector<16xi32>
        %add3A_332 = arith.constant 3 : i32
        %add3A_333 = vector.broadcast %add3A_332 : i32 to vector<16xi32>
        %add3A_334 = arith.addi %add3A_331, %add3A_333 : vector<16xi32>
        %gather3A_335 = tpu.vector_load_idx %arg14[%add3A_334] : memref<10240xf32, #tpu.memory_space<vmem>>[vector<16xi32>], vector<16xf32>,
        %add3A_336 = arith.addf %add3A_326, %gather3A_335 : vector<16xf32>
        %mul3A_337 = arith.constant 16 : i32
        %mul3A_338 = vector.broadcast %mul3A_337 : i32 to vector<16xi32>
        %mul3A_339 = arith.muli %iota3A, %mul3A_338 : vector<16xi32>
        %add3A_340 = vector.broadcast %mul3A_301 : i32 to vector<16xi32>
        %add3A_341 = arith.addi %add3A_340, %mul3A_339 : vector<16xi32>
        %add3A_342 = arith.constant 4 : i32
        %add3A_343 = vector.broadcast %add3A_342 : i32 to vector<16xi32>
        %add3A_344 = arith.addi %add3A_341, %add3A_343 : vector<16xi32>
        %gather3A_345 = tpu.vector_load_idx %arg14[%add3A_344] : memref<10240xf32, #tpu.memory_space<vmem>>[vector<16xi32>], vector<16xf32>,
        %add3A_346 = arith.addf %add3A_336, %gather3A_345 : vector<16xf32>
        %mul3A_347 = arith.constant 16 : i32
        %mul3A_348 = vector.broadcast %mul3A_347 : i32 to vector<16xi32>
        %mul3A_349 = arith.muli %iota3A, %mul3A_348 : vector<16xi32>
        %add3A_350 = vector.broadcast %mul3A_301 : i32 to vector<16xi32>
        %add3A_351 = arith.addi %add3A_350, %mul3A_349 : vector<16xi32>
        %add3A_352 = arith.constant 5 : i32
        %add3A_353 = vector.broadcast %add3A_352 : i32 to vector<16xi32>
        %add3A_354 = arith.addi %add3A_351, %add3A_353 : vector<16xi32>
        %gather3A_355 = tpu.vector_load_idx %arg14[%add3A_354] : memref<10240xf32, #tpu.memory_space<vmem>>[vector<16xi32>], vector<16xf32>,
        %add3A_356 = arith.addf %add3A_346, %gather3A_355 : vector<16xf32>
        %mul3A_357 = arith.constant 16 : i32
        %mul3A_358 = vector.broadcast %mul3A_357 : i32 to vector<16xi32>
        %mul3A_359 = arith.muli %iota3A, %mul3A_358 : vector<16xi32>
        %add3A_360 = vector.broadcast %mul3A_301 : i32 to vector<16xi32>
        %add3A_361 = arith.addi %add3A_360, %mul3A_359 : vector<16xi32>
        %add3A_362 = arith.constant 6 : i32
        %add3A_363 = vector.broadcast %add3A_362 : i32 to vector<16xi32>
        %add3A_364 = arith.addi %add3A_361, %add3A_363 : vector<16xi32>
        %gather3A_365 = tpu.vector_load_idx %arg14[%add3A_364] : memref<10240xf32, #tpu.memory_space<vmem>>[vector<16xi32>], vector<16xf32>,
        %add3A_366 = arith.addf %add3A_356, %gather3A_365 : vector<16xf32>
        %mul3A_367 = arith.constant 16 : i32
        %mul3A_368 = vector.broadcast %mul3A_367 : i32 to vector<16xi32>
        %mul3A_369 = arith.muli %iota3A, %mul3A_368 : vector<16xi32>
        %add3A_370 = vector.broadcast %mul3A_301 : i32 to vector<16xi32>
        %add3A_371 = arith.addi %add3A_370, %mul3A_369 : vector<16xi32>
        %add3A_372 = arith.constant 7 : i32
        %add3A_373 = vector.broadcast %add3A_372 : i32 to vector<16xi32>
        %add3A_374 = arith.addi %add3A_371, %add3A_373 : vector<16xi32>
        %gather3A_375 = tpu.vector_load_idx %arg14[%add3A_374] : memref<10240xf32, #tpu.memory_space<vmem>>[vector<16xi32>], vector<16xf32>,
        %add3A_376 = arith.addf %add3A_366, %gather3A_375 : vector<16xf32>
        %mul3A_377 = arith.constant 16 : i32
        %mul3A_378 = vector.broadcast %mul3A_377 : i32 to vector<16xi32>
        %mul3A_379 = arith.muli %iota3A, %mul3A_378 : vector<16xi32>
        %add3A_380 = vector.broadcast %mul3A_301 : i32 to vector<16xi32>
        %add3A_381 = arith.addi %add3A_380, %mul3A_379 : vector<16xi32>
        %add3A_382 = arith.constant 8 : i32
        %add3A_383 = vector.broadcast %add3A_382 : i32 to vector<16xi32>
        %add3A_384 = arith.addi %add3A_381, %add3A_383 : vector<16xi32>
        %gather3A_385 = tpu.vector_load_idx %arg14[%add3A_384] : memref<10240xf32, #tpu.memory_space<vmem>>[vector<16xi32>], vector<16xf32>,
        %add3A_386 = arith.addf %add3A_376, %gather3A_385 : vector<16xf32>
        %mul3A_387 = arith.constant 16 : i32
        %mul3A_388 = vector.broadcast %mul3A_387 : i32 to vector<16xi32>
        %mul3A_389 = arith.muli %iota3A, %mul3A_388 : vector<16xi32>
        %add3A_390 = vector.broadcast %mul3A_301 : i32 to vector<16xi32>
        %add3A_391 = arith.addi %add3A_390, %mul3A_389 : vector<16xi32>
        %add3A_392 = arith.constant 9 : i32
        %add3A_393 = vector.broadcast %add3A_392 : i32 to vector<16xi32>
        %add3A_394 = arith.addi %add3A_391, %add3A_393 : vector<16xi32>
        %gather3A_395 = tpu.vector_load_idx %arg14[%add3A_394] : memref<10240xf32, #tpu.memory_space<vmem>>[vector<16xi32>], vector<16xf32>,
        %add3A_396 = arith.addf %add3A_386, %gather3A_395 : vector<16xf32>
        %mul3A_397 = arith.constant 16 : i32
        %mul3A_398 = vector.broadcast %mul3A_397 : i32 to vector<16xi32>
        %mul3A_399 = arith.muli %iota3A, %mul3A_398 : vector<16xi32>
        %add3A_400 = vector.broadcast %mul3A_301 : i32 to vector<16xi32>
        %add3A_401 = arith.addi %add3A_400, %mul3A_399 : vector<16xi32>
        %add3A_402 = arith.constant 10 : i32
        %add3A_403 = vector.broadcast %add3A_402 : i32 to vector<16xi32>
        %add3A_404 = arith.addi %add3A_401, %add3A_403 : vector<16xi32>
        %gather3A_405 = tpu.vector_load_idx %arg14[%add3A_404] : memref<10240xf32, #tpu.memory_space<vmem>>[vector<16xi32>], vector<16xf32>,
        %add3A_406 = arith.addf %add3A_396, %gather3A_405 : vector<16xf32>
        %mul3A_407 = arith.constant 16 : i32
        %mul3A_408 = vector.broadcast %mul3A_407 : i32 to vector<16xi32>
        %mul3A_409 = arith.muli %iota3A, %mul3A_408 : vector<16xi32>
        %add3A_410 = vector.broadcast %mul3A_301 : i32 to vector<16xi32>
        %add3A_411 = arith.addi %add3A_410, %mul3A_409 : vector<16xi32>
        %add3A_412 = arith.constant 11 : i32
        %add3A_413 = vector.broadcast %add3A_412 : i32 to vector<16xi32>
        %add3A_414 = arith.addi %add3A_411, %add3A_413 : vector<16xi32>
        %gather3A_415 = tpu.vector_load_idx %arg14[%add3A_414] : memref<10240xf32, #tpu.memory_space<vmem>>[vector<16xi32>], vector<16xf32>,
        %add3A_416 = arith.addf %add3A_406, %gather3A_415 : vector<16xf32>
        %mul3A_417 = arith.constant 16 : i32
        %mul3A_418 = vector.broadcast %mul3A_417 : i32 to vector<16xi32>
        %mul3A_419 = arith.muli %iota3A, %mul3A_418 : vector<16xi32>
        %add3A_420 = vector.broadcast %mul3A_301 : i32 to vector<16xi32>
        %add3A_421 = arith.addi %add3A_420, %mul3A_419 : vector<16xi32>
        %add3A_422 = arith.constant 12 : i32
        %add3A_423 = vector.broadcast %add3A_422 : i32 to vector<16xi32>
        %add3A_424 = arith.addi %add3A_421, %add3A_423 : vector<16xi32>
        %gather3A_425 = tpu.vector_load_idx %arg14[%add3A_424] : memref<10240xf32, #tpu.memory_space<vmem>>[vector<16xi32>], vector<16xf32>,
        %add3A_426 = arith.addf %add3A_416, %gather3A_425 : vector<16xf32>
        %mul3A_427 = arith.constant 16 : i32
        %mul3A_428 = vector.broadcast %mul3A_427 : i32 to vector<16xi32>
        %mul3A_429 = arith.muli %iota3A, %mul3A_428 : vector<16xi32>
        %add3A_430 = vector.broadcast %mul3A_301 : i32 to vector<16xi32>
        %add3A_431 = arith.addi %add3A_430, %mul3A_429 : vector<16xi32>
        %add3A_432 = arith.constant 13 : i32
        %add3A_433 = vector.broadcast %add3A_432 : i32 to vector<16xi32>
        %add3A_434 = arith.addi %add3A_431, %add3A_433 : vector<16xi32>
        %gather3A_435 = tpu.vector_load_idx %arg14[%add3A_434] : memref<10240xf32, #tpu.memory_space<vmem>>[vector<16xi32>], vector<16xf32>,
        %add3A_436 = arith.addf %add3A_426, %gather3A_435 : vector<16xf32>
        %mul3A_437 = arith.constant 16 : i32
        %mul3A_438 = vector.broadcast %mul3A_437 : i32 to vector<16xi32>
        %mul3A_439 = arith.muli %iota3A, %mul3A_438 : vector<16xi32>
        %add3A_440 = vector.broadcast %mul3A_301 : i32 to vector<16xi32>
        %add3A_441 = arith.addi %add3A_440, %mul3A_439 : vector<16xi32>
        %add3A_442 = arith.constant 14 : i32
        %add3A_443 = vector.broadcast %add3A_442 : i32 to vector<16xi32>
        %add3A_444 = arith.addi %add3A_441, %add3A_443 : vector<16xi32>
        %gather3A_445 = tpu.vector_load_idx %arg14[%add3A_444] : memref<10240xf32, #tpu.memory_space<vmem>>[vector<16xi32>], vector<16xf32>,
        %add3A_446 = arith.addf %add3A_436, %gather3A_445 : vector<16xf32>
        %mul3A_447 = arith.constant 16 : i32
        %mul3A_448 = vector.broadcast %mul3A_447 : i32 to vector<16xi32>
        %mul3A_449 = arith.muli %iota3A, %mul3A_448 : vector<16xi32>
        %add3A_450 = vector.broadcast %mul3A_301 : i32 to vector<16xi32>
        %add3A_451 = arith.addi %add3A_450, %mul3A_449 : vector<16xi32>
        %add3A_452 = arith.constant 15 : i32
        %add3A_453 = vector.broadcast %add3A_452 : i32 to vector<16xi32>
        %add3A_454 = arith.addi %add3A_451, %add3A_453 : vector<16xi32>
        %gather3A_455 = tpu.vector_load_idx %arg14[%add3A_454] : memref<10240xf32, #tpu.memory_space<vmem>>[vector<16xi32>], vector<16xf32>,
        %add3A_456 = arith.addf %add3A_446, %gather3A_455 : vector<16xf32>
        %mul3A_457 = arith.constant 16 : i32
        %mul3A_458 = arith.muli %scan3A_299, %mul3A_457 : i32
        %add3A_459 = arith.addi %multiple_of3A_164, %mul3A_458 : i32
        %multiple_of3A_460 = tpu.assume_multiple %add3A_459, 8 : i32
        %swap3A = arith.index_cast %multiple_of3A_460 : i32 to index
        %swap3A_461 = tpu.vector_load %arg16[%swap3A] {strides = array<i32>} : memref<1280xf32, #tpu.memory_space<vmem>>, vector<16xf32>,
        tpu.vector_store %arg16[%swap3A], %add3A_456 {strides = array<i32>} : memref<1280xf32, #tpu.memory_space<vmem>>, vector<16xf32>,
        %scan3A_462 = arith.constant 1 : i32
        %scan3A_463 = arith.addi %scan3A_299, %scan3A_462 : i32
        %mul3A_464 = arith.constant 256 : i32
        %mul3A_465 = arith.muli %scan3A_463, %mul3A_464 : i32
        %mul3A_466 = arith.constant 16 : i32
        %mul3A_467 = vector.broadcast %mul3A_466 : i32 to vector<16xi32>
        %mul3A_468 = arith.muli %iota3A, %mul3A_467 : vector<16xi32>
        %add3A_469 = vector.broadcast %mul3A_465 : i32 to vector<16xi32>
        %add3A_470 = arith.addi %add3A_469, %mul3A_468 : vector<16xi32>
        %gather3A_471 = tpu.vector_load_idx %arg14[%add3A_470] : memref<10240xf32, #tpu.memory_space<vmem>>[vector<16xi32>], vector<16xf32>,
        %mul3A_472 = arith.constant 16 : i32
        %mul3A_473 = vector.broadcast %mul3A_472 : i32 to vector<16xi32>
        %mul3A_474 = arith.muli %iota3A, %mul3A_473 : vector<16xi32>
        %add3A_475 = vector.broadcast %mul3A_465 : i32 to vector<16xi32>
        %add3A_476 = arith.addi %add3A_475, %mul3A_474 : vector<16xi32>
        %add3A_477 = arith.constant 1 : i32
        %add3A_478 = vector.broadcast %add3A_477 : i32 to vector<16xi32>
        %add3A_479 = arith.addi %add3A_476, %add3A_478 : vector<16xi32>
        %gather3A_480 = tpu.vector_load_idx %arg14[%add3A_479] : memref<10240xf32, #tpu.memory_space<vmem>>[vector<16xi32>], vector<16xf32>,
        %add3A_481 = arith.addf %gather3A_471, %gather3A_480 : vector<16xf32>
        %mul3A_482 = arith.constant 16 : i32
        %mul3A_483 = vector.broadcast %mul3A_482 : i32 to vector<16xi32>
        %mul3A_484 = arith.muli %iota3A, %mul3A_483 : vector<16xi32>
        %add3A_485 = vector.broadcast %mul3A_465 : i32 to vector<16xi32>
        %add3A_486 = arith.addi %add3A_485, %mul3A_484 : vector<16xi32>
        %add3A_487 = arith.constant 2 : i32
        %add3A_488 = vector.broadcast %add3A_487 : i32 to vector<16xi32>
        %add3A_489 = arith.addi %add3A_486, %add3A_488 : vector<16xi32>
        %gather3A_490 = tpu.vector_load_idx %arg14[%add3A_489] : memref<10240xf32, #tpu.memory_space<vmem>>[vector<16xi32>], vector<16xf32>,
        %add3A_491 = arith.addf %add3A_481, %gather3A_490 : vector<16xf32>
        %mul3A_492 = arith.constant 16 : i32
        %mul3A_493 = vector.broadcast %mul3A_492 : i32 to vector<16xi32>
        %mul3A_494 = arith.muli %iota3A, %mul3A_493 : vector<16xi32>
        %add3A_495 = vector.broadcast %mul3A_465 : i32 to vector<16xi32>
        %add3A_496 = arith.addi %add3A_495, %mul3A_494 : vector<16xi32>
        %add3A_497 = arith.constant 3 : i32
        %add3A_498 = vector.broadcast %add3A_497 : i32 to vector<16xi32>
        %add3A_499 = arith.addi %add3A_496, %add3A_498 : vector<16xi32>
        %gather3A_500 = tpu.vector_load_idx %arg14[%add3A_499] : memref<10240xf32, #tpu.memory_space<vmem>>[vector<16xi32>], vector<16xf32>,
        %add3A_501 = arith.addf %add3A_491, %gather3A_500 : vector<16xf32>
        %mul3A_502 = arith.constant 16 : i32
        %mul3A_503 = vector.broadcast %mul3A_502 : i32 to vector<16xi32>
        %mul3A_504 = arith.muli %iota3A, %mul3A_503 : vector<16xi32>
        %add3A_505 = vector.broadcast %mul3A_465 : i32 to vector<16xi32>
        %add3A_506 = arith.addi %add3A_505, %mul3A_504 : vector<16xi32>
        %add3A_507 = arith.constant 4 : i32
        %add3A_508 = vector.broadcast %add3A_507 : i32 to vector<16xi32>
        %add3A_509 = arith.addi %add3A_506, %add3A_508 : vector<16xi32>
        %gather3A_510 = tpu.vector_load_idx %arg14[%add3A_509] : memref<10240xf32, #tpu.memory_space<vmem>>[vector<16xi32>], vector<16xf32>,
        %add3A_511 = arith.addf %add3A_501, %gather3A_510 : vector<16xf32>
        %mul3A_512 = arith.constant 16 : i32
        %mul3A_513 = vector.broadcast %mul3A_512 : i32 to vector<16xi32>
        %mul3A_514 = arith.muli %iota3A, %mul3A_513 : vector<16xi32>
        %add3A_515 = vector.broadcast %mul3A_465 : i32 to vector<16xi32>
        %add3A_516 = arith.addi %add3A_515, %mul3A_514 : vector<16xi32>
        %add3A_517 = arith.constant 5 : i32
        %add3A_518 = vector.broadcast %add3A_517 : i32 to vector<16xi32>
        %add3A_519 = arith.addi %add3A_516, %add3A_518 : vector<16xi32>
        %gather3A_520 = tpu.vector_load_idx %arg14[%add3A_519] : memref<10240xf32, #tpu.memory_space<vmem>>[vector<16xi32>], vector<16xf32>,
        %add3A_521 = arith.addf %add3A_511, %gather3A_520 : vector<16xf32>
        %mul3A_522 = arith.constant 16 : i32
        %mul3A_523 = vector.broadcast %mul3A_522 : i32 to vector<16xi32>
        %mul3A_524 = arith.muli %iota3A, %mul3A_523 : vector<16xi32>
        %add3A_525 = vector.broadcast %mul3A_465 : i32 to vector<16xi32>
        %add3A_526 = arith.addi %add3A_525, %mul3A_524 : vector<16xi32>
        %add3A_527 = arith.constant 6 : i32
        %add3A_528 = vector.broadcast %add3A_527 : i32 to vector<16xi32>
        %add3A_529 = arith.addi %add3A_526, %add3A_528 : vector<16xi32>
        %gather3A_530 = tpu.vector_load_idx %arg14[%add3A_529] : memref<10240xf32, #tpu.memory_space<vmem>>[vector<16xi32>], vector<16xf32>,
        %add3A_531 = arith.addf %add3A_521, %gather3A_530 : vector<16xf32>
        %mul3A_532 = arith.constant 16 : i32
        %mul3A_533 = vector.broadcast %mul3A_532 : i32 to vector<16xi32>
        %mul3A_534 = arith.muli %iota3A, %mul3A_533 : vector<16xi32>
        %add3A_535 = vector.broadcast %mul3A_465 : i32 to vector<16xi32>
        %add3A_536 = arith.addi %add3A_535, %mul3A_534 : vector<16xi32>
        %add3A_537 = arith.constant 7 : i32
        %add3A_538 = vector.broadcast %add3A_537 : i32 to vector<16xi32>
        %add3A_539 = arith.addi %add3A_536, %add3A_538 : vector<16xi32>
        %gather3A_540 = tpu.vector_load_idx %arg14[%add3A_539] : memref<10240xf32, #tpu.memory_space<vmem>>[vector<16xi32>], vector<16xf32>,
        %add3A_541 = arith.addf %add3A_531, %gather3A_540 : vector<16xf32>
        %mul3A_542 = arith.constant 16 : i32
        %mul3A_543 = vector.broadcast %mul3A_542 : i32 to vector<16xi32>
        %mul3A_544 = arith.muli %iota3A, %mul3A_543 : vector<16xi32>
        %add3A_545 = vector.broadcast %mul3A_465 : i32 to vector<16xi32>
        %add3A_546 = arith.addi %add3A_545, %mul3A_544 : vector<16xi32>
        %add3A_547 = arith.constant 8 : i32
        %add3A_548 = vector.broadcast %add3A_547 : i32 to vector<16xi32>
        %add3A_549 = arith.addi %add3A_546, %add3A_548 : vector<16xi32>
        %gather3A_550 = tpu.vector_load_idx %arg14[%add3A_549] : memref<10240xf32, #tpu.memory_space<vmem>>[vector<16xi32>], vector<16xf32>,
        %add3A_551 = arith.addf %add3A_541, %gather3A_550 : vector<16xf32>
        %mul3A_552 = arith.constant 16 : i32
        %mul3A_553 = vector.broadcast %mul3A_552 : i32 to vector<16xi32>
        %mul3A_554 = arith.muli %iota3A, %mul3A_553 : vector<16xi32>
        %add3A_555 = vector.broadcast %mul3A_465 : i32 to vector<16xi32>
        %add3A_556 = arith.addi %add3A_555, %mul3A_554 : vector<16xi32>
        %add3A_557 = arith.constant 9 : i32
        %add3A_558 = vector.broadcast %add3A_557 : i32 to vector<16xi32>
        %add3A_559 = arith.addi %add3A_556, %add3A_558 : vector<16xi32>
        %gather3A_560 = tpu.vector_load_idx %arg14[%add3A_559] : memref<10240xf32, #tpu.memory_space<vmem>>[vector<16xi32>], vector<16xf32>,
        %add3A_561 = arith.addf %add3A_551, %gather3A_560 : vector<16xf32>
        %mul3A_562 = arith.constant 16 : i32
        %mul3A_563 = vector.broadcast %mul3A_562 : i32 to vector<16xi32>
        %mul3A_564 = arith.muli %iota3A, %mul3A_563 : vector<16xi32>
        %add3A_565 = vector.broadcast %mul3A_465 : i32 to vector<16xi32>
        %add3A_566 = arith.addi %add3A_565, %mul3A_564 : vector<16xi32>
        %add3A_567 = arith.constant 10 : i32
        %add3A_568 = vector.broadcast %add3A_567 : i32 to vector<16xi32>
        %add3A_569 = arith.addi %add3A_566, %add3A_568 : vector<16xi32>
        %gather3A_570 = tpu.vector_load_idx %arg14[%add3A_569] : memref<10240xf32, #tpu.memory_space<vmem>>[vector<16xi32>], vector<16xf32>,
        %add3A_571 = arith.addf %add3A_561, %gather3A_570 : vector<16xf32>
        %mul3A_572 = arith.constant 16 : i32
        %mul3A_573 = vector.broadcast %mul3A_572 : i32 to vector<16xi32>
        %mul3A_574 = arith.muli %iota3A, %mul3A_573 : vector<16xi32>
        %add3A_575 = vector.broadcast %mul3A_465 : i32 to vector<16xi32>
        %add3A_576 = arith.addi %add3A_575, %mul3A_574 : vector<16xi32>
        %add3A_577 = arith.constant 11 : i32
        %add3A_578 = vector.broadcast %add3A_577 : i32 to vector<16xi32>
        %add3A_579 = arith.addi %add3A_576, %add3A_578 : vector<16xi32>
        %gather3A_580 = tpu.vector_load_idx %arg14[%add3A_579] : memref<10240xf32, #tpu.memory_space<vmem>>[vector<16xi32>], vector<16xf32>,
        %add3A_581 = arith.addf %add3A_571, %gather3A_580 : vector<16xf32>
        %mul3A_582 = arith.constant 16 : i32
        %mul3A_583 = vector.broadcast %mul3A_582 : i32 to vector<16xi32>
        %mul3A_584 = arith.muli %iota3A, %mul3A_583 : vector<16xi32>
        %add3A_585 = vector.broadcast %mul3A_465 : i32 to vector<16xi32>
        %add3A_586 = arith.addi %add3A_585, %mul3A_584 : vector<16xi32>
        %add3A_587 = arith.constant 12 : i32
        %add3A_588 = vector.broadcast %add3A_587 : i32 to vector<16xi32>
        %add3A_589 = arith.addi %add3A_586, %add3A_588 : vector<16xi32>
        %gather3A_590 = tpu.vector_load_idx %arg14[%add3A_589] : memref<10240xf32, #tpu.memory_space<vmem>>[vector<16xi32>], vector<16xf32>,
        %add3A_591 = arith.addf %add3A_581, %gather3A_590 : vector<16xf32>
        %mul3A_592 = arith.constant 16 : i32
        %mul3A_593 = vector.broadcast %mul3A_592 : i32 to vector<16xi32>
        %mul3A_594 = arith.muli %iota3A, %mul3A_593 : vector<16xi32>
        %add3A_595 = vector.broadcast %mul3A_465 : i32 to vector<16xi32>
        %add3A_596 = arith.addi %add3A_595, %mul3A_594 : vector<16xi32>
        %add3A_597 = arith.constant 13 : i32
        %add3A_598 = vector.broadcast %add3A_597 : i32 to vector<16xi32>
        %add3A_599 = arith.addi %add3A_596, %add3A_598 : vector<16xi32>
        %gather3A_600 = tpu.vector_load_idx %arg14[%add3A_599] : memref<10240xf32, #tpu.memory_space<vmem>>[vector<16xi32>], vector<16xf32>,
        %add3A_601 = arith.addf %add3A_591, %gather3A_600 : vector<16xf32>
        %mul3A_602 = arith.constant 16 : i32
        %mul3A_603 = vector.broadcast %mul3A_602 : i32 to vector<16xi32>
        %mul3A_604 = arith.muli %iota3A, %mul3A_603 : vector<16xi32>
        %add3A_605 = vector.broadcast %mul3A_465 : i32 to vector<16xi32>
        %add3A_606 = arith.addi %add3A_605, %mul3A_604 : vector<16xi32>
        %add3A_607 = arith.constant 14 : i32
        %add3A_608 = vector.broadcast %add3A_607 : i32 to vector<16xi32>
        %add3A_609 = arith.addi %add3A_606, %add3A_608 : vector<16xi32>
        %gather3A_610 = tpu.vector_load_idx %arg14[%add3A_609] : memref<10240xf32, #tpu.memory_space<vmem>>[vector<16xi32>], vector<16xf32>,
        %add3A_611 = arith.addf %add3A_601, %gather3A_610 : vector<16xf32>
        %mul3A_612 = arith.constant 16 : i32
        %mul3A_613 = vector.broadcast %mul3A_612 : i32 to vector<16xi32>
        %mul3A_614 = arith.muli %iota3A, %mul3A_613 : vector<16xi32>
        %add3A_615 = vector.broadcast %mul3A_465 : i32 to vector<16xi32>
        %add3A_616 = arith.addi %add3A_615, %mul3A_614 : vector<16xi32>
        %add3A_617 = arith.constant 15 : i32
        %add3A_618 = vector.broadcast %add3A_617 : i32 to vector<16xi32>
        %add3A_619 = arith.addi %add3A_616, %add3A_618 : vector<16xi32>
        %gather3A_620 = tpu.vector_load_idx %arg14[%add3A_619] : memref<10240xf32, #tpu.memory_space<vmem>>[vector<16xi32>], vector<16xf32>,
        %add3A_621 = arith.addf %add3A_611, %gather3A_620 : vector<16xf32>
        %mul3A_622 = arith.constant 16 : i32
        %mul3A_623 = arith.muli %scan3A_463, %mul3A_622 : i32
        %add3A_624 = arith.addi %multiple_of3A_164, %mul3A_623 : i32
        %multiple_of3A_625 = tpu.assume_multiple %add3A_624, 8 : i32
        %swap3A_626 = arith.index_cast %multiple_of3A_625 : i32 to index
        %swap3A_627 = tpu.vector_load %arg16[%swap3A_626] {strides = array<i32>} : memref<1280xf32, #tpu.memory_space<vmem>>, vector<16xf32>,
        tpu.vector_store %arg16[%swap3A_626], %add3A_621 {strides = array<i32>} : memref<1280xf32, #tpu.memory_space<vmem>>, vector<16xf32>,
      }
      %scan3A_276 = arith.constant 40 : i32
      %mul3A_277 = arith.constant 512 : i32
      %mul3A_278 = arith.muli %add3A, %mul3A_277 : i32
      %mul3A_279 = arith.constant 32 : i32
      %mul3A_280 = arith.muli %scan3A_144, %mul3A_279 : i32
      %add3A_281 = arith.addi %mul3A_278, %mul3A_280 : i32
      %multiple_of3A_282 = tpu.assume_multiple %add3A_281, 8 : i32
      %dma_start3A_283 = tpu.memref_slice %arg15[%multiple_of3A_159] : memref<64xf32, #tpu.memory_space<vmem>> -> memref<32xf32, #tpu.memory_space<vmem>>
      %dma_start3A_284 = tpu.memref_slice %arg6[%multiple_of3A_282] : memref<16384xf32, #tpu.memory_space<hbm>> -> memref<32xf32, #tpu.memory_space<hbm>>
      %dma_start3A_285 = tpu.memref_slice %arg6[%multiple_of3A_282] : memref<16384xf32, #tpu.memory_space<hbm>> -> memref<32xf32, #tpu.memory_space<hbm>>
      %dma_start3A_286 = tpu.memref_slice %arg15[%multiple_of3A_159] : memref<64xf32, #tpu.memory_space<vmem>> -> memref<32xf32, #tpu.memory_space<vmem>>
      tpu.enqueue_dma source(%dma_start3A_286 : memref<32xf32, #tpu.memory_space<vmem>>) target(%dma_start3A_285 : memref<32xf32, #tpu.memory_space<hbm>>) target_semaphore(%arg19 : memref<!tpu.dma_semaphore, #tpu.memory_space<semaphore_mem>>)
      %mul3A_287 = arith.constant 512 : i32
      %mul3A_288 = arith.muli %add3A, %mul3A_287 : i32
      %mul3A_289 = arith.constant 32 : i32
      %mul3A_290 = arith.muli %scan3A_144, %mul3A_289 : i32
      %add3A_291 = arith.addi %mul3A_288, %mul3A_290 : i32
      %mul3A_292 = arith.constant 20 : i32
      %mul3A_293 = arith.muli %add3A_291, %mul3A_292 : i32
      %multiple_of3A_294 = tpu.assume_multiple %mul3A_293, 8 : i32
      %dma_start3A_295 = tpu.memref_slice %arg16[%multiple_of3A_164] : memref<1280xf32, #tpu.memory_space<vmem>> -> memref<640xf32, #tpu.memory_space<vmem>>
      %dma_start3A_296 = tpu.memref_slice %arg7[%multiple_of3A_294] : memref<327680xf32, #tpu.memory_space<hbm>> -> memref<640xf32, #tpu.memory_space<hbm>>
      %dma_start3A_297 = tpu.memref_slice %arg7[%multiple_of3A_294] : memref<327680xf32, #tpu.memory_space<hbm>> -> memref<640xf32, #tpu.memory_space<hbm>>
      %dma_start3A_298 = tpu.memref_slice %arg16[%multiple_of3A_164] : memref<1280xf32, #tpu.memory_space<vmem>> -> memref<640xf32, #tpu.memory_space<vmem>>
      tpu.enqueue_dma source(%dma_start3A_298 : memref<640xf32, #tpu.memory_space<vmem>>) target(%dma_start3A_297 : memref<640xf32, #tpu.memory_space<hbm>>) target_semaphore(%arg19 : memref<!tpu.dma_semaphore, #tpu.memory_space<semaphore_mem>>)
    }
    %scan3A_96 = arith.constant 16 : i32
    %multiple_of3A_97 = arith.constant 0 : i32
    %multiple_of3A_98 = tpu.assume_multiple %multiple_of3A_97, 8 : i32
    %mul3A_99 = arith.constant 512 : i32
    %mul3A_100 = arith.muli %add3A, %mul3A_99 : i32
    %add3A_101 = arith.constant 448 : i32
    %add3A_102 = arith.addi %mul3A_100, %add3A_101 : i32
    %multiple_of3A_103 = tpu.assume_multiple %add3A_102, 8 : i32
    %dma_wait3A = tpu.memref_slice %arg15[%multiple_of3A_98] : memref<64xf32, #tpu.memory_space<vmem>> -> memref<32xf32, #tpu.memory_space<vmem>>
    %dma_wait3A_104 = tpu.memref_slice %arg6[%multiple_of3A_103] : memref<16384xf32, #tpu.memory_space<hbm>> -> memref<32xf32, #tpu.memory_space<hbm>>
    %dma_wait3A_105 = tpu.memref_slice %arg6[%multiple_of3A_103] : memref<16384xf32, #tpu.memory_space<hbm>> -> memref<32xf32, #tpu.memory_space<hbm>>
    %dma_wait3A_106 = tpu.memref_slice %arg15[%multiple_of3A_98] : memref<64xf32, #tpu.memory_space<vmem>> -> memref<32xf32, #tpu.memory_space<vmem>>
    tpu.wait_dma2 semaphore(%arg19 : memref<!tpu.dma_semaphore, #tpu.memory_space<semaphore_mem>>) src(%dma_wait3A_106 : memref<32xf32, #tpu.memory_space<vmem>>) dst(%dma_wait3A_105 : memref<32xf32, #tpu.memory_space<hbm>>)
    %multiple_of3A_107 = arith.constant 0 : i32
    %multiple_of3A_108 = tpu.assume_multiple %multiple_of3A_107, 8 : i32
    %mul3A_109 = arith.constant 512 : i32
    %mul3A_110 = arith.muli %add3A, %mul3A_109 : i32
    %add3A_111 = arith.constant 448 : i32
    %add3A_112 = arith.addi %mul3A_110, %add3A_111 : i32
    %mul3A_113 = arith.constant 20 : i32
    %mul3A_114 = arith.muli %add3A_112, %mul3A_113 : i32
    %multiple_of3A_115 = tpu.assume_multiple %mul3A_114, 8 : i32
    %dma_wait3A_116 = tpu.memref_slice %arg16[%multiple_of3A_108] : memref<1280xf32, #tpu.memory_space<vmem>> -> memref<640xf32, #tpu.memory_space<vmem>>
    %dma_wait3A_117 = tpu.memref_slice %arg7[%multiple_of3A_115] : memref<327680xf32, #tpu.memory_space<hbm>> -> memref<640xf32, #tpu.memory_space<hbm>>
    %dma_wait3A_118 = tpu.memref_slice %arg7[%multiple_of3A_115] : memref<327680xf32, #tpu.memory_space<hbm>> -> memref<640xf32, #tpu.memory_space<hbm>>
    %dma_wait3A_119 = tpu.memref_slice %arg16[%multiple_of3A_108] : memref<1280xf32, #tpu.memory_space<vmem>> -> memref<640xf32, #tpu.memory_space<vmem>>
    tpu.wait_dma2 semaphore(%arg19 : memref<!tpu.dma_semaphore, #tpu.memory_space<semaphore_mem>>) src(%dma_wait3A_119 : memref<640xf32, #tpu.memory_space<vmem>>) dst(%dma_wait3A_118 : memref<640xf32, #tpu.memory_space<hbm>>)
    %multiple_of3A_120 = arith.constant 32 : i32
    %multiple_of3A_121 = tpu.assume_multiple %multiple_of3A_120, 8 : i32
    %mul3A_122 = arith.constant 512 : i32
    %mul3A_123 = arith.muli %add3A, %mul3A_122 : i32
    %add3A_124 = arith.constant 480 : i32
    %add3A_125 = arith.addi %mul3A_123, %add3A_124 : i32
    %multiple_of3A_126 = tpu.assume_multiple %add3A_125, 8 : i32
    %dma_wait3A_127 = tpu.memref_slice %arg15[%multiple_of3A_121] : memref<64xf32, #tpu.memory_space<vmem>> -> memref<32xf32, #tpu.memory_space<vmem>>
    %dma_wait3A_128 = tpu.memref_slice %arg6[%multiple_of3A_126] : memref<16384xf32, #tpu.memory_space<hbm>> -> memref<32xf32, #tpu.memory_space<hbm>>
    %dma_wait3A_129 = tpu.memref_slice %arg6[%multiple_of3A_126] : memref<16384xf32, #tpu.memory_space<hbm>> -> memref<32xf32, #tpu.memory_space<hbm>>
    %dma_wait3A_130 = tpu.memref_slice %arg15[%multiple_of3A_121] : memref<64xf32, #tpu.memory_space<vmem>> -> memref<32xf32, #tpu.memory_space<vmem>>
    tpu.wait_dma2 semaphore(%arg19 : memref<!tpu.dma_semaphore, #tpu.memory_space<semaphore_mem>>) src(%dma_wait3A_130 : memref<32xf32, #tpu.memory_space<vmem>>) dst(%dma_wait3A_129 : memref<32xf32, #tpu.memory_space<hbm>>)
    %multiple_of3A_131 = arith.constant 640 : i32
    %multiple_of3A_132 = tpu.assume_multiple %multiple_of3A_131, 8 : i32
    %mul3A_133 = arith.constant 512 : i32
    %mul3A_134 = arith.muli %add3A, %mul3A_133 : i32
    %add3A_135 = arith.constant 480 : i32
    %add3A_136 = arith.addi %mul3A_134, %add3A_135 : i32
    %mul3A_137 = arith.constant 20 : i32
    %mul3A_138 = arith.muli %add3A_136, %mul3A_137 : i32
    %multiple_of3A_139 = tpu.assume_multiple %mul3A_138, 8 : i32
    %dma_wait3A_140 = tpu.memref_slice %arg16[%multiple_of3A_132] : memref<1280xf32, #tpu.memory_space<vmem>> -> memref<640xf32, #tpu.memory_space<vmem>>
    %dma_wait3A_141 = tpu.memref_slice %arg7[%multiple_of3A_139] : memref<327680xf32, #tpu.memory_space<hbm>> -> memref<640xf32, #tpu.memory_space<hbm>>
    %dma_wait3A_142 = tpu.memref_slice %arg7[%multiple_of3A_139] : memref<327680xf32, #tpu.memory_space<hbm>> -> memref<640xf32, #tpu.memory_space<hbm>>
    %dma_wait3A_143 = tpu.memref_slice %arg16[%multiple_of3A_132] : memref<1280xf32, #tpu.memory_space<vmem>> -> memref<640xf32, #tpu.memory_space<vmem>>
    tpu.wait_dma2 semaphore(%arg19 : memref<!tpu.dma_semaphore, #tpu.memory_space<semaphore_mem>>) src(%dma_wait3A_143 : memref<640xf32, #tpu.memory_space<vmem>>) dst(%dma_wait3A_142 : memref<640xf32, #tpu.memory_space<hbm>>)
    return
  }
}

module attributes {stable_mosaic.version = 14 : i64} {
  func.func @_loss_body(%arg0: memref<128x128xf32, #tpu.memory_space<vmem>>, %arg1: memref<2560x128xf32, #tpu.memory_space<vmem>>, %arg2: memref<1x1xf32, #tpu.memory_space<vmem>>) attributes {dimension_semantics = [], scalar_prefetch = 0 : i64, scratch_operands = 0 : i64, tpu.core_type = #tpu.core_type<tc>} {
    %get3A = arith.constant 0 : index
    %get3A_0 = arith.constant 0 : index
    %get3A_1 = vector.load %arg0[%get3A, %get3A_0] : memref<128x128xf32, #tpu.memory_space<vmem>>, vector<128x128xf32>
    %get3A_2 = arith.constant 0 : index
    %get3A_3 = arith.constant 0 : index
    %get3A_4 = vector.load %arg1[%get3A_2, %get3A_3] : memref<2560x128xf32, #tpu.memory_space<vmem>>, vector<2560x128xf32>
    %neg3A = arith.constant 0.000000e+00 : f32
    %neg3A_5 = vector.broadcast %neg3A : f32 to vector<128x128xf32>
    %neg3A_6 = arith.subf %neg3A_5, %get3A_1 : vector<128x128xf32>
    %exp3A = math.exp %neg3A_6 : vector<128x128xf32>
    %add3A = arith.constant 1.000000e+00 : f32
    %add3A_7 = vector.broadcast %add3A : f32 to vector<128x128xf32>
    %add3A_8 = arith.addf %add3A_7, %exp3A : vector<128x128xf32>
    %div3A = arith.constant 1.000000e+00 : f32
    %div3A_9 = vector.broadcast %div3A : f32 to vector<128x128xf32>
    %div3A_10 = arith.divf %div3A_9, %add3A_8 : vector<128x128xf32>
    %add3A_11 = arith.constant 1.000000e-10 : f32
    %add3A_12 = vector.broadcast %add3A_11 : f32 to vector<128x128xf32>
    %add3A_13 = arith.addf %div3A_10, %add3A_12 : vector<128x128xf32>
    %log3A = math.log %add3A_13 : vector<128x128xf32>
    %exp3A_14 = math.exp %get3A_4 : vector<2560x128xf32>
    %add3A_15 = arith.constant 1.000000e+00 : f32
    %add3A_16 = vector.broadcast %add3A_15 : f32 to vector<2560x128xf32>
    %add3A_17 = arith.addf %add3A_16, %exp3A_14 : vector<2560x128xf32>
    %div3A_18 = arith.constant 1.000000e+00 : f32
    %div3A_19 = vector.broadcast %div3A_18 : f32 to vector<2560x128xf32>
    %div3A_20 = arith.divf %div3A_19, %add3A_17 : vector<2560x128xf32>
    %add3A_21 = arith.constant 1.000000e-10 : f32
    %add3A_22 = vector.broadcast %add3A_21 : f32 to vector<2560x128xf32>
    %add3A_23 = arith.addf %div3A_20, %add3A_22 : vector<2560x128xf32>
    %log3A_24 = math.log %add3A_23 : vector<2560x128xf32>
    %reduce_sum3A = vector.shape_cast %log3A : vector<128x128xf32> to vector<1x128x128xf32>
    %reduce_sum3A_25 = arith.constant dense<0.000000e+00> : vector<1xf32>
    %reduce_sum3A_26 = vector.multi_reduction <add>, %reduce_sum3A, %reduce_sum3A_25 [1, 2] : vector<1x128x128xf32> to vector<1xf32>
    %reduce_sum3A_27 = vector.shape_cast %reduce_sum3A_26 : vector<1xf32> to vector<1x1x1xf32>
    %reduce_sum3A_28 = vector.extract %reduce_sum3A_27[0, 0, 0] : f32 from vector<1x1x1xf32>
    %reduce_sum3A_29 = vector.shape_cast %log3A_24 : vector<2560x128xf32> to vector<1x2560x128xf32>
    %reduce_sum3A_30 = arith.constant dense<0.000000e+00> : vector<1xf32>
    %reduce_sum3A_31 = vector.multi_reduction <add>, %reduce_sum3A_29, %reduce_sum3A_30 [1, 2] : vector<1x2560x128xf32> to vector<1xf32>
    %reduce_sum3A_32 = vector.shape_cast %reduce_sum3A_31 : vector<1xf32> to vector<1x1x1xf32>
    %reduce_sum3A_33 = vector.extract %reduce_sum3A_32[0, 0, 0] : f32 from vector<1x1x1xf32>
    %add3A_34 = arith.addf %reduce_sum3A_28, %reduce_sum3A_33 : f32
    %neg3A_35 = arith.constant 0.000000e+00 : f32
    %neg3A_36 = arith.subf %neg3A_35, %add3A_34 : f32
    %div3A_37 = arith.constant 1.638400e+04 : f32
    %div3A_38 = arith.divf %neg3A_36, %div3A_37 : f32
    %broadcast_in_dim3A = vector.broadcast %div3A_38 : f32 to vector<1x1xf32>
    %swap3A = arith.constant 0 : index
    %swap3A_39 = arith.constant 0 : index
    %swap3A_40 = vector.load %arg2[%swap3A, %swap3A_39] : memref<1x1xf32, #tpu.memory_space<vmem>>, vector<1x1xf32>
    tpu.vector_store %arg2[%swap3A, %swap3A_39], %broadcast_in_dim3A {strides = array<i32>} : memref<1x1xf32, #tpu.memory_space<vmem>>, vector<1x1xf32>,
    return
  }
}

</mosaic_0001>

<sc_bundles>
// kernel: kernel.5.cloned.1.call-start
scs
__scs_entry_jumppad:
0x0: {  	(pc) =	sbr.rel $0x88, $3  }
0x1: {  	(tag) =	ssettag $0x0;
	lr =	simm.s32 $0x1  }
0x2: {  	[smem:$0x3F9C] =	sst lr;
	_ =	strace $0xD0000000  }
0x3: {  	_ = 	snop  }
0x4: {  	_ = 	snop  }
0x5: {  	_ = 	snop  }
0x6: {  	_ = 	snop  }
0x7: {  	_ = 	snop  }
__scs_overlays_trampoline_lowered:
0x8: {  	[smem:$0x3FAB] =	sst s0  }
0x9: {  	[smem:$0x3FAC] =	sst s1  }
0xa: {  	[smem:$0x3FAD] =	sst s2  }
0xb: {  	[smem:$0x3FAE] =	sst s3  }
0xc: {  	[smem:$0x3FAF] =	sst s4  }
0xd: {  	[smem:$0x3FB0] =	sst s5  }
0xe: {  	[smem:$0x3FB1] =	sst s6  }
0xf: {  	[smem:$0x3FB2] =	sst s7  }
0x10: {  	[smem:$0x3FB3] =	sst s8  }
0x11: {  	[smem:$0x3FB4] =	sst s9;
	s0 =	simm.s32 @!p0 $0x0  }
0x12: {  	s1 =	sld [smem:$0x3F9A];
	s0 =	simm.s32 @p0 $0x1  }
0x13: {  	[smem:$0x3FB5] =	sst s0;
	s0 =	simm.s32 @!p1 $0x0  }
0x14: {  	s2 =	sld [smem:$0x3F99];
	s0 =	simm.s32 @p1 $0x1  }
0x15: {  	[smem:$0x3FB6] =	sst s0;
	s0 =	simm.s32 @!p2 $0x0  }
0x16: {  	s3 =	sld [smem:$0x3FDB];
	s0 =	simm.s32 @p2 $0x1  }
0x17: {  	s4 =	simm.s32 $0x1BF5;
	[smem:$0x3FB8] =	sst s0  }
0x18: {  	s0 =	sld [smem:$0x3F9B];
	_ =	swait.ge [sflag:s4], $0x0  }
0x19: {  	s7 =	sld [smem:$0x3F9C]  }
0x1a: {  	s8 =	sadd.s32 $0xFFFFE003, lr  }
0x1b: {  	s9 =	sadd.s32 $0xFFFFFEF7, lr;
	s5 =	simm.s32 $0xFFFFFFFF;
	p2 =	slt.u32 s8, $0xFFFFF086  }
0x1c: {  	p1 =	slt.u32 s9, $0xF7A;
	s5 =	simm.s32 @!p2 $0x0  }
0x1d: {  	s5 =	simm.s32 @p1 $0x1;
	p0 =	seq.s32 s7, s2  }
0x1e: {  	s7 =	smul.u32 @!p0 $0xF7A, s2;
	p2 =	seq.s32 @!p0 s5, $0x0  }
0x1f: {  	s9 =	smul.u32 $0xF7A, s1;
	s8 =	simm.s32 @!p0 $0x1BF5;
	p2 =	por !p2, p0  }
0x20: {  	[sflag:s8] =	ssyncset.s32 @!p0 $0xFFFFF086;
	s6 =	sadd.s32 @!p0 s3, s7;
	s7 =	simm.s32 @!p0 $0x108  }
0x21: {  	s3 =	sadd.s32 s3, s9;
	s6 =	sadd.s32 @!p0 $0x88, s6;
	s7 =	simm.s32 @p2 $0x1082  }
0x22: {  	[simem:s7], [sflag:s8] =	dma.local @!p0 [hbm:s6], $0xF7A  }
0x23: {  	s9 =	sor.u32 $0xD0000000, s2;
	s6 =	simm.s32 $0x108;
	_ =	swait.ge @!p0 [sflag:s8], $0x0  }
0x24: {  	s3 =	sadd.s32 $0x88, s3;
	s6 =	simm.s32 @!p1 $0x1082;
	[sflag:s4] =	ssyncset.s32 $0xFFFFF086  }
0x25: {  	[simem:s6], [sflag:s4] =	dma.local [hbm:s3], $0xF7A  }
0x26: {  	[smem:$0x3F9C] =	sst s1;
	(tag) =	ssettag s2;
	_ =	strace s9  }
0x27: {  	s1 =	sld [smem:$0x3FAC]  }
0x28: {  	s2 =	sld [smem:$0x3FAD]  }
0x29: {  	s4 =	sld [smem:$0x3FAF]  }
0x2a: {  	p0 =	seq.s32 s5, $0x0;
	s5 =	sld [smem:$0x3FB0]  }
0x2b: {  	s6 =	sld [smem:$0x3FB1]  }
0x2c: {  	s7 =	sld [smem:$0x3FB2]  }
0x2d: {  	s3 =	simm.s32 $0x108;
	s8 =	sld [smem:$0x3FB3]  }
0x2e: {  	s3 =	simm.s32 @!p0 $0x1082;
	s9 =	sld [smem:$0x3FB4]  }
0x2f: {  	lr =	sadd.s32 s0, s3;
	s0 =	sld [smem:$0x3FAB]  }
0x30: {  	s3 =	sld [smem:$0x3FAE]  }
0x31: {  	[smem:$0x3FB7] =	sst s10  }
0x32: {  	s10 =	sld [smem:$0x3FB5];
	_ =	sdelay $0x3  }
0x33: {  	p0 =	seq.s32 s10, $0x1;
	s10 =	sld [smem:$0x3FB7];
	_ =	sdelay $0x3  }
0x34: {  	[smem:$0x3FB7] =	sst s10  }
0x35: {  	s10 =	sld [smem:$0x3FB6];
	_ =	sdelay $0x3  }
0x36: {  	p1 =	seq.s32 s10, $0x1;
	s10 =	sld [smem:$0x3FB7];
	_ =	sdelay $0x3  }
0x37: {  	[smem:$0x3FB7] =	sst s10  }
0x38: {  	s10 =	sld [smem:$0x3FB8]  }
0x39: {  	_ = 	snop;
	(pc) =	sbr.ind lr, $3  }
0x3a: {  	_ = 	snop  }
0x3b: {  	_ = 	snop  }
0x3c: {  	p2 =	seq.s32 s10, $0x1;
	s10 =	sld [smem:$0x3FB7]  }
0x3d: {  	_ =	shalt  }
0x3e: {  	_ =	shalt  }
0x3f: {  	_ =	shalt  }
0x40: {  	_ =	shalt  }
0x41: {  	_ =	shalt  }
0x42: {  	_ =	shalt  }
0x43: {  	_ =	shalt  }
0x44: {  	_ =	shalt  }
0x45: {  	_ =	shalt  }
0x46: {  	_ =	shalt  }
0x47: {  	_ =	shalt  }
0x48: {  	_ =	shalt  }
0x49: {  	_ =	shalt  }
0x4a: {  	_ =	shalt  }
0x4b: {  	_ =	shalt  }
0x4c: {  	_ =	shalt  }
0x4d: {  	_ =	shalt  }
0x4e: {  	_ =	shalt  }
0x4f: {  	_ =	shalt  }
0x50: {  	_ =	shalt  }
0x51: {  	_ =	shalt  }
0x52: {  	_ =	shalt  }
0x53: {  	_ =	shalt  }
0x54: {  	_ =	shalt  }
0x55: {  	_ =	shalt  }
0x56: {  	_ =	shalt  }
0x57: {  	_ =	shalt  }
0x58: {  	_ =	shalt  }
0x59: {  	_ =	shalt  }
0x5a: {  	_ =	shalt  }
0x5b: {  	_ =	shalt  }
0x5c: {  	_ =	shalt  }
0x5d: {  	_ =	shalt  }
0x5e: {  	_ =	shalt  }
0x5f: {  	_ =	shalt  }
0x60: {  	_ =	shalt  }
0x61: {  	_ =	shalt  }
0x62: {  	_ =	shalt  }
0x63: {  	_ =	shalt  }
0x64: {  	_ =	shalt  }
0x65: {  	_ =	shalt  }
0x66: {  	_ =	shalt  }
0x67: {  	_ =	shalt  }
0x68: {  	_ =	shalt  }
0x69: {  	_ =	shalt  }
0x6a: {  	_ =	shalt  }
0x6b: {  	_ =	shalt  }
0x6c: {  	_ =	shalt  }
0x6d: {  	_ =	shalt  }
0x6e: {  	_ =	shalt  }
0x6f: {  	_ =	shalt  }
0x70: {  	_ =	shalt  }
0x71: {  	_ =	shalt  }
0x72: {  	_ =	shalt  }
0x73: {  	_ =	shalt  }
0x74: {  	_ =	shalt  }
0x75: {  	_ =	shalt  }
0x76: {  	_ =	shalt  }
0x77: {  	_ =	shalt  }
0x78: {  	_ =	shalt  }
0x79: {  	_ =	shalt  }
0x7a: {  	_ =	shalt  }
0x7b: {  	_ =	shalt  }
0x7c: {  	_ =	shalt  }
0x7d: {  	_ =	shalt  }
0x7e: {  	_ =	shalt  }
0x7f: {  	_ =	shalt  }
0x80: {  	_ =	shalt  }
0x81: {  	_ =	shalt  }
0x82: {  	_ =	shalt  }
0x83: {  	_ =	shalt  }
0x84: {  	_ =	shalt  }
0x85: {  	_ =	shalt  }
0x86: {  	_ =	shalt  }
0x87: {  	_ =	shalt  }
.Lfunc_end0:
.L_simem_size_0:
called_computation_lowered:
.L_overlay_start_0:
0x88: {  	s2 =	sld [smem:$0x3FD9]  }
0x89: {  	s3 =	sld [smem:$0x3FFE];
	_ =	sdelay $0x1  }
0x8a: {  	s1 =	srdreg.scid  }
0x8b: {  	s0 =	sand.u32 $0x1, s1  }
0x8c: {  	s16 =	sshll.u32 s0, $0xA;
	s2 =	sadd.s32 s3, s2  }
0x8d: {  	s2 =	sadd.s32 s2, s16  }
0x8e: {  	[smem:$0x3FC3] =	sst s2  }
0x8f: {  	_ = 	snop  }
0x90: {  	(tm) =	ssettm $0x1  }
0x91: {  	s17 =	sld [smem:$0x3FFB];
	_ =	sdelay $0x3  }
0x92: {  	_ =	strace s17  }
0x93: {  	s2 =	sld [smem:$0x3FFC];
	_ =	sdelay $0x3  }
0x94: {  	_ =	strace s2  }
0x95: {  	s2 =	sld [smem:$0x3FFD];
	_ =	sdelay $0x3  }
0x96: {  	_ =	strace s2  }
0x97: {  	_ =	strace $0x8FFFFFFF  }
0x98: {  	s18 =	sld [smem:$0x3FDB];
	_ =	sdelay $0x1  }
0x99: {  	s19 =	simm.s32 $_scs_section_size  }
0x9a: {  	s4 =	simm.s32 $_size__tile_overlayer_lowered;
	s5 =	simm.s32 $_tile_overlayer_lowered  }
0x9b: {  	s22 =	simm.s32 $0x1BFF;
	s21 =	sshll.u32 s5, $0x1;
	s2 =	sadd.s32 s19, s18  }
0x9c: {  	s6 =	simm.s32 $0x0;
	s20 =	sshll.u32 s4, $0x1;
	s4 =	sadd.s32 s21, s2  }
0x9d: {  	[timem:s6], [sflag:s22] =	dma.local [hbm:s4], s20  }
0x9e: {  	_ =	swait.ge [sflag:s22], s20  }
0x9f: {  	s3 =	ssub.s32 $0x0, s20;
	[sflag:s22] =	ssyncset.done $0x0  }
0xa0: {  	[sflag:s22] =	ssyncadd.s32 s3;
	_ =	sdelay $0x1  }
0xa1: {  	s23 =	simm.s32 $0x1B8B  }
0xa2: {  	_ =	swait.ge [sflag:s23], $0x1  }
0xa3: {  	[sflag:s23] =	ssyncset.done $0x0  }
0xa4: {  	s25 =	simm.s32 $0x1B8E;
	s24 =	sld [smem:$0x3FFE];
	[sflag:s23] =	ssyncadd.s32 $0xFFFFFFFF  }
0xa5: {  	s26 =	simm.s32 $execute0_lowered;
	[smem:$0x3FD2] =	sst s25  }
0xa6: {  	s4 =	sshll.u32 s26, $0x1;
	_ =	strace $0x80000046;
	[dreg:$0x1] =	wrdreg $0xFFFFFFFF  }
0xa7: {  	s28 =	simm.s32 $_size_execute0_lowered;
	s2 =	sadd.s32 s2, s4;
	[dreg:$0x0] =	wrdreg $0x0  }
0xa8: {  	s4 =	sshll.u32 s28, $0x1;
	[dreg:$0x2] =	wrdreg s2  }
0xa9: {  	[dreg:$0x3] =	wrdreg s4  }
0xaa: {  	[dreg:$0x4] =	wrdreg $0xC0  }
0xab: {  	_ =	task [dreg:s6], $0x5FFFF  }
0xac: {  	[dreg:$0x1] =	wrdreg $0xFFFFFFFF  }
0xad: {  	[dreg:$0x0] =	wrdreg $0x60  }
0xae: {  	[dreg:$0x2] =	wrdreg s24  }
0xaf: {  	[dreg:$0x3] =	wrdreg $0x9  }
0xb0: {  	_ =	task.clear_ibuf [dreg:s6], $0x4FFFF;
	_ =	strace $0x90000046  }
0xb1: {  	s29 =	simm.s32 $0x9;
	_ =	strace $0x80000048  }
0xb2: {  	_ =	swait.ge [sflag:s29], $0x1  }
0xb3: {  	[sflag:s29] =	ssyncadd.s32 $0xFFFFFFFF  }
0xb4: {  	_ =	strace $0x90000048  }
0xb5: {  	_ =	sfence  }
0xb6: {  	s30 =	sld [smem:$0x0];
	_ =	sdelay $0x2  }
0xb7: {  	s31 =	sshll.u32 s1, $0xD;
	s1 =	sshrl.u32 s1, $0x2  }
0xb8: {  	s3 =	sand.u32 $0x4000, s31;
	s1 =	sadd.s32 s1, s30  }
0xb9: {  	s0 =	sor.u32 s3, s0;
	s1 =	sshll.u32 s1, $0x11  }
0xba: {  	s0 =	sor.u32 s1, s0  }
0xbb: {  	s0 =	sadd.s32 $0x8F2B, s0  }
0xbc: {  	[sflag:s0] =	ssyncadd.remote.s32 $0x1  }
0xbd: {  	_ =	sfence.sel $0xFFFF  }
0xbe: {  	[dreg:$0x0] =	wrdreg $0xFFFFFFFF;
	(pc) =	sbr.abs _section_cstart, $3  }
0xbf: {  	[dreg:$0x1] =	wrdreg $0xFFFFFFFF  }
0xc0: {  	_ =	task.clear_ibuf [dreg:s6], $0x2FFFF;
	_ =	strace $0x9FFFFFFF  }
0xc1: {  	(tm) =	ssettm $0x7FFFFFFF  }
tec
execute0_lowered:
.L_overlay_start_1:
0x0: {  	(tag) =	ssettag $0x1  }
0x1: {  	s1 =	srdreg.scid  }
0x2: {  	s0 =	stileid.u32;
	s4 =	rddreg [dreg:$0x0];
	s2 =	simm.s32 $0x0  }
0x3: {  	s9 =	simm.s32 $0x2800;
	s10 =	simm.s32 $0x4800;
	s11 =	simm.s32 $0x6800  }
0x4: {  	s12 =	simm.s32 $0x8800;
	s13 =	simm.s32 $0xA800;
	s14 =	simm.s32 $0x1  }
0x5: {  	s15 =	simm.s32 $0xC800;
	s3 =	sand.u32 $0x1, s1;
	s1 =	rddreg [dreg:$0x1]  }
0x6: {  	s16 =	simm.s32 $0x0;
	s31 =	sshll.u32 s0, $0x1;
	[smem:$0x7FF] =	sst s2  }
0x7: {  	s5 =	sor.u32 s3, s31;
	_ =	strace $0x80000047;
	s7 =	ssub.s32 $0x2, s3  }
0x8: {  	s6 =	smul.u32 $0x500, s5;
	s5 =	sshll.u32 s5, $0xC;
	s8 =	sshrl.u32 s7, $0x1  }
0x9: {  	s3 =	sadd.s32 $0xF43800, s4;
	s5 =	sadd.s32 s5, s4;
	s7 =	ssub.s32 s7, s8  }
0xa: {  	s8 =	simm.s32 $0x80;
	s6 =	sadd.s32 s6, s4;
	s5 =	sadd.s32 $0xB400, s5  }
0xb: {  	s4 =	sadd.s32 $0x1400, s6;
	s6 =	smax.u32 s7, $0x1;
	s7 =	simm.s32 $0x2  }
.LBB2_1:
0xc: {  	[tilespmem:s2], [sflag:$0x2] =	stream.linear.gather [hbm4b:s4+s2], $0x2800, $0x38;
	[tilespmem:$0xD000] =	vst v63  }
0xd: {  	_ =	swait.ge [sflag:s7], $0x2800  }
0xe: {  	[sflag:s7] =	ssyncset.done $0x0  }
0xf: {  	s17 =	simm.s32 $0x0;
	[sflag:s7] =	ssyncadd.s32 $0xFFFFD800  }
.LBB2_2:
0x10: {  	s18 =	smul.u32 $0xA00, s17;
	_ =	sdelay $0x1  }
0x11: {  	s18 =	sshra.s32 s18, $0x2  }
0x12: {  	[tilespmem:s9], [sflag:$0x1] =	stream.indirect.gather [hbm4b:s3+s8], $0x40, s18, s8, $0xb8;
	[tilespmem:$0xD000] =	vst v63  }
0x13: {  	s19 =	sadd.s32 $0x80, s18  }
0x14: {  	[tilespmem:s10], [sflag:$0x1] =	stream.indirect.gather [hbm4b:s3+s8], $0x40, s19, s8, $0xb8;
	[tilespmem:$0xD000] =	vst v63  }
0x15: {  	s30 =	sadd.s32 $0x100, s18  }
0x16: {  	[tilespmem:s11], [sflag:$0x1] =	stream.indirect.gather [hbm4b:s3+s8], $0x40, s30, s8, $0xb8;
	[tilespmem:$0xD000] =	vst v63  }
0x17: {  	s31 =	sadd.s32 $0x180, s18  }
0x18: {  	[tilespmem:s12], [sflag:$0x1] =	stream.indirect.gather [hbm4b:s3+s8], $0x40, s31, s8, $0xb8;
	[tilespmem:$0xD000] =	vst v63  }
0x19: {  	s18 =	sadd.s32 $0x200, s18  }
0x1a: {  	[tilespmem:s13], [sflag:$0x1] =	stream.indirect.gather [hbm4b:s3+s8], $0x40, s18, s8, $0xb8;
	[tilespmem:$0xD000] =	vst v63  }
0x1b: {  	_ =	swait.ge [sflag:s14], $0x2000  }
0x1c: {  	[sflag:s14] =	ssyncset.done $0x0  }
0x1d: {  	[sflag:s14] =	ssyncadd.s32 $0xFFFFE000  }
0x1e: {  	_ =	swait.ge [sflag:s14], $0x2000  }
0x1f: {  	[sflag:s14] =	ssyncset.done $0x0  }
0x20: {  	[sflag:s14] =	ssyncadd.s32 $0xFFFFE000  }
0x21: {  	_ =	swait.ge [sflag:s14], $0x2000  }
0x22: {  	[sflag:s14] =	ssyncset.done $0x0  }
0x23: {  	[sflag:s14] =	ssyncadd.s32 $0xFFFFE000  }
0x24: {  	_ =	swait.ge [sflag:s14], $0x2000  }
0x25: {  	[sflag:s14] =	ssyncset.done $0x0  }
0x26: {  	[sflag:s14] =	ssyncadd.s32 $0xFFFFE000  }
0x27: {  	_ =	swait.ge [sflag:s14], $0x2000  }
0x28: {  	[sflag:s14] =	ssyncset.done $0x0  }
0x29: {  	s18 =	simm.s32 $0x2A80;
	[sflag:s14] =	ssyncadd.s32 $0xFFFFE000  }
0x2a: {  	v0 =	vld [tilespmem:s18+$0x1F0]  }
0x2b: {  	v1 =	vld [tilespmem:s18+$0x1C0]  }
0x2c: {  	v2 =	vld [tilespmem:s18+$0x1B0]  }
0x2d: {  	v3 =	vld [tilespmem:s18+$0x180]  }
0x2e: {  	v4 =	vld [tilespmem:s18+$0x170]  }
0x2f: {  	v5 =	vld [tilespmem:s18+$0x140]  }
0x30: {  	v6 =	vld [tilespmem:s18+$0x130]  }
0x31: {  	v7 =	vld [tilespmem:s18+$0x100]  }
0x32: {  	v8 =	vld [tilespmem:s18+$0xF0]  }
0x33: {  	v9 =	vld [tilespmem:s18+$0xC0]  }
0x34: {  	v10 =	vld [tilespmem:s18+$0x80]  }
0x35: {  	v11 =	vld [tilespmem:s18+$0x70]  }
0x36: {  	v12 =	vld [tilespmem:s18+$0x40]  }
0x37: {  	v13 =	vld [tilespmem:s18+$0x30]  }
0x38: {  	v14 =	vld [tilespmem:s18+$0x0]  }
0x39: {  	v15 =	vld [tilespmem:s18+$0xFFFFFFF0]  }
0x3a: {  	v16 =	vld [tilespmem:s18+$0xFFFFFFC0]  }
0x3b: {  	v17 =	vld [tilespmem:s18+$0xFFFFFFB0]  }
0x3c: {  	v18 =	vld [tilespmem:s18+$0xFFFFFF80]  }
0x3d: {  	v19 =	vld [tilespmem:s18+$0xFFFFFF70]  }
0x3e: {  	v20 =	vld [tilespmem:s18+$0xFFFFFF40]  }
0x3f: {  	v21 =	vld [tilespmem:s18+$0xFFFFFF30]  }
0x40: {  	v22 =	vld [tilespmem:s18+$0xFFFFFF00]  }
0x41: {  	v23 =	vld [tilespmem:s18+$0xFFFFFEF0]  }
0x42: {  	v24 =	vld [tilespmem:s18+$0xFFFFFEC0]  }
0x43: {  	v25 =	vld [tilespmem:s18+$0xFFFFFEB0]  }
0x44: {  	v26 =	vld [tilespmem:s18+$0xFFFFFE80]  }
0x45: {  	v27 =	vld [tilespmem:s18+$0xFFFFFE70]  }
0x46: {  	v28 =	vld [tilespmem:s18+$0xFFFFFE40]  }
0x47: {  	v29 =	vld [tilespmem:s18+$0xFFFFFE00]  }
0x48: {  	v30 =	vld [tilespmem:s18+$0xFFFFFE30]  }
0x49: {  	v31 =	vld [tilespmem:s18+$0xFFFFFE60]  }
0x4a: {  	v32 =	vld [tilespmem:s18+$0xFFFFFDC0]  }
0x4b: {  	v33 =	vld [tilespmem:s18+$0xFFFFFDB0]  }
0x4c: {  	v34 =	vld [tilespmem:s18+$0xFFFFFD80]  }
0x4d: {  	v35 =	vld [tilespmem:s18+$0xFFFFFDF0]  }
0x4e: {  	v36 =	vld [tilespmem:s18+$0x200]  }
0x4f: {  	v37 =	vld [tilespmem:s18+$0x230]  }
0x50: {  	v38 =	vld [tilespmem:s18+$0x240]  }
0x51: {  	v40 =	vld [tilespmem:s18+$0xFFFFFDE0]  }
0x52: {  	v41 =	vld [tilespmem:s18+$0xFFFFFDD0]  }
0x53: {  	v42 =	vld [tilespmem:s18+$0xFFFFFDA0]  }
0x54: {  	v43 =	vld [tilespmem:s18+$0xFFFFFD90]  }
0x55: {  	v61 =	vld [tilespmem:s18+$0xFFFFFE20]  }
0x56: {  	v44 =	vld [tilespmem:s18+$0xFFFFFE10];
	v32 =	vadd.f32 v32, v34  }
0x57: {  	v62 =	vld [tilespmem:s18+$0xFFFFFE50]  }
0x58: {  	v45 =	vld [tilespmem:s18+$0xFFFFFE90];
	v33 =	vadd.f32 v35, v33;
	v29 =	vadd.f32 v29, v32  }
0x59: {  	v46 =	vld [tilespmem:s18+$0xFFFFFEE0];
	v63 =	vadd.f32 v40, v42;
	v43 =	vadd.f32 v41, v43  }
0x5a: {  	v42 =	vld [tilespmem:s18+$0xFFFFFEA0];
	v30 =	vadd.f32 v30, v33;
	v28 =	vadd.f32 v28, v29  }
0x5b: {  	v48 =	vld [tilespmem:s18+$0xFFFFFED0];
	v34 =	vadd.f32 v61, v63;
	v47 =	vadd.f32 v44, v43  }
0x5c: {  	v49 =	vld [tilespmem:s18+$0xFFFFFF20];
	v27 =	vadd.f32 v27, v30;
	v26 =	vadd.f32 v26, v28  }
0x5d: {  	v51 =	vld [tilespmem:s18+$0xFFFFFF10];
	v31 =	vadd.f32 v31, v34;
	v50 =	vadd.f32 v62, v47  }
0x5e: {  	v52 =	vld [tilespmem:s18+$0xFFFFFF60];
	v25 =	vadd.f32 v25, v27;
	v24 =	vadd.f32 v24, v26  }
0x5f: {  	v55 =	vld [tilespmem:s18+$0xFFFFFF50];
	v29 =	vadd.f32 v42, v31;
	v53 =	vadd.f32 v45, v50  }
0x60: {  	v56 =	vld [tilespmem:s18+$0xFFFFFFA0];
	v23 =	vadd.f32 v23, v25;
	v22 =	vadd.f32 v22, v24  }
0x61: {  	v59 =	vld [tilespmem:s18+$0xFFFFFF90];
	v54 =	vadd.f32 v46, v29;
	v57 =	vadd.f32 v48, v53  }
0x62: {  	v60 =	vld [tilespmem:s18+$0xFFFFFFE0];
	v21 =	vadd.f32 v21, v23;
	v20 =	vadd.f32 v20, v22  }
0x63: {  	v40 =	vld [tilespmem:s18+$0xB0];
	v58 =	vadd.f32 v49, v54;
	v61 =	vadd.f32 v51, v57  }
0x64: {  	v63 =	vld [tilespmem:s18+$0xFFFFFFD0];
	v19 =	vadd.f32 v19, v21;
	v18 =	vadd.f32 v18, v20  }
0x65: {  	v30 =	vld [tilespmem:s18+$0x10];
	v62 =	vadd.f32 v52, v58;
	v28 =	vadd.f32 v55, v61  }
0x66: {  	v27 =	vld [tilespmem:s18+$0x20];
	v17 =	vadd.f32 v17, v19;
	v16 =	vadd.f32 v16, v18  }
0x67: {  	v34 =	vld [tilespmem:s18+$0x50];
	v29 =	vadd.f32 v56, v62;
	v32 =	vadd.f32 v59, v28  }
0x68: {  	v31 =	vld [tilespmem:s18+$0x60];
	v15 =	vadd.f32 v15, v17;
	v14 =	vadd.f32 v14, v16  }
0x69: {  	v35 =	vld [tilespmem:s18+$0xA0];
	v33 =	vadd.f32 v60, v29;
	v41 =	vadd.f32 v63, v32  }
0x6a: {  	v43 =	vld [tilespmem:s18+$0x90];
	v13 =	vadd.f32 v13, v15;
	v12 =	vadd.f32 v12, v14  }
0x6b: {  	v44 =	vld [tilespmem:s18+$0xE0];
	v42 =	vadd.f32 v27, v33;
	v45 =	vadd.f32 v30, v41  }
0x6c: {  	v47 =	vld [tilespmem:s18+$0xD0];
	v11 =	vadd.f32 v11, v13;
	v10 =	vadd.f32 v10, v12  }
0x6d: {  	v48 =	vld [tilespmem:s18+$0x120];
	v46 =	vadd.f32 v31, v42;
	v13 =	vadd.f32 v34, v45  }
0x6e: {  	v49 =	vld [tilespmem:s18+$0x110];
	v11 =	vadd.f32 v40, v11;
	v9 =	vadd.f32 v9, v10  }
0x6f: {  	v50 =	vld [tilespmem:s18+$0x160];
	v14 =	vadd.f32 v35, v46;
	v51 =	vadd.f32 v43, v13  }
0x70: {  	v52 =	vld [tilespmem:s18+$0x150];
	v8 =	vadd.f32 v8, v11;
	v7 =	vadd.f32 v7, v9  }
0x71: {  	v39 =	vld [tilespmem:s18+$0x270];
	v12 =	vadd.f32 v44, v14;
	v54 =	vadd.f32 v47, v51  }
0x72: {  	v53 =	vld [tilespmem:s18+$0x1A0];
	v6 =	vadd.f32 v6, v8;
	v5 =	vadd.f32 v5, v7  }
0x73: {  	v55 =	vld [tilespmem:s18+$0x190];
	v10 =	vadd.f32 v48, v12;
	v57 =	vadd.f32 v49, v54  }
0x74: {  	v56 =	vld [tilespmem:s18+$0x1E0];
	v4 =	vadd.f32 v4, v6;
	v3 =	vadd.f32 v3, v5  }
0x75: {  	v59 =	vld [tilespmem:s18+$0x1D0];
	v58 =	vadd.f32 v50, v10;
	v60 =	vadd.f32 v52, v57  }
0x76: {  	v2 =	vadd.f32 v2, v4;
	v1 =	vadd.f32 v1, v3;
	v3 =	vld [tilespmem:s18+$0x220]  }
0x77: {  	v62 =	vld [tilespmem:s18+$0x210];
	v61 =	vadd.f32 v53, v58  }
0x78: {  	v4 =	vadd.f32 v55, v60;
	v0 =	vadd.f32 v0, v2;
	v2 =	vld [tilespmem:s18+$0x260]  }
0x79: {  	v5 =	vadd.f32 v56, v61;
	v1 =	vadd.f32 v36, v1  }
0x7a: {  	v63 =	vld [tilespmem:s18+$0x250];
	v4 =	vadd.f32 v59, v4;
	v0 =	vadd.f32 v37, v0  }
0x7b: {  	v1 =	vadd.f32 v38, v1;
	v3 =	vadd.f32 v3, v5  }
0x7c: {  	v0 =	vadd.f32 v39, v0  }
0x7d: {  	v4 =	vadd.f32 v62, v4;
	v1 =	vmul.f32 $5.000000070e-02, v1;
	v2 =	vadd.f32 v2, v3  }
0x7e: {  	s20 =	simm.s32 $0x0;
	v0 =	vmul.f32 $5.000000070e-02, v0  }
0x7f: {  	[tilespmem:s20+$0xC800] =	vst v1;
	v1 =	vadd.f32 v63, v4;
	v2 =	vmul.f32 $5.000000070e-02, v2  }
0x80: {  	[tilespmem:s20+$0xC830] =	vst v0  }
0x81: {  	s19 =	simm.s32 $0x100;
	v0 =	vmul.f32 $5.000000070e-02, v1;
	[tilespmem:s20+$0xC820] =	vst v2  }
.LBB2_3:
0x82: {  	p0 =	sne.s32 s19, $0x1F00  }
0x83: {  	[tilespmem:s20+$0xC810] =	vst v0;
	s18 =	sadd.s32 $0x500, s18;
	s20 =	smov.u32 s19;
	s19 =	sadd.s32 $0x100, s19  }
0x84: {  	v0 =	vld [tilespmem:s18+$0x1F0]  }
0x85: {  	v1 =	vld [tilespmem:s18+$0x1C0]  }
0x86: {  	v2 =	vld [tilespmem:s18+$0x1B0]  }
0x87: {  	v3 =	vld [tilespmem:s18+$0x180]  }
0x88: {  	v4 =	vld [tilespmem:s18+$0x170]  }
0x89: {  	v5 =	vld [tilespmem:s18+$0x140]  }
0x8a: {  	v6 =	vld [tilespmem:s18+$0x130]  }
0x8b: {  	v7 =	vld [tilespmem:s18+$0x100]  }
0x8c: {  	v8 =	vld [tilespmem:s18+$0xF0]  }
0x8d: {  	v9 =	vld [tilespmem:s18+$0xC0]  }
0x8e: {  	v11 =	vld [tilespmem:s18+$0x80]  }
0x8f: {  	v15 =	vld [tilespmem:s18+$0x70]  }
0x90: {  	v16 =	vld [tilespmem:s18+$0x40]  }
0x91: {  	v17 =	vld [tilespmem:s18+$0x30]  }
0x92: {  	v18 =	vld [tilespmem:s18+$0x0]  }
0x93: {  	v19 =	vld [tilespmem:s18+$0xFFFFFFF0]  }
0x94: {  	v20 =	vld [tilespmem:s18+$0xFFFFFFC0]  }
0x95: {  	v21 =	vld [tilespmem:s18+$0xFFFFFFB0]  }
0x96: {  	v22 =	vld [tilespmem:s18+$0xFFFFFF80]  }
0x97: {  	v23 =	vld [tilespmem:s18+$0xFFFFFF70]  }
0x98: {  	v24 =	vld [tilespmem:s18+$0xFFFFFF40]  }
0x99: {  	v25 =	vld [tilespmem:s18+$0xFFFFFF30]  }
0x9a: {  	v26 =	vld [tilespmem:s18+$0xFFFFFF00]  }
0x9b: {  	v27 =	vld [tilespmem:s18+$0xFFFFFEF0]  }
0x9c: {  	v28 =	vld [tilespmem:s18+$0xFFFFFEC0]  }
0x9d: {  	v29 =	vld [tilespmem:s18+$0xFFFFFEB0]  }
0x9e: {  	v30 =	vld [tilespmem:s18+$0xFFFFFE80]  }
0x9f: {  	v31 =	vld [tilespmem:s18+$0xFFFFFE70]  }
0xa0: {  	v32 =	vld [tilespmem:s18+$0xFFFFFE40]  }
0xa1: {  	v33 =	vld [tilespmem:s18+$0xFFFFFE00]  }
0xa2: {  	v34 =	vld [tilespmem:s18+$0xFFFFFE30]  }
0xa3: {  	v35 =	vld [tilespmem:s18+$0xFFFFFE60]  }
0xa4: {  	v10 =	vld [tilespmem:s18+$0xFFFFFDC0]  }
0xa5: {  	v36 =	vld [tilespmem:s18+$0xFFFFFDB0]  }
0xa6: {  	v37 =	vld [tilespmem:s18+$0xFFFFFD80]  }
0xa7: {  	v38 =	vld [tilespmem:s18+$0xFFFFFDF0]  }
0xa8: {  	v14 =	vld [tilespmem:s18+$0x200]  }
0xa9: {  	v13 =	vld [tilespmem:s18+$0x230]  }
0xaa: {  	v12 =	vld [tilespmem:s18+$0x240]  }
0xab: {  	v37 =	vadd.f32 v10, v37;
	v10 =	vld [tilespmem:s18+$0x270]  }
0xac: {  	v39 =	vld [tilespmem:s18+$0xFFFFFDE0];
	v36 =	vadd.f32 v38, v36  }
0xad: {  	v38 =	vld [tilespmem:s18+$0xFFFFFDD0];
	v33 =	vadd.f32 v33, v37  }
0xae: {  	v37 =	vld [tilespmem:s18+$0xFFFFFDA0];
	v34 =	vadd.f32 v34, v36  }
0xaf: {  	v36 =	vld [tilespmem:s18+$0xFFFFFD90];
	v32 =	vadd.f32 v32, v33  }
0xb0: {  	v33 =	vld [tilespmem:s18+$0xFFFFFE20];
	v31 =	vadd.f32 v31, v34  }
0xb1: {  	v34 =	vld [tilespmem:s18+$0xFFFFFE10];
	v30 =	vadd.f32 v30, v32  }
0xb2: {  	v32 =	vld [tilespmem:s18+$0xFFFFFE50];
	v29 =	vadd.f32 v29, v31  }
0xb3: {  	v31 =	vadd.f32 v39, v37;
	v37 =	vld [tilespmem:s18+$0xB0]  }
0xb4: {  	v28 =	vadd.f32 v28, v30;
	v36 =	vadd.f32 v38, v36;
	v38 =	vld [tilespmem:s18+$0xFFFFFEA0]  }
0xb5: {  	v27 =	vadd.f32 v27, v29;
	v30 =	vadd.f32 v33, v31;
	v31 =	vld [tilespmem:s18+$0xFFFFFE90]  }
0xb6: {  	v26 =	vadd.f32 v26, v28;
	v29 =	vadd.f32 v34, v36;
	v33 =	vld [tilespmem:s18+$0xFFFFFEE0]  }
0xb7: {  	v25 =	vadd.f32 v25, v27;
	v28 =	vadd.f32 v35, v30;
	v30 =	vld [tilespmem:s18+$0xFFFFFED0]  }
0xb8: {  	v24 =	vadd.f32 v24, v26;
	v27 =	vadd.f32 v32, v29;
	v29 =	vld [tilespmem:s18+$0xFFFFFF20]  }
0xb9: {  	v23 =	vadd.f32 v23, v25;
	v26 =	vadd.f32 v38, v28;
	v28 =	vld [tilespmem:s18+$0xFFFFFF10]  }
0xba: {  	v22 =	vadd.f32 v22, v24;
	v25 =	vadd.f32 v31, v27;
	v27 =	vld [tilespmem:s18+$0xFFFFFF60]  }
0xbb: {  	v21 =	vadd.f32 v21, v23;
	v24 =	vadd.f32 v33, v26;
	v26 =	vld [tilespmem:s18+$0xFFFFFF50]  }
0xbc: {  	v20 =	vadd.f32 v20, v22;
	v23 =	vadd.f32 v30, v25;
	v25 =	vld [tilespmem:s18+$0xFFFFFFA0]  }
0xbd: {  	v19 =	vadd.f32 v19, v21;
	v22 =	vadd.f32 v29, v24;
	v24 =	vld [tilespmem:s18+$0xFFFFFF90]  }
0xbe: {  	v18 =	vadd.f32 v18, v20;
	v21 =	vadd.f32 v28, v23;
	v23 =	vld [tilespmem:s18+$0xFFFFFFE0]  }
0xbf: {  	v17 =	vadd.f32 v17, v19;
	v20 =	vadd.f32 v27, v22;
	v22 =	vld [tilespmem:s18+$0xFFFFFFD0]  }
0xc0: {  	v16 =	vadd.f32 v16, v18;
	v19 =	vadd.f32 v26, v21;
	v21 =	vld [tilespmem:s18+$0x20]  }
0xc1: {  	v15 =	vadd.f32 v15, v17;
	v18 =	vadd.f32 v25, v20;
	v20 =	vld [tilespmem:s18+$0x10]  }
0xc2: {  	v11 =	vadd.f32 v11, v16;
	v17 =	vadd.f32 v24, v19;
	v19 =	vld [tilespmem:s18+$0x60]  }
0xc3: {  	v15 =	vadd.f32 v37, v15;
	v16 =	vadd.f32 v23, v18;
	v18 =	vld [tilespmem:s18+$0x50]  }
0xc4: {  	v9 =	vadd.f32 v9, v11;
	v17 =	vadd.f32 v22, v17;
	v22 =	vld [tilespmem:s18+$0xA0]  }
0xc5: {  	v8 =	vadd.f32 v8, v15;
	v11 =	vadd.f32 v21, v16;
	v16 =	vld [tilespmem:s18+$0x90]  }
0xc6: {  	v7 =	vadd.f32 v7, v9;
	v15 =	vadd.f32 v20, v17;
	v17 =	vld [tilespmem:s18+$0xE0]  }
0xc7: {  	v6 =	vadd.f32 v6, v8;
	v9 =	vadd.f32 v19, v11;
	v11 =	vld [tilespmem:s18+$0xD0]  }
0xc8: {  	v5 =	vadd.f32 v5, v7;
	v8 =	vadd.f32 v18, v15;
	v15 =	vld [tilespmem:s18+$0x120]  }
0xc9: {  	v4 =	vadd.f32 v4, v6;
	v7 =	vadd.f32 v22, v9;
	v9 =	vld [tilespmem:s18+$0x110]  }
0xca: {  	v3 =	vadd.f32 v3, v5;
	v6 =	vadd.f32 v16, v8;
	v8 =	vld [tilespmem:s18+$0x160]  }
0xcb: {  	v2 =	vadd.f32 v2, v4;
	v5 =	vadd.f32 v17, v7;
	v7 =	vld [tilespmem:s18+$0x150]  }
0xcc: {  	v1 =	vadd.f32 v1, v3;
	v4 =	vadd.f32 v11, v6;
	v6 =	vld [tilespmem:s18+$0x1A0]  }
0xcd: {  	v0 =	vadd.f32 v0, v2;
	v3 =	vadd.f32 v15, v5;
	v5 =	vld [tilespmem:s18+$0x190]  }
0xce: {  	v1 =	vadd.f32 v14, v1;
	v2 =	vadd.f32 v9, v4;
	v4 =	vld [tilespmem:s18+$0x1E0]  }
0xcf: {  	v0 =	vadd.f32 v13, v0;
	v3 =	vadd.f32 v8, v3;
	v8 =	vld [tilespmem:s18+$0x1D0]  }
0xd0: {  	v1 =	vadd.f32 v12, v1;
	v2 =	vadd.f32 v7, v2;
	v7 =	vld [tilespmem:s18+$0x220]  }
0xd1: {  	v0 =	vadd.f32 v10, v0;
	v3 =	vadd.f32 v6, v3;
	v6 =	vld [tilespmem:s18+$0x210]  }
0xd2: {  	v1 =	vmul.f32 $5.000000070e-02, v1;
	v2 =	vadd.f32 v5, v2;
	v5 =	vld [tilespmem:s18+$0x260]  }
0xd3: {  	s20 =	sshra.s32 s20, $0x2;
	v0 =	vmul.f32 $5.000000070e-02, v0;
	v3 =	vadd.f32 v4, v3;
	v4 =	vld [tilespmem:s18+$0x250]  }
0xd4: {  	v2 =	vadd.f32 v8, v2;
	[tilespmem:s20+$0xC800] =	vst v1  }
0xd5: {  	v1 =	vadd.f32 v7, v3;
	[tilespmem:s20+$0xC830] =	vst v0  }
0xd6: {  	v0 =	vadd.f32 v6, v2  }
.Ltmp0:
0xd7: {  	v1 =	vadd.f32 v5, v1;
	(pc) =	sbr.rel @p0 .LBB2_3-.Ltmp0, $4  }
0xd8: {  	v0 =	vadd.f32 v4, v0  }
0xd9: {  	v1 =	vmul.f32 $5.000000070e-02, v1  }
0xda: {  	v0 =	vmul.f32 $5.000000070e-02, v0  }
0xdb: {  	[tilespmem:s20+$0xC820] =	vst v1  }
0xdc: {  	s18 =	sshll.u32 s17, $0x8;
	s17 =	sadd.s32 $0x1, s17  }
0xdd: {  	p0 =	sne.s32 s17, $0x10  }
.Ltmp1:
0xde: {  	[tilespmem:s20+$0xC810] =	vst v0;
	s18 =	sadd.s32 s18, s5;
	(pc) =	sbr.rel @p0 .LBB2_2-.Ltmp1, $4  }
0xdf: {  	[hbm4b:s18+s2] =	stream.linear.scatter [tilespmem:s15], [sflag:$0x2], $0x800, $0x38;
	[tilespmem:$0xD000] =	vst v63  }
0xe0: {  	_ =	swait.ge [sflag:s7], $0x800  }
0xe1: {  	[sflag:s7] =	ssyncset.done $0x0  }
0xe2: {  	[sflag:s7] =	ssyncadd.s32 $0xFFFFF800  }
0xe3: {  	s16 =	sadd.s32 $0x1, s16  }
0xe4: {  	p0 =	sne.s32 s16, s6  }
.Ltmp2:
0xe5: {  	_ = 	snop;
	(pc) =	sbr.rel @p0 .LBB2_1-.Ltmp2, $1  }
0xe6: {  	_ =	sdelay $0x3  }
0xe7: {  	_ =	sfence.sel $0x180000  }
0xe8: {  	[bflag:$0x0] =	sbarrier.arrive $0xFFFF  }
0xe9: {  	p0 =	sne.s32 s0, $0x0;
	_ =	strace $0x90000047  }
0xea: {  	s0 =	sadd.s32 @!p0 $0x100000, s1;
	[bflag:$0x2] =	sbarrier.arrive $0xFFFF  }
0xeb: {  	[sflag:s0] =	ssyncadd.tile.s32 @!p0 $0x1;
	_ =	shalt  }
.Lfunc_end2:
_tile_overlayer_lowered:
.L_overlay_start_2:
0xec: {  	(tag) =	ssettag $0x2  }
0xed: {  	s0 =	rddreg [dreg:$0x0];
	s2 =	stileid.u32  }
0xee: {  	s1 =	rddreg [dreg:$0x1];
	p0 =	sne.s32 s2, $0x0  }
0xef: {  	s3 =	rddreg [dreg:$0x2];
	[bflag:$0x3] =	sbarrier.arrive $0xFFFF;
	s2 =	simm.s32 @!p0 $0x1C02  }
0xf0: {  	[timem:s3], [sflag:s2] =	dma.local @!p0 [hbm:s0], s1  }
0xf1: {  	s0 =	simm.s32 @!p0 $0x2  }
0xf2: {  	_ =	swait.ge @!p0 [sflag:s0], s1  }
0xf3: {  	s1 =	ssub.s32 @!p0 $0x0, s1;
	[sflag:s0] =	ssyncset.done @!p0 $0x0  }
0xf4: {  	[sflag:s0] =	ssyncadd.s32 @!p0 s1  }
0xf5: {  	[bflag:$0x3] =	sbarrier.arrive $0xFFFF  }
0xf6: {  	_ =	shalt  }

// kernel: kernel.8.cloned.1.call-start
scs
__scs_entry_jumppad:
0x0: {  	(pc) =	sbr.rel $0x88, $3  }
0x1: {  	(tag) =	ssettag $0x0;
	lr =	simm.s32 $0x1  }
0x2: {  	[smem:$0x3F9C] =	sst lr;
	_ =	strace $0xD0000000  }
0x3: {  	_ = 	snop  }
0x4: {  	_ = 	snop  }
0x5: {  	_ = 	snop  }
0x6: {  	_ = 	snop  }
0x7: {  	_ = 	snop  }
__scs_overlays_trampoline_lowered:
0x8: {  	[smem:$0x3FAB] =	sst s0  }
0x9: {  	[smem:$0x3FAC] =	sst s1  }
0xa: {  	[smem:$0x3FAD] =	sst s2  }
0xb: {  	[smem:$0x3FAE] =	sst s3  }
0xc: {  	[smem:$0x3FAF] =	sst s4  }
0xd: {  	[smem:$0x3FB0] =	sst s5  }
0xe: {  	[smem:$0x3FB1] =	sst s6  }
0xf: {  	[smem:$0x3FB2] =	sst s7  }
0x10: {  	[smem:$0x3FB3] =	sst s8  }
0x11: {  	[smem:$0x3FB4] =	sst s9;
	s0 =	simm.s32 @!p0 $0x0  }
0x12: {  	s1 =	sld [smem:$0x3F9A];
	s0 =	simm.s32 @p0 $0x1  }
0x13: {  	[smem:$0x3FB5] =	sst s0;
	s0 =	simm.s32 @!p1 $0x0  }
0x14: {  	s2 =	sld [smem:$0x3F99];
	s0 =	simm.s32 @p1 $0x1  }
0x15: {  	[smem:$0x3FB6] =	sst s0;
	s0 =	simm.s32 @!p2 $0x0  }
0x16: {  	s3 =	sld [smem:$0x3FDB];
	s0 =	simm.s32 @p2 $0x1  }
0x17: {  	s4 =	simm.s32 $0x1BF5;
	[smem:$0x3FB8] =	sst s0  }
0x18: {  	s0 =	sld [smem:$0x3F9B];
	_ =	swait.ge [sflag:s4], $0x0  }
0x19: {  	s7 =	sld [smem:$0x3F9C]  }
0x1a: {  	s8 =	sadd.s32 $0xFFFFE003, lr  }
0x1b: {  	s9 =	sadd.s32 $0xFFFFFEF7, lr;
	s5 =	simm.s32 $0xFFFFFFFF;
	p2 =	slt.u32 s8, $0xFFFFF086  }
0x1c: {  	p1 =	slt.u32 s9, $0xF7A;
	s5 =	simm.s32 @!p2 $0x0  }
0x1d: {  	s5 =	simm.s32 @p1 $0x1;
	p0 =	seq.s32 s7, s2  }
0x1e: {  	s7 =	smul.u32 @!p0 $0xF7A, s2;
	p2 =	seq.s32 @!p0 s5, $0x0  }
0x1f: {  	s9 =	smul.u32 $0xF7A, s1;
	s8 =	simm.s32 @!p0 $0x1BF5;
	p2 =	por !p2, p0  }
0x20: {  	[sflag:s8] =	ssyncset.s32 @!p0 $0xFFFFF086;
	s6 =	sadd.s32 @!p0 s3, s7;
	s7 =	simm.s32 @!p0 $0x108  }
0x21: {  	s3 =	sadd.s32 s3, s9;
	s6 =	sadd.s32 @!p0 $0x88, s6;
	s7 =	simm.s32 @p2 $0x1082  }
0x22: {  	[simem:s7], [sflag:s8] =	dma.local @!p0 [hbm:s6], $0xF7A  }
0x23: {  	s9 =	sor.u32 $0xD0000000, s2;
	s6 =	simm.s32 $0x108;
	_ =	swait.ge @!p0 [sflag:s8], $0x0  }
0x24: {  	s3 =	sadd.s32 $0x88, s3;
	s6 =	simm.s32 @!p1 $0x1082;
	[sflag:s4] =	ssyncset.s32 $0xFFFFF086  }
0x25: {  	[simem:s6], [sflag:s4] =	dma.local [hbm:s3], $0xF7A  }
0x26: {  	[smem:$0x3F9C] =	sst s1;
	(tag) =	ssettag s2;
	_ =	strace s9  }
0x27: {  	s1 =	sld [smem:$0x3FAC]  }
0x28: {  	s2 =	sld [smem:$0x3FAD]  }
0x29: {  	s4 =	sld [smem:$0x3FAF]  }
0x2a: {  	p0 =	seq.s32 s5, $0x0;
	s5 =	sld [smem:$0x3FB0]  }
0x2b: {  	s6 =	sld [smem:$0x3FB1]  }
0x2c: {  	s7 =	sld [smem:$0x3FB2]  }
0x2d: {  	s3 =	simm.s32 $0x108;
	s8 =	sld [smem:$0x3FB3]  }
0x2e: {  	s3 =	simm.s32 @!p0 $0x1082;
	s9 =	sld [smem:$0x3FB4]  }
0x2f: {  	lr =	sadd.s32 s0, s3;
	s0 =	sld [smem:$0x3FAB]  }
0x30: {  	s3 =	sld [smem:$0x3FAE]  }
0x31: {  	[smem:$0x3FB7] =	sst s10  }
0x32: {  	s10 =	sld [smem:$0x3FB5];
	_ =	sdelay $0x3  }
0x33: {  	p0 =	seq.s32 s10, $0x1;
	s10 =	sld [smem:$0x3FB7];
	_ =	sdelay $0x3  }
0x34: {  	[smem:$0x3FB7] =	sst s10  }
0x35: {  	s10 =	sld [smem:$0x3FB6];
	_ =	sdelay $0x3  }
0x36: {  	p1 =	seq.s32 s10, $0x1;
	s10 =	sld [smem:$0x3FB7];
	_ =	sdelay $0x3  }
0x37: {  	[smem:$0x3FB7] =	sst s10  }
0x38: {  	s10 =	sld [smem:$0x3FB8]  }
0x39: {  	_ = 	snop;
	(pc) =	sbr.ind lr, $3  }
0x3a: {  	_ = 	snop  }
0x3b: {  	_ = 	snop  }
0x3c: {  	p2 =	seq.s32 s10, $0x1;
	s10 =	sld [smem:$0x3FB7]  }
0x3d: {  	_ =	shalt  }
0x3e: {  	_ =	shalt  }
0x3f: {  	_ =	shalt  }
0x40: {  	_ =	shalt  }
0x41: {  	_ =	shalt  }
0x42: {  	_ =	shalt  }
0x43: {  	_ =	shalt  }
0x44: {  	_ =	shalt  }
0x45: {  	_ =	shalt  }
0x46: {  	_ =	shalt  }
0x47: {  	_ =	shalt  }
0x48: {  	_ =	shalt  }
0x49: {  	_ =	shalt  }
0x4a: {  	_ =	shalt  }
0x4b: {  	_ =	shalt  }
0x4c: {  	_ =	shalt  }
0x4d: {  	_ =	shalt  }
0x4e: {  	_ =	shalt  }
0x4f: {  	_ =	shalt  }
0x50: {  	_ =	shalt  }
0x51: {  	_ =	shalt  }
0x52: {  	_ =	shalt  }
0x53: {  	_ =	shalt  }
0x54: {  	_ =	shalt  }
0x55: {  	_ =	shalt  }
0x56: {  	_ =	shalt  }
0x57: {  	_ =	shalt  }
0x58: {  	_ =	shalt  }
0x59: {  	_ =	shalt  }
0x5a: {  	_ =	shalt  }
0x5b: {  	_ =	shalt  }
0x5c: {  	_ =	shalt  }
0x5d: {  	_ =	shalt  }
0x5e: {  	_ =	shalt  }
0x5f: {  	_ =	shalt  }
0x60: {  	_ =	shalt  }
0x61: {  	_ =	shalt  }
0x62: {  	_ =	shalt  }
0x63: {  	_ =	shalt  }
0x64: {  	_ =	shalt  }
0x65: {  	_ =	shalt  }
0x66: {  	_ =	shalt  }
0x67: {  	_ =	shalt  }
0x68: {  	_ =	shalt  }
0x69: {  	_ =	shalt  }
0x6a: {  	_ =	shalt  }
0x6b: {  	_ =	shalt  }
0x6c: {  	_ =	shalt  }
0x6d: {  	_ =	shalt  }
0x6e: {  	_ =	shalt  }
0x6f: {  	_ =	shalt  }
0x70: {  	_ =	shalt  }
0x71: {  	_ =	shalt  }
0x72: {  	_ =	shalt  }
0x73: {  	_ =	shalt  }
0x74: {  	_ =	shalt  }
0x75: {  	_ =	shalt  }
0x76: {  	_ =	shalt  }
0x77: {  	_ =	shalt  }
0x78: {  	_ =	shalt  }
0x79: {  	_ =	shalt  }
0x7a: {  	_ =	shalt  }
0x7b: {  	_ =	shalt  }
0x7c: {  	_ =	shalt  }
0x7d: {  	_ =	shalt  }
0x7e: {  	_ =	shalt  }
0x7f: {  	_ =	shalt  }
0x80: {  	_ =	shalt  }
0x81: {  	_ =	shalt  }
0x82: {  	_ =	shalt  }
0x83: {  	_ =	shalt  }
0x84: {  	_ =	shalt  }
0x85: {  	_ =	shalt  }
0x86: {  	_ =	shalt  }
0x87: {  	_ =	shalt  }
.Lfunc_end0:
.L_simem_size_0:
called_computation.1_lowered:
.L_overlay_start_0:
0x88: {  	s2 =	sld [smem:$0x3FD9]  }
0x89: {  	s3 =	sld [smem:$0x3FFE];
	_ =	sdelay $0x1  }
0x8a: {  	s1 =	srdreg.scid  }
0x8b: {  	s0 =	sand.u32 $0x1, s1  }
0x8c: {  	s17 =	sshll.u32 s0, $0xA;
	s2 =	sadd.s32 s3, s2  }
0x8d: {  	s2 =	sadd.s32 s2, s17  }
0x8e: {  	[smem:$0x3FC3] =	sst s2  }
0x8f: {  	_ = 	snop  }
0x90: {  	s2 =	sld [smem:$0x3FC8];
	(tm) =	ssettm $0x1  }
0x91: {  	s18 =	sld [smem:$0x3FFB];
	_ =	sdelay $0x3  }
0x92: {  	_ =	strace s18  }
0x93: {  	s3 =	sld [smem:$0x3FFC];
	_ =	sdelay $0x3  }
0x94: {  	_ =	strace s3  }
0x95: {  	s3 =	sld [smem:$0x3FFD];
	_ =	sdelay $0x3  }
0x96: {  	_ =	strace s3  }
0x97: {  	_ =	strace $0x8FFFFFFF  }
0x98: {  	s19 =	sld [smem:$0x3FDB];
	_ =	sdelay $0x1  }
0x99: {  	s4 =	simm.s32 $_scs_section_size  }
0x9a: {  	s5 =	simm.s32 $_size__tile_overlayer_lowered;
	s6 =	simm.s32 $_tile_overlayer_lowered  }
0x9b: {  	s22 =	simm.s32 $0x1BFF;
	s21 =	sshll.u32 s6, $0x1;
	s3 =	sadd.s32 s4, s19  }
0x9c: {  	s7 =	simm.s32 $0x0;
	s20 =	sshll.u32 s5, $0x1;
	s5 =	sadd.s32 s21, s3  }
0x9d: {  	[timem:s7], [sflag:s22] =	dma.local [hbm:s5], s20  }
0x9e: {  	_ =	swait.ge [sflag:s22], s20  }
0x9f: {  	s4 =	ssub.s32 $0x0, s20;
	[sflag:s22] =	ssyncset.done $0x0  }
0xa0: {  	[sflag:s22] =	ssyncadd.s32 s4;
	_ =	sdelay $0x1  }
0xa1: {  	s23 =	simm.s32 $0x1B8B  }
0xa2: {  	_ =	swait.ge [sflag:s23], $0x1  }
0xa3: {  	[sflag:s23] =	ssyncset.done $0x0  }
0xa4: {  	s25 =	simm.s32 $0x1B8E;
	s24 =	sld [smem:$0x3FFE];
	[sflag:s23] =	ssyncadd.s32 $0xFFFFFFFF  }
0xa5: {  	s26 =	simm.s32 $execute0_lowered;
	[smem:$0x3FD2] =	sst s25  }
0xa6: {  	s5 =	sshll.u32 s26, $0x1;
	_ =	strace $0x80000049;
	[dreg:$0x1] =	wrdreg $0xFFFFFFFF  }
0xa7: {  	s28 =	simm.s32 $_size_execute0_lowered;
	s3 =	sadd.s32 s3, s5;
	[dreg:$0x0] =	wrdreg $0x0  }
0xa8: {  	s5 =	sshll.u32 s28, $0x1;
	[dreg:$0x2] =	wrdreg s3  }
0xa9: {  	[dreg:$0x3] =	wrdreg s5  }
0xaa: {  	[dreg:$0x4] =	wrdreg $0xC0  }
0xab: {  	_ =	task [dreg:s7], $0x5FFFF  }
0xac: {  	[dreg:$0x1] =	wrdreg $0xFFFFFFFF  }
0xad: {  	[dreg:$0x0] =	wrdreg $0x60  }
0xae: {  	[dreg:$0x2] =	wrdreg s2  }
0xaf: {  	[dreg:$0x3] =	wrdreg s24  }
0xb0: {  	[dreg:$0x4] =	wrdreg $0x9  }
0xb1: {  	_ =	task.clear_ibuf [dreg:s7], $0x5FFFF;
	_ =	strace $0x90000049  }
0xb2: {  	s29 =	simm.s32 $0x9;
	_ =	strace $0x8000004B  }
0xb3: {  	_ =	swait.ge [sflag:s29], $0x1  }
0xb4: {  	[sflag:s29] =	ssyncadd.s32 $0xFFFFFFFF  }
0xb5: {  	_ =	strace $0x9000004B  }
0xb6: {  	_ =	sfence  }
0xb7: {  	s30 =	sld [smem:$0x0];
	_ =	sdelay $0x2  }
0xb8: {  	s31 =	sshll.u32 s1, $0xD;
	s1 =	sshrl.u32 s1, $0x2  }
0xb9: {  	s3 =	sand.u32 $0x4000, s31;
	s1 =	sadd.s32 s1, s30  }
0xba: {  	s0 =	sor.u32 s3, s0;
	s1 =	sshll.u32 s1, $0x11  }
0xbb: {  	s0 =	sor.u32 s1, s0  }
0xbc: {  	s0 =	sadd.s32 $0x8F2B, s0  }
0xbd: {  	[sflag:s0] =	ssyncadd.remote.s32 $0x1  }
0xbe: {  	_ =	sfence.sel $0xFFFF  }
0xbf: {  	[dreg:$0x0] =	wrdreg $0xFFFFFFFF;
	(pc) =	sbr.abs _section_cstart, $3  }
0xc0: {  	[dreg:$0x1] =	wrdreg $0xFFFFFFFF  }
0xc1: {  	_ =	task.clear_ibuf [dreg:s7], $0x2FFFF;
	_ =	strace $0x9FFFFFFF  }
0xc2: {  	(tm) =	ssettm $0x7FFFFFFF  }
0xc3: {  	_ =	shalt  }
tec
execute0_lowered:
.L_overlay_start_1:
0x0: {  	(tag) =	ssettag $0x1  }
0x1: {  	v0 =	vlaneseq.u32  }
0x2: {  	s0 =	rddreg [dreg:$0x0];
	s1 =	srdreg.scid;
	v0 =	vmul.u32 $0x10, v0  }
0x3: {  	s2 =	stileid.u32;
	s6 =	rddreg [dreg:$0x1];
	s12 =	simm.s32 $0x200  }
0x4: {  	s13 =	simm.s32 $0x4;
	s14 =	simm.s32 $0x80;
	s24 =	simm.s32 $0x20;
	v1 =	vor.u32 $0x1, v0  }
0x5: {  	s25 =	simm.s32 $0x17A00;
	s26 =	simm.s32 $0x2A00;
	s28 =	simm.s32 $0x1;
	v2 =	vor.u32 $0x2, v0;
	v3 =	vor.u32 $0x3, v0;
	v4 =	vor.u32 $0x4, v0  }
0x6: {  	s29 =	simm.s32 $0x3;
	s30 =	simm.s32 $0x2;
	s31 =	simm.s32 $0x18A00;
	v5 =	vor.u32 $0x5, v0;
	v6 =	vor.u32 $0x6, v0;
	v7 =	vor.u32 $0x7, v0  }
0x7: {  	s1 =	sand.u32 $0x1, s1;
	s3 =	sshll.u32 s2, $0x1;
	s2 =	simm.s32 $0x0;
	v9 =	vor.u32 $0x9, v0;
	v10 =	vor.u32 $0xA, v0;
	v11 =	vor.u32 $0xB, v0  }
0x8: {  	s4 =	sadd.s32 $0x2B400, s6;
	s5 =	sadd.s32 $0x7D6600, s6;
	s9 =	sor.u32 s1, s3;
	v12 =	vor.u32 $0xC, v0;
	v13 =	vor.u32 $0xD, v0;
	v14 =	vor.u32 $0xE, v0  }
0x9: {  	[smem:$0x7FF] =	sst s2;
	s1 =	ssub.s32 $0x2, s1;
	s3 =	smul.u32 $0x500, s9;
	v15 =	vor.u32 $0xF, v0;
	v16 =	vor.u32 $0x100, v0;
	v17 =	vor.u32 $0x101, v0  }
0xa: {  	_ =	strace $0x8000004A;
	s8 =	sshrl.u32 s1, $0x1;
	s10 =	sshll.u32 s9, $0x6;
	v18 =	vor.u32 $0x102, v0;
	v19 =	vor.u32 $0x103, v0;
	v20 =	vor.u32 $0x104, v0  }
0xb: {  	s11 =	sshll.u32 s9, $0xC;
	v21 =	vor.u32 $0x105, v0;
	v22 =	vor.u32 $0x106, v0;
	v23 =	vor.u32 $0x107, v0;
	s1 =	ssub.s32 s1, s8;
	s8 =	sshll.u32 s9, $0x9  }
0xc: {  	v24 =	vor.u32 $0x108, v0;
	v25 =	vor.u32 $0x109, v0;
	v26 =	vor.u32 $0x10A, v0;
	s9 =	sadd.s32 s0, s10;
	s0 =	simm.s32 $0x0;
	s7 =	sadd.s32 s3, s6  }
0xd: {  	v8 =	vor.u32 $0x8, v0;
	v27 =	vor.u32 $0x10B, v0;
	v28 =	vor.u32 $0x10C, v0;
	s3 =	sadd.s32 $0xB400, s6;
	s6 =	sadd.s32 $0x1400, s6;
	s7 =	sadd.s32 $0x7CC600, s7  }
0xe: {  	v29 =	vor.u32 $0x10D, v0;
	v30 =	vor.u32 $0x10E, v0;
	v31 =	vor.u32 $0x10F, v0;
	s10 =	sadd.s32 s3, s11;
	s11 =	smax.u32 s1, $0x1;
	s1 =	simm.s32 $0x18C00  }
.LBB2_1:
0xf: {  	[tilespmem:s12], [sflag:$0x4] =	stream.linear.gather [hbm4b:s7+s2], $0x2800, $0x38;
	[tilespmem:$0x1B940] =	vst v63  }
0x10: {  	_ =	swait.ge [sflag:s13], $0x2800  }
0x11: {  	[sflag:s13] =	ssyncset.done $0x0  }
0x12: {  	[sflag:s13] =	ssyncadd.s32 $0xFFFFD800  }
0x13: {  	[tilespmem:s2], [sflag:$0x4] =	stream.linear.gather [hbm4b:s9+s2], $0x200, $0x38;
	[tilespmem:$0x1B940] =	vst v63  }
0x14: {  	_ =	swait.ge [sflag:s13], $0x200  }
0x15: {  	[sflag:s13] =	ssyncset.done $0x0  }
0x16: {  	s15 =	simm.s32 $0x3A00;
	[sflag:s13] =	ssyncadd.s32 $0xFFFFFE00  }
0x17: {  	[tilespmem:s15], [sflag:$0x1] =	stream.indirect.gather [hbm4b:s4+s14], $0x40, s12, s14, $0xb8;
	[tilespmem:$0x1B940] =	vst v63  }
0x18: {  	s17 =	simm.s32 $0x280;
	s16 =	simm.s32 $0x5A00  }
0x19: {  	[tilespmem:s16], [sflag:$0x1] =	stream.indirect.gather [hbm4b:s4+s14], $0x40, s17, s14, $0xb8;
	[tilespmem:$0x1B940] =	vst v63  }
0x1a: {  	s18 =	simm.s32 $0x300;
	s19 =	simm.s32 $0x7A00  }
0x1b: {  	[tilespmem:s19], [sflag:$0x1] =	stream.indirect.gather [hbm4b:s4+s14], $0x40, s18, s14, $0xb8;
	[tilespmem:$0x1B940] =	vst v63  }
0x1c: {  	s20 =	simm.s32 $0x380;
	s21 =	simm.s32 $0x9A00  }
0x1d: {  	[tilespmem:s21], [sflag:$0x1] =	stream.indirect.gather [hbm4b:s4+s14], $0x40, s20, s14, $0xb8;
	[tilespmem:$0x1B940] =	vst v63  }
0x1e: {  	s22 =	simm.s32 $0x400;
	s23 =	simm.s32 $0xBA00  }
0x1f: {  	[tilespmem:s23], [sflag:$0x1] =	stream.indirect.gather [hbm4b:s4+s14], $0x40, s22, s14, $0xb8;
	[tilespmem:$0x1B940] =	vst v63  }
0x20: {  	_ = 	snop  }
0x21: {  	[tilespmem:s25], [sflag:$0x2] =	stream.indirect.gather [hbm4b:s4+s24], $0x40, s2, s24, $0xb8;
	[tilespmem:$0x1B940] =	vst v63  }
0x22: {  	p0 =	por $0x0, $0x0;
	s15 =	simm.s32 $0x0  }
0x23: {  	[tilespmem:s26], [sflag:$0x2] =	stream.linear.gather [hbm4b:s10+s2], $0x800, $0x38;
	[tilespmem:$0x1B940] =	vst v63  }
.LBB2_2:
0x24: {  	s19 =	sand.u32 $0x1, s15;
	p1 =	seq.s32 s15, $0xF;
	s16 =	sadd.s32 $0x1, s15  }
0x25: {  	s17 =	sxor.u32 @!p1 $0x1, s19;
	s20 =	smul.u32 @!p1 $0xA00, s16  }
0x26: {  	s18 =	smul.u32 @!p1 $0x28000, s17;
	_ =	sdelay $0x1  }
0x27: {  	s20 =	sshra.s32 @!p1 s20, $0x2;
	s18 =	sshrl.u32 @!p1 s18, $0x2  }
0x28: {  	s23 =	simm.s32 @!p1 $0x80;
	s22 =	sadd.s32 @!p1 $0x200, s20;
	s21 =	sadd.s32 @!p1 $0x3A00, s18  }
0x29: {  	[tilespmem:s21], [sflag:$0x1] =	stream.indirect.gather @!p1 [hbm4b:s4+s23], $0x40, s22, s23, $0xb8;
	[tilespmem:$0x1B940] =	vst v63  }
0x2a: {  	s21 =	sadd.s32 @!p1 $0x5A00, s18;
	s22 =	sadd.s32 @!p1 $0x280, s20  }
0x2b: {  	[tilespmem:s21], [sflag:$0x1] =	stream.indirect.gather @!p1 [hbm4b:s4+s23], $0x40, s22, s23, $0xb8;
	[tilespmem:$0x1B940] =	vst v63  }
0x2c: {  	s21 =	sadd.s32 @!p1 $0x7A00, s18;
	s22 =	sadd.s32 @!p1 $0x300, s20  }
0x2d: {  	[tilespmem:s21], [sflag:$0x1] =	stream.indirect.gather @!p1 [hbm4b:s4+s23], $0x40, s22, s23, $0xb8;
	[tilespmem:$0x1B940] =	vst v63  }
0x2e: {  	s21 =	sadd.s32 @!p1 $0x9A00, s18;
	s22 =	sadd.s32 @!p1 $0x380, s20  }
0x2f: {  	[tilespmem:s21], [sflag:$0x1] =	stream.indirect.gather @!p1 [hbm4b:s4+s23], $0x40, s22, s23, $0xb8;
	[tilespmem:$0x1B940] =	vst v63  }
0x30: {  	s17 =	sshll.u32 @!p1 s17, $0xB;
	s18 =	sadd.s32 @!p1 $0xBA00, s18;
	s20 =	sadd.s32 @!p1 $0x400, s20  }
0x31: {  	[tilespmem:s18], [sflag:$0x1] =	stream.indirect.gather @!p1 [hbm4b:s4+s23], $0x40, s20, s23, $0xb8;
	[tilespmem:$0x1B940] =	vst v63  }
0x32: {  	s21 =	simm.s32 @!p1 $0x20;
	s18 =	sshll.u32 @!p1 s16, $0x5;
	s20 =	sadd.s32 @!p1 $0x17A00, s17  }
0x33: {  	[tilespmem:s20], [sflag:$0x2] =	stream.indirect.gather @!p1 [hbm4b:s4+s21], $0x40, s18, s21, $0xb8;
	[tilespmem:$0x1B940] =	vst v63  }
0x34: {  	s18 =	sadd.s32 @!p1 s8, s18  }
0x35: {  	s18 =	sshll.u32 @!p1 s18, $0x3  }
0x36: {  	p2 =	slt.u32 @!p1 s15, $0x2;
	s18 =	sand.u32 @!p1 $0x1FFFFF00, s18  }
0x37: {  	s17 =	sadd.s32 @!p1 $0x2A00, s17;
	s20 =	simm.s32 @!p1 $0x0;
	s18 =	sadd.s32 @!p1 s3, s18  }
0x38: {  	[tilespmem:s17], [sflag:$0x2] =	stream.linear.gather @!p1 [hbm4b:s18+s20], $0x800, $0x38;
	[tilespmem:$0x1B940] =	vst v63  }
0x39: {  	p1 =	por p1, !p2  }
0x3a: {  	_ =	swait.ge @p1 [sflag:s29], $0x20  }
0x3b: {  	[sflag:s29] =	ssyncset.done @p1 $0x0  }
0x3c: {  	[sflag:s29] =	ssyncadd.s32 @p1 $0xFFFFFFE0  }
0x3d: {  	_ =	swait.ge @p1 [sflag:s29], $0x280  }
0x3e: {  	[sflag:s29] =	ssyncset.done @p1 $0x0  }
0x3f: {  	[sflag:s29] =	ssyncadd.s32 @p1 $0xFFFFFD80  }
0x40: {  	_ =	swait.ge [sflag:s28], $0x2000  }
0x41: {  	[sflag:s28] =	ssyncset.done $0x0  }
0x42: {  	[sflag:s28] =	ssyncadd.s32 $0xFFFFE000  }
0x43: {  	_ =	swait.ge [sflag:s28], $0x2000  }
0x44: {  	[sflag:s28] =	ssyncset.done $0x0  }
0x45: {  	[sflag:s28] =	ssyncadd.s32 $0xFFFFE000  }
0x46: {  	_ =	swait.ge [sflag:s28], $0x2000  }
0x47: {  	[sflag:s28] =	ssyncset.done $0x0  }
0x48: {  	[sflag:s28] =	ssyncadd.s32 $0xFFFFE000  }
0x49: {  	_ =	swait.ge [sflag:s28], $0x2000  }
0x4a: {  	[sflag:s28] =	ssyncset.done $0x0  }
0x4b: {  	[sflag:s28] =	ssyncadd.s32 $0xFFFFE000  }
0x4c: {  	_ =	swait.ge [sflag:s28], $0x2000  }
0x4d: {  	[sflag:s28] =	ssyncset.done $0x0  }
0x4e: {  	[sflag:s28] =	ssyncadd.s32 $0xFFFFE000  }
0x4f: {  	s22 =	sshll.u32 s19, $0xB;
	s17 =	simm.s32 $0x1;
	_ =	swait.ge [sflag:s30], $0x800  }
0x50: {  	s23 =	sadd.s32 $0x2A00, s22;
	s17 =	simm.s32 @!p0 $0x0;
	[sflag:s30] =	ssyncset.done $0x0  }
0x51: {  	v32 =	vmov s23;
	s17 =	smul.u32 $0xA00, s17;
	[sflag:s30] =	ssyncadd.s32 $0xFFFFF800  }
0x52: {  	s18 =	smul.u32 $0x280, s19;
	_ =	swait.ge [sflag:s30], $0x800  }
0x53: {  	s19 =	sshll.u32 s19, $0x5;
	s17 =	sshrl.u32 s17, $0x2;
	[sflag:s30] =	ssyncset.done $0x0  }
0x54: {  	s20 =	simm.s32 $0x0;
	s17 =	sor.u32 $0x1B450, s17;
	[sflag:s30] =	ssyncadd.s32 $0xFFFFF800  }
.LBB2_3:
0x55: {  	s21 =	sshll.u32 s20, $0x6;
	s22 =	sadd.s32 s19, s20  }
0x56: {  	v33 =	vld.idx.msk [tilespmem:v32+s21+$0x0 ss:$0x1], $0xffff;
	s22 =	sshll.u32 s22, $0x6  }
0x57: {  	v34 =	vld.idx.msk [tilespmem:v32+s21+$0x10 ss:$0x1], $0xffff;
	s22 =	sand.u32 $0x3FFFFFC0, s22  }
0x58: {  	v37 =	vld [tilespmem:s22+$0x17A00]  }
0x59: {  	v38 =	vld [tilespmem:s22+$0x17A10]  }
0x5a: {  	v35 =	vld.idx.msk [tilespmem:v32+s21+$0x20 ss:$0x1], $0xffff  }
0x5b: {  	v39 =	vld [tilespmem:s22+$0x17A20]  }
0x5c: {  	v36 =	vld.idx.msk [tilespmem:v32+s21+$0x30 ss:$0x1], $0xffff  }
0x5d: {  	v40 =	vld [tilespmem:s22+$0x17A30]  }
0x5e: {  	v37 =	vmul.f32 v37, v33;
	v38 =	vmul.f32 v38, v34;
	_ =	sdelay $0x1  }
0x5f: {  	v59 =	vmul.f32 v39, v35;
	v37 =	vadd.f32 v38, v37;
	_ =	sdelay $0x1  }
0x60: {  	s23 =	smul.u32 $0x14, s20;
	v60 =	vmul.f32 v40, v36;
	v37 =	vadd.f32 v59, v37;
	_ =	sdelay $0x1  }
0x61: {  	s22 =	sadd.s32 s18, s23;
	v37 =	vadd.f32 v60, v37  }
0x62: {  	s21 =	sshrl.u32 s21, $0x2;
	s22 =	sshll.u32 s22, $0x6  }
0x63: {  	[tilespmem:s21+$0x18A00] =	vst v37;
	s21 =	sand.u32 $0x3FFFFFC0, s22  }
0x64: {  	v37 =	vld [tilespmem:s21+$0x3A00]  }
0x65: {  	v61 =	vld [tilespmem:s21+$0x3A10];
	_ =	sdelay $0x1  }
0x66: {  	v62 =	vld [tilespmem:s21+$0x3A20];
	_ =	sdelay $0x1  }
0x67: {  	v63 =	vld [tilespmem:s21+$0x3A30]  }
0x68: {  	v37 =	vmul.f32 v37, v33;
	v38 =	vmul.f32 v61, v34;
	_ =	sdelay $0x1  }
0x69: {  	v44 =	vmul.f32 v62, v35;
	v37 =	vadd.f32 v38, v37;
	_ =	sdelay $0x1  }
0x6a: {  	v45 =	vmul.f32 v63, v36;
	v37 =	vadd.f32 v44, v37  }
0x6b: {  	s23 =	smul.u32 $0x500, s20  }
0x6c: {  	v37 =	vadd.f32 v45, v37  }
0x6d: {  	s22 =	sshra.s32 s23, $0x2  }
0x6e: {  	[tilespmem:s22+$0x18C00] =	vst v37  }
0x6f: {  	v37 =	vld [tilespmem:s21+$0x3A40]  }
0x70: {  	v46 =	vld [tilespmem:s21+$0x3A50];
	_ =	sdelay $0x1  }
0x71: {  	v47 =	vld [tilespmem:s21+$0x3A60];
	_ =	sdelay $0x1  }
0x72: {  	v48 =	vld [tilespmem:s21+$0x3A70]  }
0x73: {  	v37 =	vmul.f32 v37, v33;
	v38 =	vmul.f32 v46, v34;
	_ =	sdelay $0x1  }
0x74: {  	v49 =	vmul.f32 v47, v35;
	v37 =	vadd.f32 v38, v37;
	_ =	sdelay $0x1  }
0x75: {  	v50 =	vmul.f32 v48, v36;
	v37 =	vadd.f32 v49, v37;
	_ =	sdelay $0x1  }
0x76: {  	v37 =	vadd.f32 v50, v37;
	_ =	sdelay $0x1  }
0x77: {  	[tilespmem:s22+$0x18C10] =	vst v37  }
0x78: {  	v37 =	vld [tilespmem:s21+$0x3A80]  }
0x79: {  	v51 =	vld [tilespmem:s21+$0x3A90];
	_ =	sdelay $0x1  }
0x7a: {  	v52 =	vld [tilespmem:s21+$0x3AA0];
	_ =	sdelay $0x1  }
0x7b: {  	v53 =	vld [tilespmem:s21+$0x3AB0]  }
0x7c: {  	v37 =	vmul.f32 v37, v33;
	v38 =	vmul.f32 v51, v34;
	_ =	sdelay $0x1  }
0x7d: {  	v54 =	vmul.f32 v52, v35;
	v37 =	vadd.f32 v38, v37;
	_ =	sdelay $0x1  }
0x7e: {  	v55 =	vmul.f32 v53, v36;
	v37 =	vadd.f32 v54, v37;
	_ =	sdelay $0x1  }
0x7f: {  	v37 =	vadd.f32 v55, v37;
	_ =	sdelay $0x1  }
0x80: {  	[tilespmem:s22+$0x18C20] =	vst v37  }
0x81: {  	v37 =	vld [tilespmem:s21+$0x3AC0]  }
0x82: {  	v56 =	vld [tilespmem:s21+$0x3AD0];
	_ =	sdelay $0x1  }
0x83: {  	v57 =	vld [tilespmem:s21+$0x3AE0];
	_ =	sdelay $0x1  }
0x84: {  	v58 =	vld [tilespmem:s21+$0x3AF0]  }
0x85: {  	v37 =	vmul.f32 v37, v33;
	v38 =	vmul.f32 v56, v34;
	_ =	sdelay $0x1  }
0x86: {  	v59 =	vmul.f32 v57, v35;
	v37 =	vadd.f32 v38, v37;
	_ =	sdelay $0x1  }
0x87: {  	v60 =	vmul.f32 v58, v36;
	v37 =	vadd.f32 v59, v37;
	_ =	sdelay $0x1  }
0x88: {  	v37 =	vadd.f32 v60, v37;
	_ =	sdelay $0x1  }
0x89: {  	[tilespmem:s22+$0x18C30] =	vst v37  }
0x8a: {  	v37 =	vld [tilespmem:s21+$0x3B00]  }
0x8b: {  	v61 =	vld [tilespmem:s21+$0x3B10];
	_ =	sdelay $0x1  }
0x8c: {  	v62 =	vld [tilespmem:s21+$0x3B20];
	_ =	sdelay $0x1  }
0x8d: {  	v63 =	vld [tilespmem:s21+$0x3B30]  }
0x8e: {  	v37 =	vmul.f32 v37, v33;
	v38 =	vmul.f32 v61, v34;
	_ =	sdelay $0x1  }
0x8f: {  	v44 =	vmul.f32 v62, v35;
	v37 =	vadd.f32 v38, v37;
	_ =	sdelay $0x1  }
0x90: {  	v45 =	vmul.f32 v63, v36;
	v37 =	vadd.f32 v44, v37;
	_ =	sdelay $0x1  }
0x91: {  	v37 =	vadd.f32 v45, v37;
	_ =	sdelay $0x1  }
0x92: {  	[tilespmem:s22+$0x18C40] =	vst v37  }
0x93: {  	v37 =	vld [tilespmem:s21+$0x3B40]  }
0x94: {  	v46 =	vld [tilespmem:s21+$0x3B50];
	_ =	sdelay $0x1  }
0x95: {  	v47 =	vld [tilespmem:s21+$0x3B60];
	_ =	sdelay $0x1  }
0x96: {  	v48 =	vld [tilespmem:s21+$0x3B70]  }
0x97: {  	v37 =	vmul.f32 v37, v33;
	v38 =	vmul.f32 v46, v34;
	_ =	sdelay $0x1  }
0x98: {  	v49 =	vmul.f32 v47, v35;
	v37 =	vadd.f32 v38, v37;
	_ =	sdelay $0x1  }
0x99: {  	v50 =	vmul.f32 v48, v36;
	v37 =	vadd.f32 v49, v37;
	_ =	sdelay $0x1  }
0x9a: {  	v37 =	vadd.f32 v50, v37;
	_ =	sdelay $0x1  }
0x9b: {  	[tilespmem:s22+$0x18C50] =	vst v37  }
0x9c: {  	v37 =	vld [tilespmem:s21+$0x3B80]  }
0x9d: {  	v51 =	vld [tilespmem:s21+$0x3B90];
	_ =	sdelay $0x1  }
0x9e: {  	v52 =	vld [tilespmem:s21+$0x3BA0];
	_ =	sdelay $0x1  }
0x9f: {  	v53 =	vld [tilespmem:s21+$0x3BB0]  }
0xa0: {  	v37 =	vmul.f32 v37, v33;
	v38 =	vmul.f32 v51, v34;
	_ =	sdelay $0x1  }
0xa1: {  	v54 =	vmul.f32 v52, v35;
	v37 =	vadd.f32 v38, v37;
	_ =	sdelay $0x1  }
0xa2: {  	v55 =	vmul.f32 v53, v36;
	v37 =	vadd.f32 v54, v37;
	_ =	sdelay $0x1  }
0xa3: {  	v37 =	vadd.f32 v55, v37;
	_ =	sdelay $0x1  }
0xa4: {  	[tilespmem:s22+$0x18C60] =	vst v37  }
0xa5: {  	v37 =	vld [tilespmem:s21+$0x3BC0]  }
0xa6: {  	v56 =	vld [tilespmem:s21+$0x3BD0];
	_ =	sdelay $0x1  }
0xa7: {  	v57 =	vld [tilespmem:s21+$0x3BE0];
	_ =	sdelay $0x1  }
0xa8: {  	v58 =	vld [tilespmem:s21+$0x3BF0]  }
0xa9: {  	v37 =	vmul.f32 v37, v33;
	v38 =	vmul.f32 v56, v34;
	_ =	sdelay $0x1  }
0xaa: {  	v59 =	vmul.f32 v57, v35;
	v37 =	vadd.f32 v38, v37;
	_ =	sdelay $0x1  }
0xab: {  	v60 =	vmul.f32 v58, v36;
	v37 =	vadd.f32 v59, v37;
	_ =	sdelay $0x1  }
0xac: {  	v37 =	vadd.f32 v60, v37;
	_ =	sdelay $0x1  }
0xad: {  	[tilespmem:s22+$0x18C70] =	vst v37  }
0xae: {  	v37 =	vld [tilespmem:s21+$0x3C00]  }
0xaf: {  	v61 =	vld [tilespmem:s21+$0x3C10];
	_ =	sdelay $0x1  }
0xb0: {  	v62 =	vld [tilespmem:s21+$0x3C20];
	_ =	sdelay $0x1  }
0xb1: {  	v63 =	vld [tilespmem:s21+$0x3C30]  }
0xb2: {  	v37 =	vmul.f32 v37, v33;
	v38 =	vmul.f32 v61, v34;
	_ =	sdelay $0x1  }
0xb3: {  	v44 =	vmul.f32 v62, v35;
	v37 =	vadd.f32 v38, v37;
	_ =	sdelay $0x1  }
0xb4: {  	v45 =	vmul.f32 v63, v36;
	v37 =	vadd.f32 v44, v37;
	_ =	sdelay $0x1  }
0xb5: {  	v37 =	vadd.f32 v45, v37;
	_ =	sdelay $0x1  }
0xb6: {  	[tilespmem:s22+$0x18C80] =	vst v37  }
0xb7: {  	v37 =	vld [tilespmem:s21+$0x3C40]  }
0xb8: {  	v46 =	vld [tilespmem:s21+$0x3C50];
	_ =	sdelay $0x1  }
0xb9: {  	v47 =	vld [tilespmem:s21+$0x3C60];
	_ =	sdelay $0x1  }
0xba: {  	v48 =	vld [tilespmem:s21+$0x3C70]  }
0xbb: {  	v37 =	vmul.f32 v37, v33;
	v38 =	vmul.f32 v46, v34;
	_ =	sdelay $0x1  }
0xbc: {  	v49 =	vmul.f32 v47, v35;
	v37 =	vadd.f32 v38, v37;
	_ =	sdelay $0x1  }
0xbd: {  	v50 =	vmul.f32 v48, v36;
	v37 =	vadd.f32 v49, v37;
	_ =	sdelay $0x1  }
0xbe: {  	v37 =	vadd.f32 v50, v37;
	_ =	sdelay $0x1  }
0xbf: {  	[tilespmem:s22+$0x18C90] =	vst v37  }
0xc0: {  	v37 =	vld [tilespmem:s21+$0x3C80]  }
0xc1: {  	v51 =	vld [tilespmem:s21+$0x3C90];
	_ =	sdelay $0x1  }
0xc2: {  	v52 =	vld [tilespmem:s21+$0x3CA0];
	_ =	sdelay $0x1  }
0xc3: {  	v53 =	vld [tilespmem:s21+$0x3CB0]  }
0xc4: {  	v37 =	vmul.f32 v37, v33;
	v38 =	vmul.f32 v51, v34;
	_ =	sdelay $0x1  }
0xc5: {  	v54 =	vmul.f32 v52, v35;
	v37 =	vadd.f32 v38, v37;
	_ =	sdelay $0x1  }
0xc6: {  	v55 =	vmul.f32 v53, v36;
	v37 =	vadd.f32 v54, v37;
	_ =	sdelay $0x1  }
0xc7: {  	v37 =	vadd.f32 v55, v37;
	_ =	sdelay $0x1  }
0xc8: {  	[tilespmem:s22+$0x18CA0] =	vst v37  }
0xc9: {  	v37 =	vld [tilespmem:s21+$0x3CC0]  }
0xca: {  	v56 =	vld [tilespmem:s21+$0x3CD0];
	_ =	sdelay $0x1  }
0xcb: {  	v57 =	vld [tilespmem:s21+$0x3CE0];
	_ =	sdelay $0x1  }
0xcc: {  	v58 =	vld [tilespmem:s21+$0x3CF0]  }
0xcd: {  	v37 =	vmul.f32 v37, v33;
	v38 =	vmul.f32 v56, v34;
	_ =	sdelay $0x1  }
0xce: {  	v59 =	vmul.f32 v57, v35;
	v37 =	vadd.f32 v38, v37;
	_ =	sdelay $0x1  }
0xcf: {  	v60 =	vmul.f32 v58, v36;
	v37 =	vadd.f32 v59, v37;
	_ =	sdelay $0x1  }
0xd0: {  	v37 =	vadd.f32 v60, v37;
	_ =	sdelay $0x1  }
0xd1: {  	[tilespmem:s22+$0x18CB0] =	vst v37  }
0xd2: {  	v37 =	vld [tilespmem:s21+$0x3D00]  }
0xd3: {  	v61 =	vld [tilespmem:s21+$0x3D10];
	_ =	sdelay $0x1  }
0xd4: {  	v62 =	vld [tilespmem:s21+$0x3D20];
	_ =	sdelay $0x1  }
0xd5: {  	v63 =	vld [tilespmem:s21+$0x3D30]  }
0xd6: {  	v37 =	vmul.f32 v37, v33;
	v38 =	vmul.f32 v61, v34;
	_ =	sdelay $0x1  }
0xd7: {  	v44 =	vmul.f32 v62, v35;
	v37 =	vadd.f32 v38, v37;
	_ =	sdelay $0x1  }
0xd8: {  	v45 =	vmul.f32 v63, v36;
	v37 =	vadd.f32 v44, v37;
	_ =	sdelay $0x1  }
0xd9: {  	v37 =	vadd.f32 v45, v37;
	_ =	sdelay $0x1  }
0xda: {  	[tilespmem:s22+$0x18CC0] =	vst v37  }
0xdb: {  	v37 =	vld [tilespmem:s21+$0x3D40]  }
0xdc: {  	v46 =	vld [tilespmem:s21+$0x3D50];
	_ =	sdelay $0x1  }
0xdd: {  	v47 =	vld [tilespmem:s21+$0x3D60];
	_ =	sdelay $0x1  }
0xde: {  	v48 =	vld [tilespmem:s21+$0x3D70]  }
0xdf: {  	v37 =	vmul.f32 v37, v33;
	v38 =	vmul.f32 v46, v34;
	_ =	sdelay $0x1  }
0xe0: {  	v49 =	vmul.f32 v47, v35;
	v37 =	vadd.f32 v38, v37;
	_ =	sdelay $0x1  }
0xe1: {  	v50 =	vmul.f32 v48, v36;
	v37 =	vadd.f32 v49, v37;
	_ =	sdelay $0x1  }
0xe2: {  	v37 =	vadd.f32 v50, v37;
	_ =	sdelay $0x1  }
0xe3: {  	[tilespmem:s22+$0x18CD0] =	vst v37  }
0xe4: {  	v37 =	vld [tilespmem:s21+$0x3D80]  }
0xe5: {  	v51 =	vld [tilespmem:s21+$0x3D90];
	_ =	sdelay $0x1  }
0xe6: {  	v52 =	vld [tilespmem:s21+$0x3DA0];
	_ =	sdelay $0x1  }
0xe7: {  	v53 =	vld [tilespmem:s21+$0x3DB0]  }
0xe8: {  	v37 =	vmul.f32 v37, v33;
	v38 =	vmul.f32 v51, v34;
	_ =	sdelay $0x1  }
0xe9: {  	v54 =	vmul.f32 v52, v35;
	v37 =	vadd.f32 v38, v37;
	_ =	sdelay $0x1  }
0xea: {  	v55 =	vmul.f32 v53, v36;
	v37 =	vadd.f32 v54, v37;
	_ =	sdelay $0x1  }
0xeb: {  	v37 =	vadd.f32 v55, v37;
	_ =	sdelay $0x1  }
0xec: {  	[tilespmem:s22+$0x18CE0] =	vst v37  }
0xed: {  	v37 =	vld [tilespmem:s21+$0x3DC0]  }
0xee: {  	v56 =	vld [tilespmem:s21+$0x3DD0];
	_ =	sdelay $0x1  }
0xef: {  	v57 =	vld [tilespmem:s21+$0x3DE0];
	_ =	sdelay $0x1  }
0xf0: {  	v58 =	vld [tilespmem:s21+$0x3DF0]  }
0xf1: {  	v37 =	vmul.f32 v37, v33;
	v38 =	vmul.f32 v56, v34;
	_ =	sdelay $0x1  }
0xf2: {  	v59 =	vmul.f32 v57, v35;
	v37 =	vadd.f32 v38, v37;
	_ =	sdelay $0x1  }
0xf3: {  	v60 =	vmul.f32 v58, v36;
	v37 =	vadd.f32 v59, v37;
	_ =	sdelay $0x1  }
0xf4: {  	v37 =	vadd.f32 v60, v37;
	_ =	sdelay $0x1  }
0xf5: {  	[tilespmem:s22+$0x18CF0] =	vst v37  }
0xf6: {  	v37 =	vld [tilespmem:s21+$0x3E00]  }
0xf7: {  	v61 =	vld [tilespmem:s21+$0x3E10];
	_ =	sdelay $0x1  }
0xf8: {  	v62 =	vld [tilespmem:s21+$0x3E20];
	_ =	sdelay $0x1  }
0xf9: {  	v63 =	vld [tilespmem:s21+$0x3E30]  }
0xfa: {  	v37 =	vmul.f32 v37, v33;
	v38 =	vmul.f32 v61, v34;
	_ =	sdelay $0x1  }
0xfb: {  	v43 =	vmul.f32 v62, v35;
	v37 =	vadd.f32 v38, v37;
	_ =	sdelay $0x1  }
0xfc: {  	v44 =	vmul.f32 v63, v36;
	v37 =	vadd.f32 v43, v37;
	_ =	sdelay $0x1  }
0xfd: {  	v37 =	vadd.f32 v44, v37;
	_ =	sdelay $0x1  }
0xfe: {  	[tilespmem:s22+$0x18D00] =	vst v37  }
0xff: {  	v37 =	vld [tilespmem:s21+$0x3E40]  }
0x100: {  	v45 =	vld [tilespmem:s21+$0x3E50];
	_ =	sdelay $0x1  }
0x101: {  	v46 =	vld [tilespmem:s21+$0x3E60];
	_ =	sdelay $0x1  }
0x102: {  	v47 =	vld [tilespmem:s21+$0x3E70]  }
0x103: {  	v37 =	vmul.f32 v37, v33;
	v38 =	vmul.f32 v45, v34;
	_ =	sdelay $0x1  }
0x104: {  	v48 =	vmul.f32 v46, v35;
	v37 =	vadd.f32 v38, v37;
	_ =	sdelay $0x1  }
0x105: {  	v49 =	vmul.f32 v47, v36;
	v37 =	vadd.f32 v48, v37;
	_ =	sdelay $0x1  }
0x106: {  	v37 =	vadd.f32 v49, v37;
	_ =	sdelay $0x1  }
0x107: {  	[tilespmem:s22+$0x18D10] =	vst v37  }
0x108: {  	v37 =	vld [tilespmem:s21+$0x3E80]  }
0x109: {  	v50 =	vld [tilespmem:s21+$0x3E90];
	_ =	sdelay $0x1  }
0x10a: {  	v51 =	vld [tilespmem:s21+$0x3EA0];
	_ =	sdelay $0x1  }
0x10b: {  	v52 =	vld [tilespmem:s21+$0x3EB0]  }
0x10c: {  	v37 =	vmul.f32 v37, v33;
	v38 =	vmul.f32 v50, v34;
	_ =	sdelay $0x1  }
0x10d: {  	v53 =	vmul.f32 v51, v35;
	v37 =	vadd.f32 v38, v37;
	_ =	sdelay $0x1  }
0x10e: {  	v54 =	vmul.f32 v52, v36;
	v37 =	vadd.f32 v53, v37;
	_ =	sdelay $0x1  }
0x10f: {  	v37 =	vadd.f32 v54, v37;
	_ =	sdelay $0x1  }
0x110: {  	[tilespmem:s22+$0x18D20] =	vst v37  }
0x111: {  	v37 =	vld [tilespmem:s21+$0x3EC0]  }
0x112: {  	v55 =	vld [tilespmem:s21+$0x3ED0];
	_ =	sdelay $0x1  }
0x113: {  	v56 =	vld [tilespmem:s21+$0x3EE0];
	_ =	sdelay $0x1  }
0x114: {  	v57 =	vld [tilespmem:s21+$0x3EF0]  }
0x115: {  	v33 =	vmul.f32 v37, v33;
	v34 =	vmul.f32 v55, v34;
	_ =	sdelay $0x1  }
0x116: {  	v58 =	vmul.f32 v56, v35;
	v33 =	vadd.f32 v34, v33;
	_ =	sdelay $0x1  }
0x117: {  	v59 =	vmul.f32 v57, v36;
	v33 =	vadd.f32 v58, v33;
	_ =	sdelay $0x1  }
0x118: {  	v33 =	vadd.f32 v59, v33  }
0x119: {  	s23 =	sor.u32 $0x1, s20  }
0x11a: {  	s21 =	sshll.u32 s23, $0x6;
	[tilespmem:s22+$0x18D30] =	vst v33;
	s22 =	sadd.s32 s19, s23  }
0x11b: {  	v33 =	vld.idx.msk [tilespmem:v32+s21+$0x0 ss:$0x1], $0xffff;
	s22 =	sshll.u32 s22, $0x6  }
0x11c: {  	v34 =	vld.idx.msk [tilespmem:v32+s21+$0x10 ss:$0x1], $0xffff;
	s22 =	sand.u32 $0x3FFFFFC0, s22  }
0x11d: {  	v60 =	vld [tilespmem:s22+$0x17A00]  }
0x11e: {  	v61 =	vld [tilespmem:s22+$0x17A10]  }
0x11f: {  	v35 =	vld.idx.msk [tilespmem:v32+s21+$0x20 ss:$0x1], $0xffff  }
0x120: {  	v62 =	vld [tilespmem:s22+$0x17A20]  }
0x121: {  	v36 =	vld.idx.msk [tilespmem:v32+s21+$0x30 ss:$0x1], $0xffff  }
0x122: {  	v63 =	vld [tilespmem:s22+$0x17A30]  }
0x123: {  	v37 =	vmul.f32 v60, v33;
	v38 =	vmul.f32 v61, v34;
	_ =	sdelay $0x1  }
0x124: {  	v44 =	vmul.f32 v62, v35;
	v37 =	vadd.f32 v38, v37;
	_ =	sdelay $0x1  }
0x125: {  	s22 =	smul.u32 $0x14, s23;
	v45 =	vmul.f32 v63, v36;
	v37 =	vadd.f32 v44, v37;
	_ =	sdelay $0x1  }
0x126: {  	s22 =	sadd.s32 s18, s22;
	v37 =	vadd.f32 v45, v37  }
0x127: {  	s21 =	sshrl.u32 s21, $0x2;
	s22 =	sshll.u32 s22, $0x6  }
0x128: {  	[tilespmem:s21+$0x18A00] =	vst v37;
	s21 =	sand.u32 $0x3FFFFFC0, s22  }
0x129: {  	v37 =	vld [tilespmem:s21+$0x3A00]  }
0x12a: {  	v46 =	vld [tilespmem:s21+$0x3A10];
	_ =	sdelay $0x1  }
0x12b: {  	v47 =	vld [tilespmem:s21+$0x3A20];
	_ =	sdelay $0x1  }
0x12c: {  	v48 =	vld [tilespmem:s21+$0x3A30]  }
0x12d: {  	v37 =	vmul.f32 v37, v33;
	v38 =	vmul.f32 v46, v34;
	_ =	sdelay $0x1  }
0x12e: {  	v49 =	vmul.f32 v47, v35;
	v37 =	vadd.f32 v38, v37;
	_ =	sdelay $0x1  }
0x12f: {  	v50 =	vmul.f32 v48, v36;
	v37 =	vadd.f32 v49, v37  }
0x130: {  	s23 =	smul.u32 $0x500, s23  }
0x131: {  	v37 =	vadd.f32 v50, v37  }
0x132: {  	s22 =	sshra.s32 s23, $0x2  }
0x133: {  	[tilespmem:s22+$0x18C00] =	vst v37  }
0x134: {  	v37 =	vld [tilespmem:s21+$0x3A40]  }
0x135: {  	v51 =	vld [tilespmem:s21+$0x3A50];
	_ =	sdelay $0x1  }
0x136: {  	v52 =	vld [tilespmem:s21+$0x3A60];
	_ =	sdelay $0x1  }
0x137: {  	v53 =	vld [tilespmem:s21+$0x3A70]  }
0x138: {  	v37 =	vmul.f32 v37, v33;
	v38 =	vmul.f32 v51, v34;
	_ =	sdelay $0x1  }
0x139: {  	v54 =	vmul.f32 v52, v35;
	v37 =	vadd.f32 v38, v37;
	_ =	sdelay $0x1  }
0x13a: {  	v55 =	vmul.f32 v53, v36;
	v37 =	vadd.f32 v54, v37;
	_ =	sdelay $0x1  }
0x13b: {  	v37 =	vadd.f32 v55, v37;
	_ =	sdelay $0x1  }
0x13c: {  	[tilespmem:s22+$0x18C10] =	vst v37  }
0x13d: {  	v37 =	vld [tilespmem:s21+$0x3A80]  }
0x13e: {  	v56 =	vld [tilespmem:s21+$0x3A90];
	_ =	sdelay $0x1  }
0x13f: {  	v57 =	vld [tilespmem:s21+$0x3AA0];
	_ =	sdelay $0x1  }
0x140: {  	v58 =	vld [tilespmem:s21+$0x3AB0]  }
0x141: {  	v37 =	vmul.f32 v37, v33;
	v38 =	vmul.f32 v56, v34;
	_ =	sdelay $0x1  }
0x142: {  	v59 =	vmul.f32 v57, v35;
	v37 =	vadd.f32 v38, v37;
	_ =	sdelay $0x1  }
0x143: {  	v60 =	vmul.f32 v58, v36;
	v37 =	vadd.f32 v59, v37;
	_ =	sdelay $0x1  }
0x144: {  	v37 =	vadd.f32 v60, v37;
	_ =	sdelay $0x1  }
0x145: {  	[tilespmem:s22+$0x18C20] =	vst v37  }
0x146: {  	v37 =	vld [tilespmem:s21+$0x3AC0]  }
0x147: {  	v61 =	vld [tilespmem:s21+$0x3AD0];
	_ =	sdelay $0x1  }
0x148: {  	v62 =	vld [tilespmem:s21+$0x3AE0];
	_ =	sdelay $0x1  }
0x149: {  	v63 =	vld [tilespmem:s21+$0x3AF0]  }
0x14a: {  	v37 =	vmul.f32 v37, v33;
	v38 =	vmul.f32 v61, v34;
	_ =	sdelay $0x1  }
0x14b: {  	v44 =	vmul.f32 v62, v35;
	v37 =	vadd.f32 v38, v37;
	_ =	sdelay $0x1  }
0x14c: {  	v45 =	vmul.f32 v63, v36;
	v37 =	vadd.f32 v44, v37;
	_ =	sdelay $0x1  }
0x14d: {  	v37 =	vadd.f32 v45, v37;
	_ =	sdelay $0x1  }
0x14e: {  	[tilespmem:s22+$0x18C30] =	vst v37  }
0x14f: {  	v37 =	vld [tilespmem:s21+$0x3B00]  }
0x150: {  	v46 =	vld [tilespmem:s21+$0x3B10];
	_ =	sdelay $0x1  }
0x151: {  	v47 =	vld [tilespmem:s21+$0x3B20];
	_ =	sdelay $0x1  }
0x152: {  	v48 =	vld [tilespmem:s21+$0x3B30]  }
0x153: {  	v37 =	vmul.f32 v37, v33;
	v38 =	vmul.f32 v46, v34;
	_ =	sdelay $0x1  }
0x154: {  	v49 =	vmul.f32 v47, v35;
	v37 =	vadd.f32 v38, v37;
	_ =	sdelay $0x1  }
0x155: {  	v50 =	vmul.f32 v48, v36;
	v37 =	vadd.f32 v49, v37;
	_ =	sdelay $0x1  }
0x156: {  	v37 =	vadd.f32 v50, v37;
	_ =	sdelay $0x1  }
0x157: {  	[tilespmem:s22+$0x18C40] =	vst v37  }
0x158: {  	v37 =	vld [tilespmem:s21+$0x3B40]  }
0x159: {  	v51 =	vld [tilespmem:s21+$0x3B50];
	_ =	sdelay $0x1  }
0x15a: {  	v52 =	vld [tilespmem:s21+$0x3B60];
	_ =	sdelay $0x1  }
0x15b: {  	v53 =	vld [tilespmem:s21+$0x3B70]  }
0x15c: {  	v37 =	vmul.f32 v37, v33;
	v38 =	vmul.f32 v51, v34;
	_ =	sdelay $0x1  }
0x15d: {  	v54 =	vmul.f32 v52, v35;
	v37 =	vadd.f32 v38, v37;
	_ =	sdelay $0x1  }
0x15e: {  	v55 =	vmul.f32 v53, v36;
	v37 =	vadd.f32 v54, v37;
	_ =	sdelay $0x1  }
0x15f: {  	v37 =	vadd.f32 v55, v37;
	_ =	sdelay $0x1  }
0x160: {  	[tilespmem:s22+$0x18C50] =	vst v37  }
0x161: {  	v37 =	vld [tilespmem:s21+$0x3B80]  }
0x162: {  	v56 =	vld [tilespmem:s21+$0x3B90];
	_ =	sdelay $0x1  }
0x163: {  	v57 =	vld [tilespmem:s21+$0x3BA0];
	_ =	sdelay $0x1  }
0x164: {  	v58 =	vld [tilespmem:s21+$0x3BB0]  }
0x165: {  	v37 =	vmul.f32 v37, v33;
	v38 =	vmul.f32 v56, v34;
	_ =	sdelay $0x1  }
0x166: {  	v59 =	vmul.f32 v57, v35;
	v37 =	vadd.f32 v38, v37;
	_ =	sdelay $0x1  }
0x167: {  	v60 =	vmul.f32 v58, v36;
	v37 =	vadd.f32 v59, v37;
	_ =	sdelay $0x1  }
0x168: {  	v37 =	vadd.f32 v60, v37;
	_ =	sdelay $0x1  }
0x169: {  	[tilespmem:s22+$0x18C60] =	vst v37  }
0x16a: {  	v37 =	vld [tilespmem:s21+$0x3BC0]  }
0x16b: {  	v61 =	vld [tilespmem:s21+$0x3BD0];
	_ =	sdelay $0x1  }
0x16c: {  	v62 =	vld [tilespmem:s21+$0x3BE0];
	_ =	sdelay $0x1  }
0x16d: {  	v63 =	vld [tilespmem:s21+$0x3BF0]  }
0x16e: {  	v37 =	vmul.f32 v37, v33;
	v38 =	vmul.f32 v61, v34;
	_ =	sdelay $0x1  }
0x16f: {  	v44 =	vmul.f32 v62, v35;
	v37 =	vadd.f32 v38, v37;
	_ =	sdelay $0x1  }
0x170: {  	v45 =	vmul.f32 v63, v36;
	v37 =	vadd.f32 v44, v37;
	_ =	sdelay $0x1  }
0x171: {  	v37 =	vadd.f32 v45, v37;
	_ =	sdelay $0x1  }
0x172: {  	[tilespmem:s22+$0x18C70] =	vst v37  }
0x173: {  	v37 =	vld [tilespmem:s21+$0x3C00]  }
0x174: {  	v46 =	vld [tilespmem:s21+$0x3C10];
	_ =	sdelay $0x1  }
0x175: {  	v47 =	vld [tilespmem:s21+$0x3C20];
	_ =	sdelay $0x1  }
0x176: {  	v48 =	vld [tilespmem:s21+$0x3C30]  }
0x177: {  	v37 =	vmul.f32 v37, v33;
	v38 =	vmul.f32 v46, v34;
	_ =	sdelay $0x1  }
0x178: {  	v49 =	vmul.f32 v47, v35;
	v37 =	vadd.f32 v38, v37;
	_ =	sdelay $0x1  }
0x179: {  	v50 =	vmul.f32 v48, v36;
	v37 =	vadd.f32 v49, v37;
	_ =	sdelay $0x1  }
0x17a: {  	v37 =	vadd.f32 v50, v37;
	_ =	sdelay $0x1  }
0x17b: {  	[tilespmem:s22+$0x18C80] =	vst v37  }
0x17c: {  	v37 =	vld [tilespmem:s21+$0x3C40]  }
0x17d: {  	v51 =	vld [tilespmem:s21+$0x3C50];
	_ =	sdelay $0x1  }
0x17e: {  	v52 =	vld [tilespmem:s21+$0x3C60];
	_ =	sdelay $0x1  }
0x17f: {  	v53 =	vld [tilespmem:s21+$0x3C70]  }
0x180: {  	v37 =	vmul.f32 v37, v33;
	v38 =	vmul.f32 v51, v34;
	_ =	sdelay $0x1  }
0x181: {  	v54 =	vmul.f32 v52, v35;
	v37 =	vadd.f32 v38, v37;
	_ =	sdelay $0x1  }
0x182: {  	v55 =	vmul.f32 v53, v36;
	v37 =	vadd.f32 v54, v37;
	_ =	sdelay $0x1  }
0x183: {  	v37 =	vadd.f32 v55, v37;
	_ =	sdelay $0x1  }
0x184: {  	[tilespmem:s22+$0x18C90] =	vst v37  }
0x185: {  	v37 =	vld [tilespmem:s21+$0x3C80]  }
0x186: {  	v56 =	vld [tilespmem:s21+$0x3C90];
	_ =	sdelay $0x1  }
0x187: {  	v57 =	vld [tilespmem:s21+$0x3CA0];
	_ =	sdelay $0x1  }
0x188: {  	v58 =	vld [tilespmem:s21+$0x3CB0]  }
0x189: {  	v37 =	vmul.f32 v37, v33;
	v38 =	vmul.f32 v56, v34;
	_ =	sdelay $0x1  }
0x18a: {  	v59 =	vmul.f32 v57, v35;
	v37 =	vadd.f32 v38, v37;
	_ =	sdelay $0x1  }
0x18b: {  	v60 =	vmul.f32 v58, v36;
	v37 =	vadd.f32 v59, v37;
	_ =	sdelay $0x1  }
0x18c: {  	v37 =	vadd.f32 v60, v37;
	_ =	sdelay $0x1  }
0x18d: {  	[tilespmem:s22+$0x18CA0] =	vst v37  }
0x18e: {  	v37 =	vld [tilespmem:s21+$0x3CC0]  }
0x18f: {  	v61 =	vld [tilespmem:s21+$0x3CD0];
	_ =	sdelay $0x1  }
0x190: {  	v62 =	vld [tilespmem:s21+$0x3CE0];
	_ =	sdelay $0x1  }
0x191: {  	v63 =	vld [tilespmem:s21+$0x3CF0]  }
0x192: {  	v37 =	vmul.f32 v37, v33;
	v38 =	vmul.f32 v61, v34;
	_ =	sdelay $0x1  }
0x193: {  	v44 =	vmul.f32 v62, v35;
	v37 =	vadd.f32 v38, v37;
	_ =	sdelay $0x1  }
0x194: {  	v45 =	vmul.f32 v63, v36;
	v37 =	vadd.f32 v44, v37;
	_ =	sdelay $0x1  }
0x195: {  	v37 =	vadd.f32 v45, v37;
	_ =	sdelay $0x1  }
0x196: {  	[tilespmem:s22+$0x18CB0] =	vst v37  }
0x197: {  	v37 =	vld [tilespmem:s21+$0x3D00]  }
0x198: {  	v46 =	vld [tilespmem:s21+$0x3D10];
	_ =	sdelay $0x1  }
0x199: {  	v47 =	vld [tilespmem:s21+$0x3D20];
	_ =	sdelay $0x1  }
0x19a: {  	v48 =	vld [tilespmem:s21+$0x3D30]  }
0x19b: {  	v37 =	vmul.f32 v37, v33;
	v38 =	vmul.f32 v46, v34;
	_ =	sdelay $0x1  }
0x19c: {  	v49 =	vmul.f32 v47, v35;
	v37 =	vadd.f32 v38, v37;
	_ =	sdelay $0x1  }
0x19d: {  	v50 =	vmul.f32 v48, v36;
	v37 =	vadd.f32 v49, v37;
	_ =	sdelay $0x1  }
0x19e: {  	v37 =	vadd.f32 v50, v37;
	_ =	sdelay $0x1  }
0x19f: {  	[tilespmem:s22+$0x18CC0] =	vst v37  }
0x1a0: {  	v37 =	vld [tilespmem:s21+$0x3D40]  }
0x1a1: {  	v51 =	vld [tilespmem:s21+$0x3D50];
	_ =	sdelay $0x1  }
0x1a2: {  	v52 =	vld [tilespmem:s21+$0x3D60];
	_ =	sdelay $0x1  }
0x1a3: {  	v53 =	vld [tilespmem:s21+$0x3D70]  }
0x1a4: {  	v37 =	vmul.f32 v37, v33;
	v38 =	vmul.f32 v51, v34;
	_ =	sdelay $0x1  }
0x1a5: {  	v54 =	vmul.f32 v52, v35;
	v37 =	vadd.f32 v38, v37;
	_ =	sdelay $0x1  }
0x1a6: {  	v55 =	vmul.f32 v53, v36;
	v37 =	vadd.f32 v54, v37;
	_ =	sdelay $0x1  }
0x1a7: {  	v37 =	vadd.f32 v55, v37;
	_ =	sdelay $0x1  }
0x1a8: {  	[tilespmem:s22+$0x18CD0] =	vst v37  }
0x1a9: {  	v37 =	vld [tilespmem:s21+$0x3D80]  }
0x1aa: {  	v56 =	vld [tilespmem:s21+$0x3D90];
	_ =	sdelay $0x1  }
0x1ab: {  	v57 =	vld [tilespmem:s21+$0x3DA0];
	_ =	sdelay $0x1  }
0x1ac: {  	v58 =	vld [tilespmem:s21+$0x3DB0]  }
0x1ad: {  	v37 =	vmul.f32 v37, v33;
	v38 =	vmul.f32 v56, v34;
	_ =	sdelay $0x1  }
0x1ae: {  	v59 =	vmul.f32 v57, v35;
	v37 =	vadd.f32 v38, v37;
	_ =	sdelay $0x1  }
0x1af: {  	v60 =	vmul.f32 v58, v36;
	v37 =	vadd.f32 v59, v37;
	_ =	sdelay $0x1  }
0x1b0: {  	v37 =	vadd.f32 v60, v37;
	_ =	sdelay $0x1  }
0x1b1: {  	[tilespmem:s22+$0x18CE0] =	vst v37  }
0x1b2: {  	v37 =	vld [tilespmem:s21+$0x3DC0]  }
0x1b3: {  	v61 =	vld [tilespmem:s21+$0x3DD0];
	_ =	sdelay $0x1  }
0x1b4: {  	v62 =	vld [tilespmem:s21+$0x3DE0];
	_ =	sdelay $0x1  }
0x1b5: {  	v63 =	vld [tilespmem:s21+$0x3DF0]  }
0x1b6: {  	v37 =	vmul.f32 v37, v33;
	v38 =	vmul.f32 v61, v34;
	_ =	sdelay $0x1  }
0x1b7: {  	v42 =	vmul.f32 v62, v35;
	v37 =	vadd.f32 v38, v37;
	_ =	sdelay $0x1  }
0x1b8: {  	v43 =	vmul.f32 v63, v36;
	v37 =	vadd.f32 v42, v37;
	_ =	sdelay $0x1  }
0x1b9: {  	v37 =	vadd.f32 v43, v37;
	_ =	sdelay $0x1  }
0x1ba: {  	[tilespmem:s22+$0x18CF0] =	vst v37  }
0x1bb: {  	v37 =	vld [tilespmem:s21+$0x3E00]  }
0x1bc: {  	v44 =	vld [tilespmem:s21+$0x3E10];
	_ =	sdelay $0x1  }
0x1bd: {  	v45 =	vld [tilespmem:s21+$0x3E20];
	_ =	sdelay $0x1  }
0x1be: {  	v46 =	vld [tilespmem:s21+$0x3E30]  }
0x1bf: {  	v37 =	vmul.f32 v37, v33;
	v38 =	vmul.f32 v44, v34;
	_ =	sdelay $0x1  }
0x1c0: {  	v47 =	vmul.f32 v45, v35;
	v37 =	vadd.f32 v38, v37;
	_ =	sdelay $0x1  }
0x1c1: {  	v48 =	vmul.f32 v46, v36;
	v37 =	vadd.f32 v47, v37;
	_ =	sdelay $0x1  }
0x1c2: {  	v37 =	vadd.f32 v48, v37;
	_ =	sdelay $0x1  }
0x1c3: {  	[tilespmem:s22+$0x18D00] =	vst v37  }
0x1c4: {  	v37 =	vld [tilespmem:s21+$0x3E40]  }
0x1c5: {  	v49 =	vld [tilespmem:s21+$0x3E50];
	_ =	sdelay $0x1  }
0x1c6: {  	v50 =	vld [tilespmem:s21+$0x3E60];
	_ =	sdelay $0x1  }
0x1c7: {  	v51 =	vld [tilespmem:s21+$0x3E70]  }
0x1c8: {  	v37 =	vmul.f32 v37, v33;
	v38 =	vmul.f32 v49, v34;
	_ =	sdelay $0x1  }
0x1c9: {  	v52 =	vmul.f32 v50, v35;
	v37 =	vadd.f32 v38, v37;
	_ =	sdelay $0x1  }
0x1ca: {  	v53 =	vmul.f32 v51, v36;
	v37 =	vadd.f32 v52, v37;
	_ =	sdelay $0x1  }
0x1cb: {  	v37 =	vadd.f32 v53, v37;
	_ =	sdelay $0x1  }
0x1cc: {  	[tilespmem:s22+$0x18D10] =	vst v37  }
0x1cd: {  	v37 =	vld [tilespmem:s21+$0x3E80]  }
0x1ce: {  	v54 =	vld [tilespmem:s21+$0x3E90];
	_ =	sdelay $0x1  }
0x1cf: {  	v55 =	vld [tilespmem:s21+$0x3EA0];
	_ =	sdelay $0x1  }
0x1d0: {  	v56 =	vld [tilespmem:s21+$0x3EB0]  }
0x1d1: {  	v37 =	vmul.f32 v37, v33;
	v38 =	vmul.f32 v54, v34;
	_ =	sdelay $0x1  }
0x1d2: {  	v57 =	vmul.f32 v55, v35;
	v37 =	vadd.f32 v38, v37;
	_ =	sdelay $0x1  }
0x1d3: {  	v58 =	vmul.f32 v56, v36;
	v37 =	vadd.f32 v57, v37;
	_ =	sdelay $0x1  }
0x1d4: {  	v37 =	vadd.f32 v58, v37;
	_ =	sdelay $0x1  }
0x1d5: {  	[tilespmem:s22+$0x18D20] =	vst v37  }
0x1d6: {  	v37 =	vld [tilespmem:s21+$0x3EC0]  }
0x1d7: {  	v59 =	vld [tilespmem:s21+$0x3ED0];
	_ =	sdelay $0x1  }
0x1d8: {  	v60 =	vld [tilespmem:s21+$0x3EE0];
	_ =	sdelay $0x1  }
0x1d9: {  	v61 =	vld [tilespmem:s21+$0x3EF0]  }
0x1da: {  	v33 =	vmul.f32 v37, v33;
	v34 =	vmul.f32 v59, v34;
	_ =	sdelay $0x1  }
0x1db: {  	v62 =	vmul.f32 v60, v35;
	v33 =	vadd.f32 v34, v33  }
0x1dc: {  	p1 =	slt.u32 s20, $0x1E  }
.Ltmp0:
0x1dd: {  	v63 =	vmul.f32 v61, v36;
	v33 =	vadd.f32 v62, v33;
	(pc) =	sbr.rel @p1 .LBB2_3-.Ltmp0, $4  }
0x1de: {  	_ = 	snop  }
0x1df: {  	v33 =	vadd.f32 v63, v33  }
0x1e0: {  	s23 =	sadd.s32 $0x2, s20  }
0x1e1: {  	s20 =	smov.u32 s23;
	[tilespmem:s22+$0x18D30] =	vst v33  }
0x1e2: {  	_ =	sdelay $0x3  }
0x1e3: {  	v32 =	vld.idx.msk [tilespmem:v0+s31+$0x0], $0xffff  }
0x1e4: {  	v33 =	vld.idx.msk [tilespmem:v1+s31+$0x0], $0xffff;
	_ =	sdelay $0x1  }
0x1e5: {  	v34 =	vld.idx.msk [tilespmem:v2+s31+$0x0], $0xffff;
	_ =	sdelay $0x1  }
0x1e6: {  	v35 =	vld.idx.msk [tilespmem:v3+s31+$0x0], $0xffff  }
0x1e7: {  	v32 =	vadd.f32 v33, v32  }
0x1e8: {  	v60 =	vld.idx.msk [tilespmem:v4+s31+$0x0], $0xffff  }
0x1e9: {  	v32 =	vadd.f32 v34, v32  }
0x1ea: {  	v61 =	vld.idx.msk [tilespmem:v5+s31+$0x0], $0xffff  }
0x1eb: {  	v32 =	vadd.f32 v35, v32  }
0x1ec: {  	v62 =	vld.idx.msk [tilespmem:v6+s31+$0x0], $0xffff  }
0x1ed: {  	v32 =	vadd.f32 v60, v32  }
0x1ee: {  	v63 =	vld.idx.msk [tilespmem:v7+s31+$0x0], $0xffff  }
0x1ef: {  	v32 =	vadd.f32 v61, v32  }
0x1f0: {  	v36 =	vld.idx.msk [tilespmem:v8+s31+$0x0], $0xffff  }
0x1f1: {  	v32 =	vadd.f32 v62, v32  }
0x1f2: {  	v37 =	vld.idx.msk [tilespmem:v9+s31+$0x0], $0xffff  }
0x1f3: {  	v32 =	vadd.f32 v63, v32  }
0x1f4: {  	v38 =	vld.idx.msk [tilespmem:v10+s31+$0x0], $0xffff  }
0x1f5: {  	v32 =	vadd.f32 v36, v32  }
0x1f6: {  	v39 =	vld.idx.msk [tilespmem:v11+s31+$0x0], $0xffff  }
0x1f7: {  	v32 =	vadd.f32 v37, v32  }
0x1f8: {  	v40 =	vld.idx.msk [tilespmem:v12+s31+$0x0], $0xffff  }
0x1f9: {  	v32 =	vadd.f32 v38, v32  }
0x1fa: {  	v41 =	vld.idx.msk [tilespmem:v13+s31+$0x0], $0xffff  }
0x1fb: {  	v32 =	vadd.f32 v39, v32  }
0x1fc: {  	v42 =	vld.idx.msk [tilespmem:v14+s31+$0x0], $0xffff  }
0x1fd: {  	v32 =	vadd.f32 v40, v32  }
0x1fe: {  	v43 =	vld.idx.msk [tilespmem:v15+s31+$0x0], $0xffff  }
0x1ff: {  	v32 =	vadd.f32 v41, v32;
	_ =	sdelay $0x1  }
0x200: {  	v32 =	vadd.f32 v42, v32;
	_ =	sdelay $0x1  }
0x201: {  	v32 =	vadd.f32 v43, v32;
	_ =	sdelay $0x1  }
0x202: {  	[tilespmem:s19+$0x1B400] =	vst v32  }
0x203: {  	v32 =	vld.idx.msk [tilespmem:v16+s31+$0x0], $0xffff  }
0x204: {  	v44 =	vld.idx.msk [tilespmem:v17+s31+$0x0], $0xffff;
	_ =	sdelay $0x1  }
0x205: {  	v45 =	vld.idx.msk [tilespmem:v18+s31+$0x0], $0xffff;
	_ =	sdelay $0x1  }
0x206: {  	v46 =	vld.idx.msk [tilespmem:v19+s31+$0x0], $0xffff  }
0x207: {  	v32 =	vadd.f32 v44, v32  }
0x208: {  	v47 =	vld.idx.msk [tilespmem:v20+s31+$0x0], $0xffff  }
0x209: {  	v32 =	vadd.f32 v45, v32  }
0x20a: {  	v48 =	vld.idx.msk [tilespmem:v21+s31+$0x0], $0xffff  }
0x20b: {  	v32 =	vadd.f32 v46, v32  }
0x20c: {  	v49 =	vld.idx.msk [tilespmem:v22+s31+$0x0], $0xffff  }
0x20d: {  	v32 =	vadd.f32 v47, v32  }
0x20e: {  	v50 =	vld.idx.msk [tilespmem:v23+s31+$0x0], $0xffff  }
0x20f: {  	v32 =	vadd.f32 v48, v32  }
0x210: {  	v51 =	vld.idx.msk [tilespmem:v24+s31+$0x0], $0xffff  }
0x211: {  	v32 =	vadd.f32 v49, v32  }
0x212: {  	v52 =	vld.idx.msk [tilespmem:v25+s31+$0x0], $0xffff  }
0x213: {  	v32 =	vadd.f32 v50, v32  }
0x214: {  	v53 =	vld.idx.msk [tilespmem:v26+s31+$0x0], $0xffff  }
0x215: {  	v32 =	vadd.f32 v51, v32  }
0x216: {  	v54 =	vld.idx.msk [tilespmem:v27+s31+$0x0], $0xffff  }
0x217: {  	v32 =	vadd.f32 v52, v32  }
0x218: {  	v55 =	vld.idx.msk [tilespmem:v28+s31+$0x0], $0xffff  }
0x219: {  	v32 =	vadd.f32 v53, v32  }
0x21a: {  	v56 =	vld.idx.msk [tilespmem:v29+s31+$0x0], $0xffff  }
0x21b: {  	v32 =	vadd.f32 v54, v32  }
0x21c: {  	v57 =	vld.idx.msk [tilespmem:v30+s31+$0x0], $0xffff  }
0x21d: {  	v32 =	vadd.f32 v55, v32  }
0x21e: {  	v58 =	vld.idx.msk [tilespmem:v31+s31+$0x0], $0xffff  }
0x21f: {  	v32 =	vadd.f32 v56, v32  }
0x220: {  	s21 =	simm.s32 $0x0  }
0x221: {  	v59 =	vor.u32 s21, v0;
	v32 =	vadd.f32 v57, v32  }
0x222: {  	v60 =	vor.u32 s21, v1  }
0x223: {  	v32 =	vadd.f32 v58, v32  }
0x224: {  	v61 =	vor.u32 s21, v2  }
0x225: {  	[tilespmem:s19+$0x1B410] =	vst v32  }
0x226: {  	v62 =	vor.u32 s21, v3;
	v32 =	vld.idx.msk [tilespmem:v59+s1+$0x0], $0xffff  }
0x227: {  	v33 =	vld.idx.msk [tilespmem:v60+s1+$0x0], $0xffff  }
0x228: {  	v36 =	vor.u32 s21, v4  }
0x229: {  	v34 =	vld.idx.msk [tilespmem:v61+s1+$0x0], $0xffff  }
0x22a: {  	v37 =	vor.u32 s21, v5  }
0x22b: {  	v35 =	vld.idx.msk [tilespmem:v62+s1+$0x0], $0xffff  }
0x22c: {  	v38 =	vor.u32 s21, v6;
	v32 =	vadd.f32 v33, v32  }
0x22d: {  	v63 =	vld.idx.msk [tilespmem:v36+s1+$0x0], $0xffff  }
0x22e: {  	v40 =	vor.u32 s21, v7;
	v32 =	vadd.f32 v34, v32  }
0x22f: {  	v41 =	vld.idx.msk [tilespmem:v37+s1+$0x0], $0xffff  }
0x230: {  	v42 =	vor.u32 s21, v8;
	v32 =	vadd.f32 v35, v32  }
0x231: {  	v43 =	vld.idx.msk [tilespmem:v38+s1+$0x0], $0xffff  }
0x232: {  	v44 =	vor.u32 s21, v9;
	v32 =	vadd.f32 v63, v32  }
0x233: {  	v45 =	vld.idx.msk [tilespmem:v40+s1+$0x0], $0xffff  }
0x234: {  	v46 =	vor.u32 s21, v10;
	v32 =	vadd.f32 v41, v32  }
0x235: {  	v47 =	vld.idx.msk [tilespmem:v42+s1+$0x0], $0xffff  }
0x236: {  	v48 =	vor.u32 s21, v11;
	v32 =	vadd.f32 v43, v32  }
0x237: {  	v49 =	vld.idx.msk [tilespmem:v44+s1+$0x0], $0xffff  }
0x238: {  	v50 =	vor.u32 s21, v12;
	v32 =	vadd.f32 v45, v32  }
0x239: {  	v51 =	vld.idx.msk [tilespmem:v46+s1+$0x0], $0xffff  }
0x23a: {  	v52 =	vor.u32 s21, v13;
	v32 =	vadd.f32 v47, v32  }
0x23b: {  	v53 =	vld.idx.msk [tilespmem:v48+s1+$0x0], $0xffff  }
0x23c: {  	v54 =	vor.u32 s21, v14;
	v32 =	vadd.f32 v49, v32  }
0x23d: {  	v55 =	vld.idx.msk [tilespmem:v50+s1+$0x0], $0xffff  }
0x23e: {  	v56 =	vor.u32 s21, v15;
	v32 =	vadd.f32 v51, v32  }
0x23f: {  	v57 =	vld.idx.msk [tilespmem:v52+s1+$0x0], $0xffff  }
0x240: {  	v32 =	vadd.f32 v53, v32  }
0x241: {  	v58 =	vld.idx.msk [tilespmem:v54+s1+$0x0], $0xffff  }
0x242: {  	v32 =	vadd.f32 v55, v32  }
0x243: {  	v59 =	vld.idx.msk [tilespmem:v56+s1+$0x0], $0xffff  }
0x244: {  	v32 =	vadd.f32 v57, v32  }
0x245: {  	s23 =	simm.s32 $0x100  }
0x246: {  	v60 =	vor.u32 s23, v0;
	v32 =	vadd.f32 v58, v32  }
0x247: {  	v61 =	vor.u32 s23, v1  }
0x248: {  	v32 =	vadd.f32 v59, v32  }
0x249: {  	v62 =	vor.u32 s23, v2  }
0x24a: {  	[tilespmem:s17+$0xFFFFFFF0] =	vst v32  }
0x24b: {  	v63 =	vor.u32 s23, v3;
	v33 =	vld.idx.msk [tilespmem:v60+s1+$0x0], $0xffff  }
0x24c: {  	v34 =	vld.idx.msk [tilespmem:v61+s1+$0x0], $0xffff  }
0x24d: {  	v40 =	vor.u32 s23, v4  }
0x24e: {  	v35 =	vld.idx.msk [tilespmem:v62+s1+$0x0], $0xffff  }
0x24f: {  	v41 =	vor.u32 s23, v5  }
0x250: {  	v32 =	vld.idx.msk [tilespmem:v63+s1+$0x0], $0xffff  }
0x251: {  	v42 =	vor.u32 s23, v6;
	v33 =	vadd.f32 v34, v33  }
0x252: {  	v43 =	vld.idx.msk [tilespmem:v40+s1+$0x0], $0xffff  }
0x253: {  	v44 =	vor.u32 s23, v7;
	v33 =	vadd.f32 v35, v33  }
0x254: {  	v45 =	vld.idx.msk [tilespmem:v41+s1+$0x0], $0xffff  }
0x255: {  	v46 =	vor.u32 s23, v8;
	v32 =	vadd.f32 v32, v33  }
0x256: {  	v47 =	vld.idx.msk [tilespmem:v42+s1+$0x0], $0xffff  }
0x257: {  	v48 =	vor.u32 s23, v9;
	v32 =	vadd.f32 v43, v32  }
0x258: {  	v49 =	vld.idx.msk [tilespmem:v44+s1+$0x0], $0xffff  }
0x259: {  	v50 =	vor.u32 s23, v10;
	v32 =	vadd.f32 v45, v32  }
0x25a: {  	v51 =	vld.idx.msk [tilespmem:v46+s1+$0x0], $0xffff  }
0x25b: {  	v52 =	vor.u32 s23, v11;
	v32 =	vadd.f32 v47, v32  }
0x25c: {  	v53 =	vld.idx.msk [tilespmem:v48+s1+$0x0], $0xffff  }
0x25d: {  	v54 =	vor.u32 s23, v12;
	v32 =	vadd.f32 v49, v32  }
0x25e: {  	v55 =	vld.idx.msk [tilespmem:v50+s1+$0x0], $0xffff  }
0x25f: {  	v56 =	vor.u32 s23, v13;
	v32 =	vadd.f32 v51, v32  }
0x260: {  	v57 =	vld.idx.msk [tilespmem:v52+s1+$0x0], $0xffff  }
0x261: {  	v58 =	vor.u32 s23, v14;
	v32 =	vadd.f32 v53, v32  }
0x262: {  	v59 =	vld.idx.msk [tilespmem:v54+s1+$0x0], $0xffff  }
0x263: {  	v61 =	vor.u32 s23, v15;
	v32 =	vadd.f32 v55, v32  }
0x264: {  	v60 =	vld.idx.msk [tilespmem:v56+s1+$0x0], $0xffff  }
0x265: {  	v32 =	vadd.f32 v57, v32  }
0x266: {  	v62 =	vld.idx.msk [tilespmem:v58+s1+$0x0], $0xffff  }
0x267: {  	v32 =	vadd.f32 v59, v32  }
0x268: {  	v33 =	vld.idx.msk [tilespmem:v61+s1+$0x0], $0xffff  }
0x269: {  	v63 =	vadd.f32 v60, v32  }
0x26a: {  	s20 =	sor.u32 $0x1B400, s19;
	s18 =	sadd.s32 $0x1B440, s18;
	s23 =	simm.s32 $0x200  }
0x26b: {  	s22 =	smov.u32 s17;
	s21 =	simm.s32 $0x2;
	s19 =	simm.s32 $0x300;
	v34 =	vor.u32 s23, v0;
	v32 =	vor.u32 s23, v1;
	v35 =	vadd.f32 v62, v63  }
.LBB2_5:
0x26c: {  	s21 =	sadd.s32 $0x2, s21;
	s17 =	sadd.s32 $0x20, s17  }
0x26d: {  	p1 =	slt.u32 s21, $0x26;
	v33 =	vadd.f32 v33, v35  }
0x26e: {  	v35 =	vor.u32 s23, v2  }
0x26f: {  	[tilespmem:s22+$0x0] =	vst v33;
	s22 =	smov.u32 s17  }
0x270: {  	v33 =	vld.idx.msk [tilespmem:v34+s1+$0x0], $0xffff;
	v34 =	vor.u32 s23, v3  }
0x271: {  	v32 =	vld.idx.msk [tilespmem:v32+s1+$0x0], $0xffff  }
0x272: {  	v36 =	vor.u32 s23, v4  }
0x273: {  	v35 =	vld.idx.msk [tilespmem:v35+s1+$0x0], $0xffff  }
0x274: {  	v37 =	vor.u32 s23, v5  }
0x275: {  	v34 =	vld.idx.msk [tilespmem:v34+s1+$0x0], $0xffff  }
0x276: {  	v38 =	vor.u32 s23, v6  }
0x277: {  	v32 =	vadd.f32 v32, v33;
	v33 =	vld.idx.msk [tilespmem:v36+s1+$0x0], $0xffff  }
0x278: {  	v36 =	vor.u32 s23, v7  }
0x279: {  	v32 =	vadd.f32 v35, v32;
	v35 =	vld.idx.msk [tilespmem:v37+s1+$0x0], $0xffff  }
0x27a: {  	v37 =	vor.u32 s23, v8  }
0x27b: {  	v32 =	vadd.f32 v34, v32;
	v34 =	vld.idx.msk [tilespmem:v38+s1+$0x0], $0xffff  }
0x27c: {  	v38 =	vor.u32 s23, v9  }
0x27d: {  	v32 =	vadd.f32 v33, v32;
	v33 =	vld.idx.msk [tilespmem:v36+s1+$0x0], $0xffff  }
0x27e: {  	v36 =	vor.u32 s23, v10  }
0x27f: {  	v32 =	vadd.f32 v35, v32;
	v35 =	vld.idx.msk [tilespmem:v37+s1+$0x0], $0xffff  }
0x280: {  	v37 =	vor.u32 s23, v11  }
0x281: {  	v32 =	vadd.f32 v34, v32;
	v34 =	vld.idx.msk [tilespmem:v38+s1+$0x0], $0xffff  }
0x282: {  	v38 =	vor.u32 s23, v12  }
0x283: {  	v32 =	vadd.f32 v33, v32;
	v33 =	vld.idx.msk [tilespmem:v36+s1+$0x0], $0xffff  }
0x284: {  	v36 =	vor.u32 s23, v13  }
0x285: {  	v32 =	vadd.f32 v35, v32;
	v35 =	vld.idx.msk [tilespmem:v37+s1+$0x0], $0xffff  }
0x286: {  	v37 =	vor.u32 s23, v14  }
0x287: {  	v32 =	vadd.f32 v34, v32;
	v34 =	vld.idx.msk [tilespmem:v38+s1+$0x0], $0xffff  }
0x288: {  	v38 =	vor.u32 s23, v15  }
0x289: {  	v32 =	vadd.f32 v33, v32;
	v33 =	vld.idx.msk [tilespmem:v36+s1+$0x0], $0xffff;
	_ =	sdelay $0x1  }
0x28a: {  	v32 =	vadd.f32 v35, v32;
	v35 =	vld.idx.msk [tilespmem:v37+s1+$0x0], $0xffff;
	_ =	sdelay $0x1  }
0x28b: {  	v32 =	vadd.f32 v34, v32;
	v34 =	vld.idx.msk [tilespmem:v38+s1+$0x0], $0xffff;
	_ =	sdelay $0x1  }
0x28c: {  	v32 =	vadd.f32 v33, v32;
	_ =	sdelay $0x1  }
0x28d: {  	v33 =	vor.u32 s19, v0;
	v32 =	vadd.f32 v35, v32  }
0x28e: {  	v35 =	vor.u32 s19, v1  }
0x28f: {  	v32 =	vadd.f32 v34, v32  }
0x290: {  	v34 =	vor.u32 s19, v2  }
0x291: {  	[tilespmem:s17+$0xFFFFFFF0] =	vst v32;
	v32 =	vor.u32 s19, v3  }
0x292: {  	v33 =	vld.idx.msk [tilespmem:v33+s1+$0x0], $0xffff  }
0x293: {  	v36 =	vor.u32 s19, v4;
	v35 =	vld.idx.msk [tilespmem:v35+s1+$0x0], $0xffff;
	_ =	sdelay $0x1  }
0x294: {  	v37 =	vor.u32 s19, v5;
	v34 =	vld.idx.msk [tilespmem:v34+s1+$0x0], $0xffff  }
0x295: {  	v32 =	vld.idx.msk [tilespmem:v32+s1+$0x0], $0xffff  }
0x296: {  	v38 =	vor.u32 s19, v6  }
0x297: {  	v36 =	vld.idx.msk [tilespmem:v36+s1+$0x0], $0xffff  }
0x298: {  	v33 =	vadd.f32 v35, v33;
	v35 =	vor.u32 s19, v7  }
0x299: {  	v37 =	vld.idx.msk [tilespmem:v37+s1+$0x0], $0xffff  }
0x29a: {  	v33 =	vadd.f32 v34, v33;
	v34 =	vor.u32 s19, v8  }
0x29b: {  	v38 =	vld.idx.msk [tilespmem:v38+s1+$0x0], $0xffff  }
0x29c: {  	v32 =	vadd.f32 v32, v33;
	v33 =	vor.u32 s19, v9  }
0x29d: {  	v35 =	vld.idx.msk [tilespmem:v35+s1+$0x0], $0xffff  }
0x29e: {  	v32 =	vadd.f32 v36, v32;
	v36 =	vor.u32 s19, v10  }
0x29f: {  	v34 =	vld.idx.msk [tilespmem:v34+s1+$0x0], $0xffff  }
0x2a0: {  	v32 =	vadd.f32 v37, v32;
	v37 =	vor.u32 s19, v11  }
0x2a1: {  	v33 =	vld.idx.msk [tilespmem:v33+s1+$0x0], $0xffff  }
0x2a2: {  	v32 =	vadd.f32 v38, v32;
	v38 =	vor.u32 s19, v12  }
0x2a3: {  	v36 =	vld.idx.msk [tilespmem:v36+s1+$0x0], $0xffff  }
0x2a4: {  	v32 =	vadd.f32 v35, v32;
	v35 =	vor.u32 s19, v13  }
0x2a5: {  	v37 =	vld.idx.msk [tilespmem:v37+s1+$0x0], $0xffff  }
0x2a6: {  	v32 =	vadd.f32 v34, v32;
	v34 =	vor.u32 s19, v14  }
0x2a7: {  	v38 =	vld.idx.msk [tilespmem:v38+s1+$0x0], $0xffff  }
0x2a8: {  	v32 =	vadd.f32 v33, v32;
	v33 =	vor.u32 s19, v15  }
0x2a9: {  	v35 =	vld.idx.msk [tilespmem:v35+s1+$0x0], $0xffff  }
0x2aa: {  	v32 =	vadd.f32 v36, v32  }
0x2ab: {  	v36 =	vld.idx.msk [tilespmem:v34+s1+$0x0], $0xffff  }
0x2ac: {  	v32 =	vadd.f32 v37, v32  }
0x2ad: {  	v33 =	vld.idx.msk [tilespmem:v33+s1+$0x0], $0xffff  }
.Ltmp1:
0x2ae: {  	v32 =	vadd.f32 v38, v32;
	(pc) =	sbr.rel @p1 .LBB2_5-.Ltmp1, $4  }
0x2af: {  	s19 =	sadd.s32 $0x200, s19  }
0x2b0: {  	s23 =	sadd.s32 $0xFFFFFF00, s19;
	v35 =	vadd.f32 v35, v32  }
0x2b1: {  	v34 =	vor.u32 s23, v0;
	v32 =	vor.u32 s23, v1  }
0x2b2: {  	v35 =	vadd.f32 v36, v35  }
0x2b3: {  	_ = 	snop  }
0x2b4: {  	v33 =	vadd.f32 v33, v35  }
0x2b5: {  	v61 =	vor.u32 s23, v2  }
0x2b6: {  	[tilespmem:s22+$0x0] =	vst v33  }
0x2b7: {  	v62 =	vor.u32 s23, v3;
	v33 =	vld.idx.msk [tilespmem:v34+s1+$0x0], $0xffff  }
0x2b8: {  	v32 =	vld.idx.msk [tilespmem:v32+s1+$0x0], $0xffff  }
0x2b9: {  	v36 =	vor.u32 s23, v4  }
0x2ba: {  	v35 =	vld.idx.msk [tilespmem:v61+s1+$0x0], $0xffff  }
0x2bb: {  	v37 =	vor.u32 s23, v5  }
0x2bc: {  	v34 =	vld.idx.msk [tilespmem:v62+s1+$0x0], $0xffff  }
0x2bd: {  	v38 =	vor.u32 s23, v6;
	v32 =	vadd.f32 v32, v33  }
0x2be: {  	v63 =	vld.idx.msk [tilespmem:v36+s1+$0x0], $0xffff  }
0x2bf: {  	v40 =	vor.u32 s23, v7;
	v32 =	vadd.f32 v35, v32  }
0x2c0: {  	v41 =	vld.idx.msk [tilespmem:v37+s1+$0x0], $0xffff  }
0x2c1: {  	v42 =	vor.u32 s23, v8;
	v32 =	vadd.f32 v34, v32  }
0x2c2: {  	v43 =	vld.idx.msk [tilespmem:v38+s1+$0x0], $0xffff  }
0x2c3: {  	v44 =	vor.u32 s23, v9;
	v32 =	vadd.f32 v63, v32  }
0x2c4: {  	v45 =	vld.idx.msk [tilespmem:v40+s1+$0x0], $0xffff  }
0x2c5: {  	v46 =	vor.u32 s23, v10;
	v32 =	vadd.f32 v41, v32  }
0x2c6: {  	v47 =	vld.idx.msk [tilespmem:v42+s1+$0x0], $0xffff  }
0x2c7: {  	v48 =	vor.u32 s23, v11;
	v32 =	vadd.f32 v43, v32  }
0x2c8: {  	v49 =	vld.idx.msk [tilespmem:v44+s1+$0x0], $0xffff  }
0x2c9: {  	v50 =	vor.u32 s23, v12;
	v32 =	vadd.f32 v45, v32  }
0x2ca: {  	v51 =	vld.idx.msk [tilespmem:v46+s1+$0x0], $0xffff  }
0x2cb: {  	v52 =	vor.u32 s23, v13;
	v32 =	vadd.f32 v47, v32  }
0x2cc: {  	v53 =	vld.idx.msk [tilespmem:v48+s1+$0x0], $0xffff  }
0x2cd: {  	v54 =	vor.u32 s23, v14;
	v32 =	vadd.f32 v49, v32  }
0x2ce: {  	v55 =	vld.idx.msk [tilespmem:v50+s1+$0x0], $0xffff  }
0x2cf: {  	v56 =	vor.u32 s23, v15;
	v32 =	vadd.f32 v51, v32  }
0x2d0: {  	v57 =	vld.idx.msk [tilespmem:v52+s1+$0x0], $0xffff  }
0x2d1: {  	v32 =	vadd.f32 v53, v32  }
0x2d2: {  	v58 =	vld.idx.msk [tilespmem:v54+s1+$0x0], $0xffff  }
0x2d3: {  	v32 =	vadd.f32 v55, v32  }
0x2d4: {  	v59 =	vld.idx.msk [tilespmem:v56+s1+$0x0], $0xffff  }
0x2d5: {  	v32 =	vadd.f32 v57, v32;
	_ =	sdelay $0x1  }
0x2d6: {  	v60 =	vor.u32 s19, v0;
	v32 =	vadd.f32 v58, v32  }
0x2d7: {  	v61 =	vor.u32 s19, v1  }
0x2d8: {  	v32 =	vadd.f32 v59, v32  }
0x2d9: {  	s17 =	sadd.s32 $0x20, s17;
	v62 =	vor.u32 s19, v2  }
0x2da: {  	[tilespmem:s17+$0xFFFFFFF0] =	vst v32  }
0x2db: {  	v63 =	vor.u32 s19, v3;
	v33 =	vld.idx.msk [tilespmem:v60+s1+$0x0], $0xffff  }
0x2dc: {  	v35 =	vld.idx.msk [tilespmem:v61+s1+$0x0], $0xffff  }
0x2dd: {  	v40 =	vor.u32 s19, v4  }
0x2de: {  	v34 =	vld.idx.msk [tilespmem:v62+s1+$0x0], $0xffff  }
0x2df: {  	v41 =	vor.u32 s19, v5  }
0x2e0: {  	v32 =	vld.idx.msk [tilespmem:v63+s1+$0x0], $0xffff  }
0x2e1: {  	v42 =	vor.u32 s19, v6;
	v33 =	vadd.f32 v35, v33  }
0x2e2: {  	v43 =	vld.idx.msk [tilespmem:v40+s1+$0x0], $0xffff  }
0x2e3: {  	v44 =	vor.u32 s19, v7;
	v33 =	vadd.f32 v34, v33  }
0x2e4: {  	v45 =	vld.idx.msk [tilespmem:v41+s1+$0x0], $0xffff  }
0x2e5: {  	v46 =	vor.u32 s19, v8;
	v32 =	vadd.f32 v32, v33  }
0x2e6: {  	v47 =	vld.idx.msk [tilespmem:v42+s1+$0x0], $0xffff  }
0x2e7: {  	v48 =	vor.u32 s19, v9;
	v32 =	vadd.f32 v43, v32  }
0x2e8: {  	v49 =	vld.idx.msk [tilespmem:v44+s1+$0x0], $0xffff  }
0x2e9: {  	v50 =	vor.u32 s19, v10;
	v32 =	vadd.f32 v45, v32  }
0x2ea: {  	v51 =	vld.idx.msk [tilespmem:v46+s1+$0x0], $0xffff  }
0x2eb: {  	v52 =	vor.u32 s19, v11;
	v32 =	vadd.f32 v47, v32  }
0x2ec: {  	v53 =	vld.idx.msk [tilespmem:v48+s1+$0x0], $0xffff  }
0x2ed: {  	v54 =	vor.u32 s19, v12;
	v32 =	vadd.f32 v49, v32  }
0x2ee: {  	v55 =	vld.idx.msk [tilespmem:v50+s1+$0x0], $0xffff  }
0x2ef: {  	v56 =	vor.u32 s19, v13;
	v32 =	vadd.f32 v51, v32  }
0x2f0: {  	v57 =	vld.idx.msk [tilespmem:v52+s1+$0x0], $0xffff  }
0x2f1: {  	v58 =	vor.u32 s19, v14;
	v32 =	vadd.f32 v53, v32  }
0x2f2: {  	v59 =	vld.idx.msk [tilespmem:v54+s1+$0x0], $0xffff  }
0x2f3: {  	v60 =	vor.u32 s19, v15;
	v32 =	vadd.f32 v55, v32  }
0x2f4: {  	v61 =	vld.idx.msk [tilespmem:v56+s1+$0x0], $0xffff  }
0x2f5: {  	v32 =	vadd.f32 v57, v32  }
0x2f6: {  	v62 =	vld.idx.msk [tilespmem:v58+s1+$0x0], $0xffff  }
0x2f7: {  	v32 =	vadd.f32 v59, v32  }
0x2f8: {  	v63 =	vld.idx.msk [tilespmem:v60+s1+$0x0], $0xffff  }
0x2f9: {  	v32 =	vadd.f32 v61, v32;
	_ =	sdelay $0x1  }
0x2fa: {  	s15 =	sshll.u32 s15, $0x5;
	v32 =	vadd.f32 v62, v32  }
0x2fb: {  	s15 =	sadd.s32 s8, s15  }
0x2fc: {  	s22 =	sshrl.u32 s15, $0x3;
	s15 =	smul.u32 $0x14, s15;
	v32 =	vadd.f32 v63, v32  }
0x2fd: {  	p1 =	sne.s32 s16, $0x10  }
.Ltmp2:
0x2fe: {  	s23 =	sadd.s32 s5, s22;
	s15 =	sshrl.u32 s15, $0x3;
	[tilespmem:s17+$0x0] =	vst v32;
	(pc) =	sbr.rel @p1 .LBB2_2-.Ltmp2, $4  }
0x2ff: {  	[hbm4b:s23+s2] =	stream.linear.scatter [tilespmem:s20], [sflag:$0x3], $0x20, $0x38;
	[tilespmem:$0x1B940] =	vst v63  }
0x300: {  	s15 =	sadd.s32 s6, s15  }
0x301: {  	[hbm4b:s15+s2] =	stream.linear.scatter [tilespmem:s18], [sflag:$0x3], $0x280, $0x38;
	[tilespmem:$0x1B940] =	vst v63  }
0x302: {  	p0 =	por !p0, !p0;
	s15 =	smov.u32 s16  }
0x303: {  	_ =	swait.ge [sflag:s29], $0x20  }
0x304: {  	[sflag:s29] =	ssyncset.done $0x0  }
0x305: {  	[sflag:s29] =	ssyncadd.s32 $0xFFFFFFE0  }
0x306: {  	_ =	swait.ge [sflag:s29], $0x280  }
0x307: {  	[sflag:s29] =	ssyncset.done $0x0  }
0x308: {  	s0 =	sadd.s32 $0x1, s0;
	[sflag:s29] =	ssyncadd.s32 $0xFFFFFD80  }
0x309: {  	p0 =	sne.s32 s0, s11;
	_ =	swait.ge [sflag:s29], $0x20  }
.Ltmp3:
0x30a: {  	[sflag:s29] =	ssyncset.done $0x0;
	(pc) =	sbr.rel @p0 .LBB2_1-.Ltmp3, $4  }
0x30b: {  	[sflag:s29] =	ssyncadd.s32 $0xFFFFFFE0  }
0x30c: {  	_ =	swait.ge [sflag:s29], $0x280  }
0x30d: {  	[sflag:s29] =	ssyncset.done $0x0  }
0x30e: {  	[sflag:s29] =	ssyncadd.s32 $0xFFFFFD80  }
0x30f: {  	_ =	sfence.sel $0x180000  }
0x310: {  	[bflag:$0x0] =	sbarrier.arrive $0xFFFF  }
0x311: {  	_ =	strace $0x9000004A  }
0x312: {  	s0 =	stileid.u32;
	[bflag:$0x2] =	sbarrier.arrive $0xFFFF  }
0x313: {  	p0 =	sne.s32 s0, $0x0;
	s0 =	rddreg [dreg:$0x2]  }
0x314: {  	s0 =	sadd.s32 @!p0 $0x100000, s0  }
0x315: {  	[sflag:s0] =	ssyncadd.tile.s32 @!p0 $0x1;
	_ =	shalt  }
.Lfunc_end2:
_tile_overlayer_lowered:
.L_overlay_start_2:
0x316: {  	(tag) =	ssettag $0x2  }
0x317: {  	s0 =	rddreg [dreg:$0x0];
	s2 =	stileid.u32  }
0x318: {  	s1 =	rddreg [dreg:$0x1];
	p0 =	sne.s32 s2, $0x0  }
0x319: {  	s3 =	rddreg [dreg:$0x2];
	[bflag:$0x3] =	sbarrier.arrive $0xFFFF;
	s2 =	simm.s32 @!p0 $0x1C04  }
0x31a: {  	[timem:s3], [sflag:s2] =	dma.local @!p0 [hbm:s0], s1  }
0x31b: {  	s0 =	simm.s32 @!p0 $0x4  }
0x31c: {  	_ =	swait.ge @!p0 [sflag:s0], s1  }
0x31d: {  	s1 =	ssub.s32 @!p0 $0x0, s1;
	[sflag:s0] =	ssyncset.done @!p0 $0x0  }
0x31e: {  	[sflag:s0] =	ssyncadd.s32 @!p0 s1  }
0x31f: {  	[bflag:$0x3] =	sbarrier.arrive $0xFFFF  }
0x320: {  	_ =	shalt  }

</sc_bundles>
